<compile_context>
chip_gen: v7x
topology: tpu7x:2x2x1
jax: 0.10.2.dev20260603
libtpu: 0.0.44.dev20260713+nightly
codegen_flags: <defaults>
</compile_context>

<pallas_src>
import jax
import jax.numpy as jnp
from jax import lax
from jax.experimental import pallas as pl
from jax.experimental.pallas import tpu as pltpu
from jax.experimental.pallas import tpu_sc as plsc

BATCH = 128
N_INPUT = 262144
N_MODULES = 256
H1 = 256
H2 = 128
N_OUT = 10
OUT_PAD = 128

_LN = 16
_C = 4096
_NWORK = 32
_RPW = BATCH // _NWORK
_SKEW = N_MODULES + 1
_ACC = _LN * _SKEW

_N_SC = 155648
_NCHUNK = _N_SC // _C
_N_TC = N_INPUT - _N_SC
_BLK = 2048
_NB = _N_TC // _BLK
_TC_OFF = _N_SC // _BLK


def _sc_body(x_hbm, fidx_hbm, w_hbm, out_hbm,
             fidx_buf, w_buf, x_buf, a0, a1, a2, a3, res_buf,
             fidx_sh, w_sh, xsem0, xsem1, lsem0, lsem1, sem_stage):
    cid = lax.axis_index("c")
    sid = lax.axis_index("s")
    wid = sid * 2 + cid
    row0 = wid * _RPW
    accs = (a0, a1, a2, a3)
    xsems = (xsem0, xsem1)
    lsems = (lsem0, lsem1)

    zero = jnp.zeros((_LN,), jnp.float32)

    @plsc.parallel_loop(0, _ACC // _LN, unroll=4)
    def _(i):
        for a in accs:
            a[pl.ds(i * _LN, _LN)] = zero

    def stage_copies():
        cs = []
        for kk in range(_NCHUNK):
            o = pl.ds(kk * _C, _C)
            cs.append(pltpu.make_async_copy(fidx_hbm.at[o], fidx_sh.at[o],
                                            sem_stage))
            cs.append(pltpu.make_async_copy(w_hbm.at[o], w_sh.at[o],
                                            sem_stage))
        return cs

    @pl.when(sid == 0)
    def _():
        start_list = stage_copies()
        for c in start_list:
            c.start()
        for c in stage_copies():
            c.wait()

    plsc.subcore_barrier()

    def local_copies(k, par):
        off = k * _C
        return [pltpu.make_async_copy(fidx_sh.at[pl.ds(off, _C)],
                                      fidx_buf.at[par], lsems[par]),
                pltpu.make_async_copy(w_sh.at[pl.ds(off, _C)],
                                      w_buf.at[par], lsems[par])]

    def x_copies(k, par):
        off = k * _C
        return [pltpu.make_async_copy(
            x_hbm.at[row0 + r, pl.ds(off, _C)], x_buf.at[par, r], xsems[par])
            for r in range(_RPW)]

    def start(cs):
        for c in cs:
            c.start()

    def wait(cs):
        for c in cs:
            c.wait()

    def compute(par):
        fv0 = fidx_buf[par, pl.ds(0, _LN)]
        carry0 = (fv0, zero, zero, zero, zero)

        @plsc.parallel_loop(0, _C // _LN, unroll=4, carry=carry0)
        def fin(i, carry):
            fv_cur = carry[0]
            avs = carry[1:]
            s = pl.ds(i * _LN, _LN)
            fv = fidx_buf[par, s]
            wv = w_buf[par, s]
            mask = fv != fv_cur
            outs = []
            for r in range(_RPW):
                plsc.addupdate_scatter(accs[r], [fv_cur], avs[r], mask=mask)
                xw = x_buf[par, r, s] * wv
                outs.append(jnp.where(mask, xw, avs[r] + xw))
            return (fv,) + tuple(outs)

        for r in range(_RPW):
            plsc.addupdate_scatter(accs[r], [fin[0]], fin[1 + r])

    start(local_copies(0, 0))
    start(x_copies(0, 0))

    def half_step(k, par):
        nxt = par ^ 1

        @pl.when(k + 1 < _NCHUNK)
        def _():
            start(local_copies(k + 1, nxt))
            start(x_copies(k + 1, nxt))

        wait(local_copies(0, par))
        wait(x_copies(0, par))
        compute(par)

    def outer(k2, carry):
        k = 2 * k2
        half_step(k, 0)
        half_step(k + 1, 1)
        return carry

    lax.fori_loop(0, _NCHUNK // 2, outer, 0)

    for r in range(_RPW):
        def red_body(j, carry, _acc=accs[r]):
            t = _acc[pl.ds(j * _LN, _LN)]
            for l in range(1, _LN):
                t = t + _acc[pl.ds(l * _SKEW + j * _LN, _LN)]
            res_buf[pl.ds(j * _LN, _LN)] = t
            return carry

        lax.fori_loop(0, N_MODULES // _LN, red_body, 0)
        pltpu.sync_copy(res_buf, out_hbm.at[row0 + r])


def _segment_sum_sc(x, idx, w):
    lane = (jnp.arange(_N_SC, dtype=jnp.int32) % _LN) * _SKEW
    fidx = lane + idx[:_N_SC].astype(jnp.int32)
    wf = w.reshape(-1)[:_N_SC]
    mesh = plsc.VectorSubcoreMesh(core_axis_name="c", subcore_axis_name="s")
    run = pl.kernel(
        _sc_body,
        mesh=mesh,
        compiler_params=pltpu.CompilerParams(needs_layout_passes=False),
        out_type=jax.ShapeDtypeStruct((BATCH, N_MODULES), jnp.float32),
        scratch_types=[
            pltpu.VMEM((2, _C), jnp.int32),
            pltpu.VMEM((2, _C), jnp.float32),
            pltpu.VMEM((2, _RPW, _C), jnp.float32),
            pltpu.VMEM((_ACC,), jnp.float32),
            pltpu.VMEM((_ACC,), jnp.float32),
            pltpu.VMEM((_ACC,), jnp.float32),
            pltpu.VMEM((_ACC,), jnp.float32),
            pltpu.VMEM((N_MODULES,), jnp.float32),
            pltpu.VMEM_SHARED((_N_SC,), jnp.int32),
            pltpu.VMEM_SHARED((_N_SC,), jnp.float32),
            pltpu.SemaphoreType.DMA,
            pltpu.SemaphoreType.DMA,
            pltpu.SemaphoreType.DMA,
            pltpu.SemaphoreType.DMA,
            pltpu.SemaphoreType.DMA,
        ],
    )
    return run(x, fidx, wf)


def _tc_seg_body(x_ref, idx_ref, w_ref, out_ref):
    j = pl.program_id(0)
    xw = x_ref[...] * w_ref[0, 0, :][None, :]
    iv = idx_ref[0, 0, :]
    oh = (iv[:, None] == jax.lax.broadcasted_iota(jnp.int32, (_BLK, N_MODULES), 1)
          ).astype(jnp.float32)
    part = jax.lax.dot_general(
        xw, oh, (((1,), (0,)), ((), ())),
        preferred_element_type=jnp.float32,
        precision=jax.lax.Precision.HIGHEST)

    @pl.when(j == 0)
    def _():
        out_ref[...] = jnp.zeros_like(out_ref)

    out_ref[...] += part


def _segment_sum_tc(x, idx, w):
    idx3 = idx[_N_SC:].astype(jnp.int32).reshape(_NB, 1, _BLK)
    w3 = w.reshape(-1)[_N_SC:].reshape(_NB, 1, _BLK)
    return pl.pallas_call(
        _tc_seg_body,
        grid=(_NB,),
        in_specs=[
            pl.BlockSpec((BATCH, _BLK), lambda j: (0, j + _TC_OFF)),
            pl.BlockSpec((1, 1, _BLK), lambda j: (j, 0, 0)),
            pl.BlockSpec((1, 1, _BLK), lambda j: (j, 0, 0)),
        ],
        out_specs=pl.BlockSpec((BATCH, N_MODULES), lambda j: (0, 0)),
        out_shape=jax.ShapeDtypeStruct((BATCH, N_MODULES), jnp.float32),
    )(x, idx3, w3)


def _bn(h, gamma, beta):
    mu = jnp.mean(h, axis=0, keepdims=True)
    var = jnp.mean((h - mu) ** 2, axis=0, keepdims=True)
    return gamma * (h - mu) * jax.lax.rsqrt(var + 1e-5) + beta


def _dot(a, b):
    return jax.lax.dot_general(a, b, (((1,), (0,)), ((), ())),
                               preferred_element_type=jnp.float32,
                               precision=jax.lax.Precision.HIGHEST)


def _head_body(wx_ref, wx2_ref, g0_ref, b0_ref, W1_ref, b1_ref, g1_ref, bb1_ref,
               W2_ref, b2_ref, g2_ref, bb2_ref, W3_ref, b3_ref,
               out_ref, z_ref):
    z = _bn(jnp.maximum(wx_ref[...] + wx2_ref[...], 0.0), g0_ref[...], b0_ref[...])
    z_ref[...] = z
    h = _bn(jnp.maximum(_dot(z, W1_ref[...]) + b1_ref[...], 0.0),
            g1_ref[...], bb1_ref[...])
    h = _bn(jnp.maximum(_dot(h, W2_ref[...]) + b2_ref[...], 0.0),
            g2_ref[...], bb2_ref[...])
    logits = _dot(h, W3_ref[...]) + b3_ref[...]
    col = jax.lax.broadcasted_iota(jnp.int32, (BATCH, OUT_PAD), 1)
    logits = jnp.where(col < N_OUT, logits, -1e30)
    m = jnp.max(logits, axis=-1, keepdims=True)
    e = jnp.exp(logits - m)
    out_ref[...] = e / jnp.sum(e, axis=-1, keepdims=True)


def _head(wx, wx2, g0, b0, W1, b1, g1, bb1, W2, b2, g2, bb2, W3, b3):
    W3p = jnp.zeros((H2, OUT_PAD), jnp.float32).at[:, :N_OUT].set(W3)
    b3p = jnp.zeros((1, OUT_PAD), jnp.float32).at[0, :N_OUT].set(b3)
    args = (wx, wx2, g0.reshape(1, -1), b0.reshape(1, -1), W1, b1.reshape(1, -1),
            g1.reshape(1, -1), bb1.reshape(1, -1), W2, b2.reshape(1, -1),
            g2.reshape(1, -1), bb2.reshape(1, -1), W3p, b3p)
    out, z = pl.pallas_call(
        _head_body,
        out_shape=(jax.ShapeDtypeStruct((BATCH, OUT_PAD), jnp.float32),
                   jax.ShapeDtypeStruct((BATCH, N_MODULES), jnp.float32)),
    )(*args)
    return out[:, :N_OUT], z


def kernel(x, idx, w, g0, b0, W1, b1, g1, bb1, W2, b2, g2, bb2, W3, b3):
    wx_sc = _segment_sum_sc(x, idx, w)
    wx_tc = _segment_sum_tc(x, idx, w)
    out, z = _head(wx_sc, wx_tc, g0, b0, W1, b1, g1, bb1, W2, b2, g2, bb2,
                   W3, b3)
    return (out, z)

# --- scband reference (transcript-rebuilt; emitter-appended) ---
"""Pipeline reference for scband-methyl-spwnet-52656299049592 (READ-ONLY COPY).

The authoritative reference and input builder live on the scoring server;
editing this copy changes nothing except your own understanding.
"""

import jax, jax.numpy as jnp
import numpy as np

BATCH = 128
N_INPUT = 262144
N_MODULES = 256
HIDDEN = [256, 128]
N_OUTPUT = 10


def _bn_train(x, gamma, beta, eps=1e-5):
    # torch BatchNorm1d in training mode: biased batch statistics
    mu = jnp.mean(x, axis=0, keepdims=True)
    var = jnp.var(x, axis=0, keepdims=True)
    return gamma * (x - mu) / jnp.sqrt(var + eps) + beta


def _xavier(key, shape):
    fan_in, fan_out = shape[0], shape[1]
    s = float(np.sqrt(6.0 / (fan_in + fan_out)))
    return jax.random.uniform(key, shape, minval=-s, maxval=s, dtype=jnp.float32)


def setup_inputs(seed: int = 0) -> dict:
    key = jax.random.key(seed)
    ks = jax.random.split(key, 12)
    x = jax.random.normal(ks[0], (BATCH, N_INPUT), dtype=jnp.float32)
    idx = jnp.sort(jax.random.randint(ks[1], (N_INPUT,), 0, N_MODULES))
    # SPWModulesLayer per-CpG weight, xavier_uniform on shape (1, N_INPUT)
    w = _xavier(ks[2], (1, N_INPUT))
    # BN after pathway scatter (n_output = N_MODULES)
    g0 = jnp.ones((N_MODULES,), jnp.float32)
    b0 = jnp.zeros((N_MODULES,), jnp.float32)
    # MLP: topology [256, 256, 128, 10]
    W1 = _xavier(ks[3], (N_MODULES, HIDDEN[0]))
    b1 = jnp.zeros((HIDDEN[0],), jnp.float32)
    g1 = jnp.ones((HIDDEN[0],), jnp.float32)
    bb1 = jnp.zeros((HIDDEN[0],), jnp.float32)
    W2 = _xavier(ks[4], (HIDDEN[0], HIDDEN[1]))
    b2 = jnp.zeros((HIDDEN[1],), jnp.float32)
    g2 = jnp.ones((HIDDEN[1],), jnp.float32)
    bb2 = jnp.zeros((HIDDEN[1],), jnp.float32)
    W3 = _xavier(ks[5], (HIDDEN[1], N_OUTPUT))
    b3 = jnp.zeros((N_OUTPUT,), jnp.float32)
    return {"x": x, "idx": idx, "w": w, "g0": g0, "b0": b0,
            "W1": W1, "b1": b1, "g1": g1, "bb1": bb1,
            "W2": W2, "b2": b2, "g2": g2, "bb2": bb2,
            "W3": W3, "b3": b3}


def reference(x, idx, w, g0, b0, W1, b1, g1, bb1, W2, b2, g2, bb2, W3, b3):
    # SPWModulesLayer: weighted scatter-add of CpGs into pathway capsules
    xw = x * w  # [B, N_INPUT], weight broadcast over batch
    WX = jax.ops.segment_sum(xw.T, idx, num_segments=N_MODULES).T  # [B, N_MODULES]
    # nonlinear = ReLU -> BatchNorm1d ; no bias (no_bias=True), no CancelOut
    Z = _bn_train(jax.nn.relu(WX), g0, b0)
    # MLP head: (Linear,ReLU,BN) x2, then Linear + Softmax (softmax=True)
    h = _bn_train(jax.nn.relu(Z @ W1 + b1), g1, bb1)
    h = _bn_train(jax.nn.relu(h @ W2 + b2), g2, bb2)
    out = jax.nn.softmax(h @ W3 + b3, axis=-1)
    return (out, Z)

if __name__ == "__main__":
    import jax
    _d = setup_inputs()
    print(jax.jit(kernel)(*tuple(_d.values())))

</pallas_src>

<mosaic_0001>
#map = affine_map<(d0, d1) -> (0, 0)>
#map1 = affine_map<(d0, d1) -> (0)>
module attributes {stable_mosaic.version = 14 : i64} {
  func.func @_sc_body(%arg0: i32, %arg1: i32, %arg2: memref<128x262144xf32, #tpu.memory_space<hbm>>, %arg3: memref<155648xi32, #tpu.memory_space<hbm>>, %arg4: memref<155648xf32, #tpu.memory_space<hbm>>, %arg5: memref<128x256xf32, #tpu.memory_space<hbm>>, %arg6: memref<2x4096xi32, #tpu.memory_space<vmem>>, %arg7: memref<2x4096xf32, #tpu.memory_space<vmem>>, %arg8: memref<2x4x4096xf32, #tpu.memory_space<vmem>>, %arg9: memref<4112xf32, #tpu.memory_space<vmem>>, %arg10: memref<4112xf32, #tpu.memory_space<vmem>>, %arg11: memref<4112xf32, #tpu.memory_space<vmem>>, %arg12: memref<4112xf32, #tpu.memory_space<vmem>>, %arg13: memref<256xf32, #tpu.memory_space<vmem>>, %arg14: memref<155648xi32, #tpu.memory_space<vmem_shared>>, %arg15: memref<155648xf32, #tpu.memory_space<vmem_shared>>, %arg16: memref<!tpu.dma_semaphore, #tpu.memory_space<semaphore_mem>>, %arg17: memref<!tpu.dma_semaphore, #tpu.memory_space<semaphore_mem>>, %arg18: memref<!tpu.dma_semaphore, #tpu.memory_space<semaphore_mem>>, %arg19: memref<!tpu.dma_semaphore, #tpu.memory_space<semaphore_mem>>, %arg20: memref<!tpu.dma_semaphore, #tpu.memory_space<semaphore_mem>>) attributes {dimension_semantics = [#tpu.dimension_semantics<core_parallel>, #tpu.dimension_semantics<subcore_parallel>], iteration_bounds = array<i64: 2, 16>, scalar_prefetch = 0 : i64, scratch_operands = 15 : i64, tpu.core_type = #tpu.core_type<sc_vector_subcore>, window_params = [{transform_indices = #map}, {transform_indices = #map1}, {transform_indices = #map1}, {transform_indices = #map}]} {
    %mul3A = arith.constant 2 : i32
    %mul3A_0 = arith.muli %arg1, %mul3A : i32
    %add3A = arith.addi %mul3A_0, %arg0 : i32
    %mul3A_1 = arith.constant 4 : i32
    %mul3A_2 = arith.muli %add3A, %mul3A_1 : i32
    %broadcast_in_dim3A = arith.constant 0.000000e+00 : f32
    %broadcast_in_dim3A_3 = vector.broadcast %broadcast_in_dim3A : f32 to vector<16xf32>
    %parallel_loop3A = arith.constant 0 : i32
    %parallel_loop3A_4 = arith.constant 257 : i32
    %parallel_loop3A_5 = arith.constant 1 : i32
    scf.for %parallel_loop3A_130 = %parallel_loop3A to %parallel_loop3A_4 step %parallel_loop3A_5  : i32 {
      %parallel_loop3A_131 = arith.constant 16 : i32
      %parallel_loop3A_132 = arith.muli %parallel_loop3A_130, %parallel_loop3A_131 : i32
      %parallel_loop3A_133 = arith.index_cast %parallel_loop3A_132 : i32 to index
      %parallel_loop3A_134 = tpu.vector_load %arg9[%parallel_loop3A_133] {strides = array<i32>} : memref<4112xf32, #tpu.memory_space<vmem>>, vector<16xf32>,
      tpu.vector_store %arg9[%parallel_loop3A_133], %broadcast_in_dim3A_3 {strides = array<i32>} : memref<4112xf32, #tpu.memory_space<vmem>>, vector<16xf32>,
      %parallel_loop3A_135 = arith.constant 16 : i32
      %parallel_loop3A_136 = arith.muli %parallel_loop3A_130, %parallel_loop3A_135 : i32
      %parallel_loop3A_137 = arith.index_cast %parallel_loop3A_136 : i32 to index
      %parallel_loop3A_138 = tpu.vector_load %arg10[%parallel_loop3A_137] {strides = array<i32>} : memref<4112xf32, #tpu.memory_space<vmem>>, vector<16xf32>,
      tpu.vector_store %arg10[%parallel_loop3A_137], %broadcast_in_dim3A_3 {strides = array<i32>} : memref<4112xf32, #tpu.memory_space<vmem>>, vector<16xf32>,
      %parallel_loop3A_139 = arith.constant 16 : i32
      %parallel_loop3A_140 = arith.muli %parallel_loop3A_130, %parallel_loop3A_139 : i32
      %parallel_loop3A_141 = arith.index_cast %parallel_loop3A_140 : i32 to index
      %parallel_loop3A_142 = tpu.vector_load %arg11[%parallel_loop3A_141] {strides = array<i32>} : memref<4112xf32, #tpu.memory_space<vmem>>, vector<16xf32>,
      tpu.vector_store %arg11[%parallel_loop3A_141], %broadcast_in_dim3A_3 {strides = array<i32>} : memref<4112xf32, #tpu.memory_space<vmem>>, vector<16xf32>,
      %parallel_loop3A_143 = arith.constant 16 : i32
      %parallel_loop3A_144 = arith.muli %parallel_loop3A_130, %parallel_loop3A_143 : i32
      %parallel_loop3A_145 = arith.index_cast %parallel_loop3A_144 : i32 to index
      %parallel_loop3A_146 = tpu.vector_load %arg12[%parallel_loop3A_145] {strides = array<i32>} : memref<4112xf32, #tpu.memory_space<vmem>>, vector<16xf32>,
      tpu.vector_store %arg12[%parallel_loop3A_145], %broadcast_in_dim3A_3 {strides = array<i32>} : memref<4112xf32, #tpu.memory_space<vmem>>, vector<16xf32>,
    } {sc.loop_unroll_factor = 4 : i64, sc.parallel_access}
    %eq3A = arith.constant 0 : i32
    %eq3A_6 = arith.cmpi eq, %arg1, %eq3A : i32
    %convert_element_type3A = arith.extui %eq3A_6 : i1 to i32
    %cond3A = arith.constant 0 : i32
    %cond3A_7 = arith.cmpi ne, %convert_element_type3A, %cond3A : i32
    scf.if %cond3A_7 {
      %dma_start3A_130 = arith.constant 0 : i32
      %dma_start3A_131 = tpu.memref_slice %arg14[%dma_start3A_130] : memref<155648xi32, #tpu.memory_space<vmem_shared>> -> memref<4096xi32, #tpu.memory_space<vmem_shared>>
      %dma_start3A_132 = arith.constant 0 : i32
      %dma_start3A_133 = tpu.memref_slice %arg3[%dma_start3A_132] : memref<155648xi32, #tpu.memory_space<hbm>> -> memref<4096xi32, #tpu.memory_space<hbm>>
      tpu.enqueue_dma source(%dma_start3A_133 : memref<4096xi32, #tpu.memory_space<hbm>>) target(%dma_start3A_131 : memref<4096xi32, #tpu.memory_space<vmem_shared>>) target_semaphore(%arg20 : memref<!tpu.dma_semaphore, #tpu.memory_space<semaphore_mem>>)
      %dma_start3A_134 = arith.constant 0 : i32
      %dma_start3A_135 = tpu.memref_slice %arg15[%dma_start3A_134] : memref<155648xf32, #tpu.memory_space<vmem_shared>> -> memref<4096xf32, #tpu.memory_space<vmem_shared>>
      %dma_start3A_136 = arith.constant 0 : i32
      %dma_start3A_137 = tpu.memref_slice %arg4[%dma_start3A_136] : memref<155648xf32, #tpu.memory_space<hbm>> -> memref<4096xf32, #tpu.memory_space<hbm>>
      tpu.enqueue_dma source(%dma_start3A_137 : memref<4096xf32, #tpu.memory_space<hbm>>) target(%dma_start3A_135 : memref<4096xf32, #tpu.memory_space<vmem_shared>>) target_semaphore(%arg20 : memref<!tpu.dma_semaphore, #tpu.memory_space<semaphore_mem>>)
      %dma_start3A_138 = arith.constant 4096 : i32
      %dma_start3A_139 = tpu.memref_slice %arg14[%dma_start3A_138] : memref<155648xi32, #tpu.memory_space<vmem_shared>> -> memref<4096xi32, #tpu.memory_space<vmem_shared>>
      %dma_start3A_140 = arith.constant 4096 : i32
      %dma_start3A_141 = tpu.memref_slice %arg3[%dma_start3A_140] : memref<155648xi32, #tpu.memory_space<hbm>> -> memref<4096xi32, #tpu.memory_space<hbm>>
      tpu.enqueue_dma source(%dma_start3A_141 : memref<4096xi32, #tpu.memory_space<hbm>>) target(%dma_start3A_139 : memref<4096xi32, #tpu.memory_space<vmem_shared>>) target_semaphore(%arg20 : memref<!tpu.dma_semaphore, #tpu.memory_space<semaphore_mem>>)
      %dma_start3A_142 = arith.constant 4096 : i32
      %dma_start3A_143 = tpu.memref_slice %arg15[%dma_start3A_142] : memref<155648xf32, #tpu.memory_space<vmem_shared>> -> memref<4096xf32, #tpu.memory_space<vmem_shared>>
      %dma_start3A_144 = arith.constant 4096 : i32
      %dma_start3A_145 = tpu.memref_slice %arg4[%dma_start3A_144] : memref<155648xf32, #tpu.memory_space<hbm>> -> memref<4096xf32, #tpu.memory_space<hbm>>
      tpu.enqueue_dma source(%dma_start3A_145 : memref<4096xf32, #tpu.memory_space<hbm>>) target(%dma_start3A_143 : memref<4096xf32, #tpu.memory_space<vmem_shared>>) target_semaphore(%arg20 : memref<!tpu.dma_semaphore, #tpu.memory_space<semaphore_mem>>)
      %dma_start3A_146 = arith.constant 8192 : i32
      %dma_start3A_147 = tpu.memref_slice %arg14[%dma_start3A_146] : memref<155648xi32, #tpu.memory_space<vmem_shared>> -> memref<4096xi32, #tpu.memory_space<vmem_shared>>
      %dma_start3A_148 = arith.constant 8192 : i32
      %dma_start3A_149 = tpu.memref_slice %arg3[%dma_start3A_148] : memref<155648xi32, #tpu.memory_space<hbm>> -> memref<4096xi32, #tpu.memory_space<hbm>>
      tpu.enqueue_dma source(%dma_start3A_149 : memref<4096xi32, #tpu.memory_space<hbm>>) target(%dma_start3A_147 : memref<4096xi32, #tpu.memory_space<vmem_shared>>) target_semaphore(%arg20 : memref<!tpu.dma_semaphore, #tpu.memory_space<semaphore_mem>>)
      %dma_start3A_150 = arith.constant 8192 : i32
      %dma_start3A_151 = tpu.memref_slice %arg15[%dma_start3A_150] : memref<155648xf32, #tpu.memory_space<vmem_shared>> -> memref<4096xf32, #tpu.memory_space<vmem_shared>>
      %dma_start3A_152 = arith.constant 8192 : i32
      %dma_start3A_153 = tpu.memref_slice %arg4[%dma_start3A_152] : memref<155648xf32, #tpu.memory_space<hbm>> -> memref<4096xf32, #tpu.memory_space<hbm>>
      tpu.enqueue_dma source(%dma_start3A_153 : memref<4096xf32, #tpu.memory_space<hbm>>) target(%dma_start3A_151 : memref<4096xf32, #tpu.memory_space<vmem_shared>>) target_semaphore(%arg20 : memref<!tpu.dma_semaphore, #tpu.memory_space<semaphore_mem>>)
      %dma_start3A_154 = arith.constant 12288 : i32
      %dma_start3A_155 = tpu.memref_slice %arg14[%dma_start3A_154] : memref<155648xi32, #tpu.memory_space<vmem_shared>> -> memref<4096xi32, #tpu.memory_space<vmem_shared>>
      %dma_start3A_156 = arith.constant 12288 : i32
      %dma_start3A_157 = tpu.memref_slice %arg3[%dma_start3A_156] : memref<155648xi32, #tpu.memory_space<hbm>> -> memref<4096xi32, #tpu.memory_space<hbm>>
      tpu.enqueue_dma source(%dma_start3A_157 : memref<4096xi32, #tpu.memory_space<hbm>>) target(%dma_start3A_155 : memref<4096xi32, #tpu.memory_space<vmem_shared>>) target_semaphore(%arg20 : memref<!tpu.dma_semaphore, #tpu.memory_space<semaphore_mem>>)
      %dma_start3A_158 = arith.constant 12288 : i32
      %dma_start3A_159 = tpu.memref_slice %arg15[%dma_start3A_158] : memref<155648xf32, #tpu.memory_space<vmem_shared>> -> memref<4096xf32, #tpu.memory_space<vmem_shared>>
      %dma_start3A_160 = arith.constant 12288 : i32
      %dma_start3A_161 = tpu.memref_slice %arg4[%dma_start3A_160] : memref<155648xf32, #tpu.memory_space<hbm>> -> memref<4096xf32, #tpu.memory_space<hbm>>
      tpu.enqueue_dma source(%dma_start3A_161 : memref<4096xf32, #tpu.memory_space<hbm>>) target(%dma_start3A_159 : memref<4096xf32, #tpu.memory_space<vmem_shared>>) target_semaphore(%arg20 : memref<!tpu.dma_semaphore, #tpu.memory_space<semaphore_mem>>)
      %dma_start3A_162 = arith.constant 16384 : i32
      %dma_start3A_163 = tpu.memref_slice %arg14[%dma_start3A_162] : memref<155648xi32, #tpu.memory_space<vmem_shared>> -> memref<4096xi32, #tpu.memory_space<vmem_shared>>
      %dma_start3A_164 = arith.constant 16384 : i32
      %dma_start3A_165 = tpu.memref_slice %arg3[%dma_start3A_164] : memref<155648xi32, #tpu.memory_space<hbm>> -> memref<4096xi32, #tpu.memory_space<hbm>>
      tpu.enqueue_dma source(%dma_start3A_165 : memref<4096xi32, #tpu.memory_space<hbm>>) target(%dma_start3A_163 : memref<4096xi32, #tpu.memory_space<vmem_shared>>) target_semaphore(%arg20 : memref<!tpu.dma_semaphore, #tpu.memory_space<semaphore_mem>>)
      %dma_start3A_166 = arith.constant 16384 : i32
      %dma_start3A_167 = tpu.memref_slice %arg15[%dma_start3A_166] : memref<155648xf32, #tpu.memory_space<vmem_shared>> -> memref<4096xf32, #tpu.memory_space<vmem_shared>>
      %dma_start3A_168 = arith.constant 16384 : i32
      %dma_start3A_169 = tpu.memref_slice %arg4[%dma_start3A_168] : memref<155648xf32, #tpu.memory_space<hbm>> -> memref<4096xf32, #tpu.memory_space<hbm>>
      tpu.enqueue_dma source(%dma_start3A_169 : memref<4096xf32, #tpu.memory_space<hbm>>) target(%dma_start3A_167 : memref<4096xf32, #tpu.memory_space<vmem_shared>>) target_semaphore(%arg20 : memref<!tpu.dma_semaphore, #tpu.memory_space<semaphore_mem>>)
      %dma_start3A_170 = arith.constant 20480 : i32
      %dma_start3A_171 = tpu.memref_slice %arg14[%dma_start3A_170] : memref<155648xi32, #tpu.memory_space<vmem_shared>> -> memref<4096xi32, #tpu.memory_space<vmem_shared>>
      %dma_start3A_172 = arith.constant 20480 : i32
      %dma_start3A_173 = tpu.memref_slice %arg3[%dma_start3A_172] : memref<155648xi32, #tpu.memory_space<hbm>> -> memref<4096xi32, #tpu.memory_space<hbm>>
      tpu.enqueue_dma source(%dma_start3A_173 : memref<4096xi32, #tpu.memory_space<hbm>>) target(%dma_start3A_171 : memref<4096xi32, #tpu.memory_space<vmem_shared>>) target_semaphore(%arg20 : memref<!tpu.dma_semaphore, #tpu.memory_space<semaphore_mem>>)
      %dma_start3A_174 = arith.constant 20480 : i32
      %dma_start3A_175 = tpu.memref_slice %arg15[%dma_start3A_174] : memref<155648xf32, #tpu.memory_space<vmem_shared>> -> memref<4096xf32, #tpu.memory_space<vmem_shared>>
      %dma_start3A_176 = arith.constant 20480 : i32
      %dma_start3A_177 = tpu.memref_slice %arg4[%dma_start3A_176] : memref<155648xf32, #tpu.memory_space<hbm>> -> memref<4096xf32, #tpu.memory_space<hbm>>
      tpu.enqueue_dma source(%dma_start3A_177 : memref<4096xf32, #tpu.memory_space<hbm>>) target(%dma_start3A_175 : memref<4096xf32, #tpu.memory_space<vmem_shared>>) target_semaphore(%arg20 : memref<!tpu.dma_semaphore, #tpu.memory_space<semaphore_mem>>)
      %dma_start3A_178 = arith.constant 24576 : i32
      %dma_start3A_179 = tpu.memref_slice %arg14[%dma_start3A_178] : memref<155648xi32, #tpu.memory_space<vmem_shared>> -> memref<4096xi32, #tpu.memory_space<vmem_shared>>
      %dma_start3A_180 = arith.constant 24576 : i32
      %dma_start3A_181 = tpu.memref_slice %arg3[%dma_start3A_180] : memref<155648xi32, #tpu.memory_space<hbm>> -> memref<4096xi32, #tpu.memory_space<hbm>>
      tpu.enqueue_dma source(%dma_start3A_181 : memref<4096xi32, #tpu.memory_space<hbm>>) target(%dma_start3A_179 : memref<4096xi32, #tpu.memory_space<vmem_shared>>) target_semaphore(%arg20 : memref<!tpu.dma_semaphore, #tpu.memory_space<semaphore_mem>>)
      %dma_start3A_182 = arith.constant 24576 : i32
      %dma_start3A_183 = tpu.memref_slice %arg15[%dma_start3A_182] : memref<155648xf32, #tpu.memory_space<vmem_shared>> -> memref<4096xf32, #tpu.memory_space<vmem_shared>>
      %dma_start3A_184 = arith.constant 24576 : i32
      %dma_start3A_185 = tpu.memref_slice %arg4[%dma_start3A_184] : memref<155648xf32, #tpu.memory_space<hbm>> -> memref<4096xf32, #tpu.memory_space<hbm>>
      tpu.enqueue_dma source(%dma_start3A_185 : memref<4096xf32, #tpu.memory_space<hbm>>) target(%dma_start3A_183 : memref<4096xf32, #tpu.memory_space<vmem_shared>>) target_semaphore(%arg20 : memref<!tpu.dma_semaphore, #tpu.memory_space<semaphore_mem>>)
      %dma_start3A_186 = arith.constant 28672 : i32
      %dma_start3A_187 = tpu.memref_slice %arg14[%dma_start3A_186] : memref<155648xi32, #tpu.memory_space<vmem_shared>> -> memref<4096xi32, #tpu.memory_space<vmem_shared>>
      %dma_start3A_188 = arith.constant 28672 : i32
      %dma_start3A_189 = tpu.memref_slice %arg3[%dma_start3A_188] : memref<155648xi32, #tpu.memory_space<hbm>> -> memref<4096xi32, #tpu.memory_space<hbm>>
      tpu.enqueue_dma source(%dma_start3A_189 : memref<4096xi32, #tpu.memory_space<hbm>>) target(%dma_start3A_187 : memref<4096xi32, #tpu.memory_space<vmem_shared>>) target_semaphore(%arg20 : memref<!tpu.dma_semaphore, #tpu.memory_space<semaphore_mem>>)
      %dma_start3A_190 = arith.constant 28672 : i32
      %dma_start3A_191 = tpu.memref_slice %arg15[%dma_start3A_190] : memref<155648xf32, #tpu.memory_space<vmem_shared>> -> memref<4096xf32, #tpu.memory_space<vmem_shared>>
      %dma_start3A_192 = arith.constant 28672 : i32
      %dma_start3A_193 = tpu.memref_slice %arg4[%dma_start3A_192] : memref<155648xf32, #tpu.memory_space<hbm>> -> memref<4096xf32, #tpu.memory_space<hbm>>
      tpu.enqueue_dma source(%dma_start3A_193 : memref<4096xf32, #tpu.memory_space<hbm>>) target(%dma_start3A_191 : memref<4096xf32, #tpu.memory_space<vmem_shared>>) target_semaphore(%arg20 : memref<!tpu.dma_semaphore, #tpu.memory_space<semaphore_mem>>)
      %dma_start3A_194 = arith.constant 32768 : i32
      %dma_start3A_195 = tpu.memref_slice %arg14[%dma_start3A_194] : memref<155648xi32, #tpu.memory_space<vmem_shared>> -> memref<4096xi32, #tpu.memory_space<vmem_shared>>
      %dma_start3A_196 = arith.constant 32768 : i32
      %dma_start3A_197 = tpu.memref_slice %arg3[%dma_start3A_196] : memref<155648xi32, #tpu.memory_space<hbm>> -> memref<4096xi32, #tpu.memory_space<hbm>>
      tpu.enqueue_dma source(%dma_start3A_197 : memref<4096xi32, #tpu.memory_space<hbm>>) target(%dma_start3A_195 : memref<4096xi32, #tpu.memory_space<vmem_shared>>) target_semaphore(%arg20 : memref<!tpu.dma_semaphore, #tpu.memory_space<semaphore_mem>>)
      %dma_start3A_198 = arith.constant 32768 : i32
      %dma_start3A_199 = tpu.memref_slice %arg15[%dma_start3A_198] : memref<155648xf32, #tpu.memory_space<vmem_shared>> -> memref<4096xf32, #tpu.memory_space<vmem_shared>>
      %dma_start3A_200 = arith.constant 32768 : i32
      %dma_start3A_201 = tpu.memref_slice %arg4[%dma_start3A_200] : memref<155648xf32, #tpu.memory_space<hbm>> -> memref<4096xf32, #tpu.memory_space<hbm>>
      tpu.enqueue_dma source(%dma_start3A_201 : memref<4096xf32, #tpu.memory_space<hbm>>) target(%dma_start3A_199 : memref<4096xf32, #tpu.memory_space<vmem_shared>>) target_semaphore(%arg20 : memref<!tpu.dma_semaphore, #tpu.memory_space<semaphore_mem>>)
      %dma_start3A_202 = arith.constant 36864 : i32
      %dma_start3A_203 = tpu.memref_slice %arg14[%dma_start3A_202] : memref<155648xi32, #tpu.memory_space<vmem_shared>> -> memref<4096xi32, #tpu.memory_space<vmem_shared>>
      %dma_start3A_204 = arith.constant 36864 : i32
      %dma_start3A_205 = tpu.memref_slice %arg3[%dma_start3A_204] : memref<155648xi32, #tpu.memory_space<hbm>> -> memref<4096xi32, #tpu.memory_space<hbm>>
      tpu.enqueue_dma source(%dma_start3A_205 : memref<4096xi32, #tpu.memory_space<hbm>>) target(%dma_start3A_203 : memref<4096xi32, #tpu.memory_space<vmem_shared>>) target_semaphore(%arg20 : memref<!tpu.dma_semaphore, #tpu.memory_space<semaphore_mem>>)
      %dma_start3A_206 = arith.constant 36864 : i32
      %dma_start3A_207 = tpu.memref_slice %arg15[%dma_start3A_206] : memref<155648xf32, #tpu.memory_space<vmem_shared>> -> memref<4096xf32, #tpu.memory_space<vmem_shared>>
      %dma_start3A_208 = arith.constant 36864 : i32
      %dma_start3A_209 = tpu.memref_slice %arg4[%dma_start3A_208] : memref<155648xf32, #tpu.memory_space<hbm>> -> memref<4096xf32, #tpu.memory_space<hbm>>
      tpu.enqueue_dma source(%dma_start3A_209 : memref<4096xf32, #tpu.memory_space<hbm>>) target(%dma_start3A_207 : memref<4096xf32, #tpu.memory_space<vmem_shared>>) target_semaphore(%arg20 : memref<!tpu.dma_semaphore, #tpu.memory_space<semaphore_mem>>)
      %dma_start3A_210 = arith.constant 40960 : i32
      %dma_start3A_211 = tpu.memref_slice %arg14[%dma_start3A_210] : memref<155648xi32, #tpu.memory_space<vmem_shared>> -> memref<4096xi32, #tpu.memory_space<vmem_shared>>
      %dma_start3A_212 = arith.constant 40960 : i32
      %dma_start3A_213 = tpu.memref_slice %arg3[%dma_start3A_212] : memref<155648xi32, #tpu.memory_space<hbm>> -> memref<4096xi32, #tpu.memory_space<hbm>>
      tpu.enqueue_dma source(%dma_start3A_213 : memref<4096xi32, #tpu.memory_space<hbm>>) target(%dma_start3A_211 : memref<4096xi32, #tpu.memory_space<vmem_shared>>) target_semaphore(%arg20 : memref<!tpu.dma_semaphore, #tpu.memory_space<semaphore_mem>>)
      %dma_start3A_214 = arith.constant 40960 : i32
      %dma_start3A_215 = tpu.memref_slice %arg15[%dma_start3A_214] : memref<155648xf32, #tpu.memory_space<vmem_shared>> -> memref<4096xf32, #tpu.memory_space<vmem_shared>>
      %dma_start3A_216 = arith.constant 40960 : i32
      %dma_start3A_217 = tpu.memref_slice %arg4[%dma_start3A_216] : memref<155648xf32, #tpu.memory_space<hbm>> -> memref<4096xf32, #tpu.memory_space<hbm>>
      tpu.enqueue_dma source(%dma_start3A_217 : memref<4096xf32, #tpu.memory_space<hbm>>) target(%dma_start3A_215 : memref<4096xf32, #tpu.memory_space<vmem_shared>>) target_semaphore(%arg20 : memref<!tpu.dma_semaphore, #tpu.memory_space<semaphore_mem>>)
      %dma_start3A_218 = arith.constant 45056 : i32
      %dma_start3A_219 = tpu.memref_slice %arg14[%dma_start3A_218] : memref<155648xi32, #tpu.memory_space<vmem_shared>> -> memref<4096xi32, #tpu.memory_space<vmem_shared>>
      %dma_start3A_220 = arith.constant 45056 : i32
      %dma_start3A_221 = tpu.memref_slice %arg3[%dma_start3A_220] : memref<155648xi32, #tpu.memory_space<hbm>> -> memref<4096xi32, #tpu.memory_space<hbm>>
      tpu.enqueue_dma source(%dma_start3A_221 : memref<4096xi32, #tpu.memory_space<hbm>>) target(%dma_start3A_219 : memref<4096xi32, #tpu.memory_space<vmem_shared>>) target_semaphore(%arg20 : memref<!tpu.dma_semaphore, #tpu.memory_space<semaphore_mem>>)
      %dma_start3A_222 = arith.constant 45056 : i32
      %dma_start3A_223 = tpu.memref_slice %arg15[%dma_start3A_222] : memref<155648xf32, #tpu.memory_space<vmem_shared>> -> memref<4096xf32, #tpu.memory_space<vmem_shared>>
      %dma_start3A_224 = arith.constant 45056 : i32
      %dma_start3A_225 = tpu.memref_slice %arg4[%dma_start3A_224] : memref<155648xf32, #tpu.memory_space<hbm>> -> memref<4096xf32, #tpu.memory_space<hbm>>
      tpu.enqueue_dma source(%dma_start3A_225 : memref<4096xf32, #tpu.memory_space<hbm>>) target(%dma_start3A_223 : memref<4096xf32, #tpu.memory_space<vmem_shared>>) target_semaphore(%arg20 : memref<!tpu.dma_semaphore, #tpu.memory_space<semaphore_mem>>)
      %dma_start3A_226 = arith.constant 49152 : i32
      %dma_start3A_227 = tpu.memref_slice %arg14[%dma_start3A_226] : memref<155648xi32, #tpu.memory_space<vmem_shared>> -> memref<4096xi32, #tpu.memory_space<vmem_shared>>
      %dma_start3A_228 = arith.constant 49152 : i32
      %dma_start3A_229 = tpu.memref_slice %arg3[%dma_start3A_228] : memref<155648xi32, #tpu.memory_space<hbm>> -> memref<4096xi32, #tpu.memory_space<hbm>>
      tpu.enqueue_dma source(%dma_start3A_229 : memref<4096xi32, #tpu.memory_space<hbm>>) target(%dma_start3A_227 : memref<4096xi32, #tpu.memory_space<vmem_shared>>) target_semaphore(%arg20 : memref<!tpu.dma_semaphore, #tpu.memory_space<semaphore_mem>>)
      %dma_start3A_230 = arith.constant 49152 : i32
      %dma_start3A_231 = tpu.memref_slice %arg15[%dma_start3A_230] : memref<155648xf32, #tpu.memory_space<vmem_shared>> -> memref<4096xf32, #tpu.memory_space<vmem_shared>>
      %dma_start3A_232 = arith.constant 49152 : i32
      %dma_start3A_233 = tpu.memref_slice %arg4[%dma_start3A_232] : memref<155648xf32, #tpu.memory_space<hbm>> -> memref<4096xf32, #tpu.memory_space<hbm>>
      tpu.enqueue_dma source(%dma_start3A_233 : memref<4096xf32, #tpu.memory_space<hbm>>) target(%dma_start3A_231 : memref<4096xf32, #tpu.memory_space<vmem_shared>>) target_semaphore(%arg20 : memref<!tpu.dma_semaphore, #tpu.memory_space<semaphore_mem>>)
      %dma_start3A_234 = arith.constant 53248 : i32
      %dma_start3A_235 = tpu.memref_slice %arg14[%dma_start3A_234] : memref<155648xi32, #tpu.memory_space<vmem_shared>> -> memref<4096xi32, #tpu.memory_space<vmem_shared>>
      %dma_start3A_236 = arith.constant 53248 : i32
      %dma_start3A_237 = tpu.memref_slice %arg3[%dma_start3A_236] : memref<155648xi32, #tpu.memory_space<hbm>> -> memref<4096xi32, #tpu.memory_space<hbm>>
      tpu.enqueue_dma source(%dma_start3A_237 : memref<4096xi32, #tpu.memory_space<hbm>>) target(%dma_start3A_235 : memref<4096xi32, #tpu.memory_space<vmem_shared>>) target_semaphore(%arg20 : memref<!tpu.dma_semaphore, #tpu.memory_space<semaphore_mem>>)
      %dma_start3A_238 = arith.constant 53248 : i32
      %dma_start3A_239 = tpu.memref_slice %arg15[%dma_start3A_238] : memref<155648xf32, #tpu.memory_space<vmem_shared>> -> memref<4096xf32, #tpu.memory_space<vmem_shared>>
      %dma_start3A_240 = arith.constant 53248 : i32
      %dma_start3A_241 = tpu.memref_slice %arg4[%dma_start3A_240] : memref<155648xf32, #tpu.memory_space<hbm>> -> memref<4096xf32, #tpu.memory_space<hbm>>
      tpu.enqueue_dma source(%dma_start3A_241 : memref<4096xf32, #tpu.memory_space<hbm>>) target(%dma_start3A_239 : memref<4096xf32, #tpu.memory_space<vmem_shared>>) target_semaphore(%arg20 : memref<!tpu.dma_semaphore, #tpu.memory_space<semaphore_mem>>)
      %dma_start3A_242 = arith.constant 57344 : i32
      %dma_start3A_243 = tpu.memref_slice %arg14[%dma_start3A_242] : memref<155648xi32, #tpu.memory_space<vmem_shared>> -> memref<4096xi32, #tpu.memory_space<vmem_shared>>
      %dma_start3A_244 = arith.constant 57344 : i32
      %dma_start3A_245 = tpu.memref_slice %arg3[%dma_start3A_244] : memref<155648xi32, #tpu.memory_space<hbm>> -> memref<4096xi32, #tpu.memory_space<hbm>>
      tpu.enqueue_dma source(%dma_start3A_245 : memref<4096xi32, #tpu.memory_space<hbm>>) target(%dma_start3A_243 : memref<4096xi32, #tpu.memory_space<vmem_shared>>) target_semaphore(%arg20 : memref<!tpu.dma_semaphore, #tpu.memory_space<semaphore_mem>>)
      %dma_start3A_246 = arith.constant 57344 : i32
      %dma_start3A_247 = tpu.memref_slice %arg15[%dma_start3A_246] : memref<155648xf32, #tpu.memory_space<vmem_shared>> -> memref<4096xf32, #tpu.memory_space<vmem_shared>>
      %dma_start3A_248 = arith.constant 57344 : i32
      %dma_start3A_249 = tpu.memref_slice %arg4[%dma_start3A_248] : memref<155648xf32, #tpu.memory_space<hbm>> -> memref<4096xf32, #tpu.memory_space<hbm>>
      tpu.enqueue_dma source(%dma_start3A_249 : memref<4096xf32, #tpu.memory_space<hbm>>) target(%dma_start3A_247 : memref<4096xf32, #tpu.memory_space<vmem_shared>>) target_semaphore(%arg20 : memref<!tpu.dma_semaphore, #tpu.memory_space<semaphore_mem>>)
      %dma_start3A_250 = arith.constant 61440 : i32
      %dma_start3A_251 = tpu.memref_slice %arg14[%dma_start3A_250] : memref<155648xi32, #tpu.memory_space<vmem_shared>> -> memref<4096xi32, #tpu.memory_space<vmem_shared>>
      %dma_start3A_252 = arith.constant 61440 : i32
      %dma_start3A_253 = tpu.memref_slice %arg3[%dma_start3A_252] : memref<155648xi32, #tpu.memory_space<hbm>> -> memref<4096xi32, #tpu.memory_space<hbm>>
      tpu.enqueue_dma source(%dma_start3A_253 : memref<4096xi32, #tpu.memory_space<hbm>>) target(%dma_start3A_251 : memref<4096xi32, #tpu.memory_space<vmem_shared>>) target_semaphore(%arg20 : memref<!tpu.dma_semaphore, #tpu.memory_space<semaphore_mem>>)
      %dma_start3A_254 = arith.constant 61440 : i32
      %dma_start3A_255 = tpu.memref_slice %arg15[%dma_start3A_254] : memref<155648xf32, #tpu.memory_space<vmem_shared>> -> memref<4096xf32, #tpu.memory_space<vmem_shared>>
      %dma_start3A_256 = arith.constant 61440 : i32
      %dma_start3A_257 = tpu.memref_slice %arg4[%dma_start3A_256] : memref<155648xf32, #tpu.memory_space<hbm>> -> memref<4096xf32, #tpu.memory_space<hbm>>
      tpu.enqueue_dma source(%dma_start3A_257 : memref<4096xf32, #tpu.memory_space<hbm>>) target(%dma_start3A_255 : memref<4096xf32, #tpu.memory_space<vmem_shared>>) target_semaphore(%arg20 : memref<!tpu.dma_semaphore, #tpu.memory_space<semaphore_mem>>)
      %dma_start3A_258 = arith.constant 65536 : i32
      %dma_start3A_259 = tpu.memref_slice %arg14[%dma_start3A_258] : memref<155648xi32, #tpu.memory_space<vmem_shared>> -> memref<4096xi32, #tpu.memory_space<vmem_shared>>
      %dma_start3A_260 = arith.constant 65536 : i32
      %dma_start3A_261 = tpu.memref_slice %arg3[%dma_start3A_260] : memref<155648xi32, #tpu.memory_space<hbm>> -> memref<4096xi32, #tpu.memory_space<hbm>>
      tpu.enqueue_dma source(%dma_start3A_261 : memref<4096xi32, #tpu.memory_space<hbm>>) target(%dma_start3A_259 : memref<4096xi32, #tpu.memory_space<vmem_shared>>) target_semaphore(%arg20 : memref<!tpu.dma_semaphore, #tpu.memory_space<semaphore_mem>>)
      %dma_start3A_262 = arith.constant 65536 : i32
      %dma_start3A_263 = tpu.memref_slice %arg15[%dma_start3A_262] : memref<155648xf32, #tpu.memory_space<vmem_shared>> -> memref<4096xf32, #tpu.memory_space<vmem_shared>>
      %dma_start3A_264 = arith.constant 65536 : i32
      %dma_start3A_265 = tpu.memref_slice %arg4[%dma_start3A_264] : memref<155648xf32, #tpu.memory_space<hbm>> -> memref<4096xf32, #tpu.memory_space<hbm>>
      tpu.enqueue_dma source(%dma_start3A_265 : memref<4096xf32, #tpu.memory_space<hbm>>) target(%dma_start3A_263 : memref<4096xf32, #tpu.memory_space<vmem_shared>>) target_semaphore(%arg20 : memref<!tpu.dma_semaphore, #tpu.memory_space<semaphore_mem>>)
      %dma_start3A_266 = arith.constant 69632 : i32
      %dma_start3A_267 = tpu.memref_slice %arg14[%dma_start3A_266] : memref<155648xi32, #tpu.memory_space<vmem_shared>> -> memref<4096xi32, #tpu.memory_space<vmem_shared>>
      %dma_start3A_268 = arith.constant 69632 : i32
      %dma_start3A_269 = tpu.memref_slice %arg3[%dma_start3A_268] : memref<155648xi32, #tpu.memory_space<hbm>> -> memref<4096xi32, #tpu.memory_space<hbm>>
      tpu.enqueue_dma source(%dma_start3A_269 : memref<4096xi32, #tpu.memory_space<hbm>>) target(%dma_start3A_267 : memref<4096xi32, #tpu.memory_space<vmem_shared>>) target_semaphore(%arg20 : memref<!tpu.dma_semaphore, #tpu.memory_space<semaphore_mem>>)
      %dma_start3A_270 = arith.constant 69632 : i32
      %dma_start3A_271 = tpu.memref_slice %arg15[%dma_start3A_270] : memref<155648xf32, #tpu.memory_space<vmem_shared>> -> memref<4096xf32, #tpu.memory_space<vmem_shared>>
      %dma_start3A_272 = arith.constant 69632 : i32
      %dma_start3A_273 = tpu.memref_slice %arg4[%dma_start3A_272] : memref<155648xf32, #tpu.memory_space<hbm>> -> memref<4096xf32, #tpu.memory_space<hbm>>
      tpu.enqueue_dma source(%dma_start3A_273 : memref<4096xf32, #tpu.memory_space<hbm>>) target(%dma_start3A_271 : memref<4096xf32, #tpu.memory_space<vmem_shared>>) target_semaphore(%arg20 : memref<!tpu.dma_semaphore, #tpu.memory_space<semaphore_mem>>)
      %dma_start3A_274 = arith.constant 73728 : i32
      %dma_start3A_275 = tpu.memref_slice %arg14[%dma_start3A_274] : memref<155648xi32, #tpu.memory_space<vmem_shared>> -> memref<4096xi32, #tpu.memory_space<vmem_shared>>
      %dma_start3A_276 = arith.constant 73728 : i32
      %dma_start3A_277 = tpu.memref_slice %arg3[%dma_start3A_276] : memref<155648xi32, #tpu.memory_space<hbm>> -> memref<4096xi32, #tpu.memory_space<hbm>>
      tpu.enqueue_dma source(%dma_start3A_277 : memref<4096xi32, #tpu.memory_space<hbm>>) target(%dma_start3A_275 : memref<4096xi32, #tpu.memory_space<vmem_shared>>) target_semaphore(%arg20 : memref<!tpu.dma_semaphore, #tpu.memory_space<semaphore_mem>>)
      %dma_start3A_278 = arith.constant 73728 : i32
      %dma_start3A_279 = tpu.memref_slice %arg15[%dma_start3A_278] : memref<155648xf32, #tpu.memory_space<vmem_shared>> -> memref<4096xf32, #tpu.memory_space<vmem_shared>>
      %dma_start3A_280 = arith.constant 73728 : i32
      %dma_start3A_281 = tpu.memref_slice %arg4[%dma_start3A_280] : memref<155648xf32, #tpu.memory_space<hbm>> -> memref<4096xf32, #tpu.memory_space<hbm>>
      tpu.enqueue_dma source(%dma_start3A_281 : memref<4096xf32, #tpu.memory_space<hbm>>) target(%dma_start3A_279 : memref<4096xf32, #tpu.memory_space<vmem_shared>>) target_semaphore(%arg20 : memref<!tpu.dma_semaphore, #tpu.memory_space<semaphore_mem>>)
      %dma_start3A_282 = arith.constant 77824 : i32
      %dma_start3A_283 = tpu.memref_slice %arg14[%dma_start3A_282] : memref<155648xi32, #tpu.memory_space<vmem_shared>> -> memref<4096xi32, #tpu.memory_space<vmem_shared>>
      %dma_start3A_284 = arith.constant 77824 : i32
      %dma_start3A_285 = tpu.memref_slice %arg3[%dma_start3A_284] : memref<155648xi32, #tpu.memory_space<hbm>> -> memref<4096xi32, #tpu.memory_space<hbm>>
      tpu.enqueue_dma source(%dma_start3A_285 : memref<4096xi32, #tpu.memory_space<hbm>>) target(%dma_start3A_283 : memref<4096xi32, #tpu.memory_space<vmem_shared>>) target_semaphore(%arg20 : memref<!tpu.dma_semaphore, #tpu.memory_space<semaphore_mem>>)
      %dma_start3A_286 = arith.constant 77824 : i32
      %dma_start3A_287 = tpu.memref_slice %arg15[%dma_start3A_286] : memref<155648xf32, #tpu.memory_space<vmem_shared>> -> memref<4096xf32, #tpu.memory_space<vmem_shared>>
      %dma_start3A_288 = arith.constant 77824 : i32
      %dma_start3A_289 = tpu.memref_slice %arg4[%dma_start3A_288] : memref<155648xf32, #tpu.memory_space<hbm>> -> memref<4096xf32, #tpu.memory_space<hbm>>
      tpu.enqueue_dma source(%dma_start3A_289 : memref<4096xf32, #tpu.memory_space<hbm>>) target(%dma_start3A_287 : memref<4096xf32, #tpu.memory_space<vmem_shared>>) target_semaphore(%arg20 : memref<!tpu.dma_semaphore, #tpu.memory_space<semaphore_mem>>)
      %dma_start3A_290 = arith.constant 81920 : i32
      %dma_start3A_291 = tpu.memref_slice %arg14[%dma_start3A_290] : memref<155648xi32, #tpu.memory_space<vmem_shared>> -> memref<4096xi32, #tpu.memory_space<vmem_shared>>
      %dma_start3A_292 = arith.constant 81920 : i32
      %dma_start3A_293 = tpu.memref_slice %arg3[%dma_start3A_292] : memref<155648xi32, #tpu.memory_space<hbm>> -> memref<4096xi32, #tpu.memory_space<hbm>>
      tpu.enqueue_dma source(%dma_start3A_293 : memref<4096xi32, #tpu.memory_space<hbm>>) target(%dma_start3A_291 : memref<4096xi32, #tpu.memory_space<vmem_shared>>) target_semaphore(%arg20 : memref<!tpu.dma_semaphore, #tpu.memory_space<semaphore_mem>>)
      %dma_start3A_294 = arith.constant 81920 : i32
      %dma_start3A_295 = tpu.memref_slice %arg15[%dma_start3A_294] : memref<155648xf32, #tpu.memory_space<vmem_shared>> -> memref<4096xf32, #tpu.memory_space<vmem_shared>>
      %dma_start3A_296 = arith.constant 81920 : i32
      %dma_start3A_297 = tpu.memref_slice %arg4[%dma_start3A_296] : memref<155648xf32, #tpu.memory_space<hbm>> -> memref<4096xf32, #tpu.memory_space<hbm>>
      tpu.enqueue_dma source(%dma_start3A_297 : memref<4096xf32, #tpu.memory_space<hbm>>) target(%dma_start3A_295 : memref<4096xf32, #tpu.memory_space<vmem_shared>>) target_semaphore(%arg20 : memref<!tpu.dma_semaphore, #tpu.memory_space<semaphore_mem>>)
      %dma_start3A_298 = arith.constant 86016 : i32
      %dma_start3A_299 = tpu.memref_slice %arg14[%dma_start3A_298] : memref<155648xi32, #tpu.memory_space<vmem_shared>> -> memref<4096xi32, #tpu.memory_space<vmem_shared>>
      %dma_start3A_300 = arith.constant 86016 : i32
      %dma_start3A_301 = tpu.memref_slice %arg3[%dma_start3A_300] : memref<155648xi32, #tpu.memory_space<hbm>> -> memref<4096xi32, #tpu.memory_space<hbm>>
      tpu.enqueue_dma source(%dma_start3A_301 : memref<4096xi32, #tpu.memory_space<hbm>>) target(%dma_start3A_299 : memref<4096xi32, #tpu.memory_space<vmem_shared>>) target_semaphore(%arg20 : memref<!tpu.dma_semaphore, #tpu.memory_space<semaphore_mem>>)
      %dma_start3A_302 = arith.constant 86016 : i32
      %dma_start3A_303 = tpu.memref_slice %arg15[%dma_start3A_302] : memref<155648xf32, #tpu.memory_space<vmem_shared>> -> memref<4096xf32, #tpu.memory_space<vmem_shared>>
      %dma_start3A_304 = arith.constant 86016 : i32
      %dma_start3A_305 = tpu.memref_slice %arg4[%dma_start3A_304] : memref<155648xf32, #tpu.memory_space<hbm>> -> memref<4096xf32, #tpu.memory_space<hbm>>
      tpu.enqueue_dma source(%dma_start3A_305 : memref<4096xf32, #tpu.memory_space<hbm>>) target(%dma_start3A_303 : memref<4096xf32, #tpu.memory_space<vmem_shared>>) target_semaphore(%arg20 : memref<!tpu.dma_semaphore, #tpu.memory_space<semaphore_mem>>)
      %dma_start3A_306 = arith.constant 90112 : i32
      %dma_start3A_307 = tpu.memref_slice %arg14[%dma_start3A_306] : memref<155648xi32, #tpu.memory_space<vmem_shared>> -> memref<4096xi32, #tpu.memory_space<vmem_shared>>
      %dma_start3A_308 = arith.constant 90112 : i32
      %dma_start3A_309 = tpu.memref_slice %arg3[%dma_start3A_308] : memref<155648xi32, #tpu.memory_space<hbm>> -> memref<4096xi32, #tpu.memory_space<hbm>>
      tpu.enqueue_dma source(%dma_start3A_309 : memref<4096xi32, #tpu.memory_space<hbm>>) target(%dma_start3A_307 : memref<4096xi32, #tpu.memory_space<vmem_shared>>) target_semaphore(%arg20 : memref<!tpu.dma_semaphore, #tpu.memory_space<semaphore_mem>>)
      %dma_start3A_310 = arith.constant 90112 : i32
      %dma_start3A_311 = tpu.memref_slice %arg15[%dma_start3A_310] : memref<155648xf32, #tpu.memory_space<vmem_shared>> -> memref<4096xf32, #tpu.memory_space<vmem_shared>>
      %dma_start3A_312 = arith.constant 90112 : i32
      %dma_start3A_313 = tpu.memref_slice %arg4[%dma_start3A_312] : memref<155648xf32, #tpu.memory_space<hbm>> -> memref<4096xf32, #tpu.memory_space<hbm>>
      tpu.enqueue_dma source(%dma_start3A_313 : memref<4096xf32, #tpu.memory_space<hbm>>) target(%dma_start3A_311 : memref<4096xf32, #tpu.memory_space<vmem_shared>>) target_semaphore(%arg20 : memref<!tpu.dma_semaphore, #tpu.memory_space<semaphore_mem>>)
      %dma_start3A_314 = arith.constant 94208 : i32
      %dma_start3A_315 = tpu.memref_slice %arg14[%dma_start3A_314] : memref<155648xi32, #tpu.memory_space<vmem_shared>> -> memref<4096xi32, #tpu.memory_space<vmem_shared>>
      %dma_start3A_316 = arith.constant 94208 : i32
      %dma_start3A_317 = tpu.memref_slice %arg3[%dma_start3A_316] : memref<155648xi32, #tpu.memory_space<hbm>> -> memref<4096xi32, #tpu.memory_space<hbm>>
      tpu.enqueue_dma source(%dma_start3A_317 : memref<4096xi32, #tpu.memory_space<hbm>>) target(%dma_start3A_315 : memref<4096xi32, #tpu.memory_space<vmem_shared>>) target_semaphore(%arg20 : memref<!tpu.dma_semaphore, #tpu.memory_space<semaphore_mem>>)
      %dma_start3A_318 = arith.constant 94208 : i32
      %dma_start3A_319 = tpu.memref_slice %arg15[%dma_start3A_318] : memref<155648xf32, #tpu.memory_space<vmem_shared>> -> memref<4096xf32, #tpu.memory_space<vmem_shared>>
      %dma_start3A_320 = arith.constant 94208 : i32
      %dma_start3A_321 = tpu.memref_slice %arg4[%dma_start3A_320] : memref<155648xf32, #tpu.memory_space<hbm>> -> memref<4096xf32, #tpu.memory_space<hbm>>
      tpu.enqueue_dma source(%dma_start3A_321 : memref<4096xf32, #tpu.memory_space<hbm>>) target(%dma_start3A_319 : memref<4096xf32, #tpu.memory_space<vmem_shared>>) target_semaphore(%arg20 : memref<!tpu.dma_semaphore, #tpu.memory_space<semaphore_mem>>)
      %dma_start3A_322 = arith.constant 98304 : i32
      %dma_start3A_323 = tpu.memref_slice %arg14[%dma_start3A_322] : memref<155648xi32, #tpu.memory_space<vmem_shared>> -> memref<4096xi32, #tpu.memory_space<vmem_shared>>
      %dma_start3A_324 = arith.constant 98304 : i32
      %dma_start3A_325 = tpu.memref_slice %arg3[%dma_start3A_324] : memref<155648xi32, #tpu.memory_space<hbm>> -> memref<4096xi32, #tpu.memory_space<hbm>>
      tpu.enqueue_dma source(%dma_start3A_325 : memref<4096xi32, #tpu.memory_space<hbm>>) target(%dma_start3A_323 : memref<4096xi32, #tpu.memory_space<vmem_shared>>) target_semaphore(%arg20 : memref<!tpu.dma_semaphore, #tpu.memory_space<semaphore_mem>>)
      %dma_start3A_326 = arith.constant 98304 : i32
      %dma_start3A_327 = tpu.memref_slice %arg15[%dma_start3A_326] : memref<155648xf32, #tpu.memory_space<vmem_shared>> -> memref<4096xf32, #tpu.memory_space<vmem_shared>>
      %dma_start3A_328 = arith.constant 98304 : i32
      %dma_start3A_329 = tpu.memref_slice %arg4[%dma_start3A_328] : memref<155648xf32, #tpu.memory_space<hbm>> -> memref<4096xf32, #tpu.memory_space<hbm>>
      tpu.enqueue_dma source(%dma_start3A_329 : memref<4096xf32, #tpu.memory_space<hbm>>) target(%dma_start3A_327 : memref<4096xf32, #tpu.memory_space<vmem_shared>>) target_semaphore(%arg20 : memref<!tpu.dma_semaphore, #tpu.memory_space<semaphore_mem>>)
      %dma_start3A_330 = arith.constant 102400 : i32
      %dma_start3A_331 = tpu.memref_slice %arg14[%dma_start3A_330] : memref<155648xi32, #tpu.memory_space<vmem_shared>> -> memref<4096xi32, #tpu.memory_space<vmem_shared>>
      %dma_start3A_332 = arith.constant 102400 : i32
      %dma_start3A_333 = tpu.memref_slice %arg3[%dma_start3A_332] : memref<155648xi32, #tpu.memory_space<hbm>> -> memref<4096xi32, #tpu.memory_space<hbm>>
      tpu.enqueue_dma source(%dma_start3A_333 : memref<4096xi32, #tpu.memory_space<hbm>>) target(%dma_start3A_331 : memref<4096xi32, #tpu.memory_space<vmem_shared>>) target_semaphore(%arg20 : memref<!tpu.dma_semaphore, #tpu.memory_space<semaphore_mem>>)
      %dma_start3A_334 = arith.constant 102400 : i32
      %dma_start3A_335 = tpu.memref_slice %arg15[%dma_start3A_334] : memref<155648xf32, #tpu.memory_space<vmem_shared>> -> memref<4096xf32, #tpu.memory_space<vmem_shared>>
      %dma_start3A_336 = arith.constant 102400 : i32
      %dma_start3A_337 = tpu.memref_slice %arg4[%dma_start3A_336] : memref<155648xf32, #tpu.memory_space<hbm>> -> memref<4096xf32, #tpu.memory_space<hbm>>
      tpu.enqueue_dma source(%dma_start3A_337 : memref<4096xf32, #tpu.memory_space<hbm>>) target(%dma_start3A_335 : memref<4096xf32, #tpu.memory_space<vmem_shared>>) target_semaphore(%arg20 : memref<!tpu.dma_semaphore, #tpu.memory_space<semaphore_mem>>)
      %dma_start3A_338 = arith.constant 106496 : i32
      %dma_start3A_339 = tpu.memref_slice %arg14[%dma_start3A_338] : memref<155648xi32, #tpu.memory_space<vmem_shared>> -> memref<4096xi32, #tpu.memory_space<vmem_shared>>
      %dma_start3A_340 = arith.constant 106496 : i32
      %dma_start3A_341 = tpu.memref_slice %arg3[%dma_start3A_340] : memref<155648xi32, #tpu.memory_space<hbm>> -> memref<4096xi32, #tpu.memory_space<hbm>>
      tpu.enqueue_dma source(%dma_start3A_341 : memref<4096xi32, #tpu.memory_space<hbm>>) target(%dma_start3A_339 : memref<4096xi32, #tpu.memory_space<vmem_shared>>) target_semaphore(%arg20 : memref<!tpu.dma_semaphore, #tpu.memory_space<semaphore_mem>>)
      %dma_start3A_342 = arith.constant 106496 : i32
      %dma_start3A_343 = tpu.memref_slice %arg15[%dma_start3A_342] : memref<155648xf32, #tpu.memory_space<vmem_shared>> -> memref<4096xf32, #tpu.memory_space<vmem_shared>>
      %dma_start3A_344 = arith.constant 106496 : i32
      %dma_start3A_345 = tpu.memref_slice %arg4[%dma_start3A_344] : memref<155648xf32, #tpu.memory_space<hbm>> -> memref<4096xf32, #tpu.memory_space<hbm>>
      tpu.enqueue_dma source(%dma_start3A_345 : memref<4096xf32, #tpu.memory_space<hbm>>) target(%dma_start3A_343 : memref<4096xf32, #tpu.memory_space<vmem_shared>>) target_semaphore(%arg20 : memref<!tpu.dma_semaphore, #tpu.memory_space<semaphore_mem>>)
      %dma_start3A_346 = arith.constant 110592 : i32
      %dma_start3A_347 = tpu.memref_slice %arg14[%dma_start3A_346] : memref<155648xi32, #tpu.memory_space<vmem_shared>> -> memref<4096xi32, #tpu.memory_space<vmem_shared>>
      %dma_start3A_348 = arith.constant 110592 : i32
      %dma_start3A_349 = tpu.memref_slice %arg3[%dma_start3A_348] : memref<155648xi32, #tpu.memory_space<hbm>> -> memref<4096xi32, #tpu.memory_space<hbm>>
      tpu.enqueue_dma source(%dma_start3A_349 : memref<4096xi32, #tpu.memory_space<hbm>>) target(%dma_start3A_347 : memref<4096xi32, #tpu.memory_space<vmem_shared>>) target_semaphore(%arg20 : memref<!tpu.dma_semaphore, #tpu.memory_space<semaphore_mem>>)
      %dma_start3A_350 = arith.constant 110592 : i32
      %dma_start3A_351 = tpu.memref_slice %arg15[%dma_start3A_350] : memref<155648xf32, #tpu.memory_space<vmem_shared>> -> memref<4096xf32, #tpu.memory_space<vmem_shared>>
      %dma_start3A_352 = arith.constant 110592 : i32
      %dma_start3A_353 = tpu.memref_slice %arg4[%dma_start3A_352] : memref<155648xf32, #tpu.memory_space<hbm>> -> memref<4096xf32, #tpu.memory_space<hbm>>
      tpu.enqueue_dma source(%dma_start3A_353 : memref<4096xf32, #tpu.memory_space<hbm>>) target(%dma_start3A_351 : memref<4096xf32, #tpu.memory_space<vmem_shared>>) target_semaphore(%arg20 : memref<!tpu.dma_semaphore, #tpu.memory_space<semaphore_mem>>)
      %dma_start3A_354 = arith.constant 114688 : i32
      %dma_start3A_355 = tpu.memref_slice %arg14[%dma_start3A_354] : memref<155648xi32, #tpu.memory_space<vmem_shared>> -> memref<4096xi32, #tpu.memory_space<vmem_shared>>
      %dma_start3A_356 = arith.constant 114688 : i32
      %dma_start3A_357 = tpu.memref_slice %arg3[%dma_start3A_356] : memref<155648xi32, #tpu.memory_space<hbm>> -> memref<4096xi32, #tpu.memory_space<hbm>>
      tpu.enqueue_dma source(%dma_start3A_357 : memref<4096xi32, #tpu.memory_space<hbm>>) target(%dma_start3A_355 : memref<4096xi32, #tpu.memory_space<vmem_shared>>) target_semaphore(%arg20 : memref<!tpu.dma_semaphore, #tpu.memory_space<semaphore_mem>>)
      %dma_start3A_358 = arith.constant 114688 : i32
      %dma_start3A_359 = tpu.memref_slice %arg15[%dma_start3A_358] : memref<155648xf32, #tpu.memory_space<vmem_shared>> -> memref<4096xf32, #tpu.memory_space<vmem_shared>>
      %dma_start3A_360 = arith.constant 114688 : i32
      %dma_start3A_361 = tpu.memref_slice %arg4[%dma_start3A_360] : memref<155648xf32, #tpu.memory_space<hbm>> -> memref<4096xf32, #tpu.memory_space<hbm>>
      tpu.enqueue_dma source(%dma_start3A_361 : memref<4096xf32, #tpu.memory_space<hbm>>) target(%dma_start3A_359 : memref<4096xf32, #tpu.memory_space<vmem_shared>>) target_semaphore(%arg20 : memref<!tpu.dma_semaphore, #tpu.memory_space<semaphore_mem>>)
      %dma_start3A_362 = arith.constant 118784 : i32
      %dma_start3A_363 = tpu.memref_slice %arg14[%dma_start3A_362] : memref<155648xi32, #tpu.memory_space<vmem_shared>> -> memref<4096xi32, #tpu.memory_space<vmem_shared>>
      %dma_start3A_364 = arith.constant 118784 : i32
      %dma_start3A_365 = tpu.memref_slice %arg3[%dma_start3A_364] : memref<155648xi32, #tpu.memory_space<hbm>> -> memref<4096xi32, #tpu.memory_space<hbm>>
      tpu.enqueue_dma source(%dma_start3A_365 : memref<4096xi32, #tpu.memory_space<hbm>>) target(%dma_start3A_363 : memref<4096xi32, #tpu.memory_space<vmem_shared>>) target_semaphore(%arg20 : memref<!tpu.dma_semaphore, #tpu.memory_space<semaphore_mem>>)
      %dma_start3A_366 = arith.constant 118784 : i32
      %dma_start3A_367 = tpu.memref_slice %arg15[%dma_start3A_366] : memref<155648xf32, #tpu.memory_space<vmem_shared>> -> memref<4096xf32, #tpu.memory_space<vmem_shared>>
      %dma_start3A_368 = arith.constant 118784 : i32
      %dma_start3A_369 = tpu.memref_slice %arg4[%dma_start3A_368] : memref<155648xf32, #tpu.memory_space<hbm>> -> memref<4096xf32, #tpu.memory_space<hbm>>
      tpu.enqueue_dma source(%dma_start3A_369 : memref<4096xf32, #tpu.memory_space<hbm>>) target(%dma_start3A_367 : memref<4096xf32, #tpu.memory_space<vmem_shared>>) target_semaphore(%arg20 : memref<!tpu.dma_semaphore, #tpu.memory_space<semaphore_mem>>)
      %dma_start3A_370 = arith.constant 122880 : i32
      %dma_start3A_371 = tpu.memref_slice %arg14[%dma_start3A_370] : memref<155648xi32, #tpu.memory_space<vmem_shared>> -> memref<4096xi32, #tpu.memory_space<vmem_shared>>
      %dma_start3A_372 = arith.constant 122880 : i32
      %dma_start3A_373 = tpu.memref_slice %arg3[%dma_start3A_372] : memref<155648xi32, #tpu.memory_space<hbm>> -> memref<4096xi32, #tpu.memory_space<hbm>>
      tpu.enqueue_dma source(%dma_start3A_373 : memref<4096xi32, #tpu.memory_space<hbm>>) target(%dma_start3A_371 : memref<4096xi32, #tpu.memory_space<vmem_shared>>) target_semaphore(%arg20 : memref<!tpu.dma_semaphore, #tpu.memory_space<semaphore_mem>>)
      %dma_start3A_374 = arith.constant 122880 : i32
      %dma_start3A_375 = tpu.memref_slice %arg15[%dma_start3A_374] : memref<155648xf32, #tpu.memory_space<vmem_shared>> -> memref<4096xf32, #tpu.memory_space<vmem_shared>>
      %dma_start3A_376 = arith.constant 122880 : i32
      %dma_start3A_377 = tpu.memref_slice %arg4[%dma_start3A_376] : memref<155648xf32, #tpu.memory_space<hbm>> -> memref<4096xf32, #tpu.memory_space<hbm>>
      tpu.enqueue_dma source(%dma_start3A_377 : memref<4096xf32, #tpu.memory_space<hbm>>) target(%dma_start3A_375 : memref<4096xf32, #tpu.memory_space<vmem_shared>>) target_semaphore(%arg20 : memref<!tpu.dma_semaphore, #tpu.memory_space<semaphore_mem>>)
      %dma_start3A_378 = arith.constant 126976 : i32
      %dma_start3A_379 = tpu.memref_slice %arg14[%dma_start3A_378] : memref<155648xi32, #tpu.memory_space<vmem_shared>> -> memref<4096xi32, #tpu.memory_space<vmem_shared>>
      %dma_start3A_380 = arith.constant 126976 : i32
      %dma_start3A_381 = tpu.memref_slice %arg3[%dma_start3A_380] : memref<155648xi32, #tpu.memory_space<hbm>> -> memref<4096xi32, #tpu.memory_space<hbm>>
      tpu.enqueue_dma source(%dma_start3A_381 : memref<4096xi32, #tpu.memory_space<hbm>>) target(%dma_start3A_379 : memref<4096xi32, #tpu.memory_space<vmem_shared>>) target_semaphore(%arg20 : memref<!tpu.dma_semaphore, #tpu.memory_space<semaphore_mem>>)
      %dma_start3A_382 = arith.constant 126976 : i32
      %dma_start3A_383 = tpu.memref_slice %arg15[%dma_start3A_382] : memref<155648xf32, #tpu.memory_space<vmem_shared>> -> memref<4096xf32, #tpu.memory_space<vmem_shared>>
      %dma_start3A_384 = arith.constant 126976 : i32
      %dma_start3A_385 = tpu.memref_slice %arg4[%dma_start3A_384] : memref<155648xf32, #tpu.memory_space<hbm>> -> memref<4096xf32, #tpu.memory_space<hbm>>
      tpu.enqueue_dma source(%dma_start3A_385 : memref<4096xf32, #tpu.memory_space<hbm>>) target(%dma_start3A_383 : memref<4096xf32, #tpu.memory_space<vmem_shared>>) target_semaphore(%arg20 : memref<!tpu.dma_semaphore, #tpu.memory_space<semaphore_mem>>)
      %dma_start3A_386 = arith.constant 131072 : i32
      %dma_start3A_387 = tpu.memref_slice %arg14[%dma_start3A_386] : memref<155648xi32, #tpu.memory_space<vmem_shared>> -> memref<4096xi32, #tpu.memory_space<vmem_shared>>
      %dma_start3A_388 = arith.constant 131072 : i32
      %dma_start3A_389 = tpu.memref_slice %arg3[%dma_start3A_388] : memref<155648xi32, #tpu.memory_space<hbm>> -> memref<4096xi32, #tpu.memory_space<hbm>>
      tpu.enqueue_dma source(%dma_start3A_389 : memref<4096xi32, #tpu.memory_space<hbm>>) target(%dma_start3A_387 : memref<4096xi32, #tpu.memory_space<vmem_shared>>) target_semaphore(%arg20 : memref<!tpu.dma_semaphore, #tpu.memory_space<semaphore_mem>>)
      %dma_start3A_390 = arith.constant 131072 : i32
      %dma_start3A_391 = tpu.memref_slice %arg15[%dma_start3A_390] : memref<155648xf32, #tpu.memory_space<vmem_shared>> -> memref<4096xf32, #tpu.memory_space<vmem_shared>>
      %dma_start3A_392 = arith.constant 131072 : i32
      %dma_start3A_393 = tpu.memref_slice %arg4[%dma_start3A_392] : memref<155648xf32, #tpu.memory_space<hbm>> -> memref<4096xf32, #tpu.memory_space<hbm>>
      tpu.enqueue_dma source(%dma_start3A_393 : memref<4096xf32, #tpu.memory_space<hbm>>) target(%dma_start3A_391 : memref<4096xf32, #tpu.memory_space<vmem_shared>>) target_semaphore(%arg20 : memref<!tpu.dma_semaphore, #tpu.memory_space<semaphore_mem>>)
      %dma_start3A_394 = arith.constant 135168 : i32
      %dma_start3A_395 = tpu.memref_slice %arg14[%dma_start3A_394] : memref<155648xi32, #tpu.memory_space<vmem_shared>> -> memref<4096xi32, #tpu.memory_space<vmem_shared>>
      %dma_start3A_396 = arith.constant 135168 : i32
      %dma_start3A_397 = tpu.memref_slice %arg3[%dma_start3A_396] : memref<155648xi32, #tpu.memory_space<hbm>> -> memref<4096xi32, #tpu.memory_space<hbm>>
      tpu.enqueue_dma source(%dma_start3A_397 : memref<4096xi32, #tpu.memory_space<hbm>>) target(%dma_start3A_395 : memref<4096xi32, #tpu.memory_space<vmem_shared>>) target_semaphore(%arg20 : memref<!tpu.dma_semaphore, #tpu.memory_space<semaphore_mem>>)
      %dma_start3A_398 = arith.constant 135168 : i32
      %dma_start3A_399 = tpu.memref_slice %arg15[%dma_start3A_398] : memref<155648xf32, #tpu.memory_space<vmem_shared>> -> memref<4096xf32, #tpu.memory_space<vmem_shared>>
      %dma_start3A_400 = arith.constant 135168 : i32
      %dma_start3A_401 = tpu.memref_slice %arg4[%dma_start3A_400] : memref<155648xf32, #tpu.memory_space<hbm>> -> memref<4096xf32, #tpu.memory_space<hbm>>
      tpu.enqueue_dma source(%dma_start3A_401 : memref<4096xf32, #tpu.memory_space<hbm>>) target(%dma_start3A_399 : memref<4096xf32, #tpu.memory_space<vmem_shared>>) target_semaphore(%arg20 : memref<!tpu.dma_semaphore, #tpu.memory_space<semaphore_mem>>)
      %dma_start3A_402 = arith.constant 139264 : i32
      %dma_start3A_403 = tpu.memref_slice %arg14[%dma_start3A_402] : memref<155648xi32, #tpu.memory_space<vmem_shared>> -> memref<4096xi32, #tpu.memory_space<vmem_shared>>
      %dma_start3A_404 = arith.constant 139264 : i32
      %dma_start3A_405 = tpu.memref_slice %arg3[%dma_start3A_404] : memref<155648xi32, #tpu.memory_space<hbm>> -> memref<4096xi32, #tpu.memory_space<hbm>>
      tpu.enqueue_dma source(%dma_start3A_405 : memref<4096xi32, #tpu.memory_space<hbm>>) target(%dma_start3A_403 : memref<4096xi32, #tpu.memory_space<vmem_shared>>) target_semaphore(%arg20 : memref<!tpu.dma_semaphore, #tpu.memory_space<semaphore_mem>>)
      %dma_start3A_406 = arith.constant 139264 : i32
      %dma_start3A_407 = tpu.memref_slice %arg15[%dma_start3A_406] : memref<155648xf32, #tpu.memory_space<vmem_shared>> -> memref<4096xf32, #tpu.memory_space<vmem_shared>>
      %dma_start3A_408 = arith.constant 139264 : i32
      %dma_start3A_409 = tpu.memref_slice %arg4[%dma_start3A_408] : memref<155648xf32, #tpu.memory_space<hbm>> -> memref<4096xf32, #tpu.memory_space<hbm>>
      tpu.enqueue_dma source(%dma_start3A_409 : memref<4096xf32, #tpu.memory_space<hbm>>) target(%dma_start3A_407 : memref<4096xf32, #tpu.memory_space<vmem_shared>>) target_semaphore(%arg20 : memref<!tpu.dma_semaphore, #tpu.memory_space<semaphore_mem>>)
      %dma_start3A_410 = arith.constant 143360 : i32
      %dma_start3A_411 = tpu.memref_slice %arg14[%dma_start3A_410] : memref<155648xi32, #tpu.memory_space<vmem_shared>> -> memref<4096xi32, #tpu.memory_space<vmem_shared>>
      %dma_start3A_412 = arith.constant 143360 : i32
      %dma_start3A_413 = tpu.memref_slice %arg3[%dma_start3A_412] : memref<155648xi32, #tpu.memory_space<hbm>> -> memref<4096xi32, #tpu.memory_space<hbm>>
      tpu.enqueue_dma source(%dma_start3A_413 : memref<4096xi32, #tpu.memory_space<hbm>>) target(%dma_start3A_411 : memref<4096xi32, #tpu.memory_space<vmem_shared>>) target_semaphore(%arg20 : memref<!tpu.dma_semaphore, #tpu.memory_space<semaphore_mem>>)
      %dma_start3A_414 = arith.constant 143360 : i32
      %dma_start3A_415 = tpu.memref_slice %arg15[%dma_start3A_414] : memref<155648xf32, #tpu.memory_space<vmem_shared>> -> memref<4096xf32, #tpu.memory_space<vmem_shared>>
      %dma_start3A_416 = arith.constant 143360 : i32
      %dma_start3A_417 = tpu.memref_slice %arg4[%dma_start3A_416] : memref<155648xf32, #tpu.memory_space<hbm>> -> memref<4096xf32, #tpu.memory_space<hbm>>
      tpu.enqueue_dma source(%dma_start3A_417 : memref<4096xf32, #tpu.memory_space<hbm>>) target(%dma_start3A_415 : memref<4096xf32, #tpu.memory_space<vmem_shared>>) target_semaphore(%arg20 : memref<!tpu.dma_semaphore, #tpu.memory_space<semaphore_mem>>)
      %dma_start3A_418 = arith.constant 147456 : i32
      %dma_start3A_419 = tpu.memref_slice %arg14[%dma_start3A_418] : memref<155648xi32, #tpu.memory_space<vmem_shared>> -> memref<4096xi32, #tpu.memory_space<vmem_shared>>
      %dma_start3A_420 = arith.constant 147456 : i32
      %dma_start3A_421 = tpu.memref_slice %arg3[%dma_start3A_420] : memref<155648xi32, #tpu.memory_space<hbm>> -> memref<4096xi32, #tpu.memory_space<hbm>>
      tpu.enqueue_dma source(%dma_start3A_421 : memref<4096xi32, #tpu.memory_space<hbm>>) target(%dma_start3A_419 : memref<4096xi32, #tpu.memory_space<vmem_shared>>) target_semaphore(%arg20 : memref<!tpu.dma_semaphore, #tpu.memory_space<semaphore_mem>>)
      %dma_start3A_422 = arith.constant 147456 : i32
      %dma_start3A_423 = tpu.memref_slice %arg15[%dma_start3A_422] : memref<155648xf32, #tpu.memory_space<vmem_shared>> -> memref<4096xf32, #tpu.memory_space<vmem_shared>>
      %dma_start3A_424 = arith.constant 147456 : i32
      %dma_start3A_425 = tpu.memref_slice %arg4[%dma_start3A_424] : memref<155648xf32, #tpu.memory_space<hbm>> -> memref<4096xf32, #tpu.memory_space<hbm>>
      tpu.enqueue_dma source(%dma_start3A_425 : memref<4096xf32, #tpu.memory_space<hbm>>) target(%dma_start3A_423 : memref<4096xf32, #tpu.memory_space<vmem_shared>>) target_semaphore(%arg20 : memref<!tpu.dma_semaphore, #tpu.memory_space<semaphore_mem>>)
      %dma_start3A_426 = arith.constant 151552 : i32
      %dma_start3A_427 = tpu.memref_slice %arg14[%dma_start3A_426] : memref<155648xi32, #tpu.memory_space<vmem_shared>> -> memref<4096xi32, #tpu.memory_space<vmem_shared>>
      %dma_start3A_428 = arith.constant 151552 : i32
      %dma_start3A_429 = tpu.memref_slice %arg3[%dma_start3A_428] : memref<155648xi32, #tpu.memory_space<hbm>> -> memref<4096xi32, #tpu.memory_space<hbm>>
      tpu.enqueue_dma source(%dma_start3A_429 : memref<4096xi32, #tpu.memory_space<hbm>>) target(%dma_start3A_427 : memref<4096xi32, #tpu.memory_space<vmem_shared>>) target_semaphore(%arg20 : memref<!tpu.dma_semaphore, #tpu.memory_space<semaphore_mem>>)
      %dma_start3A_430 = arith.constant 151552 : i32
      %dma_start3A_431 = tpu.memref_slice %arg15[%dma_start3A_430] : memref<155648xf32, #tpu.memory_space<vmem_shared>> -> memref<4096xf32, #tpu.memory_space<vmem_shared>>
      %dma_start3A_432 = arith.constant 151552 : i32
      %dma_start3A_433 = tpu.memref_slice %arg4[%dma_start3A_432] : memref<155648xf32, #tpu.memory_space<hbm>> -> memref<4096xf32, #tpu.memory_space<hbm>>
      tpu.enqueue_dma source(%dma_start3A_433 : memref<4096xf32, #tpu.memory_space<hbm>>) target(%dma_start3A_431 : memref<4096xf32, #tpu.memory_space<vmem_shared>>) target_semaphore(%arg20 : memref<!tpu.dma_semaphore, #tpu.memory_space<semaphore_mem>>)
      %dma_wait3A = arith.constant 0 : i32
      %dma_wait3A_434 = tpu.memref_slice %arg14[%dma_wait3A] : memref<155648xi32, #tpu.memory_space<vmem_shared>> -> memref<4096xi32, #tpu.memory_space<vmem_shared>>
      %dma_wait3A_435 = arith.constant 0 : i32
      %dma_wait3A_436 = tpu.memref_slice %arg3[%dma_wait3A_435] : memref<155648xi32, #tpu.memory_space<hbm>> -> memref<4096xi32, #tpu.memory_space<hbm>>
      tpu.wait_dma2 semaphore(%arg20 : memref<!tpu.dma_semaphore, #tpu.memory_space<semaphore_mem>>) src(%dma_wait3A_436 : memref<4096xi32, #tpu.memory_space<hbm>>) dst(%dma_wait3A_434 : memref<4096xi32, #tpu.memory_space<vmem_shared>>)
      %dma_wait3A_437 = arith.constant 0 : i32
      %dma_wait3A_438 = tpu.memref_slice %arg15[%dma_wait3A_437] : memref<155648xf32, #tpu.memory_space<vmem_shared>> -> memref<4096xf32, #tpu.memory_space<vmem_shared>>
      %dma_wait3A_439 = arith.constant 0 : i32
      %dma_wait3A_440 = tpu.memref_slice %arg4[%dma_wait3A_439] : memref<155648xf32, #tpu.memory_space<hbm>> -> memref<4096xf32, #tpu.memory_space<hbm>>
      tpu.wait_dma2 semaphore(%arg20 : memref<!tpu.dma_semaphore, #tpu.memory_space<semaphore_mem>>) src(%dma_wait3A_440 : memref<4096xf32, #tpu.memory_space<hbm>>) dst(%dma_wait3A_438 : memref<4096xf32, #tpu.memory_space<vmem_shared>>)
      %dma_wait3A_441 = arith.constant 4096 : i32
      %dma_wait3A_442 = tpu.memref_slice %arg14[%dma_wait3A_441] : memref<155648xi32, #tpu.memory_space<vmem_shared>> -> memref<4096xi32, #tpu.memory_space<vmem_shared>>
      %dma_wait3A_443 = arith.constant 4096 : i32
      %dma_wait3A_444 = tpu.memref_slice %arg3[%dma_wait3A_443] : memref<155648xi32, #tpu.memory_space<hbm>> -> memref<4096xi32, #tpu.memory_space<hbm>>
      tpu.wait_dma2 semaphore(%arg20 : memref<!tpu.dma_semaphore, #tpu.memory_space<semaphore_mem>>) src(%dma_wait3A_444 : memref<4096xi32, #tpu.memory_space<hbm>>) dst(%dma_wait3A_442 : memref<4096xi32, #tpu.memory_space<vmem_shared>>)
      %dma_wait3A_445 = arith.constant 4096 : i32
      %dma_wait3A_446 = tpu.memref_slice %arg15[%dma_wait3A_445] : memref<155648xf32, #tpu.memory_space<vmem_shared>> -> memref<4096xf32, #tpu.memory_space<vmem_shared>>
      %dma_wait3A_447 = arith.constant 4096 : i32
      %dma_wait3A_448 = tpu.memref_slice %arg4[%dma_wait3A_447] : memref<155648xf32, #tpu.memory_space<hbm>> -> memref<4096xf32, #tpu.memory_space<hbm>>
      tpu.wait_dma2 semaphore(%arg20 : memref<!tpu.dma_semaphore, #tpu.memory_space<semaphore_mem>>) src(%dma_wait3A_448 : memref<4096xf32, #tpu.memory_space<hbm>>) dst(%dma_wait3A_446 : memref<4096xf32, #tpu.memory_space<vmem_shared>>)
      %dma_wait3A_449 = arith.constant 8192 : i32
      %dma_wait3A_450 = tpu.memref_slice %arg14[%dma_wait3A_449] : memref<155648xi32, #tpu.memory_space<vmem_shared>> -> memref<4096xi32, #tpu.memory_space<vmem_shared>>
      %dma_wait3A_451 = arith.constant 8192 : i32
      %dma_wait3A_452 = tpu.memref_slice %arg3[%dma_wait3A_451] : memref<155648xi32, #tpu.memory_space<hbm>> -> memref<4096xi32, #tpu.memory_space<hbm>>
      tpu.wait_dma2 semaphore(%arg20 : memref<!tpu.dma_semaphore, #tpu.memory_space<semaphore_mem>>) src(%dma_wait3A_452 : memref<4096xi32, #tpu.memory_space<hbm>>) dst(%dma_wait3A_450 : memref<4096xi32, #tpu.memory_space<vmem_shared>>)
      %dma_wait3A_453 = arith.constant 8192 : i32
      %dma_wait3A_454 = tpu.memref_slice %arg15[%dma_wait3A_453] : memref<155648xf32, #tpu.memory_space<vmem_shared>> -> memref<4096xf32, #tpu.memory_space<vmem_shared>>
      %dma_wait3A_455 = arith.constant 8192 : i32
      %dma_wait3A_456 = tpu.memref_slice %arg4[%dma_wait3A_455] : memref<155648xf32, #tpu.memory_space<hbm>> -> memref<4096xf32, #tpu.memory_space<hbm>>
      tpu.wait_dma2 semaphore(%arg20 : memref<!tpu.dma_semaphore, #tpu.memory_space<semaphore_mem>>) src(%dma_wait3A_456 : memref<4096xf32, #tpu.memory_space<hbm>>) dst(%dma_wait3A_454 : memref<4096xf32, #tpu.memory_space<vmem_shared>>)
      %dma_wait3A_457 = arith.constant 12288 : i32
      %dma_wait3A_458 = tpu.memref_slice %arg14[%dma_wait3A_457] : memref<155648xi32, #tpu.memory_space<vmem_shared>> -> memref<4096xi32, #tpu.memory_space<vmem_shared>>
      %dma_wait3A_459 = arith.constant 12288 : i32
      %dma_wait3A_460 = tpu.memref_slice %arg3[%dma_wait3A_459] : memref<155648xi32, #tpu.memory_space<hbm>> -> memref<4096xi32, #tpu.memory_space<hbm>>
      tpu.wait_dma2 semaphore(%arg20 : memref<!tpu.dma_semaphore, #tpu.memory_space<semaphore_mem>>) src(%dma_wait3A_460 : memref<4096xi32, #tpu.memory_space<hbm>>) dst(%dma_wait3A_458 : memref<4096xi32, #tpu.memory_space<vmem_shared>>)
      %dma_wait3A_461 = arith.constant 12288 : i32
      %dma_wait3A_462 = tpu.memref_slice %arg15[%dma_wait3A_461] : memref<155648xf32, #tpu.memory_space<vmem_shared>> -> memref<4096xf32, #tpu.memory_space<vmem_shared>>
      %dma_wait3A_463 = arith.constant 12288 : i32
      %dma_wait3A_464 = tpu.memref_slice %arg4[%dma_wait3A_463] : memref<155648xf32, #tpu.memory_space<hbm>> -> memref<4096xf32, #tpu.memory_space<hbm>>
      tpu.wait_dma2 semaphore(%arg20 : memref<!tpu.dma_semaphore, #tpu.memory_space<semaphore_mem>>) src(%dma_wait3A_464 : memref<4096xf32, #tpu.memory_space<hbm>>) dst(%dma_wait3A_462 : memref<4096xf32, #tpu.memory_space<vmem_shared>>)
      %dma_wait3A_465 = arith.constant 16384 : i32
      %dma_wait3A_466 = tpu.memref_slice %arg14[%dma_wait3A_465] : memref<155648xi32, #tpu.memory_space<vmem_shared>> -> memref<4096xi32, #tpu.memory_space<vmem_shared>>
      %dma_wait3A_467 = arith.constant 16384 : i32
      %dma_wait3A_468 = tpu.memref_slice %arg3[%dma_wait3A_467] : memref<155648xi32, #tpu.memory_space<hbm>> -> memref<4096xi32, #tpu.memory_space<hbm>>
      tpu.wait_dma2 semaphore(%arg20 : memref<!tpu.dma_semaphore, #tpu.memory_space<semaphore_mem>>) src(%dma_wait3A_468 : memref<4096xi32, #tpu.memory_space<hbm>>) dst(%dma_wait3A_466 : memref<4096xi32, #tpu.memory_space<vmem_shared>>)
      %dma_wait3A_469 = arith.constant 16384 : i32
      %dma_wait3A_470 = tpu.memref_slice %arg15[%dma_wait3A_469] : memref<155648xf32, #tpu.memory_space<vmem_shared>> -> memref<4096xf32, #tpu.memory_space<vmem_shared>>
      %dma_wait3A_471 = arith.constant 16384 : i32
      %dma_wait3A_472 = tpu.memref_slice %arg4[%dma_wait3A_471] : memref<155648xf32, #tpu.memory_space<hbm>> -> memref<4096xf32, #tpu.memory_space<hbm>>
      tpu.wait_dma2 semaphore(%arg20 : memref<!tpu.dma_semaphore, #tpu.memory_space<semaphore_mem>>) src(%dma_wait3A_472 : memref<4096xf32, #tpu.memory_space<hbm>>) dst(%dma_wait3A_470 : memref<4096xf32, #tpu.memory_space<vmem_shared>>)
      %dma_wait3A_473 = arith.constant 20480 : i32
      %dma_wait3A_474 = tpu.memref_slice %arg14[%dma_wait3A_473] : memref<155648xi32, #tpu.memory_space<vmem_shared>> -> memref<4096xi32, #tpu.memory_space<vmem_shared>>
      %dma_wait3A_475 = arith.constant 20480 : i32
      %dma_wait3A_476 = tpu.memref_slice %arg3[%dma_wait3A_475] : memref<155648xi32, #tpu.memory_space<hbm>> -> memref<4096xi32, #tpu.memory_space<hbm>>
      tpu.wait_dma2 semaphore(%arg20 : memref<!tpu.dma_semaphore, #tpu.memory_space<semaphore_mem>>) src(%dma_wait3A_476 : memref<4096xi32, #tpu.memory_space<hbm>>) dst(%dma_wait3A_474 : memref<4096xi32, #tpu.memory_space<vmem_shared>>)
      %dma_wait3A_477 = arith.constant 20480 : i32
      %dma_wait3A_478 = tpu.memref_slice %arg15[%dma_wait3A_477] : memref<155648xf32, #tpu.memory_space<vmem_shared>> -> memref<4096xf32, #tpu.memory_space<vmem_shared>>
      %dma_wait3A_479 = arith.constant 20480 : i32
      %dma_wait3A_480 = tpu.memref_slice %arg4[%dma_wait3A_479] : memref<155648xf32, #tpu.memory_space<hbm>> -> memref<4096xf32, #tpu.memory_space<hbm>>
      tpu.wait_dma2 semaphore(%arg20 : memref<!tpu.dma_semaphore, #tpu.memory_space<semaphore_mem>>) src(%dma_wait3A_480 : memref<4096xf32, #tpu.memory_space<hbm>>) dst(%dma_wait3A_478 : memref<4096xf32, #tpu.memory_space<vmem_shared>>)
      %dma_wait3A_481 = arith.constant 24576 : i32
      %dma_wait3A_482 = tpu.memref_slice %arg14[%dma_wait3A_481] : memref<155648xi32, #tpu.memory_space<vmem_shared>> -> memref<4096xi32, #tpu.memory_space<vmem_shared>>
      %dma_wait3A_483 = arith.constant 24576 : i32
      %dma_wait3A_484 = tpu.memref_slice %arg3[%dma_wait3A_483] : memref<155648xi32, #tpu.memory_space<hbm>> -> memref<4096xi32, #tpu.memory_space<hbm>>
      tpu.wait_dma2 semaphore(%arg20 : memref<!tpu.dma_semaphore, #tpu.memory_space<semaphore_mem>>) src(%dma_wait3A_484 : memref<4096xi32, #tpu.memory_space<hbm>>) dst(%dma_wait3A_482 : memref<4096xi32, #tpu.memory_space<vmem_shared>>)
      %dma_wait3A_485 = arith.constant 24576 : i32
      %dma_wait3A_486 = tpu.memref_slice %arg15[%dma_wait3A_485] : memref<155648xf32, #tpu.memory_space<vmem_shared>> -> memref<4096xf32, #tpu.memory_space<vmem_shared>>
      %dma_wait3A_487 = arith.constant 24576 : i32
      %dma_wait3A_488 = tpu.memref_slice %arg4[%dma_wait3A_487] : memref<155648xf32, #tpu.memory_space<hbm>> -> memref<4096xf32, #tpu.memory_space<hbm>>
      tpu.wait_dma2 semaphore(%arg20 : memref<!tpu.dma_semaphore, #tpu.memory_space<semaphore_mem>>) src(%dma_wait3A_488 : memref<4096xf32, #tpu.memory_space<hbm>>) dst(%dma_wait3A_486 : memref<4096xf32, #tpu.memory_space<vmem_shared>>)
      %dma_wait3A_489 = arith.constant 28672 : i32
      %dma_wait3A_490 = tpu.memref_slice %arg14[%dma_wait3A_489] : memref<155648xi32, #tpu.memory_space<vmem_shared>> -> memref<4096xi32, #tpu.memory_space<vmem_shared>>
      %dma_wait3A_491 = arith.constant 28672 : i32
      %dma_wait3A_492 = tpu.memref_slice %arg3[%dma_wait3A_491] : memref<155648xi32, #tpu.memory_space<hbm>> -> memref<4096xi32, #tpu.memory_space<hbm>>
      tpu.wait_dma2 semaphore(%arg20 : memref<!tpu.dma_semaphore, #tpu.memory_space<semaphore_mem>>) src(%dma_wait3A_492 : memref<4096xi32, #tpu.memory_space<hbm>>) dst(%dma_wait3A_490 : memref<4096xi32, #tpu.memory_space<vmem_shared>>)
      %dma_wait3A_493 = arith.constant 28672 : i32
      %dma_wait3A_494 = tpu.memref_slice %arg15[%dma_wait3A_493] : memref<155648xf32, #tpu.memory_space<vmem_shared>> -> memref<4096xf32, #tpu.memory_space<vmem_shared>>
      %dma_wait3A_495 = arith.constant 28672 : i32
      %dma_wait3A_496 = tpu.memref_slice %arg4[%dma_wait3A_495] : memref<155648xf32, #tpu.memory_space<hbm>> -> memref<4096xf32, #tpu.memory_space<hbm>>
      tpu.wait_dma2 semaphore(%arg20 : memref<!tpu.dma_semaphore, #tpu.memory_space<semaphore_mem>>) src(%dma_wait3A_496 : memref<4096xf32, #tpu.memory_space<hbm>>) dst(%dma_wait3A_494 : memref<4096xf32, #tpu.memory_space<vmem_shared>>)
      %dma_wait3A_497 = arith.constant 32768 : i32
      %dma_wait3A_498 = tpu.memref_slice %arg14[%dma_wait3A_497] : memref<155648xi32, #tpu.memory_space<vmem_shared>> -> memref<4096xi32, #tpu.memory_space<vmem_shared>>
      %dma_wait3A_499 = arith.constant 32768 : i32
      %dma_wait3A_500 = tpu.memref_slice %arg3[%dma_wait3A_499] : memref<155648xi32, #tpu.memory_space<hbm>> -> memref<4096xi32, #tpu.memory_space<hbm>>
      tpu.wait_dma2 semaphore(%arg20 : memref<!tpu.dma_semaphore, #tpu.memory_space<semaphore_mem>>) src(%dma_wait3A_500 : memref<4096xi32, #tpu.memory_space<hbm>>) dst(%dma_wait3A_498 : memref<4096xi32, #tpu.memory_space<vmem_shared>>)
      %dma_wait3A_501 = arith.constant 32768 : i32
      %dma_wait3A_502 = tpu.memref_slice %arg15[%dma_wait3A_501] : memref<155648xf32, #tpu.memory_space<vmem_shared>> -> memref<4096xf32, #tpu.memory_space<vmem_shared>>
      %dma_wait3A_503 = arith.constant 32768 : i32
      %dma_wait3A_504 = tpu.memref_slice %arg4[%dma_wait3A_503] : memref<155648xf32, #tpu.memory_space<hbm>> -> memref<4096xf32, #tpu.memory_space<hbm>>
      tpu.wait_dma2 semaphore(%arg20 : memref<!tpu.dma_semaphore, #tpu.memory_space<semaphore_mem>>) src(%dma_wait3A_504 : memref<4096xf32, #tpu.memory_space<hbm>>) dst(%dma_wait3A_502 : memref<4096xf32, #tpu.memory_space<vmem_shared>>)
      %dma_wait3A_505 = arith.constant 36864 : i32
      %dma_wait3A_506 = tpu.memref_slice %arg14[%dma_wait3A_505] : memref<155648xi32, #tpu.memory_space<vmem_shared>> -> memref<4096xi32, #tpu.memory_space<vmem_shared>>
      %dma_wait3A_507 = arith.constant 36864 : i32
      %dma_wait3A_508 = tpu.memref_slice %arg3[%dma_wait3A_507] : memref<155648xi32, #tpu.memory_space<hbm>> -> memref<4096xi32, #tpu.memory_space<hbm>>
      tpu.wait_dma2 semaphore(%arg20 : memref<!tpu.dma_semaphore, #tpu.memory_space<semaphore_mem>>) src(%dma_wait3A_508 : memref<4096xi32, #tpu.memory_space<hbm>>) dst(%dma_wait3A_506 : memref<4096xi32, #tpu.memory_space<vmem_shared>>)
      %dma_wait3A_509 = arith.constant 36864 : i32
      %dma_wait3A_510 = tpu.memref_slice %arg15[%dma_wait3A_509] : memref<155648xf32, #tpu.memory_space<vmem_shared>> -> memref<4096xf32, #tpu.memory_space<vmem_shared>>
      %dma_wait3A_511 = arith.constant 36864 : i32
      %dma_wait3A_512 = tpu.memref_slice %arg4[%dma_wait3A_511] : memref<155648xf32, #tpu.memory_space<hbm>> -> memref<4096xf32, #tpu.memory_space<hbm>>
      tpu.wait_dma2 semaphore(%arg20 : memref<!tpu.dma_semaphore, #tpu.memory_space<semaphore_mem>>) src(%dma_wait3A_512 : memref<4096xf32, #tpu.memory_space<hbm>>) dst(%dma_wait3A_510 : memref<4096xf32, #tpu.memory_space<vmem_shared>>)
      %dma_wait3A_513 = arith.constant 40960 : i32
      %dma_wait3A_514 = tpu.memref_slice %arg14[%dma_wait3A_513] : memref<155648xi32, #tpu.memory_space<vmem_shared>> -> memref<4096xi32, #tpu.memory_space<vmem_shared>>
      %dma_wait3A_515 = arith.constant 40960 : i32
      %dma_wait3A_516 = tpu.memref_slice %arg3[%dma_wait3A_515] : memref<155648xi32, #tpu.memory_space<hbm>> -> memref<4096xi32, #tpu.memory_space<hbm>>
      tpu.wait_dma2 semaphore(%arg20 : memref<!tpu.dma_semaphore, #tpu.memory_space<semaphore_mem>>) src(%dma_wait3A_516 : memref<4096xi32, #tpu.memory_space<hbm>>) dst(%dma_wait3A_514 : memref<4096xi32, #tpu.memory_space<vmem_shared>>)
      %dma_wait3A_517 = arith.constant 40960 : i32
      %dma_wait3A_518 = tpu.memref_slice %arg15[%dma_wait3A_517] : memref<155648xf32, #tpu.memory_space<vmem_shared>> -> memref<4096xf32, #tpu.memory_space<vmem_shared>>
      %dma_wait3A_519 = arith.constant 40960 : i32
      %dma_wait3A_520 = tpu.memref_slice %arg4[%dma_wait3A_519] : memref<155648xf32, #tpu.memory_space<hbm>> -> memref<4096xf32, #tpu.memory_space<hbm>>
      tpu.wait_dma2 semaphore(%arg20 : memref<!tpu.dma_semaphore, #tpu.memory_space<semaphore_mem>>) src(%dma_wait3A_520 : memref<4096xf32, #tpu.memory_space<hbm>>) dst(%dma_wait3A_518 : memref<4096xf32, #tpu.memory_space<vmem_shared>>)
      %dma_wait3A_521 = arith.constant 45056 : i32
      %dma_wait3A_522 = tpu.memref_slice %arg14[%dma_wait3A_521] : memref<155648xi32, #tpu.memory_space<vmem_shared>> -> memref<4096xi32, #tpu.memory_space<vmem_shared>>
      %dma_wait3A_523 = arith.constant 45056 : i32
      %dma_wait3A_524 = tpu.memref_slice %arg3[%dma_wait3A_523] : memref<155648xi32, #tpu.memory_space<hbm>> -> memref<4096xi32, #tpu.memory_space<hbm>>
      tpu.wait_dma2 semaphore(%arg20 : memref<!tpu.dma_semaphore, #tpu.memory_space<semaphore_mem>>) src(%dma_wait3A_524 : memref<4096xi32, #tpu.memory_space<hbm>>) dst(%dma_wait3A_522 : memref<4096xi32, #tpu.memory_space<vmem_shared>>)
      %dma_wait3A_525 = arith.constant 45056 : i32
      %dma_wait3A_526 = tpu.memref_slice %arg15[%dma_wait3A_525] : memref<155648xf32, #tpu.memory_space<vmem_shared>> -> memref<4096xf32, #tpu.memory_space<vmem_shared>>
      %dma_wait3A_527 = arith.constant 45056 : i32
      %dma_wait3A_528 = tpu.memref_slice %arg4[%dma_wait3A_527] : memref<155648xf32, #tpu.memory_space<hbm>> -> memref<4096xf32, #tpu.memory_space<hbm>>
      tpu.wait_dma2 semaphore(%arg20 : memref<!tpu.dma_semaphore, #tpu.memory_space<semaphore_mem>>) src(%dma_wait3A_528 : memref<4096xf32, #tpu.memory_space<hbm>>) dst(%dma_wait3A_526 : memref<4096xf32, #tpu.memory_space<vmem_shared>>)
      %dma_wait3A_529 = arith.constant 49152 : i32
      %dma_wait3A_530 = tpu.memref_slice %arg14[%dma_wait3A_529] : memref<155648xi32, #tpu.memory_space<vmem_shared>> -> memref<4096xi32, #tpu.memory_space<vmem_shared>>
      %dma_wait3A_531 = arith.constant 49152 : i32
      %dma_wait3A_532 = tpu.memref_slice %arg3[%dma_wait3A_531] : memref<155648xi32, #tpu.memory_space<hbm>> -> memref<4096xi32, #tpu.memory_space<hbm>>
      tpu.wait_dma2 semaphore(%arg20 : memref<!tpu.dma_semaphore, #tpu.memory_space<semaphore_mem>>) src(%dma_wait3A_532 : memref<4096xi32, #tpu.memory_space<hbm>>) dst(%dma_wait3A_530 : memref<4096xi32, #tpu.memory_space<vmem_shared>>)
      %dma_wait3A_533 = arith.constant 49152 : i32
      %dma_wait3A_534 = tpu.memref_slice %arg15[%dma_wait3A_533] : memref<155648xf32, #tpu.memory_space<vmem_shared>> -> memref<4096xf32, #tpu.memory_space<vmem_shared>>
      %dma_wait3A_535 = arith.constant 49152 : i32
      %dma_wait3A_536 = tpu.memref_slice %arg4[%dma_wait3A_535] : memref<155648xf32, #tpu.memory_space<hbm>> -> memref<4096xf32, #tpu.memory_space<hbm>>
      tpu.wait_dma2 semaphore(%arg20 : memref<!tpu.dma_semaphore, #tpu.memory_space<semaphore_mem>>) src(%dma_wait3A_536 : memref<4096xf32, #tpu.memory_space<hbm>>) dst(%dma_wait3A_534 : memref<4096xf32, #tpu.memory_space<vmem_shared>>)
      %dma_wait3A_537 = arith.constant 53248 : i32
      %dma_wait3A_538 = tpu.memref_slice %arg14[%dma_wait3A_537] : memref<155648xi32, #tpu.memory_space<vmem_shared>> -> memref<4096xi32, #tpu.memory_space<vmem_shared>>
      %dma_wait3A_539 = arith.constant 53248 : i32
      %dma_wait3A_540 = tpu.memref_slice %arg3[%dma_wait3A_539] : memref<155648xi32, #tpu.memory_space<hbm>> -> memref<4096xi32, #tpu.memory_space<hbm>>
      tpu.wait_dma2 semaphore(%arg20 : memref<!tpu.dma_semaphore, #tpu.memory_space<semaphore_mem>>) src(%dma_wait3A_540 : memref<4096xi32, #tpu.memory_space<hbm>>) dst(%dma_wait3A_538 : memref<4096xi32, #tpu.memory_space<vmem_shared>>)
      %dma_wait3A_541 = arith.constant 53248 : i32
      %dma_wait3A_542 = tpu.memref_slice %arg15[%dma_wait3A_541] : memref<155648xf32, #tpu.memory_space<vmem_shared>> -> memref<4096xf32, #tpu.memory_space<vmem_shared>>
      %dma_wait3A_543 = arith.constant 53248 : i32
      %dma_wait3A_544 = tpu.memref_slice %arg4[%dma_wait3A_543] : memref<155648xf32, #tpu.memory_space<hbm>> -> memref<4096xf32, #tpu.memory_space<hbm>>
      tpu.wait_dma2 semaphore(%arg20 : memref<!tpu.dma_semaphore, #tpu.memory_space<semaphore_mem>>) src(%dma_wait3A_544 : memref<4096xf32, #tpu.memory_space<hbm>>) dst(%dma_wait3A_542 : memref<4096xf32, #tpu.memory_space<vmem_shared>>)
      %dma_wait3A_545 = arith.constant 57344 : i32
      %dma_wait3A_546 = tpu.memref_slice %arg14[%dma_wait3A_545] : memref<155648xi32, #tpu.memory_space<vmem_shared>> -> memref<4096xi32, #tpu.memory_space<vmem_shared>>
      %dma_wait3A_547 = arith.constant 57344 : i32
      %dma_wait3A_548 = tpu.memref_slice %arg3[%dma_wait3A_547] : memref<155648xi32, #tpu.memory_space<hbm>> -> memref<4096xi32, #tpu.memory_space<hbm>>
      tpu.wait_dma2 semaphore(%arg20 : memref<!tpu.dma_semaphore, #tpu.memory_space<semaphore_mem>>) src(%dma_wait3A_548 : memref<4096xi32, #tpu.memory_space<hbm>>) dst(%dma_wait3A_546 : memref<4096xi32, #tpu.memory_space<vmem_shared>>)
      %dma_wait3A_549 = arith.constant 57344 : i32
      %dma_wait3A_550 = tpu.memref_slice %arg15[%dma_wait3A_549] : memref<155648xf32, #tpu.memory_space<vmem_shared>> -> memref<4096xf32, #tpu.memory_space<vmem_shared>>
      %dma_wait3A_551 = arith.constant 57344 : i32
      %dma_wait3A_552 = tpu.memref_slice %arg4[%dma_wait3A_551] : memref<155648xf32, #tpu.memory_space<hbm>> -> memref<4096xf32, #tpu.memory_space<hbm>>
      tpu.wait_dma2 semaphore(%arg20 : memref<!tpu.dma_semaphore, #tpu.memory_space<semaphore_mem>>) src(%dma_wait3A_552 : memref<4096xf32, #tpu.memory_space<hbm>>) dst(%dma_wait3A_550 : memref<4096xf32, #tpu.memory_space<vmem_shared>>)
      %dma_wait3A_553 = arith.constant 61440 : i32
      %dma_wait3A_554 = tpu.memref_slice %arg14[%dma_wait3A_553] : memref<155648xi32, #tpu.memory_space<vmem_shared>> -> memref<4096xi32, #tpu.memory_space<vmem_shared>>
      %dma_wait3A_555 = arith.constant 61440 : i32
      %dma_wait3A_556 = tpu.memref_slice %arg3[%dma_wait3A_555] : memref<155648xi32, #tpu.memory_space<hbm>> -> memref<4096xi32, #tpu.memory_space<hbm>>
      tpu.wait_dma2 semaphore(%arg20 : memref<!tpu.dma_semaphore, #tpu.memory_space<semaphore_mem>>) src(%dma_wait3A_556 : memref<4096xi32, #tpu.memory_space<hbm>>) dst(%dma_wait3A_554 : memref<4096xi32, #tpu.memory_space<vmem_shared>>)
      %dma_wait3A_557 = arith.constant 61440 : i32
      %dma_wait3A_558 = tpu.memref_slice %arg15[%dma_wait3A_557] : memref<155648xf32, #tpu.memory_space<vmem_shared>> -> memref<4096xf32, #tpu.memory_space<vmem_shared>>
      %dma_wait3A_559 = arith.constant 61440 : i32
      %dma_wait3A_560 = tpu.memref_slice %arg4[%dma_wait3A_559] : memref<155648xf32, #tpu.memory_space<hbm>> -> memref<4096xf32, #tpu.memory_space<hbm>>
      tpu.wait_dma2 semaphore(%arg20 : memref<!tpu.dma_semaphore, #tpu.memory_space<semaphore_mem>>) src(%dma_wait3A_560 : memref<4096xf32, #tpu.memory_space<hbm>>) dst(%dma_wait3A_558 : memref<4096xf32, #tpu.memory_space<vmem_shared>>)
      %dma_wait3A_561 = arith.constant 65536 : i32
      %dma_wait3A_562 = tpu.memref_slice %arg14[%dma_wait3A_561] : memref<155648xi32, #tpu.memory_space<vmem_shared>> -> memref<4096xi32, #tpu.memory_space<vmem_shared>>
      %dma_wait3A_563 = arith.constant 65536 : i32
      %dma_wait3A_564 = tpu.memref_slice %arg3[%dma_wait3A_563] : memref<155648xi32, #tpu.memory_space<hbm>> -> memref<4096xi32, #tpu.memory_space<hbm>>
      tpu.wait_dma2 semaphore(%arg20 : memref<!tpu.dma_semaphore, #tpu.memory_space<semaphore_mem>>) src(%dma_wait3A_564 : memref<4096xi32, #tpu.memory_space<hbm>>) dst(%dma_wait3A_562 : memref<4096xi32, #tpu.memory_space<vmem_shared>>)
      %dma_wait3A_565 = arith.constant 65536 : i32
      %dma_wait3A_566 = tpu.memref_slice %arg15[%dma_wait3A_565] : memref<155648xf32, #tpu.memory_space<vmem_shared>> -> memref<4096xf32, #tpu.memory_space<vmem_shared>>
      %dma_wait3A_567 = arith.constant 65536 : i32
      %dma_wait3A_568 = tpu.memref_slice %arg4[%dma_wait3A_567] : memref<155648xf32, #tpu.memory_space<hbm>> -> memref<4096xf32, #tpu.memory_space<hbm>>
      tpu.wait_dma2 semaphore(%arg20 : memref<!tpu.dma_semaphore, #tpu.memory_space<semaphore_mem>>) src(%dma_wait3A_568 : memref<4096xf32, #tpu.memory_space<hbm>>) dst(%dma_wait3A_566 : memref<4096xf32, #tpu.memory_space<vmem_shared>>)
      %dma_wait3A_569 = arith.constant 69632 : i32
      %dma_wait3A_570 = tpu.memref_slice %arg14[%dma_wait3A_569] : memref<155648xi32, #tpu.memory_space<vmem_shared>> -> memref<4096xi32, #tpu.memory_space<vmem_shared>>
      %dma_wait3A_571 = arith.constant 69632 : i32
      %dma_wait3A_572 = tpu.memref_slice %arg3[%dma_wait3A_571] : memref<155648xi32, #tpu.memory_space<hbm>> -> memref<4096xi32, #tpu.memory_space<hbm>>
      tpu.wait_dma2 semaphore(%arg20 : memref<!tpu.dma_semaphore, #tpu.memory_space<semaphore_mem>>) src(%dma_wait3A_572 : memref<4096xi32, #tpu.memory_space<hbm>>) dst(%dma_wait3A_570 : memref<4096xi32, #tpu.memory_space<vmem_shared>>)
      %dma_wait3A_573 = arith.constant 69632 : i32
      %dma_wait3A_574 = tpu.memref_slice %arg15[%dma_wait3A_573] : memref<155648xf32, #tpu.memory_space<vmem_shared>> -> memref<4096xf32, #tpu.memory_space<vmem_shared>>
      %dma_wait3A_575 = arith.constant 69632 : i32
      %dma_wait3A_576 = tpu.memref_slice %arg4[%dma_wait3A_575] : memref<155648xf32, #tpu.memory_space<hbm>> -> memref<4096xf32, #tpu.memory_space<hbm>>
      tpu.wait_dma2 semaphore(%arg20 : memref<!tpu.dma_semaphore, #tpu.memory_space<semaphore_mem>>) src(%dma_wait3A_576 : memref<4096xf32, #tpu.memory_space<hbm>>) dst(%dma_wait3A_574 : memref<4096xf32, #tpu.memory_space<vmem_shared>>)
      %dma_wait3A_577 = arith.constant 73728 : i32
      %dma_wait3A_578 = tpu.memref_slice %arg14[%dma_wait3A_577] : memref<155648xi32, #tpu.memory_space<vmem_shared>> -> memref<4096xi32, #tpu.memory_space<vmem_shared>>
      %dma_wait3A_579 = arith.constant 73728 : i32
      %dma_wait3A_580 = tpu.memref_slice %arg3[%dma_wait3A_579] : memref<155648xi32, #tpu.memory_space<hbm>> -> memref<4096xi32, #tpu.memory_space<hbm>>
      tpu.wait_dma2 semaphore(%arg20 : memref<!tpu.dma_semaphore, #tpu.memory_space<semaphore_mem>>) src(%dma_wait3A_580 : memref<4096xi32, #tpu.memory_space<hbm>>) dst(%dma_wait3A_578 : memref<4096xi32, #tpu.memory_space<vmem_shared>>)
      %dma_wait3A_581 = arith.constant 73728 : i32
      %dma_wait3A_582 = tpu.memref_slice %arg15[%dma_wait3A_581] : memref<155648xf32, #tpu.memory_space<vmem_shared>> -> memref<4096xf32, #tpu.memory_space<vmem_shared>>
      %dma_wait3A_583 = arith.constant 73728 : i32
      %dma_wait3A_584 = tpu.memref_slice %arg4[%dma_wait3A_583] : memref<155648xf32, #tpu.memory_space<hbm>> -> memref<4096xf32, #tpu.memory_space<hbm>>
      tpu.wait_dma2 semaphore(%arg20 : memref<!tpu.dma_semaphore, #tpu.memory_space<semaphore_mem>>) src(%dma_wait3A_584 : memref<4096xf32, #tpu.memory_space<hbm>>) dst(%dma_wait3A_582 : memref<4096xf32, #tpu.memory_space<vmem_shared>>)
      %dma_wait3A_585 = arith.constant 77824 : i32
      %dma_wait3A_586 = tpu.memref_slice %arg14[%dma_wait3A_585] : memref<155648xi32, #tpu.memory_space<vmem_shared>> -> memref<4096xi32, #tpu.memory_space<vmem_shared>>
      %dma_wait3A_587 = arith.constant 77824 : i32
      %dma_wait3A_588 = tpu.memref_slice %arg3[%dma_wait3A_587] : memref<155648xi32, #tpu.memory_space<hbm>> -> memref<4096xi32, #tpu.memory_space<hbm>>
      tpu.wait_dma2 semaphore(%arg20 : memref<!tpu.dma_semaphore, #tpu.memory_space<semaphore_mem>>) src(%dma_wait3A_588 : memref<4096xi32, #tpu.memory_space<hbm>>) dst(%dma_wait3A_586 : memref<4096xi32, #tpu.memory_space<vmem_shared>>)
      %dma_wait3A_589 = arith.constant 77824 : i32
      %dma_wait3A_590 = tpu.memref_slice %arg15[%dma_wait3A_589] : memref<155648xf32, #tpu.memory_space<vmem_shared>> -> memref<4096xf32, #tpu.memory_space<vmem_shared>>
      %dma_wait3A_591 = arith.constant 77824 : i32
      %dma_wait3A_592 = tpu.memref_slice %arg4[%dma_wait3A_591] : memref<155648xf32, #tpu.memory_space<hbm>> -> memref<4096xf32, #tpu.memory_space<hbm>>
      tpu.wait_dma2 semaphore(%arg20 : memref<!tpu.dma_semaphore, #tpu.memory_space<semaphore_mem>>) src(%dma_wait3A_592 : memref<4096xf32, #tpu.memory_space<hbm>>) dst(%dma_wait3A_590 : memref<4096xf32, #tpu.memory_space<vmem_shared>>)
      %dma_wait3A_593 = arith.constant 81920 : i32
      %dma_wait3A_594 = tpu.memref_slice %arg14[%dma_wait3A_593] : memref<155648xi32, #tpu.memory_space<vmem_shared>> -> memref<4096xi32, #tpu.memory_space<vmem_shared>>
      %dma_wait3A_595 = arith.constant 81920 : i32
      %dma_wait3A_596 = tpu.memref_slice %arg3[%dma_wait3A_595] : memref<155648xi32, #tpu.memory_space<hbm>> -> memref<4096xi32, #tpu.memory_space<hbm>>
      tpu.wait_dma2 semaphore(%arg20 : memref<!tpu.dma_semaphore, #tpu.memory_space<semaphore_mem>>) src(%dma_wait3A_596 : memref<4096xi32, #tpu.memory_space<hbm>>) dst(%dma_wait3A_594 : memref<4096xi32, #tpu.memory_space<vmem_shared>>)
      %dma_wait3A_597 = arith.constant 81920 : i32
      %dma_wait3A_598 = tpu.memref_slice %arg15[%dma_wait3A_597] : memref<155648xf32, #tpu.memory_space<vmem_shared>> -> memref<4096xf32, #tpu.memory_space<vmem_shared>>
      %dma_wait3A_599 = arith.constant 81920 : i32
      %dma_wait3A_600 = tpu.memref_slice %arg4[%dma_wait3A_599] : memref<155648xf32, #tpu.memory_space<hbm>> -> memref<4096xf32, #tpu.memory_space<hbm>>
      tpu.wait_dma2 semaphore(%arg20 : memref<!tpu.dma_semaphore, #tpu.memory_space<semaphore_mem>>) src(%dma_wait3A_600 : memref<4096xf32, #tpu.memory_space<hbm>>) dst(%dma_wait3A_598 : memref<4096xf32, #tpu.memory_space<vmem_shared>>)
      %dma_wait3A_601 = arith.constant 86016 : i32
      %dma_wait3A_602 = tpu.memref_slice %arg14[%dma_wait3A_601] : memref<155648xi32, #tpu.memory_space<vmem_shared>> -> memref<4096xi32, #tpu.memory_space<vmem_shared>>
      %dma_wait3A_603 = arith.constant 86016 : i32
      %dma_wait3A_604 = tpu.memref_slice %arg3[%dma_wait3A_603] : memref<155648xi32, #tpu.memory_space<hbm>> -> memref<4096xi32, #tpu.memory_space<hbm>>
      tpu.wait_dma2 semaphore(%arg20 : memref<!tpu.dma_semaphore, #tpu.memory_space<semaphore_mem>>) src(%dma_wait3A_604 : memref<4096xi32, #tpu.memory_space<hbm>>) dst(%dma_wait3A_602 : memref<4096xi32, #tpu.memory_space<vmem_shared>>)
      %dma_wait3A_605 = arith.constant 86016 : i32
      %dma_wait3A_606 = tpu.memref_slice %arg15[%dma_wait3A_605] : memref<155648xf32, #tpu.memory_space<vmem_shared>> -> memref<4096xf32, #tpu.memory_space<vmem_shared>>
      %dma_wait3A_607 = arith.constant 86016 : i32
      %dma_wait3A_608 = tpu.memref_slice %arg4[%dma_wait3A_607] : memref<155648xf32, #tpu.memory_space<hbm>> -> memref<4096xf32, #tpu.memory_space<hbm>>
      tpu.wait_dma2 semaphore(%arg20 : memref<!tpu.dma_semaphore, #tpu.memory_space<semaphore_mem>>) src(%dma_wait3A_608 : memref<4096xf32, #tpu.memory_space<hbm>>) dst(%dma_wait3A_606 : memref<4096xf32, #tpu.memory_space<vmem_shared>>)
      %dma_wait3A_609 = arith.constant 90112 : i32
      %dma_wait3A_610 = tpu.memref_slice %arg14[%dma_wait3A_609] : memref<155648xi32, #tpu.memory_space<vmem_shared>> -> memref<4096xi32, #tpu.memory_space<vmem_shared>>
      %dma_wait3A_611 = arith.constant 90112 : i32
      %dma_wait3A_612 = tpu.memref_slice %arg3[%dma_wait3A_611] : memref<155648xi32, #tpu.memory_space<hbm>> -> memref<4096xi32, #tpu.memory_space<hbm>>
      tpu.wait_dma2 semaphore(%arg20 : memref<!tpu.dma_semaphore, #tpu.memory_space<semaphore_mem>>) src(%dma_wait3A_612 : memref<4096xi32, #tpu.memory_space<hbm>>) dst(%dma_wait3A_610 : memref<4096xi32, #tpu.memory_space<vmem_shared>>)
      %dma_wait3A_613 = arith.constant 90112 : i32
      %dma_wait3A_614 = tpu.memref_slice %arg15[%dma_wait3A_613] : memref<155648xf32, #tpu.memory_space<vmem_shared>> -> memref<4096xf32, #tpu.memory_space<vmem_shared>>
      %dma_wait3A_615 = arith.constant 90112 : i32
      %dma_wait3A_616 = tpu.memref_slice %arg4[%dma_wait3A_615] : memref<155648xf32, #tpu.memory_space<hbm>> -> memref<4096xf32, #tpu.memory_space<hbm>>
      tpu.wait_dma2 semaphore(%arg20 : memref<!tpu.dma_semaphore, #tpu.memory_space<semaphore_mem>>) src(%dma_wait3A_616 : memref<4096xf32, #tpu.memory_space<hbm>>) dst(%dma_wait3A_614 : memref<4096xf32, #tpu.memory_space<vmem_shared>>)
      %dma_wait3A_617 = arith.constant 94208 : i32
      %dma_wait3A_618 = tpu.memref_slice %arg14[%dma_wait3A_617] : memref<155648xi32, #tpu.memory_space<vmem_shared>> -> memref<4096xi32, #tpu.memory_space<vmem_shared>>
      %dma_wait3A_619 = arith.constant 94208 : i32
      %dma_wait3A_620 = tpu.memref_slice %arg3[%dma_wait3A_619] : memref<155648xi32, #tpu.memory_space<hbm>> -> memref<4096xi32, #tpu.memory_space<hbm>>
      tpu.wait_dma2 semaphore(%arg20 : memref<!tpu.dma_semaphore, #tpu.memory_space<semaphore_mem>>) src(%dma_wait3A_620 : memref<4096xi32, #tpu.memory_space<hbm>>) dst(%dma_wait3A_618 : memref<4096xi32, #tpu.memory_space<vmem_shared>>)
      %dma_wait3A_621 = arith.constant 94208 : i32
      %dma_wait3A_622 = tpu.memref_slice %arg15[%dma_wait3A_621] : memref<155648xf32, #tpu.memory_space<vmem_shared>> -> memref<4096xf32, #tpu.memory_space<vmem_shared>>
      %dma_wait3A_623 = arith.constant 94208 : i32
      %dma_wait3A_624 = tpu.memref_slice %arg4[%dma_wait3A_623] : memref<155648xf32, #tpu.memory_space<hbm>> -> memref<4096xf32, #tpu.memory_space<hbm>>
      tpu.wait_dma2 semaphore(%arg20 : memref<!tpu.dma_semaphore, #tpu.memory_space<semaphore_mem>>) src(%dma_wait3A_624 : memref<4096xf32, #tpu.memory_space<hbm>>) dst(%dma_wait3A_622 : memref<4096xf32, #tpu.memory_space<vmem_shared>>)
      %dma_wait3A_625 = arith.constant 98304 : i32
      %dma_wait3A_626 = tpu.memref_slice %arg14[%dma_wait3A_625] : memref<155648xi32, #tpu.memory_space<vmem_shared>> -> memref<4096xi32, #tpu.memory_space<vmem_shared>>
      %dma_wait3A_627 = arith.constant 98304 : i32
      %dma_wait3A_628 = tpu.memref_slice %arg3[%dma_wait3A_627] : memref<155648xi32, #tpu.memory_space<hbm>> -> memref<4096xi32, #tpu.memory_space<hbm>>
      tpu.wait_dma2 semaphore(%arg20 : memref<!tpu.dma_semaphore, #tpu.memory_space<semaphore_mem>>) src(%dma_wait3A_628 : memref<4096xi32, #tpu.memory_space<hbm>>) dst(%dma_wait3A_626 : memref<4096xi32, #tpu.memory_space<vmem_shared>>)
      %dma_wait3A_629 = arith.constant 98304 : i32
      %dma_wait3A_630 = tpu.memref_slice %arg15[%dma_wait3A_629] : memref<155648xf32, #tpu.memory_space<vmem_shared>> -> memref<4096xf32, #tpu.memory_space<vmem_shared>>
      %dma_wait3A_631 = arith.constant 98304 : i32
      %dma_wait3A_632 = tpu.memref_slice %arg4[%dma_wait3A_631] : memref<155648xf32, #tpu.memory_space<hbm>> -> memref<4096xf32, #tpu.memory_space<hbm>>
      tpu.wait_dma2 semaphore(%arg20 : memref<!tpu.dma_semaphore, #tpu.memory_space<semaphore_mem>>) src(%dma_wait3A_632 : memref<4096xf32, #tpu.memory_space<hbm>>) dst(%dma_wait3A_630 : memref<4096xf32, #tpu.memory_space<vmem_shared>>)
      %dma_wait3A_633 = arith.constant 102400 : i32
      %dma_wait3A_634 = tpu.memref_slice %arg14[%dma_wait3A_633] : memref<155648xi32, #tpu.memory_space<vmem_shared>> -> memref<4096xi32, #tpu.memory_space<vmem_shared>>
      %dma_wait3A_635 = arith.constant 102400 : i32
      %dma_wait3A_636 = tpu.memref_slice %arg3[%dma_wait3A_635] : memref<155648xi32, #tpu.memory_space<hbm>> -> memref<4096xi32, #tpu.memory_space<hbm>>
      tpu.wait_dma2 semaphore(%arg20 : memref<!tpu.dma_semaphore, #tpu.memory_space<semaphore_mem>>) src(%dma_wait3A_636 : memref<4096xi32, #tpu.memory_space<hbm>>) dst(%dma_wait3A_634 : memref<4096xi32, #tpu.memory_space<vmem_shared>>)
      %dma_wait3A_637 = arith.constant 102400 : i32
      %dma_wait3A_638 = tpu.memref_slice %arg15[%dma_wait3A_637] : memref<155648xf32, #tpu.memory_space<vmem_shared>> -> memref<4096xf32, #tpu.memory_space<vmem_shared>>
      %dma_wait3A_639 = arith.constant 102400 : i32
      %dma_wait3A_640 = tpu.memref_slice %arg4[%dma_wait3A_639] : memref<155648xf32, #tpu.memory_space<hbm>> -> memref<4096xf32, #tpu.memory_space<hbm>>
      tpu.wait_dma2 semaphore(%arg20 : memref<!tpu.dma_semaphore, #tpu.memory_space<semaphore_mem>>) src(%dma_wait3A_640 : memref<4096xf32, #tpu.memory_space<hbm>>) dst(%dma_wait3A_638 : memref<4096xf32, #tpu.memory_space<vmem_shared>>)
      %dma_wait3A_641 = arith.constant 106496 : i32
      %dma_wait3A_642 = tpu.memref_slice %arg14[%dma_wait3A_641] : memref<155648xi32, #tpu.memory_space<vmem_shared>> -> memref<4096xi32, #tpu.memory_space<vmem_shared>>
      %dma_wait3A_643 = arith.constant 106496 : i32
      %dma_wait3A_644 = tpu.memref_slice %arg3[%dma_wait3A_643] : memref<155648xi32, #tpu.memory_space<hbm>> -> memref<4096xi32, #tpu.memory_space<hbm>>
      tpu.wait_dma2 semaphore(%arg20 : memref<!tpu.dma_semaphore, #tpu.memory_space<semaphore_mem>>) src(%dma_wait3A_644 : memref<4096xi32, #tpu.memory_space<hbm>>) dst(%dma_wait3A_642 : memref<4096xi32, #tpu.memory_space<vmem_shared>>)
      %dma_wait3A_645 = arith.constant 106496 : i32
      %dma_wait3A_646 = tpu.memref_slice %arg15[%dma_wait3A_645] : memref<155648xf32, #tpu.memory_space<vmem_shared>> -> memref<4096xf32, #tpu.memory_space<vmem_shared>>
      %dma_wait3A_647 = arith.constant 106496 : i32
      %dma_wait3A_648 = tpu.memref_slice %arg4[%dma_wait3A_647] : memref<155648xf32, #tpu.memory_space<hbm>> -> memref<4096xf32, #tpu.memory_space<hbm>>
      tpu.wait_dma2 semaphore(%arg20 : memref<!tpu.dma_semaphore, #tpu.memory_space<semaphore_mem>>) src(%dma_wait3A_648 : memref<4096xf32, #tpu.memory_space<hbm>>) dst(%dma_wait3A_646 : memref<4096xf32, #tpu.memory_space<vmem_shared>>)
      %dma_wait3A_649 = arith.constant 110592 : i32
      %dma_wait3A_650 = tpu.memref_slice %arg14[%dma_wait3A_649] : memref<155648xi32, #tpu.memory_space<vmem_shared>> -> memref<4096xi32, #tpu.memory_space<vmem_shared>>
      %dma_wait3A_651 = arith.constant 110592 : i32
      %dma_wait3A_652 = tpu.memref_slice %arg3[%dma_wait3A_651] : memref<155648xi32, #tpu.memory_space<hbm>> -> memref<4096xi32, #tpu.memory_space<hbm>>
      tpu.wait_dma2 semaphore(%arg20 : memref<!tpu.dma_semaphore, #tpu.memory_space<semaphore_mem>>) src(%dma_wait3A_652 : memref<4096xi32, #tpu.memory_space<hbm>>) dst(%dma_wait3A_650 : memref<4096xi32, #tpu.memory_space<vmem_shared>>)
      %dma_wait3A_653 = arith.constant 110592 : i32
      %dma_wait3A_654 = tpu.memref_slice %arg15[%dma_wait3A_653] : memref<155648xf32, #tpu.memory_space<vmem_shared>> -> memref<4096xf32, #tpu.memory_space<vmem_shared>>
      %dma_wait3A_655 = arith.constant 110592 : i32
      %dma_wait3A_656 = tpu.memref_slice %arg4[%dma_wait3A_655] : memref<155648xf32, #tpu.memory_space<hbm>> -> memref<4096xf32, #tpu.memory_space<hbm>>
      tpu.wait_dma2 semaphore(%arg20 : memref<!tpu.dma_semaphore, #tpu.memory_space<semaphore_mem>>) src(%dma_wait3A_656 : memref<4096xf32, #tpu.memory_space<hbm>>) dst(%dma_wait3A_654 : memref<4096xf32, #tpu.memory_space<vmem_shared>>)
      %dma_wait3A_657 = arith.constant 114688 : i32
      %dma_wait3A_658 = tpu.memref_slice %arg14[%dma_wait3A_657] : memref<155648xi32, #tpu.memory_space<vmem_shared>> -> memref<4096xi32, #tpu.memory_space<vmem_shared>>
      %dma_wait3A_659 = arith.constant 114688 : i32
      %dma_wait3A_660 = tpu.memref_slice %arg3[%dma_wait3A_659] : memref<155648xi32, #tpu.memory_space<hbm>> -> memref<4096xi32, #tpu.memory_space<hbm>>
      tpu.wait_dma2 semaphore(%arg20 : memref<!tpu.dma_semaphore, #tpu.memory_space<semaphore_mem>>) src(%dma_wait3A_660 : memref<4096xi32, #tpu.memory_space<hbm>>) dst(%dma_wait3A_658 : memref<4096xi32, #tpu.memory_space<vmem_shared>>)
      %dma_wait3A_661 = arith.constant 114688 : i32
      %dma_wait3A_662 = tpu.memref_slice %arg15[%dma_wait3A_661] : memref<155648xf32, #tpu.memory_space<vmem_shared>> -> memref<4096xf32, #tpu.memory_space<vmem_shared>>
      %dma_wait3A_663 = arith.constant 114688 : i32
      %dma_wait3A_664 = tpu.memref_slice %arg4[%dma_wait3A_663] : memref<155648xf32, #tpu.memory_space<hbm>> -> memref<4096xf32, #tpu.memory_space<hbm>>
      tpu.wait_dma2 semaphore(%arg20 : memref<!tpu.dma_semaphore, #tpu.memory_space<semaphore_mem>>) src(%dma_wait3A_664 : memref<4096xf32, #tpu.memory_space<hbm>>) dst(%dma_wait3A_662 : memref<4096xf32, #tpu.memory_space<vmem_shared>>)
      %dma_wait3A_665 = arith.constant 118784 : i32
      %dma_wait3A_666 = tpu.memref_slice %arg14[%dma_wait3A_665] : memref<155648xi32, #tpu.memory_space<vmem_shared>> -> memref<4096xi32, #tpu.memory_space<vmem_shared>>
      %dma_wait3A_667 = arith.constant 118784 : i32
      %dma_wait3A_668 = tpu.memref_slice %arg3[%dma_wait3A_667] : memref<155648xi32, #tpu.memory_space<hbm>> -> memref<4096xi32, #tpu.memory_space<hbm>>
      tpu.wait_dma2 semaphore(%arg20 : memref<!tpu.dma_semaphore, #tpu.memory_space<semaphore_mem>>) src(%dma_wait3A_668 : memref<4096xi32, #tpu.memory_space<hbm>>) dst(%dma_wait3A_666 : memref<4096xi32, #tpu.memory_space<vmem_shared>>)
      %dma_wait3A_669 = arith.constant 118784 : i32
      %dma_wait3A_670 = tpu.memref_slice %arg15[%dma_wait3A_669] : memref<155648xf32, #tpu.memory_space<vmem_shared>> -> memref<4096xf32, #tpu.memory_space<vmem_shared>>
      %dma_wait3A_671 = arith.constant 118784 : i32
      %dma_wait3A_672 = tpu.memref_slice %arg4[%dma_wait3A_671] : memref<155648xf32, #tpu.memory_space<hbm>> -> memref<4096xf32, #tpu.memory_space<hbm>>
      tpu.wait_dma2 semaphore(%arg20 : memref<!tpu.dma_semaphore, #tpu.memory_space<semaphore_mem>>) src(%dma_wait3A_672 : memref<4096xf32, #tpu.memory_space<hbm>>) dst(%dma_wait3A_670 : memref<4096xf32, #tpu.memory_space<vmem_shared>>)
      %dma_wait3A_673 = arith.constant 122880 : i32
      %dma_wait3A_674 = tpu.memref_slice %arg14[%dma_wait3A_673] : memref<155648xi32, #tpu.memory_space<vmem_shared>> -> memref<4096xi32, #tpu.memory_space<vmem_shared>>
      %dma_wait3A_675 = arith.constant 122880 : i32
      %dma_wait3A_676 = tpu.memref_slice %arg3[%dma_wait3A_675] : memref<155648xi32, #tpu.memory_space<hbm>> -> memref<4096xi32, #tpu.memory_space<hbm>>
      tpu.wait_dma2 semaphore(%arg20 : memref<!tpu.dma_semaphore, #tpu.memory_space<semaphore_mem>>) src(%dma_wait3A_676 : memref<4096xi32, #tpu.memory_space<hbm>>) dst(%dma_wait3A_674 : memref<4096xi32, #tpu.memory_space<vmem_shared>>)
      %dma_wait3A_677 = arith.constant 122880 : i32
      %dma_wait3A_678 = tpu.memref_slice %arg15[%dma_wait3A_677] : memref<155648xf32, #tpu.memory_space<vmem_shared>> -> memref<4096xf32, #tpu.memory_space<vmem_shared>>
      %dma_wait3A_679 = arith.constant 122880 : i32
      %dma_wait3A_680 = tpu.memref_slice %arg4[%dma_wait3A_679] : memref<155648xf32, #tpu.memory_space<hbm>> -> memref<4096xf32, #tpu.memory_space<hbm>>
      tpu.wait_dma2 semaphore(%arg20 : memref<!tpu.dma_semaphore, #tpu.memory_space<semaphore_mem>>) src(%dma_wait3A_680 : memref<4096xf32, #tpu.memory_space<hbm>>) dst(%dma_wait3A_678 : memref<4096xf32, #tpu.memory_space<vmem_shared>>)
      %dma_wait3A_681 = arith.constant 126976 : i32
      %dma_wait3A_682 = tpu.memref_slice %arg14[%dma_wait3A_681] : memref<155648xi32, #tpu.memory_space<vmem_shared>> -> memref<4096xi32, #tpu.memory_space<vmem_shared>>
      %dma_wait3A_683 = arith.constant 126976 : i32
      %dma_wait3A_684 = tpu.memref_slice %arg3[%dma_wait3A_683] : memref<155648xi32, #tpu.memory_space<hbm>> -> memref<4096xi32, #tpu.memory_space<hbm>>
      tpu.wait_dma2 semaphore(%arg20 : memref<!tpu.dma_semaphore, #tpu.memory_space<semaphore_mem>>) src(%dma_wait3A_684 : memref<4096xi32, #tpu.memory_space<hbm>>) dst(%dma_wait3A_682 : memref<4096xi32, #tpu.memory_space<vmem_shared>>)
      %dma_wait3A_685 = arith.constant 126976 : i32
      %dma_wait3A_686 = tpu.memref_slice %arg15[%dma_wait3A_685] : memref<155648xf32, #tpu.memory_space<vmem_shared>> -> memref<4096xf32, #tpu.memory_space<vmem_shared>>
      %dma_wait3A_687 = arith.constant 126976 : i32
      %dma_wait3A_688 = tpu.memref_slice %arg4[%dma_wait3A_687] : memref<155648xf32, #tpu.memory_space<hbm>> -> memref<4096xf32, #tpu.memory_space<hbm>>
      tpu.wait_dma2 semaphore(%arg20 : memref<!tpu.dma_semaphore, #tpu.memory_space<semaphore_mem>>) src(%dma_wait3A_688 : memref<4096xf32, #tpu.memory_space<hbm>>) dst(%dma_wait3A_686 : memref<4096xf32, #tpu.memory_space<vmem_shared>>)
      %dma_wait3A_689 = arith.constant 131072 : i32
      %dma_wait3A_690 = tpu.memref_slice %arg14[%dma_wait3A_689] : memref<155648xi32, #tpu.memory_space<vmem_shared>> -> memref<4096xi32, #tpu.memory_space<vmem_shared>>
      %dma_wait3A_691 = arith.constant 131072 : i32
      %dma_wait3A_692 = tpu.memref_slice %arg3[%dma_wait3A_691] : memref<155648xi32, #tpu.memory_space<hbm>> -> memref<4096xi32, #tpu.memory_space<hbm>>
      tpu.wait_dma2 semaphore(%arg20 : memref<!tpu.dma_semaphore, #tpu.memory_space<semaphore_mem>>) src(%dma_wait3A_692 : memref<4096xi32, #tpu.memory_space<hbm>>) dst(%dma_wait3A_690 : memref<4096xi32, #tpu.memory_space<vmem_shared>>)
      %dma_wait3A_693 = arith.constant 131072 : i32
      %dma_wait3A_694 = tpu.memref_slice %arg15[%dma_wait3A_693] : memref<155648xf32, #tpu.memory_space<vmem_shared>> -> memref<4096xf32, #tpu.memory_space<vmem_shared>>
      %dma_wait3A_695 = arith.constant 131072 : i32
      %dma_wait3A_696 = tpu.memref_slice %arg4[%dma_wait3A_695] : memref<155648xf32, #tpu.memory_space<hbm>> -> memref<4096xf32, #tpu.memory_space<hbm>>
      tpu.wait_dma2 semaphore(%arg20 : memref<!tpu.dma_semaphore, #tpu.memory_space<semaphore_mem>>) src(%dma_wait3A_696 : memref<4096xf32, #tpu.memory_space<hbm>>) dst(%dma_wait3A_694 : memref<4096xf32, #tpu.memory_space<vmem_shared>>)
      %dma_wait3A_697 = arith.constant 135168 : i32
      %dma_wait3A_698 = tpu.memref_slice %arg14[%dma_wait3A_697] : memref<155648xi32, #tpu.memory_space<vmem_shared>> -> memref<4096xi32, #tpu.memory_space<vmem_shared>>
      %dma_wait3A_699 = arith.constant 135168 : i32
      %dma_wait3A_700 = tpu.memref_slice %arg3[%dma_wait3A_699] : memref<155648xi32, #tpu.memory_space<hbm>> -> memref<4096xi32, #tpu.memory_space<hbm>>
      tpu.wait_dma2 semaphore(%arg20 : memref<!tpu.dma_semaphore, #tpu.memory_space<semaphore_mem>>) src(%dma_wait3A_700 : memref<4096xi32, #tpu.memory_space<hbm>>) dst(%dma_wait3A_698 : memref<4096xi32, #tpu.memory_space<vmem_shared>>)
      %dma_wait3A_701 = arith.constant 135168 : i32
      %dma_wait3A_702 = tpu.memref_slice %arg15[%dma_wait3A_701] : memref<155648xf32, #tpu.memory_space<vmem_shared>> -> memref<4096xf32, #tpu.memory_space<vmem_shared>>
      %dma_wait3A_703 = arith.constant 135168 : i32
      %dma_wait3A_704 = tpu.memref_slice %arg4[%dma_wait3A_703] : memref<155648xf32, #tpu.memory_space<hbm>> -> memref<4096xf32, #tpu.memory_space<hbm>>
      tpu.wait_dma2 semaphore(%arg20 : memref<!tpu.dma_semaphore, #tpu.memory_space<semaphore_mem>>) src(%dma_wait3A_704 : memref<4096xf32, #tpu.memory_space<hbm>>) dst(%dma_wait3A_702 : memref<4096xf32, #tpu.memory_space<vmem_shared>>)
      %dma_wait3A_705 = arith.constant 139264 : i32
      %dma_wait3A_706 = tpu.memref_slice %arg14[%dma_wait3A_705] : memref<155648xi32, #tpu.memory_space<vmem_shared>> -> memref<4096xi32, #tpu.memory_space<vmem_shared>>
      %dma_wait3A_707 = arith.constant 139264 : i32
      %dma_wait3A_708 = tpu.memref_slice %arg3[%dma_wait3A_707] : memref<155648xi32, #tpu.memory_space<hbm>> -> memref<4096xi32, #tpu.memory_space<hbm>>
      tpu.wait_dma2 semaphore(%arg20 : memref<!tpu.dma_semaphore, #tpu.memory_space<semaphore_mem>>) src(%dma_wait3A_708 : memref<4096xi32, #tpu.memory_space<hbm>>) dst(%dma_wait3A_706 : memref<4096xi32, #tpu.memory_space<vmem_shared>>)
      %dma_wait3A_709 = arith.constant 139264 : i32
      %dma_wait3A_710 = tpu.memref_slice %arg15[%dma_wait3A_709] : memref<155648xf32, #tpu.memory_space<vmem_shared>> -> memref<4096xf32, #tpu.memory_space<vmem_shared>>
      %dma_wait3A_711 = arith.constant 139264 : i32
      %dma_wait3A_712 = tpu.memref_slice %arg4[%dma_wait3A_711] : memref<155648xf32, #tpu.memory_space<hbm>> -> memref<4096xf32, #tpu.memory_space<hbm>>
      tpu.wait_dma2 semaphore(%arg20 : memref<!tpu.dma_semaphore, #tpu.memory_space<semaphore_mem>>) src(%dma_wait3A_712 : memref<4096xf32, #tpu.memory_space<hbm>>) dst(%dma_wait3A_710 : memref<4096xf32, #tpu.memory_space<vmem_shared>>)
      %dma_wait3A_713 = arith.constant 143360 : i32
      %dma_wait3A_714 = tpu.memref_slice %arg14[%dma_wait3A_713] : memref<155648xi32, #tpu.memory_space<vmem_shared>> -> memref<4096xi32, #tpu.memory_space<vmem_shared>>
      %dma_wait3A_715 = arith.constant 143360 : i32
      %dma_wait3A_716 = tpu.memref_slice %arg3[%dma_wait3A_715] : memref<155648xi32, #tpu.memory_space<hbm>> -> memref<4096xi32, #tpu.memory_space<hbm>>
      tpu.wait_dma2 semaphore(%arg20 : memref<!tpu.dma_semaphore, #tpu.memory_space<semaphore_mem>>) src(%dma_wait3A_716 : memref<4096xi32, #tpu.memory_space<hbm>>) dst(%dma_wait3A_714 : memref<4096xi32, #tpu.memory_space<vmem_shared>>)
      %dma_wait3A_717 = arith.constant 143360 : i32
      %dma_wait3A_718 = tpu.memref_slice %arg15[%dma_wait3A_717] : memref<155648xf32, #tpu.memory_space<vmem_shared>> -> memref<4096xf32, #tpu.memory_space<vmem_shared>>
      %dma_wait3A_719 = arith.constant 143360 : i32
      %dma_wait3A_720 = tpu.memref_slice %arg4[%dma_wait3A_719] : memref<155648xf32, #tpu.memory_space<hbm>> -> memref<4096xf32, #tpu.memory_space<hbm>>
      tpu.wait_dma2 semaphore(%arg20 : memref<!tpu.dma_semaphore, #tpu.memory_space<semaphore_mem>>) src(%dma_wait3A_720 : memref<4096xf32, #tpu.memory_space<hbm>>) dst(%dma_wait3A_718 : memref<4096xf32, #tpu.memory_space<vmem_shared>>)
      %dma_wait3A_721 = arith.constant 147456 : i32
      %dma_wait3A_722 = tpu.memref_slice %arg14[%dma_wait3A_721] : memref<155648xi32, #tpu.memory_space<vmem_shared>> -> memref<4096xi32, #tpu.memory_space<vmem_shared>>
      %dma_wait3A_723 = arith.constant 147456 : i32
      %dma_wait3A_724 = tpu.memref_slice %arg3[%dma_wait3A_723] : memref<155648xi32, #tpu.memory_space<hbm>> -> memref<4096xi32, #tpu.memory_space<hbm>>
      tpu.wait_dma2 semaphore(%arg20 : memref<!tpu.dma_semaphore, #tpu.memory_space<semaphore_mem>>) src(%dma_wait3A_724 : memref<4096xi32, #tpu.memory_space<hbm>>) dst(%dma_wait3A_722 : memref<4096xi32, #tpu.memory_space<vmem_shared>>)
      %dma_wait3A_725 = arith.constant 147456 : i32
      %dma_wait3A_726 = tpu.memref_slice %arg15[%dma_wait3A_725] : memref<155648xf32, #tpu.memory_space<vmem_shared>> -> memref<4096xf32, #tpu.memory_space<vmem_shared>>
      %dma_wait3A_727 = arith.constant 147456 : i32
      %dma_wait3A_728 = tpu.memref_slice %arg4[%dma_wait3A_727] : memref<155648xf32, #tpu.memory_space<hbm>> -> memref<4096xf32, #tpu.memory_space<hbm>>
      tpu.wait_dma2 semaphore(%arg20 : memref<!tpu.dma_semaphore, #tpu.memory_space<semaphore_mem>>) src(%dma_wait3A_728 : memref<4096xf32, #tpu.memory_space<hbm>>) dst(%dma_wait3A_726 : memref<4096xf32, #tpu.memory_space<vmem_shared>>)
      %dma_wait3A_729 = arith.constant 151552 : i32
      %dma_wait3A_730 = tpu.memref_slice %arg14[%dma_wait3A_729] : memref<155648xi32, #tpu.memory_space<vmem_shared>> -> memref<4096xi32, #tpu.memory_space<vmem_shared>>
      %dma_wait3A_731 = arith.constant 151552 : i32
      %dma_wait3A_732 = tpu.memref_slice %arg3[%dma_wait3A_731] : memref<155648xi32, #tpu.memory_space<hbm>> -> memref<4096xi32, #tpu.memory_space<hbm>>
      tpu.wait_dma2 semaphore(%arg20 : memref<!tpu.dma_semaphore, #tpu.memory_space<semaphore_mem>>) src(%dma_wait3A_732 : memref<4096xi32, #tpu.memory_space<hbm>>) dst(%dma_wait3A_730 : memref<4096xi32, #tpu.memory_space<vmem_shared>>)
      %dma_wait3A_733 = arith.constant 151552 : i32
      %dma_wait3A_734 = tpu.memref_slice %arg15[%dma_wait3A_733] : memref<155648xf32, #tpu.memory_space<vmem_shared>> -> memref<4096xf32, #tpu.memory_space<vmem_shared>>
      %dma_wait3A_735 = arith.constant 151552 : i32
      %dma_wait3A_736 = tpu.memref_slice %arg4[%dma_wait3A_735] : memref<155648xf32, #tpu.memory_space<hbm>> -> memref<4096xf32, #tpu.memory_space<hbm>>
      tpu.wait_dma2 semaphore(%arg20 : memref<!tpu.dma_semaphore, #tpu.memory_space<semaphore_mem>>) src(%dma_wait3A_736 : memref<4096xf32, #tpu.memory_space<hbm>>) dst(%dma_wait3A_734 : memref<4096xf32, #tpu.memory_space<vmem_shared>>)
    } else {
    }
    %barrier3A = arith.constant 0 : index
    tpu.barrier barrier_id(%barrier3A)
    %dma_start3A = arith.constant 0 : i32
    %dma_start3A_8 = arith.constant 0 : i32
    %dma_start3A_9 = tpu.memref_slice %arg6[%dma_start3A, %dma_start3A_8] : memref<2x4096xi32, #tpu.memory_space<vmem>> -> memref<1x4096xi32, #tpu.memory_space<vmem>>
    %dma_start3A_10 = tpu.memref_squeeze %dma_start3A_9 : memref<1x4096xi32, #tpu.memory_space<vmem>> -> memref<4096xi32, #tpu.memory_space<vmem>>
    %dma_start3A_11 = arith.constant 0 : i32
    %dma_start3A_12 = tpu.memref_slice %arg14[%dma_start3A_11] : memref<155648xi32, #tpu.memory_space<vmem_shared>> -> memref<4096xi32, #tpu.memory_space<vmem_shared>>
    %dma_start3A_13 = arith.constant 0 : i32
    %dma_start3A_14 = tpu.memref_slice %arg6[%dma_start3A, %dma_start3A_13] : memref<2x4096xi32, #tpu.memory_space<vmem>> -> memref<1x4096xi32, #tpu.memory_space<vmem>>
    %dma_start3A_15 = tpu.memref_squeeze %dma_start3A_14 : memref<1x4096xi32, #tpu.memory_space<vmem>> -> memref<4096xi32, #tpu.memory_space<vmem>>
    %dma_start3A_16 = arith.constant 0 : i32
    %dma_start3A_17 = tpu.memref_slice %arg14[%dma_start3A_16] : memref<155648xi32, #tpu.memory_space<vmem_shared>> -> memref<4096xi32, #tpu.memory_space<vmem_shared>>
    tpu.enqueue_dma source(%dma_start3A_17 : memref<4096xi32, #tpu.memory_space<vmem_shared>>) target(%dma_start3A_15 : memref<4096xi32, #tpu.memory_space<vmem>>) target_semaphore(%arg18 : memref<!tpu.dma_semaphore, #tpu.memory_space<semaphore_mem>>)
    %dma_start3A_18 = arith.constant 0 : i32
    %dma_start3A_19 = arith.constant 0 : i32
    %dma_start3A_20 = tpu.memref_slice %arg7[%dma_start3A_18, %dma_start3A_19] : memref<2x4096xf32, #tpu.memory_space<vmem>> -> memref<1x4096xf32, #tpu.memory_space<vmem>>
    %dma_start3A_21 = tpu.memref_squeeze %dma_start3A_20 : memref<1x4096xf32, #tpu.memory_space<vmem>> -> memref<4096xf32, #tpu.memory_space<vmem>>
    %dma_start3A_22 = arith.constant 0 : i32
    %dma_start3A_23 = tpu.memref_slice %arg15[%dma_start3A_22] : memref<155648xf32, #tpu.memory_space<vmem_shared>> -> memref<4096xf32, #tpu.memory_space<vmem_shared>>
    %dma_start3A_24 = arith.constant 0 : i32
    %dma_start3A_25 = tpu.memref_slice %arg7[%dma_start3A_18, %dma_start3A_24] : memref<2x4096xf32, #tpu.memory_space<vmem>> -> memref<1x4096xf32, #tpu.memory_space<vmem>>
    %dma_start3A_26 = tpu.memref_squeeze %dma_start3A_25 : memref<1x4096xf32, #tpu.memory_space<vmem>> -> memref<4096xf32, #tpu.memory_space<vmem>>
    %dma_start3A_27 = arith.constant 0 : i32
    %dma_start3A_28 = tpu.memref_slice %arg15[%dma_start3A_27] : memref<155648xf32, #tpu.memory_space<vmem_shared>> -> memref<4096xf32, #tpu.memory_space<vmem_shared>>
    tpu.enqueue_dma source(%dma_start3A_28 : memref<4096xf32, #tpu.memory_space<vmem_shared>>) target(%dma_start3A_26 : memref<4096xf32, #tpu.memory_space<vmem>>) target_semaphore(%arg18 : memref<!tpu.dma_semaphore, #tpu.memory_space<semaphore_mem>>)
    %add3A_29 = arith.constant 0 : i32
    %add3A_30 = arith.addi %mul3A_2, %add3A_29 : i32
    %add3A_31 = arith.constant 1 : i32
    %add3A_32 = arith.addi %mul3A_2, %add3A_31 : i32
    %add3A_33 = arith.constant 2 : i32
    %add3A_34 = arith.addi %mul3A_2, %add3A_33 : i32
    %add3A_35 = arith.constant 3 : i32
    %add3A_36 = arith.addi %mul3A_2, %add3A_35 : i32
    %dma_start3A_37 = arith.constant 0 : i32
    %dma_start3A_38 = arith.constant 0 : i32
    %dma_start3A_39 = arith.constant 0 : i32
    %dma_start3A_40 = tpu.memref_slice %arg8[%dma_start3A_37, %dma_start3A_38, %dma_start3A_39] : memref<2x4x4096xf32, #tpu.memory_space<vmem>> -> memref<1x1x4096xf32, #tpu.memory_space<vmem>>
    %dma_start3A_41 = tpu.memref_squeeze %dma_start3A_40 : memref<1x1x4096xf32, #tpu.memory_space<vmem>> -> memref<4096xf32, #tpu.memory_space<vmem>>
    %dma_start3A_42 = arith.constant 0 : i32
    %dma_start3A_43 = tpu.memref_slice %arg2[%add3A_30, %dma_start3A_42] : memref<128x262144xf32, #tpu.memory_space<hbm>> -> memref<1x4096xf32, #tpu.memory_space<hbm>>
    %dma_start3A_44 = tpu.memref_squeeze %dma_start3A_43 : memref<1x4096xf32, #tpu.memory_space<hbm>> -> memref<4096xf32, #tpu.memory_space<hbm>>
    %dma_start3A_45 = arith.constant 0 : i32
    %dma_start3A_46 = tpu.memref_slice %arg8[%dma_start3A_37, %dma_start3A_38, %dma_start3A_45] : memref<2x4x4096xf32, #tpu.memory_space<vmem>> -> memref<1x1x4096xf32, #tpu.memory_space<vmem>>
    %dma_start3A_47 = tpu.memref_squeeze %dma_start3A_46 : memref<1x1x4096xf32, #tpu.memory_space<vmem>> -> memref<4096xf32, #tpu.memory_space<vmem>>
    %dma_start3A_48 = arith.constant 0 : i32
    %dma_start3A_49 = tpu.memref_slice %arg2[%add3A_30, %dma_start3A_48] : memref<128x262144xf32, #tpu.memory_space<hbm>> -> memref<1x4096xf32, #tpu.memory_space<hbm>>
    %dma_start3A_50 = tpu.memref_squeeze %dma_start3A_49 : memref<1x4096xf32, #tpu.memory_space<hbm>> -> memref<4096xf32, #tpu.memory_space<hbm>>
    tpu.enqueue_dma source(%dma_start3A_50 : memref<4096xf32, #tpu.memory_space<hbm>>) target(%dma_start3A_47 : memref<4096xf32, #tpu.memory_space<vmem>>) target_semaphore(%arg16 : memref<!tpu.dma_semaphore, #tpu.memory_space<semaphore_mem>>)
    %dma_start3A_51 = arith.constant 0 : i32
    %dma_start3A_52 = arith.constant 1 : i32
    %dma_start3A_53 = arith.constant 0 : i32
    %dma_start3A_54 = tpu.memref_slice %arg8[%dma_start3A_51, %dma_start3A_52, %dma_start3A_53] : memref<2x4x4096xf32, #tpu.memory_space<vmem>> -> memref<1x1x4096xf32, #tpu.memory_space<vmem>>
    %dma_start3A_55 = tpu.memref_squeeze %dma_start3A_54 : memref<1x1x4096xf32, #tpu.memory_space<vmem>> -> memref<4096xf32, #tpu.memory_space<vmem>>
    %dma_start3A_56 = arith.constant 0 : i32
    %dma_start3A_57 = tpu.memref_slice %arg2[%add3A_32, %dma_start3A_56] : memref<128x262144xf32, #tpu.memory_space<hbm>> -> memref<1x4096xf32, #tpu.memory_space<hbm>>
    %dma_start3A_58 = tpu.memref_squeeze %dma_start3A_57 : memref<1x4096xf32, #tpu.memory_space<hbm>> -> memref<4096xf32, #tpu.memory_space<hbm>>
    %dma_start3A_59 = arith.constant 0 : i32
    %dma_start3A_60 = tpu.memref_slice %arg8[%dma_start3A_51, %dma_start3A_52, %dma_start3A_59] : memref<2x4x4096xf32, #tpu.memory_space<vmem>> -> memref<1x1x4096xf32, #tpu.memory_space<vmem>>
    %dma_start3A_61 = tpu.memref_squeeze %dma_start3A_60 : memref<1x1x4096xf32, #tpu.memory_space<vmem>> -> memref<4096xf32, #tpu.memory_space<vmem>>
    %dma_start3A_62 = arith.constant 0 : i32
    %dma_start3A_63 = tpu.memref_slice %arg2[%add3A_32, %dma_start3A_62] : memref<128x262144xf32, #tpu.memory_space<hbm>> -> memref<1x4096xf32, #tpu.memory_space<hbm>>
    %dma_start3A_64 = tpu.memref_squeeze %dma_start3A_63 : memref<1x4096xf32, #tpu.memory_space<hbm>> -> memref<4096xf32, #tpu.memory_space<hbm>>
    tpu.enqueue_dma source(%dma_start3A_64 : memref<4096xf32, #tpu.memory_space<hbm>>) target(%dma_start3A_61 : memref<4096xf32, #tpu.memory_space<vmem>>) target_semaphore(%arg16 : memref<!tpu.dma_semaphore, #tpu.memory_space<semaphore_mem>>)
    %dma_start3A_65 = arith.constant 0 : i32
    %dma_start3A_66 = arith.constant 2 : i32
    %dma_start3A_67 = arith.constant 0 : i32
    %dma_start3A_68 = tpu.memref_slice %arg8[%dma_start3A_65, %dma_start3A_66, %dma_start3A_67] : memref<2x4x4096xf32, #tpu.memory_space<vmem>> -> memref<1x1x4096xf32, #tpu.memory_space<vmem>>
    %dma_start3A_69 = tpu.memref_squeeze %dma_start3A_68 : memref<1x1x4096xf32, #tpu.memory_space<vmem>> -> memref<4096xf32, #tpu.memory_space<vmem>>
    %dma_start3A_70 = arith.constant 0 : i32
    %dma_start3A_71 = tpu.memref_slice %arg2[%add3A_34, %dma_start3A_70] : memref<128x262144xf32, #tpu.memory_space<hbm>> -> memref<1x4096xf32, #tpu.memory_space<hbm>>
    %dma_start3A_72 = tpu.memref_squeeze %dma_start3A_71 : memref<1x4096xf32, #tpu.memory_space<hbm>> -> memref<4096xf32, #tpu.memory_space<hbm>>
    %dma_start3A_73 = arith.constant 0 : i32
    %dma_start3A_74 = tpu.memref_slice %arg8[%dma_start3A_65, %dma_start3A_66, %dma_start3A_73] : memref<2x4x4096xf32, #tpu.memory_space<vmem>> -> memref<1x1x4096xf32, #tpu.memory_space<vmem>>
    %dma_start3A_75 = tpu.memref_squeeze %dma_start3A_74 : memref<1x1x4096xf32, #tpu.memory_space<vmem>> -> memref<4096xf32, #tpu.memory_space<vmem>>
    %dma_start3A_76 = arith.constant 0 : i32
    %dma_start3A_77 = tpu.memref_slice %arg2[%add3A_34, %dma_start3A_76] : memref<128x262144xf32, #tpu.memory_space<hbm>> -> memref<1x4096xf32, #tpu.memory_space<hbm>>
    %dma_start3A_78 = tpu.memref_squeeze %dma_start3A_77 : memref<1x4096xf32, #tpu.memory_space<hbm>> -> memref<4096xf32, #tpu.memory_space<hbm>>
    tpu.enqueue_dma source(%dma_start3A_78 : memref<4096xf32, #tpu.memory_space<hbm>>) target(%dma_start3A_75 : memref<4096xf32, #tpu.memory_space<vmem>>) target_semaphore(%arg16 : memref<!tpu.dma_semaphore, #tpu.memory_space<semaphore_mem>>)
    %dma_start3A_79 = arith.constant 0 : i32
    %dma_start3A_80 = arith.constant 3 : i32
    %dma_start3A_81 = arith.constant 0 : i32
    %dma_start3A_82 = tpu.memref_slice %arg8[%dma_start3A_79, %dma_start3A_80, %dma_start3A_81] : memref<2x4x4096xf32, #tpu.memory_space<vmem>> -> memref<1x1x4096xf32, #tpu.memory_space<vmem>>
    %dma_start3A_83 = tpu.memref_squeeze %dma_start3A_82 : memref<1x1x4096xf32, #tpu.memory_space<vmem>> -> memref<4096xf32, #tpu.memory_space<vmem>>
    %dma_start3A_84 = arith.constant 0 : i32
    %dma_start3A_85 = tpu.memref_slice %arg2[%add3A_36, %dma_start3A_84] : memref<128x262144xf32, #tpu.memory_space<hbm>> -> memref<1x4096xf32, #tpu.memory_space<hbm>>
    %dma_start3A_86 = tpu.memref_squeeze %dma_start3A_85 : memref<1x4096xf32, #tpu.memory_space<hbm>> -> memref<4096xf32, #tpu.memory_space<hbm>>
    %dma_start3A_87 = arith.constant 0 : i32
    %dma_start3A_88 = tpu.memref_slice %arg8[%dma_start3A_79, %dma_start3A_80, %dma_start3A_87] : memref<2x4x4096xf32, #tpu.memory_space<vmem>> -> memref<1x1x4096xf32, #tpu.memory_space<vmem>>
    %dma_start3A_89 = tpu.memref_squeeze %dma_start3A_88 : memref<1x1x4096xf32, #tpu.memory_space<vmem>> -> memref<4096xf32, #tpu.memory_space<vmem>>
    %dma_start3A_90 = arith.constant 0 : i32
    %dma_start3A_91 = tpu.memref_slice %arg2[%add3A_36, %dma_start3A_90] : memref<128x262144xf32, #tpu.memory_space<hbm>> -> memref<1x4096xf32, #tpu.memory_space<hbm>>
    %dma_start3A_92 = tpu.memref_squeeze %dma_start3A_91 : memref<1x4096xf32, #tpu.memory_space<hbm>> -> memref<4096xf32, #tpu.memory_space<hbm>>
    tpu.enqueue_dma source(%dma_start3A_92 : memref<4096xf32, #tpu.memory_space<hbm>>) target(%dma_start3A_89 : memref<4096xf32, #tpu.memory_space<vmem>>) target_semaphore(%arg16 : memref<!tpu.dma_semaphore, #tpu.memory_space<semaphore_mem>>)
    %scan3A = arith.constant 0 : i32
    %scan3A_93 = arith.constant 0 : i32
    %scan3A_94 = arith.constant 19 : i32
    %scan3A_95 = arith.addi %scan3A_93, %scan3A_94 : i32
    %scan3A_96 = arith.constant 1 : i32
    scf.for %scan3A_130 = %scan3A_93 to %scan3A_95 step %scan3A_96  : i32 {
      %mul3A_131 = arith.constant 2 : i32
      %mul3A_132 = arith.muli %mul3A_131, %scan3A_130 : i32
      %add3A_133 = arith.constant 1 : i32
      %add3A_134 = arith.addi %mul3A_132, %add3A_133 : i32
      %lt3A = arith.constant 38 : i32
      %lt3A_135 = arith.cmpi slt, %add3A_134, %lt3A : i32
      %convert_element_type3A_136 = arith.extui %lt3A_135 : i1 to i32
      %cond3A_137 = arith.constant 0 : i32
      %cond3A_138 = arith.cmpi ne, %convert_element_type3A_136, %cond3A_137 : i32
      scf.if %cond3A_138 {
        %add3A_334 = arith.constant 1 : i32
        %add3A_335 = arith.addi %mul3A_132, %add3A_334 : i32
        %mul3A_336 = arith.constant 4096 : i32
        %mul3A_337 = arith.muli %add3A_335, %mul3A_336 : i32
        %dma_start3A_338 = arith.constant 1 : i32
        %dma_start3A_339 = arith.constant 0 : i32
        %dma_start3A_340 = tpu.memref_slice %arg6[%dma_start3A_338, %dma_start3A_339] : memref<2x4096xi32, #tpu.memory_space<vmem>> -> memref<1x4096xi32, #tpu.memory_space<vmem>>
        %dma_start3A_341 = tpu.memref_squeeze %dma_start3A_340 : memref<1x4096xi32, #tpu.memory_space<vmem>> -> memref<4096xi32, #tpu.memory_space<vmem>>
        %dma_start3A_342 = tpu.memref_slice %arg14[%mul3A_337] : memref<155648xi32, #tpu.memory_space<vmem_shared>> -> memref<4096xi32, #tpu.memory_space<vmem_shared>>
        %dma_start3A_343 = arith.constant 0 : i32
        %dma_start3A_344 = tpu.memref_slice %arg6[%dma_start3A_338, %dma_start3A_343] : memref<2x4096xi32, #tpu.memory_space<vmem>> -> memref<1x4096xi32, #tpu.memory_space<vmem>>
        %dma_start3A_345 = tpu.memref_squeeze %dma_start3A_344 : memref<1x4096xi32, #tpu.memory_space<vmem>> -> memref<4096xi32, #tpu.memory_space<vmem>>
        %dma_start3A_346 = tpu.memref_slice %arg14[%mul3A_337] : memref<155648xi32, #tpu.memory_space<vmem_shared>> -> memref<4096xi32, #tpu.memory_space<vmem_shared>>
        tpu.enqueue_dma source(%dma_start3A_346 : memref<4096xi32, #tpu.memory_space<vmem_shared>>) target(%dma_start3A_345 : memref<4096xi32, #tpu.memory_space<vmem>>) target_semaphore(%arg19 : memref<!tpu.dma_semaphore, #tpu.memory_space<semaphore_mem>>)
        %dma_start3A_347 = arith.constant 1 : i32
        %dma_start3A_348 = arith.constant 0 : i32
        %dma_start3A_349 = tpu.memref_slice %arg7[%dma_start3A_347, %dma_start3A_348] : memref<2x4096xf32, #tpu.memory_space<vmem>> -> memref<1x4096xf32, #tpu.memory_space<vmem>>
        %dma_start3A_350 = tpu.memref_squeeze %dma_start3A_349 : memref<1x4096xf32, #tpu.memory_space<vmem>> -> memref<4096xf32, #tpu.memory_space<vmem>>
        %dma_start3A_351 = tpu.memref_slice %arg15[%mul3A_337] : memref<155648xf32, #tpu.memory_space<vmem_shared>> -> memref<4096xf32, #tpu.memory_space<vmem_shared>>
        %dma_start3A_352 = arith.constant 0 : i32
        %dma_start3A_353 = tpu.memref_slice %arg7[%dma_start3A_347, %dma_start3A_352] : memref<2x4096xf32, #tpu.memory_space<vmem>> -> memref<1x4096xf32, #tpu.memory_space<vmem>>
        %dma_start3A_354 = tpu.memref_squeeze %dma_start3A_353 : memref<1x4096xf32, #tpu.memory_space<vmem>> -> memref<4096xf32, #tpu.memory_space<vmem>>
        %dma_start3A_355 = tpu.memref_slice %arg15[%mul3A_337] : memref<155648xf32, #tpu.memory_space<vmem_shared>> -> memref<4096xf32, #tpu.memory_space<vmem_shared>>
        tpu.enqueue_dma source(%dma_start3A_355 : memref<4096xf32, #tpu.memory_space<vmem_shared>>) target(%dma_start3A_354 : memref<4096xf32, #tpu.memory_space<vmem>>) target_semaphore(%arg19 : memref<!tpu.dma_semaphore, #tpu.memory_space<semaphore_mem>>)
        %add3A_356 = arith.constant 1 : i32
        %add3A_357 = arith.addi %mul3A_132, %add3A_356 : i32
        %mul3A_358 = arith.constant 4096 : i32
        %mul3A_359 = arith.muli %add3A_357, %mul3A_358 : i32
        %add3A_360 = arith.constant 0 : i32
        %add3A_361 = arith.addi %mul3A_2, %add3A_360 : i32
        %add3A_362 = arith.constant 1 : i32
        %add3A_363 = arith.addi %mul3A_2, %add3A_362 : i32
        %add3A_364 = arith.constant 2 : i32
        %add3A_365 = arith.addi %mul3A_2, %add3A_364 : i32
        %add3A_366 = arith.constant 3 : i32
        %add3A_367 = arith.addi %mul3A_2, %add3A_366 : i32
        %dma_start3A_368 = arith.constant 1 : i32
        %dma_start3A_369 = arith.constant 0 : i32
        %dma_start3A_370 = arith.constant 0 : i32
        %dma_start3A_371 = tpu.memref_slice %arg8[%dma_start3A_368, %dma_start3A_369, %dma_start3A_370] : memref<2x4x4096xf32, #tpu.memory_space<vmem>> -> memref<1x1x4096xf32, #tpu.memory_space<vmem>>
        %dma_start3A_372 = tpu.memref_squeeze %dma_start3A_371 : memref<1x1x4096xf32, #tpu.memory_space<vmem>> -> memref<4096xf32, #tpu.memory_space<vmem>>
        %dma_start3A_373 = tpu.memref_slice %arg2[%add3A_361, %mul3A_359] : memref<128x262144xf32, #tpu.memory_space<hbm>> -> memref<1x4096xf32, #tpu.memory_space<hbm>>
        %dma_start3A_374 = tpu.memref_squeeze %dma_start3A_373 : memref<1x4096xf32, #tpu.memory_space<hbm>> -> memref<4096xf32, #tpu.memory_space<hbm>>
        %dma_start3A_375 = arith.constant 0 : i32
        %dma_start3A_376 = tpu.memref_slice %arg8[%dma_start3A_368, %dma_start3A_369, %dma_start3A_375] : memref<2x4x4096xf32, #tpu.memory_space<vmem>> -> memref<1x1x4096xf32, #tpu.memory_space<vmem>>
        %dma_start3A_377 = tpu.memref_squeeze %dma_start3A_376 : memref<1x1x4096xf32, #tpu.memory_space<vmem>> -> memref<4096xf32, #tpu.memory_space<vmem>>
        %dma_start3A_378 = tpu.memref_slice %arg2[%add3A_361, %mul3A_359] : memref<128x262144xf32, #tpu.memory_space<hbm>> -> memref<1x4096xf32, #tpu.memory_space<hbm>>
        %dma_start3A_379 = tpu.memref_squeeze %dma_start3A_378 : memref<1x4096xf32, #tpu.memory_space<hbm>> -> memref<4096xf32, #tpu.memory_space<hbm>>
        tpu.enqueue_dma source(%dma_start3A_379 : memref<4096xf32, #tpu.memory_space<hbm>>) target(%dma_start3A_377 : memref<4096xf32, #tpu.memory_space<vmem>>) target_semaphore(%arg17 : memref<!tpu.dma_semaphore, #tpu.memory_space<semaphore_mem>>)
        %dma_start3A_380 = arith.constant 1 : i32
        %dma_start3A_381 = arith.constant 1 : i32
        %dma_start3A_382 = arith.constant 0 : i32
        %dma_start3A_383 = tpu.memref_slice %arg8[%dma_start3A_380, %dma_start3A_381, %dma_start3A_382] : memref<2x4x4096xf32, #tpu.memory_space<vmem>> -> memref<1x1x4096xf32, #tpu.memory_space<vmem>>
        %dma_start3A_384 = tpu.memref_squeeze %dma_start3A_383 : memref<1x1x4096xf32, #tpu.memory_space<vmem>> -> memref<4096xf32, #tpu.memory_space<vmem>>
        %dma_start3A_385 = tpu.memref_slice %arg2[%add3A_363, %mul3A_359] : memref<128x262144xf32, #tpu.memory_space<hbm>> -> memref<1x4096xf32, #tpu.memory_space<hbm>>
        %dma_start3A_386 = tpu.memref_squeeze %dma_start3A_385 : memref<1x4096xf32, #tpu.memory_space<hbm>> -> memref<4096xf32, #tpu.memory_space<hbm>>
        %dma_start3A_387 = arith.constant 0 : i32
        %dma_start3A_388 = tpu.memref_slice %arg8[%dma_start3A_380, %dma_start3A_381, %dma_start3A_387] : memref<2x4x4096xf32, #tpu.memory_space<vmem>> -> memref<1x1x4096xf32, #tpu.memory_space<vmem>>
        %dma_start3A_389 = tpu.memref_squeeze %dma_start3A_388 : memref<1x1x4096xf32, #tpu.memory_space<vmem>> -> memref<4096xf32, #tpu.memory_space<vmem>>
        %dma_start3A_390 = tpu.memref_slice %arg2[%add3A_363, %mul3A_359] : memref<128x262144xf32, #tpu.memory_space<hbm>> -> memref<1x4096xf32, #tpu.memory_space<hbm>>
        %dma_start3A_391 = tpu.memref_squeeze %dma_start3A_390 : memref<1x4096xf32, #tpu.memory_space<hbm>> -> memref<4096xf32, #tpu.memory_space<hbm>>
        tpu.enqueue_dma source(%dma_start3A_391 : memref<4096xf32, #tpu.memory_space<hbm>>) target(%dma_start3A_389 : memref<4096xf32, #tpu.memory_space<vmem>>) target_semaphore(%arg17 : memref<!tpu.dma_semaphore, #tpu.memory_space<semaphore_mem>>)
        %dma_start3A_392 = arith.constant 1 : i32
        %dma_start3A_393 = arith.constant 2 : i32
        %dma_start3A_394 = arith.constant 0 : i32
        %dma_start3A_395 = tpu.memref_slice %arg8[%dma_start3A_392, %dma_start3A_393, %dma_start3A_394] : memref<2x4x4096xf32, #tpu.memory_space<vmem>> -> memref<1x1x4096xf32, #tpu.memory_space<vmem>>
        %dma_start3A_396 = tpu.memref_squeeze %dma_start3A_395 : memref<1x1x4096xf32, #tpu.memory_space<vmem>> -> memref<4096xf32, #tpu.memory_space<vmem>>
        %dma_start3A_397 = tpu.memref_slice %arg2[%add3A_365, %mul3A_359] : memref<128x262144xf32, #tpu.memory_space<hbm>> -> memref<1x4096xf32, #tpu.memory_space<hbm>>
        %dma_start3A_398 = tpu.memref_squeeze %dma_start3A_397 : memref<1x4096xf32, #tpu.memory_space<hbm>> -> memref<4096xf32, #tpu.memory_space<hbm>>
        %dma_start3A_399 = arith.constant 0 : i32
        %dma_start3A_400 = tpu.memref_slice %arg8[%dma_start3A_392, %dma_start3A_393, %dma_start3A_399] : memref<2x4x4096xf32, #tpu.memory_space<vmem>> -> memref<1x1x4096xf32, #tpu.memory_space<vmem>>
        %dma_start3A_401 = tpu.memref_squeeze %dma_start3A_400 : memref<1x1x4096xf32, #tpu.memory_space<vmem>> -> memref<4096xf32, #tpu.memory_space<vmem>>
        %dma_start3A_402 = tpu.memref_slice %arg2[%add3A_365, %mul3A_359] : memref<128x262144xf32, #tpu.memory_space<hbm>> -> memref<1x4096xf32, #tpu.memory_space<hbm>>
        %dma_start3A_403 = tpu.memref_squeeze %dma_start3A_402 : memref<1x4096xf32, #tpu.memory_space<hbm>> -> memref<4096xf32, #tpu.memory_space<hbm>>
        tpu.enqueue_dma source(%dma_start3A_403 : memref<4096xf32, #tpu.memory_space<hbm>>) target(%dma_start3A_401 : memref<4096xf32, #tpu.memory_space<vmem>>) target_semaphore(%arg17 : memref<!tpu.dma_semaphore, #tpu.memory_space<semaphore_mem>>)
        %dma_start3A_404 = arith.constant 1 : i32
        %dma_start3A_405 = arith.constant 3 : i32
        %dma_start3A_406 = arith.constant 0 : i32
        %dma_start3A_407 = tpu.memref_slice %arg8[%dma_start3A_404, %dma_start3A_405, %dma_start3A_406] : memref<2x4x4096xf32, #tpu.memory_space<vmem>> -> memref<1x1x4096xf32, #tpu.memory_space<vmem>>
        %dma_start3A_408 = tpu.memref_squeeze %dma_start3A_407 : memref<1x1x4096xf32, #tpu.memory_space<vmem>> -> memref<4096xf32, #tpu.memory_space<vmem>>
        %dma_start3A_409 = tpu.memref_slice %arg2[%add3A_367, %mul3A_359] : memref<128x262144xf32, #tpu.memory_space<hbm>> -> memref<1x4096xf32, #tpu.memory_space<hbm>>
        %dma_start3A_410 = tpu.memref_squeeze %dma_start3A_409 : memref<1x4096xf32, #tpu.memory_space<hbm>> -> memref<4096xf32, #tpu.memory_space<hbm>>
        %dma_start3A_411 = arith.constant 0 : i32
        %dma_start3A_412 = tpu.memref_slice %arg8[%dma_start3A_404, %dma_start3A_405, %dma_start3A_411] : memref<2x4x4096xf32, #tpu.memory_space<vmem>> -> memref<1x1x4096xf32, #tpu.memory_space<vmem>>
        %dma_start3A_413 = tpu.memref_squeeze %dma_start3A_412 : memref<1x1x4096xf32, #tpu.memory_space<vmem>> -> memref<4096xf32, #tpu.memory_space<vmem>>
        %dma_start3A_414 = tpu.memref_slice %arg2[%add3A_367, %mul3A_359] : memref<128x262144xf32, #tpu.memory_space<hbm>> -> memref<1x4096xf32, #tpu.memory_space<hbm>>
        %dma_start3A_415 = tpu.memref_squeeze %dma_start3A_414 : memref<1x4096xf32, #tpu.memory_space<hbm>> -> memref<4096xf32, #tpu.memory_space<hbm>>
        tpu.enqueue_dma source(%dma_start3A_415 : memref<4096xf32, #tpu.memory_space<hbm>>) target(%dma_start3A_413 : memref<4096xf32, #tpu.memory_space<vmem>>) target_semaphore(%arg17 : memref<!tpu.dma_semaphore, #tpu.memory_space<semaphore_mem>>)
      } else {
      }
      %dma_wait3A = arith.constant 0 : i32
      %dma_wait3A_139 = arith.constant 0 : i32
      %dma_wait3A_140 = tpu.memref_slice %arg6[%dma_wait3A, %dma_wait3A_139] : memref<2x4096xi32, #tpu.memory_space<vmem>> -> memref<1x4096xi32, #tpu.memory_space<vmem>>
      %dma_wait3A_141 = tpu.memref_squeeze %dma_wait3A_140 : memref<1x4096xi32, #tpu.memory_space<vmem>> -> memref<4096xi32, #tpu.memory_space<vmem>>
      %dma_wait3A_142 = arith.constant 0 : i32
      %dma_wait3A_143 = tpu.memref_slice %arg14[%dma_wait3A_142] : memref<155648xi32, #tpu.memory_space<vmem_shared>> -> memref<4096xi32, #tpu.memory_space<vmem_shared>>
      %dma_wait3A_144 = arith.constant 0 : i32
      %dma_wait3A_145 = tpu.memref_slice %arg6[%dma_wait3A, %dma_wait3A_144] : memref<2x4096xi32, #tpu.memory_space<vmem>> -> memref<1x4096xi32, #tpu.memory_space<vmem>>
      %dma_wait3A_146 = tpu.memref_squeeze %dma_wait3A_145 : memref<1x4096xi32, #tpu.memory_space<vmem>> -> memref<4096xi32, #tpu.memory_space<vmem>>
      %dma_wait3A_147 = arith.constant 0 : i32
      %dma_wait3A_148 = tpu.memref_slice %arg14[%dma_wait3A_147] : memref<155648xi32, #tpu.memory_space<vmem_shared>> -> memref<4096xi32, #tpu.memory_space<vmem_shared>>
      tpu.wait_dma2 semaphore(%arg18 : memref<!tpu.dma_semaphore, #tpu.memory_space<semaphore_mem>>) src(%dma_wait3A_148 : memref<4096xi32, #tpu.memory_space<vmem_shared>>) dst(%dma_wait3A_146 : memref<4096xi32, #tpu.memory_space<vmem>>)
      %dma_wait3A_149 = arith.constant 0 : i32
      %dma_wait3A_150 = arith.constant 0 : i32
      %dma_wait3A_151 = tpu.memref_slice %arg7[%dma_wait3A_149, %dma_wait3A_150] : memref<2x4096xf32, #tpu.memory_space<vmem>> -> memref<1x4096xf32, #tpu.memory_space<vmem>>
      %dma_wait3A_152 = tpu.memref_squeeze %dma_wait3A_151 : memref<1x4096xf32, #tpu.memory_space<vmem>> -> memref<4096xf32, #tpu.memory_space<vmem>>
      %dma_wait3A_153 = arith.constant 0 : i32
      %dma_wait3A_154 = tpu.memref_slice %arg15[%dma_wait3A_153] : memref<155648xf32, #tpu.memory_space<vmem_shared>> -> memref<4096xf32, #tpu.memory_space<vmem_shared>>
      %dma_wait3A_155 = arith.constant 0 : i32
      %dma_wait3A_156 = tpu.memref_slice %arg7[%dma_wait3A_149, %dma_wait3A_155] : memref<2x4096xf32, #tpu.memory_space<vmem>> -> memref<1x4096xf32, #tpu.memory_space<vmem>>
      %dma_wait3A_157 = tpu.memref_squeeze %dma_wait3A_156 : memref<1x4096xf32, #tpu.memory_space<vmem>> -> memref<4096xf32, #tpu.memory_space<vmem>>
      %dma_wait3A_158 = arith.constant 0 : i32
      %dma_wait3A_159 = tpu.memref_slice %arg15[%dma_wait3A_158] : memref<155648xf32, #tpu.memory_space<vmem_shared>> -> memref<4096xf32, #tpu.memory_space<vmem_shared>>
      tpu.wait_dma2 semaphore(%arg18 : memref<!tpu.dma_semaphore, #tpu.memory_space<semaphore_mem>>) src(%dma_wait3A_159 : memref<4096xf32, #tpu.memory_space<vmem_shared>>) dst(%dma_wait3A_157 : memref<4096xf32, #tpu.memory_space<vmem>>)
      %add3A_160 = arith.constant 0 : i32
      %add3A_161 = arith.addi %mul3A_2, %add3A_160 : i32
      %add3A_162 = arith.constant 1 : i32
      %add3A_163 = arith.addi %mul3A_2, %add3A_162 : i32
      %add3A_164 = arith.constant 2 : i32
      %add3A_165 = arith.addi %mul3A_2, %add3A_164 : i32
      %add3A_166 = arith.constant 3 : i32
      %add3A_167 = arith.addi %mul3A_2, %add3A_166 : i32
      %dma_wait3A_168 = arith.constant 0 : i32
      %dma_wait3A_169 = arith.constant 0 : i32
      %dma_wait3A_170 = arith.constant 0 : i32
      %dma_wait3A_171 = tpu.memref_slice %arg8[%dma_wait3A_168, %dma_wait3A_169, %dma_wait3A_170] : memref<2x4x4096xf32, #tpu.memory_space<vmem>> -> memref<1x1x4096xf32, #tpu.memory_space<vmem>>
      %dma_wait3A_172 = tpu.memref_squeeze %dma_wait3A_171 : memref<1x1x4096xf32, #tpu.memory_space<vmem>> -> memref<4096xf32, #tpu.memory_space<vmem>>
      %dma_wait3A_173 = arith.constant 0 : i32
      %dma_wait3A_174 = tpu.memref_slice %arg2[%add3A_161, %dma_wait3A_173] : memref<128x262144xf32, #tpu.memory_space<hbm>> -> memref<1x4096xf32, #tpu.memory_space<hbm>>
      %dma_wait3A_175 = tpu.memref_squeeze %dma_wait3A_174 : memref<1x4096xf32, #tpu.memory_space<hbm>> -> memref<4096xf32, #tpu.memory_space<hbm>>
      %dma_wait3A_176 = arith.constant 0 : i32
      %dma_wait3A_177 = tpu.memref_slice %arg8[%dma_wait3A_168, %dma_wait3A_169, %dma_wait3A_176] : memref<2x4x4096xf32, #tpu.memory_space<vmem>> -> memref<1x1x4096xf32, #tpu.memory_space<vmem>>
      %dma_wait3A_178 = tpu.memref_squeeze %dma_wait3A_177 : memref<1x1x4096xf32, #tpu.memory_space<vmem>> -> memref<4096xf32, #tpu.memory_space<vmem>>
      %dma_wait3A_179 = arith.constant 0 : i32
      %dma_wait3A_180 = tpu.memref_slice %arg2[%add3A_161, %dma_wait3A_179] : memref<128x262144xf32, #tpu.memory_space<hbm>> -> memref<1x4096xf32, #tpu.memory_space<hbm>>
      %dma_wait3A_181 = tpu.memref_squeeze %dma_wait3A_180 : memref<1x4096xf32, #tpu.memory_space<hbm>> -> memref<4096xf32, #tpu.memory_space<hbm>>
      tpu.wait_dma2 semaphore(%arg16 : memref<!tpu.dma_semaphore, #tpu.memory_space<semaphore_mem>>) src(%dma_wait3A_181 : memref<4096xf32, #tpu.memory_space<hbm>>) dst(%dma_wait3A_178 : memref<4096xf32, #tpu.memory_space<vmem>>)
      %dma_wait3A_182 = arith.constant 0 : i32
      %dma_wait3A_183 = arith.constant 1 : i32
      %dma_wait3A_184 = arith.constant 0 : i32
      %dma_wait3A_185 = tpu.memref_slice %arg8[%dma_wait3A_182, %dma_wait3A_183, %dma_wait3A_184] : memref<2x4x4096xf32, #tpu.memory_space<vmem>> -> memref<1x1x4096xf32, #tpu.memory_space<vmem>>
      %dma_wait3A_186 = tpu.memref_squeeze %dma_wait3A_185 : memref<1x1x4096xf32, #tpu.memory_space<vmem>> -> memref<4096xf32, #tpu.memory_space<vmem>>
      %dma_wait3A_187 = arith.constant 0 : i32
      %dma_wait3A_188 = tpu.memref_slice %arg2[%add3A_163, %dma_wait3A_187] : memref<128x262144xf32, #tpu.memory_space<hbm>> -> memref<1x4096xf32, #tpu.memory_space<hbm>>
      %dma_wait3A_189 = tpu.memref_squeeze %dma_wait3A_188 : memref<1x4096xf32, #tpu.memory_space<hbm>> -> memref<4096xf32, #tpu.memory_space<hbm>>
      %dma_wait3A_190 = arith.constant 0 : i32
      %dma_wait3A_191 = tpu.memref_slice %arg8[%dma_wait3A_182, %dma_wait3A_183, %dma_wait3A_190] : memref<2x4x4096xf32, #tpu.memory_space<vmem>> -> memref<1x1x4096xf32, #tpu.memory_space<vmem>>
      %dma_wait3A_192 = tpu.memref_squeeze %dma_wait3A_191 : memref<1x1x4096xf32, #tpu.memory_space<vmem>> -> memref<4096xf32, #tpu.memory_space<vmem>>
      %dma_wait3A_193 = arith.constant 0 : i32
      %dma_wait3A_194 = tpu.memref_slice %arg2[%add3A_163, %dma_wait3A_193] : memref<128x262144xf32, #tpu.memory_space<hbm>> -> memref<1x4096xf32, #tpu.memory_space<hbm>>
      %dma_wait3A_195 = tpu.memref_squeeze %dma_wait3A_194 : memref<1x4096xf32, #tpu.memory_space<hbm>> -> memref<4096xf32, #tpu.memory_space<hbm>>
      tpu.wait_dma2 semaphore(%arg16 : memref<!tpu.dma_semaphore, #tpu.memory_space<semaphore_mem>>) src(%dma_wait3A_195 : memref<4096xf32, #tpu.memory_space<hbm>>) dst(%dma_wait3A_192 : memref<4096xf32, #tpu.memory_space<vmem>>)
      %dma_wait3A_196 = arith.constant 0 : i32
      %dma_wait3A_197 = arith.constant 2 : i32
      %dma_wait3A_198 = arith.constant 0 : i32
      %dma_wait3A_199 = tpu.memref_slice %arg8[%dma_wait3A_196, %dma_wait3A_197, %dma_wait3A_198] : memref<2x4x4096xf32, #tpu.memory_space<vmem>> -> memref<1x1x4096xf32, #tpu.memory_space<vmem>>
      %dma_wait3A_200 = tpu.memref_squeeze %dma_wait3A_199 : memref<1x1x4096xf32, #tpu.memory_space<vmem>> -> memref<4096xf32, #tpu.memory_space<vmem>>
      %dma_wait3A_201 = arith.constant 0 : i32
      %dma_wait3A_202 = tpu.memref_slice %arg2[%add3A_165, %dma_wait3A_201] : memref<128x262144xf32, #tpu.memory_space<hbm>> -> memref<1x4096xf32, #tpu.memory_space<hbm>>
      %dma_wait3A_203 = tpu.memref_squeeze %dma_wait3A_202 : memref<1x4096xf32, #tpu.memory_space<hbm>> -> memref<4096xf32, #tpu.memory_space<hbm>>
      %dma_wait3A_204 = arith.constant 0 : i32
      %dma_wait3A_205 = tpu.memref_slice %arg8[%dma_wait3A_196, %dma_wait3A_197, %dma_wait3A_204] : memref<2x4x4096xf32, #tpu.memory_space<vmem>> -> memref<1x1x4096xf32, #tpu.memory_space<vmem>>
      %dma_wait3A_206 = tpu.memref_squeeze %dma_wait3A_205 : memref<1x1x4096xf32, #tpu.memory_space<vmem>> -> memref<4096xf32, #tpu.memory_space<vmem>>
      %dma_wait3A_207 = arith.constant 0 : i32
      %dma_wait3A_208 = tpu.memref_slice %arg2[%add3A_165, %dma_wait3A_207] : memref<128x262144xf32, #tpu.memory_space<hbm>> -> memref<1x4096xf32, #tpu.memory_space<hbm>>
      %dma_wait3A_209 = tpu.memref_squeeze %dma_wait3A_208 : memref<1x4096xf32, #tpu.memory_space<hbm>> -> memref<4096xf32, #tpu.memory_space<hbm>>
      tpu.wait_dma2 semaphore(%arg16 : memref<!tpu.dma_semaphore, #tpu.memory_space<semaphore_mem>>) src(%dma_wait3A_209 : memref<4096xf32, #tpu.memory_space<hbm>>) dst(%dma_wait3A_206 : memref<4096xf32, #tpu.memory_space<vmem>>)
      %dma_wait3A_210 = arith.constant 0 : i32
      %dma_wait3A_211 = arith.constant 3 : i32
      %dma_wait3A_212 = arith.constant 0 : i32
      %dma_wait3A_213 = tpu.memref_slice %arg8[%dma_wait3A_210, %dma_wait3A_211, %dma_wait3A_212] : memref<2x4x4096xf32, #tpu.memory_space<vmem>> -> memref<1x1x4096xf32, #tpu.memory_space<vmem>>
      %dma_wait3A_214 = tpu.memref_squeeze %dma_wait3A_213 : memref<1x1x4096xf32, #tpu.memory_space<vmem>> -> memref<4096xf32, #tpu.memory_space<vmem>>
      %dma_wait3A_215 = arith.constant 0 : i32
      %dma_wait3A_216 = tpu.memref_slice %arg2[%add3A_167, %dma_wait3A_215] : memref<128x262144xf32, #tpu.memory_space<hbm>> -> memref<1x4096xf32, #tpu.memory_space<hbm>>
      %dma_wait3A_217 = tpu.memref_squeeze %dma_wait3A_216 : memref<1x4096xf32, #tpu.memory_space<hbm>> -> memref<4096xf32, #tpu.memory_space<hbm>>
      %dma_wait3A_218 = arith.constant 0 : i32
      %dma_wait3A_219 = tpu.memref_slice %arg8[%dma_wait3A_210, %dma_wait3A_211, %dma_wait3A_218] : memref<2x4x4096xf32, #tpu.memory_space<vmem>> -> memref<1x1x4096xf32, #tpu.memory_space<vmem>>
      %dma_wait3A_220 = tpu.memref_squeeze %dma_wait3A_219 : memref<1x1x4096xf32, #tpu.memory_space<vmem>> -> memref<4096xf32, #tpu.memory_space<vmem>>
      %dma_wait3A_221 = arith.constant 0 : i32
      %dma_wait3A_222 = tpu.memref_slice %arg2[%add3A_167, %dma_wait3A_221] : memref<128x262144xf32, #tpu.memory_space<hbm>> -> memref<1x4096xf32, #tpu.memory_space<hbm>>
      %dma_wait3A_223 = tpu.memref_squeeze %dma_wait3A_222 : memref<1x4096xf32, #tpu.memory_space<hbm>> -> memref<4096xf32, #tpu.memory_space<hbm>>
      tpu.wait_dma2 semaphore(%arg16 : memref<!tpu.dma_semaphore, #tpu.memory_space<semaphore_mem>>) src(%dma_wait3A_223 : memref<4096xf32, #tpu.memory_space<hbm>>) dst(%dma_wait3A_220 : memref<4096xf32, #tpu.memory_space<vmem>>)
      %get3A = arith.constant 0 : i32
      %get3A_224 = arith.index_cast %get3A : i32 to index
      %get3A_225 = arith.constant 0 : index
      %get3A_226 = tpu.vector_load %arg6[%get3A_224, %get3A_225] {strides = array<i32>} : memref<2x4096xi32, #tpu.memory_space<vmem>>, vector<16xi32>,
      %parallel_loop3A_227 = arith.constant 0 : i32
      %parallel_loop3A_228 = arith.constant 256 : i32
      %parallel_loop3A_229 = arith.constant 1 : i32
      %parallel_loop3A_230:5 = scf.for %parallel_loop3A_334 = %parallel_loop3A_227 to %parallel_loop3A_228 step %parallel_loop3A_229 iter_args(%parallel_loop3A_335 = %get3A_226, %parallel_loop3A_336 = %broadcast_in_dim3A_3, %parallel_loop3A_337 = %broadcast_in_dim3A_3, %parallel_loop3A_338 = %broadcast_in_dim3A_3, %parallel_loop3A_339 = %broadcast_in_dim3A_3) -> (vector<16xi32>, vector<16xf32>, vector<16xf32>, vector<16xf32>, vector<16xf32>)  : i32 {
        %parallel_loop3A_340 = arith.constant 16 : i32
        %parallel_loop3A_341 = arith.muli %parallel_loop3A_334, %parallel_loop3A_340 : i32
        %parallel_loop3A_342 = arith.constant 0 : i32
        %parallel_loop3A_343 = arith.index_cast %parallel_loop3A_342 : i32 to index
        %parallel_loop3A_344 = arith.index_cast %parallel_loop3A_341 : i32 to index
        %parallel_loop3A_345 = tpu.vector_load %arg6[%parallel_loop3A_343, %parallel_loop3A_344] {strides = array<i32>} : memref<2x4096xi32, #tpu.memory_space<vmem>>, vector<16xi32>,
        %parallel_loop3A_346 = arith.constant 0 : i32
        %parallel_loop3A_347 = arith.index_cast %parallel_loop3A_346 : i32 to index
        %parallel_loop3A_348 = arith.index_cast %parallel_loop3A_341 : i32 to index
        %parallel_loop3A_349 = tpu.vector_load %arg7[%parallel_loop3A_347, %parallel_loop3A_348] {strides = array<i32>} : memref<2x4096xf32, #tpu.memory_space<vmem>>, vector<16xf32>,
        %parallel_loop3A_350 = arith.cmpi ne, %parallel_loop3A_345, %parallel_loop3A_335 : vector<16xi32>
        tpu.vector_store_idx %arg9[%parallel_loop3A_335], %parallel_loop3A_336 masked %parallel_loop3A_350 {add = true} : memref<4112xf32, #tpu.memory_space<vmem>>[vector<16xi32>], vector<16xf32>, vector<16xi1>
        %parallel_loop3A_351 = arith.constant 0 : i32
        %parallel_loop3A_352 = arith.constant 0 : i32
        %parallel_loop3A_353 = arith.index_cast %parallel_loop3A_351 : i32 to index
        %parallel_loop3A_354 = arith.index_cast %parallel_loop3A_352 : i32 to index
        %parallel_loop3A_355 = arith.index_cast %parallel_loop3A_341 : i32 to index
        %parallel_loop3A_356 = tpu.vector_load %arg8[%parallel_loop3A_353, %parallel_loop3A_354, %parallel_loop3A_355] {strides = array<i32>} : memref<2x4x4096xf32, #tpu.memory_space<vmem>>, vector<16xf32>,
        %parallel_loop3A_357 = arith.mulf %parallel_loop3A_356, %parallel_loop3A_349 : vector<16xf32>
        %parallel_loop3A_358 = arith.addf %parallel_loop3A_336, %parallel_loop3A_357 : vector<16xf32>
        %parallel_loop3A_359 = arith.select %parallel_loop3A_350, %parallel_loop3A_357, %parallel_loop3A_358 : vector<16xi1>, vector<16xf32>
        tpu.vector_store_idx %arg10[%parallel_loop3A_335], %parallel_loop3A_337 masked %parallel_loop3A_350 {add = true} : memref<4112xf32, #tpu.memory_space<vmem>>[vector<16xi32>], vector<16xf32>, vector<16xi1>
        %parallel_loop3A_360 = arith.constant 0 : i32
        %parallel_loop3A_361 = arith.constant 1 : i32
        %parallel_loop3A_362 = arith.index_cast %parallel_loop3A_360 : i32 to index
        %parallel_loop3A_363 = arith.index_cast %parallel_loop3A_361 : i32 to index
        %parallel_loop3A_364 = arith.index_cast %parallel_loop3A_341 : i32 to index
        %parallel_loop3A_365 = tpu.vector_load %arg8[%parallel_loop3A_362, %parallel_loop3A_363, %parallel_loop3A_364] {strides = array<i32>} : memref<2x4x4096xf32, #tpu.memory_space<vmem>>, vector<16xf32>,
        %parallel_loop3A_366 = arith.mulf %parallel_loop3A_365, %parallel_loop3A_349 : vector<16xf32>
        %parallel_loop3A_367 = arith.addf %parallel_loop3A_337, %parallel_loop3A_366 : vector<16xf32>
        %parallel_loop3A_368 = arith.select %parallel_loop3A_350, %parallel_loop3A_366, %parallel_loop3A_367 : vector<16xi1>, vector<16xf32>
        tpu.vector_store_idx %arg11[%parallel_loop3A_335], %parallel_loop3A_338 masked %parallel_loop3A_350 {add = true} : memref<4112xf32, #tpu.memory_space<vmem>>[vector<16xi32>], vector<16xf32>, vector<16xi1>
        %parallel_loop3A_369 = arith.constant 0 : i32
        %parallel_loop3A_370 = arith.constant 2 : i32
        %parallel_loop3A_371 = arith.index_cast %parallel_loop3A_369 : i32 to index
        %parallel_loop3A_372 = arith.index_cast %parallel_loop3A_370 : i32 to index
        %parallel_loop3A_373 = arith.index_cast %parallel_loop3A_341 : i32 to index
        %parallel_loop3A_374 = tpu.vector_load %arg8[%parallel_loop3A_371, %parallel_loop3A_372, %parallel_loop3A_373] {strides = array<i32>} : memref<2x4x4096xf32, #tpu.memory_space<vmem>>, vector<16xf32>,
        %parallel_loop3A_375 = arith.mulf %parallel_loop3A_374, %parallel_loop3A_349 : vector<16xf32>
        %parallel_loop3A_376 = arith.addf %parallel_loop3A_338, %parallel_loop3A_375 : vector<16xf32>
        %parallel_loop3A_377 = arith.select %parallel_loop3A_350, %parallel_loop3A_375, %parallel_loop3A_376 : vector<16xi1>, vector<16xf32>
        tpu.vector_store_idx %arg12[%parallel_loop3A_335], %parallel_loop3A_339 masked %parallel_loop3A_350 {add = true} : memref<4112xf32, #tpu.memory_space<vmem>>[vector<16xi32>], vector<16xf32>, vector<16xi1>
        %parallel_loop3A_378 = arith.constant 0 : i32
        %parallel_loop3A_379 = arith.constant 3 : i32
        %parallel_loop3A_380 = arith.index_cast %parallel_loop3A_378 : i32 to index
        %parallel_loop3A_381 = arith.index_cast %parallel_loop3A_379 : i32 to index
        %parallel_loop3A_382 = arith.index_cast %parallel_loop3A_341 : i32 to index
        %parallel_loop3A_383 = tpu.vector_load %arg8[%parallel_loop3A_380, %parallel_loop3A_381, %parallel_loop3A_382] {strides = array<i32>} : memref<2x4x4096xf32, #tpu.memory_space<vmem>>, vector<16xf32>,
        %parallel_loop3A_384 = arith.mulf %parallel_loop3A_383, %parallel_loop3A_349 : vector<16xf32>
        %parallel_loop3A_385 = arith.addf %parallel_loop3A_339, %parallel_loop3A_384 : vector<16xf32>
        %parallel_loop3A_386 = arith.select %parallel_loop3A_350, %parallel_loop3A_384, %parallel_loop3A_385 : vector<16xi1>, vector<16xf32>
        scf.yield %parallel_loop3A_345, %parallel_loop3A_359, %parallel_loop3A_368, %parallel_loop3A_377, %parallel_loop3A_386 : vector<16xi32>, vector<16xf32>, vector<16xf32>, vector<16xf32>, vector<16xf32>
      } {sc.loop_unroll_factor = 4 : i64, sc.parallel_access}
      tpu.vector_store_idx %arg9[%parallel_loop3A_230#0], %parallel_loop3A_230#1 {add = true} : memref<4112xf32, #tpu.memory_space<vmem>>[vector<16xi32>], vector<16xf32>,
      tpu.vector_store_idx %arg10[%parallel_loop3A_230#0], %parallel_loop3A_230#2 {add = true} : memref<4112xf32, #tpu.memory_space<vmem>>[vector<16xi32>], vector<16xf32>,
      tpu.vector_store_idx %arg11[%parallel_loop3A_230#0], %parallel_loop3A_230#3 {add = true} : memref<4112xf32, #tpu.memory_space<vmem>>[vector<16xi32>], vector<16xf32>,
      tpu.vector_store_idx %arg12[%parallel_loop3A_230#0], %parallel_loop3A_230#4 {add = true} : memref<4112xf32, #tpu.memory_space<vmem>>[vector<16xi32>], vector<16xf32>,
      %add3A_231 = arith.constant 1 : i32
      %add3A_232 = arith.addi %mul3A_132, %add3A_231 : i32
      %add3A_233 = arith.constant 1 : i32
      %add3A_234 = arith.addi %add3A_232, %add3A_233 : i32
      %lt3A_235 = arith.constant 38 : i32
      %lt3A_236 = arith.cmpi slt, %add3A_234, %lt3A_235 : i32
      %convert_element_type3A_237 = arith.extui %lt3A_236 : i1 to i32
      %cond3A_238 = arith.constant 0 : i32
      %cond3A_239 = arith.cmpi ne, %convert_element_type3A_237, %cond3A_238 : i32
      scf.if %cond3A_239 {
        %add3A_334 = arith.constant 1 : i32
        %add3A_335 = arith.addi %add3A_232, %add3A_334 : i32
        %mul3A_336 = arith.constant 4096 : i32
        %mul3A_337 = arith.muli %add3A_335, %mul3A_336 : i32
        %dma_start3A_338 = arith.constant 0 : i32
        %dma_start3A_339 = arith.constant 0 : i32
        %dma_start3A_340 = tpu.memref_slice %arg6[%dma_start3A_338, %dma_start3A_339] : memref<2x4096xi32, #tpu.memory_space<vmem>> -> memref<1x4096xi32, #tpu.memory_space<vmem>>
        %dma_start3A_341 = tpu.memref_squeeze %dma_start3A_340 : memref<1x4096xi32, #tpu.memory_space<vmem>> -> memref<4096xi32, #tpu.memory_space<vmem>>
        %dma_start3A_342 = tpu.memref_slice %arg14[%mul3A_337] : memref<155648xi32, #tpu.memory_space<vmem_shared>> -> memref<4096xi32, #tpu.memory_space<vmem_shared>>
        %dma_start3A_343 = arith.constant 0 : i32
        %dma_start3A_344 = tpu.memref_slice %arg6[%dma_start3A_338, %dma_start3A_343] : memref<2x4096xi32, #tpu.memory_space<vmem>> -> memref<1x4096xi32, #tpu.memory_space<vmem>>
        %dma_start3A_345 = tpu.memref_squeeze %dma_start3A_344 : memref<1x4096xi32, #tpu.memory_space<vmem>> -> memref<4096xi32, #tpu.memory_space<vmem>>
        %dma_start3A_346 = tpu.memref_slice %arg14[%mul3A_337] : memref<155648xi32, #tpu.memory_space<vmem_shared>> -> memref<4096xi32, #tpu.memory_space<vmem_shared>>
        tpu.enqueue_dma source(%dma_start3A_346 : memref<4096xi32, #tpu.memory_space<vmem_shared>>) target(%dma_start3A_345 : memref<4096xi32, #tpu.memory_space<vmem>>) target_semaphore(%arg18 : memref<!tpu.dma_semaphore, #tpu.memory_space<semaphore_mem>>)
        %dma_start3A_347 = arith.constant 0 : i32
        %dma_start3A_348 = arith.constant 0 : i32
        %dma_start3A_349 = tpu.memref_slice %arg7[%dma_start3A_347, %dma_start3A_348] : memref<2x4096xf32, #tpu.memory_space<vmem>> -> memref<1x4096xf32, #tpu.memory_space<vmem>>
        %dma_start3A_350 = tpu.memref_squeeze %dma_start3A_349 : memref<1x4096xf32, #tpu.memory_space<vmem>> -> memref<4096xf32, #tpu.memory_space<vmem>>
        %dma_start3A_351 = tpu.memref_slice %arg15[%mul3A_337] : memref<155648xf32, #tpu.memory_space<vmem_shared>> -> memref<4096xf32, #tpu.memory_space<vmem_shared>>
        %dma_start3A_352 = arith.constant 0 : i32
        %dma_start3A_353 = tpu.memref_slice %arg7[%dma_start3A_347, %dma_start3A_352] : memref<2x4096xf32, #tpu.memory_space<vmem>> -> memref<1x4096xf32, #tpu.memory_space<vmem>>
        %dma_start3A_354 = tpu.memref_squeeze %dma_start3A_353 : memref<1x4096xf32, #tpu.memory_space<vmem>> -> memref<4096xf32, #tpu.memory_space<vmem>>
        %dma_start3A_355 = tpu.memref_slice %arg15[%mul3A_337] : memref<155648xf32, #tpu.memory_space<vmem_shared>> -> memref<4096xf32, #tpu.memory_space<vmem_shared>>
        tpu.enqueue_dma source(%dma_start3A_355 : memref<4096xf32, #tpu.memory_space<vmem_shared>>) target(%dma_start3A_354 : memref<4096xf32, #tpu.memory_space<vmem>>) target_semaphore(%arg18 : memref<!tpu.dma_semaphore, #tpu.memory_space<semaphore_mem>>)
        %add3A_356 = arith.constant 1 : i32
        %add3A_357 = arith.addi %add3A_232, %add3A_356 : i32
        %mul3A_358 = arith.constant 4096 : i32
        %mul3A_359 = arith.muli %add3A_357, %mul3A_358 : i32
        %add3A_360 = arith.constant 0 : i32
        %add3A_361 = arith.addi %mul3A_2, %add3A_360 : i32
        %add3A_362 = arith.constant 1 : i32
        %add3A_363 = arith.addi %mul3A_2, %add3A_362 : i32
        %add3A_364 = arith.constant 2 : i32
        %add3A_365 = arith.addi %mul3A_2, %add3A_364 : i32
        %add3A_366 = arith.constant 3 : i32
        %add3A_367 = arith.addi %mul3A_2, %add3A_366 : i32
        %dma_start3A_368 = arith.constant 0 : i32
        %dma_start3A_369 = arith.constant 0 : i32
        %dma_start3A_370 = arith.constant 0 : i32
        %dma_start3A_371 = tpu.memref_slice %arg8[%dma_start3A_368, %dma_start3A_369, %dma_start3A_370] : memref<2x4x4096xf32, #tpu.memory_space<vmem>> -> memref<1x1x4096xf32, #tpu.memory_space<vmem>>
        %dma_start3A_372 = tpu.memref_squeeze %dma_start3A_371 : memref<1x1x4096xf32, #tpu.memory_space<vmem>> -> memref<4096xf32, #tpu.memory_space<vmem>>
        %dma_start3A_373 = tpu.memref_slice %arg2[%add3A_361, %mul3A_359] : memref<128x262144xf32, #tpu.memory_space<hbm>> -> memref<1x4096xf32, #tpu.memory_space<hbm>>
        %dma_start3A_374 = tpu.memref_squeeze %dma_start3A_373 : memref<1x4096xf32, #tpu.memory_space<hbm>> -> memref<4096xf32, #tpu.memory_space<hbm>>
        %dma_start3A_375 = arith.constant 0 : i32
        %dma_start3A_376 = tpu.memref_slice %arg8[%dma_start3A_368, %dma_start3A_369, %dma_start3A_375] : memref<2x4x4096xf32, #tpu.memory_space<vmem>> -> memref<1x1x4096xf32, #tpu.memory_space<vmem>>
        %dma_start3A_377 = tpu.memref_squeeze %dma_start3A_376 : memref<1x1x4096xf32, #tpu.memory_space<vmem>> -> memref<4096xf32, #tpu.memory_space<vmem>>
        %dma_start3A_378 = tpu.memref_slice %arg2[%add3A_361, %mul3A_359] : memref<128x262144xf32, #tpu.memory_space<hbm>> -> memref<1x4096xf32, #tpu.memory_space<hbm>>
        %dma_start3A_379 = tpu.memref_squeeze %dma_start3A_378 : memref<1x4096xf32, #tpu.memory_space<hbm>> -> memref<4096xf32, #tpu.memory_space<hbm>>
        tpu.enqueue_dma source(%dma_start3A_379 : memref<4096xf32, #tpu.memory_space<hbm>>) target(%dma_start3A_377 : memref<4096xf32, #tpu.memory_space<vmem>>) target_semaphore(%arg16 : memref<!tpu.dma_semaphore, #tpu.memory_space<semaphore_mem>>)
        %dma_start3A_380 = arith.constant 0 : i32
        %dma_start3A_381 = arith.constant 1 : i32
        %dma_start3A_382 = arith.constant 0 : i32
        %dma_start3A_383 = tpu.memref_slice %arg8[%dma_start3A_380, %dma_start3A_381, %dma_start3A_382] : memref<2x4x4096xf32, #tpu.memory_space<vmem>> -> memref<1x1x4096xf32, #tpu.memory_space<vmem>>
        %dma_start3A_384 = tpu.memref_squeeze %dma_start3A_383 : memref<1x1x4096xf32, #tpu.memory_space<vmem>> -> memref<4096xf32, #tpu.memory_space<vmem>>
        %dma_start3A_385 = tpu.memref_slice %arg2[%add3A_363, %mul3A_359] : memref<128x262144xf32, #tpu.memory_space<hbm>> -> memref<1x4096xf32, #tpu.memory_space<hbm>>
        %dma_start3A_386 = tpu.memref_squeeze %dma_start3A_385 : memref<1x4096xf32, #tpu.memory_space<hbm>> -> memref<4096xf32, #tpu.memory_space<hbm>>
        %dma_start3A_387 = arith.constant 0 : i32
        %dma_start3A_388 = tpu.memref_slice %arg8[%dma_start3A_380, %dma_start3A_381, %dma_start3A_387] : memref<2x4x4096xf32, #tpu.memory_space<vmem>> -> memref<1x1x4096xf32, #tpu.memory_space<vmem>>
        %dma_start3A_389 = tpu.memref_squeeze %dma_start3A_388 : memref<1x1x4096xf32, #tpu.memory_space<vmem>> -> memref<4096xf32, #tpu.memory_space<vmem>>
        %dma_start3A_390 = tpu.memref_slice %arg2[%add3A_363, %mul3A_359] : memref<128x262144xf32, #tpu.memory_space<hbm>> -> memref<1x4096xf32, #tpu.memory_space<hbm>>
        %dma_start3A_391 = tpu.memref_squeeze %dma_start3A_390 : memref<1x4096xf32, #tpu.memory_space<hbm>> -> memref<4096xf32, #tpu.memory_space<hbm>>
        tpu.enqueue_dma source(%dma_start3A_391 : memref<4096xf32, #tpu.memory_space<hbm>>) target(%dma_start3A_389 : memref<4096xf32, #tpu.memory_space<vmem>>) target_semaphore(%arg16 : memref<!tpu.dma_semaphore, #tpu.memory_space<semaphore_mem>>)
        %dma_start3A_392 = arith.constant 0 : i32
        %dma_start3A_393 = arith.constant 2 : i32
        %dma_start3A_394 = arith.constant 0 : i32
        %dma_start3A_395 = tpu.memref_slice %arg8[%dma_start3A_392, %dma_start3A_393, %dma_start3A_394] : memref<2x4x4096xf32, #tpu.memory_space<vmem>> -> memref<1x1x4096xf32, #tpu.memory_space<vmem>>
        %dma_start3A_396 = tpu.memref_squeeze %dma_start3A_395 : memref<1x1x4096xf32, #tpu.memory_space<vmem>> -> memref<4096xf32, #tpu.memory_space<vmem>>
        %dma_start3A_397 = tpu.memref_slice %arg2[%add3A_365, %mul3A_359] : memref<128x262144xf32, #tpu.memory_space<hbm>> -> memref<1x4096xf32, #tpu.memory_space<hbm>>
        %dma_start3A_398 = tpu.memref_squeeze %dma_start3A_397 : memref<1x4096xf32, #tpu.memory_space<hbm>> -> memref<4096xf32, #tpu.memory_space<hbm>>
        %dma_start3A_399 = arith.constant 0 : i32
        %dma_start3A_400 = tpu.memref_slice %arg8[%dma_start3A_392, %dma_start3A_393, %dma_start3A_399] : memref<2x4x4096xf32, #tpu.memory_space<vmem>> -> memref<1x1x4096xf32, #tpu.memory_space<vmem>>
        %dma_start3A_401 = tpu.memref_squeeze %dma_start3A_400 : memref<1x1x4096xf32, #tpu.memory_space<vmem>> -> memref<4096xf32, #tpu.memory_space<vmem>>
        %dma_start3A_402 = tpu.memref_slice %arg2[%add3A_365, %mul3A_359] : memref<128x262144xf32, #tpu.memory_space<hbm>> -> memref<1x4096xf32, #tpu.memory_space<hbm>>
        %dma_start3A_403 = tpu.memref_squeeze %dma_start3A_402 : memref<1x4096xf32, #tpu.memory_space<hbm>> -> memref<4096xf32, #tpu.memory_space<hbm>>
        tpu.enqueue_dma source(%dma_start3A_403 : memref<4096xf32, #tpu.memory_space<hbm>>) target(%dma_start3A_401 : memref<4096xf32, #tpu.memory_space<vmem>>) target_semaphore(%arg16 : memref<!tpu.dma_semaphore, #tpu.memory_space<semaphore_mem>>)
        %dma_start3A_404 = arith.constant 0 : i32
        %dma_start3A_405 = arith.constant 3 : i32
        %dma_start3A_406 = arith.constant 0 : i32
        %dma_start3A_407 = tpu.memref_slice %arg8[%dma_start3A_404, %dma_start3A_405, %dma_start3A_406] : memref<2x4x4096xf32, #tpu.memory_space<vmem>> -> memref<1x1x4096xf32, #tpu.memory_space<vmem>>
        %dma_start3A_408 = tpu.memref_squeeze %dma_start3A_407 : memref<1x1x4096xf32, #tpu.memory_space<vmem>> -> memref<4096xf32, #tpu.memory_space<vmem>>
        %dma_start3A_409 = tpu.memref_slice %arg2[%add3A_367, %mul3A_359] : memref<128x262144xf32, #tpu.memory_space<hbm>> -> memref<1x4096xf32, #tpu.memory_space<hbm>>
        %dma_start3A_410 = tpu.memref_squeeze %dma_start3A_409 : memref<1x4096xf32, #tpu.memory_space<hbm>> -> memref<4096xf32, #tpu.memory_space<hbm>>
        %dma_start3A_411 = arith.constant 0 : i32
        %dma_start3A_412 = tpu.memref_slice %arg8[%dma_start3A_404, %dma_start3A_405, %dma_start3A_411] : memref<2x4x4096xf32, #tpu.memory_space<vmem>> -> memref<1x1x4096xf32, #tpu.memory_space<vmem>>
        %dma_start3A_413 = tpu.memref_squeeze %dma_start3A_412 : memref<1x1x4096xf32, #tpu.memory_space<vmem>> -> memref<4096xf32, #tpu.memory_space<vmem>>
        %dma_start3A_414 = tpu.memref_slice %arg2[%add3A_367, %mul3A_359] : memref<128x262144xf32, #tpu.memory_space<hbm>> -> memref<1x4096xf32, #tpu.memory_space<hbm>>
        %dma_start3A_415 = tpu.memref_squeeze %dma_start3A_414 : memref<1x4096xf32, #tpu.memory_space<hbm>> -> memref<4096xf32, #tpu.memory_space<hbm>>
        tpu.enqueue_dma source(%dma_start3A_415 : memref<4096xf32, #tpu.memory_space<hbm>>) target(%dma_start3A_413 : memref<4096xf32, #tpu.memory_space<vmem>>) target_semaphore(%arg16 : memref<!tpu.dma_semaphore, #tpu.memory_space<semaphore_mem>>)
      } else {
      }
      %dma_wait3A_240 = arith.constant 1 : i32
      %dma_wait3A_241 = arith.constant 0 : i32
      %dma_wait3A_242 = tpu.memref_slice %arg6[%dma_wait3A_240, %dma_wait3A_241] : memref<2x4096xi32, #tpu.memory_space<vmem>> -> memref<1x4096xi32, #tpu.memory_space<vmem>>
      %dma_wait3A_243 = tpu.memref_squeeze %dma_wait3A_242 : memref<1x4096xi32, #tpu.memory_space<vmem>> -> memref<4096xi32, #tpu.memory_space<vmem>>
      %dma_wait3A_244 = arith.constant 0 : i32
      %dma_wait3A_245 = tpu.memref_slice %arg14[%dma_wait3A_244] : memref<155648xi32, #tpu.memory_space<vmem_shared>> -> memref<4096xi32, #tpu.memory_space<vmem_shared>>
      %dma_wait3A_246 = arith.constant 0 : i32
      %dma_wait3A_247 = tpu.memref_slice %arg6[%dma_wait3A_240, %dma_wait3A_246] : memref<2x4096xi32, #tpu.memory_space<vmem>> -> memref<1x4096xi32, #tpu.memory_space<vmem>>
      %dma_wait3A_248 = tpu.memref_squeeze %dma_wait3A_247 : memref<1x4096xi32, #tpu.memory_space<vmem>> -> memref<4096xi32, #tpu.memory_space<vmem>>
      %dma_wait3A_249 = arith.constant 0 : i32
      %dma_wait3A_250 = tpu.memref_slice %arg14[%dma_wait3A_249] : memref<155648xi32, #tpu.memory_space<vmem_shared>> -> memref<4096xi32, #tpu.memory_space<vmem_shared>>
      tpu.wait_dma2 semaphore(%arg19 : memref<!tpu.dma_semaphore, #tpu.memory_space<semaphore_mem>>) src(%dma_wait3A_250 : memref<4096xi32, #tpu.memory_space<vmem_shared>>) dst(%dma_wait3A_248 : memref<4096xi32, #tpu.memory_space<vmem>>)
      %dma_wait3A_251 = arith.constant 1 : i32
      %dma_wait3A_252 = arith.constant 0 : i32
      %dma_wait3A_253 = tpu.memref_slice %arg7[%dma_wait3A_251, %dma_wait3A_252] : memref<2x4096xf32, #tpu.memory_space<vmem>> -> memref<1x4096xf32, #tpu.memory_space<vmem>>
      %dma_wait3A_254 = tpu.memref_squeeze %dma_wait3A_253 : memref<1x4096xf32, #tpu.memory_space<vmem>> -> memref<4096xf32, #tpu.memory_space<vmem>>
      %dma_wait3A_255 = arith.constant 0 : i32
      %dma_wait3A_256 = tpu.memref_slice %arg15[%dma_wait3A_255] : memref<155648xf32, #tpu.memory_space<vmem_shared>> -> memref<4096xf32, #tpu.memory_space<vmem_shared>>
      %dma_wait3A_257 = arith.constant 0 : i32
      %dma_wait3A_258 = tpu.memref_slice %arg7[%dma_wait3A_251, %dma_wait3A_257] : memref<2x4096xf32, #tpu.memory_space<vmem>> -> memref<1x4096xf32, #tpu.memory_space<vmem>>
      %dma_wait3A_259 = tpu.memref_squeeze %dma_wait3A_258 : memref<1x4096xf32, #tpu.memory_space<vmem>> -> memref<4096xf32, #tpu.memory_space<vmem>>
      %dma_wait3A_260 = arith.constant 0 : i32
      %dma_wait3A_261 = tpu.memref_slice %arg15[%dma_wait3A_260] : memref<155648xf32, #tpu.memory_space<vmem_shared>> -> memref<4096xf32, #tpu.memory_space<vmem_shared>>
      tpu.wait_dma2 semaphore(%arg19 : memref<!tpu.dma_semaphore, #tpu.memory_space<semaphore_mem>>) src(%dma_wait3A_261 : memref<4096xf32, #tpu.memory_space<vmem_shared>>) dst(%dma_wait3A_259 : memref<4096xf32, #tpu.memory_space<vmem>>)
      %add3A_262 = arith.constant 0 : i32
      %add3A_263 = arith.addi %mul3A_2, %add3A_262 : i32
      %add3A_264 = arith.constant 1 : i32
      %add3A_265 = arith.addi %mul3A_2, %add3A_264 : i32
      %add3A_266 = arith.constant 2 : i32
      %add3A_267 = arith.addi %mul3A_2, %add3A_266 : i32
      %add3A_268 = arith.constant 3 : i32
      %add3A_269 = arith.addi %mul3A_2, %add3A_268 : i32
      %dma_wait3A_270 = arith.constant 1 : i32
      %dma_wait3A_271 = arith.constant 0 : i32
      %dma_wait3A_272 = arith.constant 0 : i32
      %dma_wait3A_273 = tpu.memref_slice %arg8[%dma_wait3A_270, %dma_wait3A_271, %dma_wait3A_272] : memref<2x4x4096xf32, #tpu.memory_space<vmem>> -> memref<1x1x4096xf32, #tpu.memory_space<vmem>>
      %dma_wait3A_274 = tpu.memref_squeeze %dma_wait3A_273 : memref<1x1x4096xf32, #tpu.memory_space<vmem>> -> memref<4096xf32, #tpu.memory_space<vmem>>
      %dma_wait3A_275 = arith.constant 0 : i32
      %dma_wait3A_276 = tpu.memref_slice %arg2[%add3A_263, %dma_wait3A_275] : memref<128x262144xf32, #tpu.memory_space<hbm>> -> memref<1x4096xf32, #tpu.memory_space<hbm>>
      %dma_wait3A_277 = tpu.memref_squeeze %dma_wait3A_276 : memref<1x4096xf32, #tpu.memory_space<hbm>> -> memref<4096xf32, #tpu.memory_space<hbm>>
      %dma_wait3A_278 = arith.constant 0 : i32
      %dma_wait3A_279 = tpu.memref_slice %arg8[%dma_wait3A_270, %dma_wait3A_271, %dma_wait3A_278] : memref<2x4x4096xf32, #tpu.memory_space<vmem>> -> memref<1x1x4096xf32, #tpu.memory_space<vmem>>
      %dma_wait3A_280 = tpu.memref_squeeze %dma_wait3A_279 : memref<1x1x4096xf32, #tpu.memory_space<vmem>> -> memref<4096xf32, #tpu.memory_space<vmem>>
      %dma_wait3A_281 = arith.constant 0 : i32
      %dma_wait3A_282 = tpu.memref_slice %arg2[%add3A_263, %dma_wait3A_281] : memref<128x262144xf32, #tpu.memory_space<hbm>> -> memref<1x4096xf32, #tpu.memory_space<hbm>>
      %dma_wait3A_283 = tpu.memref_squeeze %dma_wait3A_282 : memref<1x4096xf32, #tpu.memory_space<hbm>> -> memref<4096xf32, #tpu.memory_space<hbm>>
      tpu.wait_dma2 semaphore(%arg17 : memref<!tpu.dma_semaphore, #tpu.memory_space<semaphore_mem>>) src(%dma_wait3A_283 : memref<4096xf32, #tpu.memory_space<hbm>>) dst(%dma_wait3A_280 : memref<4096xf32, #tpu.memory_space<vmem>>)
      %dma_wait3A_284 = arith.constant 1 : i32
      %dma_wait3A_285 = arith.constant 1 : i32
      %dma_wait3A_286 = arith.constant 0 : i32
      %dma_wait3A_287 = tpu.memref_slice %arg8[%dma_wait3A_284, %dma_wait3A_285, %dma_wait3A_286] : memref<2x4x4096xf32, #tpu.memory_space<vmem>> -> memref<1x1x4096xf32, #tpu.memory_space<vmem>>
      %dma_wait3A_288 = tpu.memref_squeeze %dma_wait3A_287 : memref<1x1x4096xf32, #tpu.memory_space<vmem>> -> memref<4096xf32, #tpu.memory_space<vmem>>
      %dma_wait3A_289 = arith.constant 0 : i32
      %dma_wait3A_290 = tpu.memref_slice %arg2[%add3A_265, %dma_wait3A_289] : memref<128x262144xf32, #tpu.memory_space<hbm>> -> memref<1x4096xf32, #tpu.memory_space<hbm>>
      %dma_wait3A_291 = tpu.memref_squeeze %dma_wait3A_290 : memref<1x4096xf32, #tpu.memory_space<hbm>> -> memref<4096xf32, #tpu.memory_space<hbm>>
      %dma_wait3A_292 = arith.constant 0 : i32
      %dma_wait3A_293 = tpu.memref_slice %arg8[%dma_wait3A_284, %dma_wait3A_285, %dma_wait3A_292] : memref<2x4x4096xf32, #tpu.memory_space<vmem>> -> memref<1x1x4096xf32, #tpu.memory_space<vmem>>
      %dma_wait3A_294 = tpu.memref_squeeze %dma_wait3A_293 : memref<1x1x4096xf32, #tpu.memory_space<vmem>> -> memref<4096xf32, #tpu.memory_space<vmem>>
      %dma_wait3A_295 = arith.constant 0 : i32
      %dma_wait3A_296 = tpu.memref_slice %arg2[%add3A_265, %dma_wait3A_295] : memref<128x262144xf32, #tpu.memory_space<hbm>> -> memref<1x4096xf32, #tpu.memory_space<hbm>>
      %dma_wait3A_297 = tpu.memref_squeeze %dma_wait3A_296 : memref<1x4096xf32, #tpu.memory_space<hbm>> -> memref<4096xf32, #tpu.memory_space<hbm>>
      tpu.wait_dma2 semaphore(%arg17 : memref<!tpu.dma_semaphore, #tpu.memory_space<semaphore_mem>>) src(%dma_wait3A_297 : memref<4096xf32, #tpu.memory_space<hbm>>) dst(%dma_wait3A_294 : memref<4096xf32, #tpu.memory_space<vmem>>)
      %dma_wait3A_298 = arith.constant 1 : i32
      %dma_wait3A_299 = arith.constant 2 : i32
      %dma_wait3A_300 = arith.constant 0 : i32
      %dma_wait3A_301 = tpu.memref_slice %arg8[%dma_wait3A_298, %dma_wait3A_299, %dma_wait3A_300] : memref<2x4x4096xf32, #tpu.memory_space<vmem>> -> memref<1x1x4096xf32, #tpu.memory_space<vmem>>
      %dma_wait3A_302 = tpu.memref_squeeze %dma_wait3A_301 : memref<1x1x4096xf32, #tpu.memory_space<vmem>> -> memref<4096xf32, #tpu.memory_space<vmem>>
      %dma_wait3A_303 = arith.constant 0 : i32
      %dma_wait3A_304 = tpu.memref_slice %arg2[%add3A_267, %dma_wait3A_303] : memref<128x262144xf32, #tpu.memory_space<hbm>> -> memref<1x4096xf32, #tpu.memory_space<hbm>>
      %dma_wait3A_305 = tpu.memref_squeeze %dma_wait3A_304 : memref<1x4096xf32, #tpu.memory_space<hbm>> -> memref<4096xf32, #tpu.memory_space<hbm>>
      %dma_wait3A_306 = arith.constant 0 : i32
      %dma_wait3A_307 = tpu.memref_slice %arg8[%dma_wait3A_298, %dma_wait3A_299, %dma_wait3A_306] : memref<2x4x4096xf32, #tpu.memory_space<vmem>> -> memref<1x1x4096xf32, #tpu.memory_space<vmem>>
      %dma_wait3A_308 = tpu.memref_squeeze %dma_wait3A_307 : memref<1x1x4096xf32, #tpu.memory_space<vmem>> -> memref<4096xf32, #tpu.memory_space<vmem>>
      %dma_wait3A_309 = arith.constant 0 : i32
      %dma_wait3A_310 = tpu.memref_slice %arg2[%add3A_267, %dma_wait3A_309] : memref<128x262144xf32, #tpu.memory_space<hbm>> -> memref<1x4096xf32, #tpu.memory_space<hbm>>
      %dma_wait3A_311 = tpu.memref_squeeze %dma_wait3A_310 : memref<1x4096xf32, #tpu.memory_space<hbm>> -> memref<4096xf32, #tpu.memory_space<hbm>>
      tpu.wait_dma2 semaphore(%arg17 : memref<!tpu.dma_semaphore, #tpu.memory_space<semaphore_mem>>) src(%dma_wait3A_311 : memref<4096xf32, #tpu.memory_space<hbm>>) dst(%dma_wait3A_308 : memref<4096xf32, #tpu.memory_space<vmem>>)
      %dma_wait3A_312 = arith.constant 1 : i32
      %dma_wait3A_313 = arith.constant 3 : i32
      %dma_wait3A_314 = arith.constant 0 : i32
      %dma_wait3A_315 = tpu.memref_slice %arg8[%dma_wait3A_312, %dma_wait3A_313, %dma_wait3A_314] : memref<2x4x4096xf32, #tpu.memory_space<vmem>> -> memref<1x1x4096xf32, #tpu.memory_space<vmem>>
      %dma_wait3A_316 = tpu.memref_squeeze %dma_wait3A_315 : memref<1x1x4096xf32, #tpu.memory_space<vmem>> -> memref<4096xf32, #tpu.memory_space<vmem>>
      %dma_wait3A_317 = arith.constant 0 : i32
      %dma_wait3A_318 = tpu.memref_slice %arg2[%add3A_269, %dma_wait3A_317] : memref<128x262144xf32, #tpu.memory_space<hbm>> -> memref<1x4096xf32, #tpu.memory_space<hbm>>
      %dma_wait3A_319 = tpu.memref_squeeze %dma_wait3A_318 : memref<1x4096xf32, #tpu.memory_space<hbm>> -> memref<4096xf32, #tpu.memory_space<hbm>>
      %dma_wait3A_320 = arith.constant 0 : i32
      %dma_wait3A_321 = tpu.memref_slice %arg8[%dma_wait3A_312, %dma_wait3A_313, %dma_wait3A_320] : memref<2x4x4096xf32, #tpu.memory_space<vmem>> -> memref<1x1x4096xf32, #tpu.memory_space<vmem>>
      %dma_wait3A_322 = tpu.memref_squeeze %dma_wait3A_321 : memref<1x1x4096xf32, #tpu.memory_space<vmem>> -> memref<4096xf32, #tpu.memory_space<vmem>>
      %dma_wait3A_323 = arith.constant 0 : i32
      %dma_wait3A_324 = tpu.memref_slice %arg2[%add3A_269, %dma_wait3A_323] : memref<128x262144xf32, #tpu.memory_space<hbm>> -> memref<1x4096xf32, #tpu.memory_space<hbm>>
      %dma_wait3A_325 = tpu.memref_squeeze %dma_wait3A_324 : memref<1x4096xf32, #tpu.memory_space<hbm>> -> memref<4096xf32, #tpu.memory_space<hbm>>
      tpu.wait_dma2 semaphore(%arg17 : memref<!tpu.dma_semaphore, #tpu.memory_space<semaphore_mem>>) src(%dma_wait3A_325 : memref<4096xf32, #tpu.memory_space<hbm>>) dst(%dma_wait3A_322 : memref<4096xf32, #tpu.memory_space<vmem>>)
      %get3A_326 = arith.constant 1 : i32
      %get3A_327 = arith.index_cast %get3A_326 : i32 to index
      %get3A_328 = arith.constant 0 : index
      %get3A_329 = tpu.vector_load %arg6[%get3A_327, %get3A_328] {strides = array<i32>} : memref<2x4096xi32, #tpu.memory_space<vmem>>, vector<16xi32>,
      %parallel_loop3A_330 = arith.constant 0 : i32
      %parallel_loop3A_331 = arith.constant 256 : i32
      %parallel_loop3A_332 = arith.constant 1 : i32
      %parallel_loop3A_333:5 = scf.for %parallel_loop3A_334 = %parallel_loop3A_330 to %parallel_loop3A_331 step %parallel_loop3A_332 iter_args(%parallel_loop3A_335 = %get3A_329, %parallel_loop3A_336 = %broadcast_in_dim3A_3, %parallel_loop3A_337 = %broadcast_in_dim3A_3, %parallel_loop3A_338 = %broadcast_in_dim3A_3, %parallel_loop3A_339 = %broadcast_in_dim3A_3) -> (vector<16xi32>, vector<16xf32>, vector<16xf32>, vector<16xf32>, vector<16xf32>)  : i32 {
        %parallel_loop3A_340 = arith.constant 16 : i32
        %parallel_loop3A_341 = arith.muli %parallel_loop3A_334, %parallel_loop3A_340 : i32
        %parallel_loop3A_342 = arith.constant 1 : i32
        %parallel_loop3A_343 = arith.index_cast %parallel_loop3A_342 : i32 to index
        %parallel_loop3A_344 = arith.index_cast %parallel_loop3A_341 : i32 to index
        %parallel_loop3A_345 = tpu.vector_load %arg6[%parallel_loop3A_343, %parallel_loop3A_344] {strides = array<i32>} : memref<2x4096xi32, #tpu.memory_space<vmem>>, vector<16xi32>,
        %parallel_loop3A_346 = arith.constant 1 : i32
        %parallel_loop3A_347 = arith.index_cast %parallel_loop3A_346 : i32 to index
        %parallel_loop3A_348 = arith.index_cast %parallel_loop3A_341 : i32 to index
        %parallel_loop3A_349 = tpu.vector_load %arg7[%parallel_loop3A_347, %parallel_loop3A_348] {strides = array<i32>} : memref<2x4096xf32, #tpu.memory_space<vmem>>, vector<16xf32>,
        %parallel_loop3A_350 = arith.cmpi ne, %parallel_loop3A_345, %parallel_loop3A_335 : vector<16xi32>
        tpu.vector_store_idx %arg9[%parallel_loop3A_335], %parallel_loop3A_336 masked %parallel_loop3A_350 {add = true} : memref<4112xf32, #tpu.memory_space<vmem>>[vector<16xi32>], vector<16xf32>, vector<16xi1>
        %parallel_loop3A_351 = arith.constant 1 : i32
        %parallel_loop3A_352 = arith.constant 0 : i32
        %parallel_loop3A_353 = arith.index_cast %parallel_loop3A_351 : i32 to index
        %parallel_loop3A_354 = arith.index_cast %parallel_loop3A_352 : i32 to index
        %parallel_loop3A_355 = arith.index_cast %parallel_loop3A_341 : i32 to index
        %parallel_loop3A_356 = tpu.vector_load %arg8[%parallel_loop3A_353, %parallel_loop3A_354, %parallel_loop3A_355] {strides = array<i32>} : memref<2x4x4096xf32, #tpu.memory_space<vmem>>, vector<16xf32>,
        %parallel_loop3A_357 = arith.mulf %parallel_loop3A_356, %parallel_loop3A_349 : vector<16xf32>
        %parallel_loop3A_358 = arith.addf %parallel_loop3A_336, %parallel_loop3A_357 : vector<16xf32>
        %parallel_loop3A_359 = arith.select %parallel_loop3A_350, %parallel_loop3A_357, %parallel_loop3A_358 : vector<16xi1>, vector<16xf32>
        tpu.vector_store_idx %arg10[%parallel_loop3A_335], %parallel_loop3A_337 masked %parallel_loop3A_350 {add = true} : memref<4112xf32, #tpu.memory_space<vmem>>[vector<16xi32>], vector<16xf32>, vector<16xi1>
        %parallel_loop3A_360 = arith.constant 1 : i32
        %parallel_loop3A_361 = arith.constant 1 : i32
        %parallel_loop3A_362 = arith.index_cast %parallel_loop3A_360 : i32 to index
        %parallel_loop3A_363 = arith.index_cast %parallel_loop3A_361 : i32 to index
        %parallel_loop3A_364 = arith.index_cast %parallel_loop3A_341 : i32 to index
        %parallel_loop3A_365 = tpu.vector_load %arg8[%parallel_loop3A_362, %parallel_loop3A_363, %parallel_loop3A_364] {strides = array<i32>} : memref<2x4x4096xf32, #tpu.memory_space<vmem>>, vector<16xf32>,
        %parallel_loop3A_366 = arith.mulf %parallel_loop3A_365, %parallel_loop3A_349 : vector<16xf32>
        %parallel_loop3A_367 = arith.addf %parallel_loop3A_337, %parallel_loop3A_366 : vector<16xf32>
        %parallel_loop3A_368 = arith.select %parallel_loop3A_350, %parallel_loop3A_366, %parallel_loop3A_367 : vector<16xi1>, vector<16xf32>
        tpu.vector_store_idx %arg11[%parallel_loop3A_335], %parallel_loop3A_338 masked %parallel_loop3A_350 {add = true} : memref<4112xf32, #tpu.memory_space<vmem>>[vector<16xi32>], vector<16xf32>, vector<16xi1>
        %parallel_loop3A_369 = arith.constant 1 : i32
        %parallel_loop3A_370 = arith.constant 2 : i32
        %parallel_loop3A_371 = arith.index_cast %parallel_loop3A_369 : i32 to index
        %parallel_loop3A_372 = arith.index_cast %parallel_loop3A_370 : i32 to index
        %parallel_loop3A_373 = arith.index_cast %parallel_loop3A_341 : i32 to index
        %parallel_loop3A_374 = tpu.vector_load %arg8[%parallel_loop3A_371, %parallel_loop3A_372, %parallel_loop3A_373] {strides = array<i32>} : memref<2x4x4096xf32, #tpu.memory_space<vmem>>, vector<16xf32>,
        %parallel_loop3A_375 = arith.mulf %parallel_loop3A_374, %parallel_loop3A_349 : vector<16xf32>
        %parallel_loop3A_376 = arith.addf %parallel_loop3A_338, %parallel_loop3A_375 : vector<16xf32>
        %parallel_loop3A_377 = arith.select %parallel_loop3A_350, %parallel_loop3A_375, %parallel_loop3A_376 : vector<16xi1>, vector<16xf32>
        tpu.vector_store_idx %arg12[%parallel_loop3A_335], %parallel_loop3A_339 masked %parallel_loop3A_350 {add = true} : memref<4112xf32, #tpu.memory_space<vmem>>[vector<16xi32>], vector<16xf32>, vector<16xi1>
        %parallel_loop3A_378 = arith.constant 1 : i32
        %parallel_loop3A_379 = arith.constant 3 : i32
        %parallel_loop3A_380 = arith.index_cast %parallel_loop3A_378 : i32 to index
        %parallel_loop3A_381 = arith.index_cast %parallel_loop3A_379 : i32 to index
        %parallel_loop3A_382 = arith.index_cast %parallel_loop3A_341 : i32 to index
        %parallel_loop3A_383 = tpu.vector_load %arg8[%parallel_loop3A_380, %parallel_loop3A_381, %parallel_loop3A_382] {strides = array<i32>} : memref<2x4x4096xf32, #tpu.memory_space<vmem>>, vector<16xf32>,
        %parallel_loop3A_384 = arith.mulf %parallel_loop3A_383, %parallel_loop3A_349 : vector<16xf32>
        %parallel_loop3A_385 = arith.addf %parallel_loop3A_339, %parallel_loop3A_384 : vector<16xf32>
        %parallel_loop3A_386 = arith.select %parallel_loop3A_350, %parallel_loop3A_384, %parallel_loop3A_385 : vector<16xi1>, vector<16xf32>
        scf.yield %parallel_loop3A_345, %parallel_loop3A_359, %parallel_loop3A_368, %parallel_loop3A_377, %parallel_loop3A_386 : vector<16xi32>, vector<16xf32>, vector<16xf32>, vector<16xf32>, vector<16xf32>
      } {sc.loop_unroll_factor = 4 : i64, sc.parallel_access}
      tpu.vector_store_idx %arg9[%parallel_loop3A_333#0], %parallel_loop3A_333#1 {add = true} : memref<4112xf32, #tpu.memory_space<vmem>>[vector<16xi32>], vector<16xf32>,
      tpu.vector_store_idx %arg10[%parallel_loop3A_333#0], %parallel_loop3A_333#2 {add = true} : memref<4112xf32, #tpu.memory_space<vmem>>[vector<16xi32>], vector<16xf32>,
      tpu.vector_store_idx %arg11[%parallel_loop3A_333#0], %parallel_loop3A_333#3 {add = true} : memref<4112xf32, #tpu.memory_space<vmem>>[vector<16xi32>], vector<16xf32>,
      tpu.vector_store_idx %arg12[%parallel_loop3A_333#0], %parallel_loop3A_333#4 {add = true} : memref<4112xf32, #tpu.memory_space<vmem>>[vector<16xi32>], vector<16xf32>,
    }
    %scan3A_97 = arith.constant 19 : i32
    %scan3A_98 = arith.constant 0 : i32
    %scan3A_99 = arith.constant 0 : i32
    %scan3A_100 = arith.constant 16 : i32
    %scan3A_101 = arith.addi %scan3A_99, %scan3A_100 : i32
    %scan3A_102 = arith.constant 1 : i32
    scf.for %scan3A_130 = %scan3A_99 to %scan3A_101 step %scan3A_102  : i32 {
      %mul3A_131 = arith.constant 16 : i32
      %mul3A_132 = arith.muli %scan3A_130, %mul3A_131 : i32
      %get3A = arith.index_cast %mul3A_132 : i32 to index
      %get3A_133 = tpu.vector_load %arg9[%get3A] {strides = array<i32>} : memref<4112xf32, #tpu.memory_space<vmem>>, vector<16xf32>,
      %mul3A_134 = arith.constant 16 : i32
      %mul3A_135 = arith.muli %scan3A_130, %mul3A_134 : i32
      %add3A_136 = arith.constant 257 : i32
      %add3A_137 = arith.addi %add3A_136, %mul3A_135 : i32
      %get3A_138 = arith.index_cast %add3A_137 : i32 to index
      %get3A_139 = tpu.vector_load %arg9[%get3A_138] {strides = array<i32>} : memref<4112xf32, #tpu.memory_space<vmem>>, vector<16xf32>,
      %add3A_140 = arith.addf %get3A_133, %get3A_139 : vector<16xf32>
      %mul3A_141 = arith.constant 16 : i32
      %mul3A_142 = arith.muli %scan3A_130, %mul3A_141 : i32
      %add3A_143 = arith.constant 514 : i32
      %add3A_144 = arith.addi %add3A_143, %mul3A_142 : i32
      %get3A_145 = arith.index_cast %add3A_144 : i32 to index
      %get3A_146 = tpu.vector_load %arg9[%get3A_145] {strides = array<i32>} : memref<4112xf32, #tpu.memory_space<vmem>>, vector<16xf32>,
      %add3A_147 = arith.addf %add3A_140, %get3A_146 : vector<16xf32>
      %mul3A_148 = arith.constant 16 : i32
      %mul3A_149 = arith.muli %scan3A_130, %mul3A_148 : i32
      %add3A_150 = arith.constant 771 : i32
      %add3A_151 = arith.addi %add3A_150, %mul3A_149 : i32
      %get3A_152 = arith.index_cast %add3A_151 : i32 to index
      %get3A_153 = tpu.vector_load %arg9[%get3A_152] {strides = array<i32>} : memref<4112xf32, #tpu.memory_space<vmem>>, vector<16xf32>,
      %add3A_154 = arith.addf %add3A_147, %get3A_153 : vector<16xf32>
      %mul3A_155 = arith.constant 16 : i32
      %mul3A_156 = arith.muli %scan3A_130, %mul3A_155 : i32
      %add3A_157 = arith.constant 1028 : i32
      %add3A_158 = arith.addi %add3A_157, %mul3A_156 : i32
      %get3A_159 = arith.index_cast %add3A_158 : i32 to index
      %get3A_160 = tpu.vector_load %arg9[%get3A_159] {strides = array<i32>} : memref<4112xf32, #tpu.memory_space<vmem>>, vector<16xf32>,
      %add3A_161 = arith.addf %add3A_154, %get3A_160 : vector<16xf32>
      %mul3A_162 = arith.constant 16 : i32
      %mul3A_163 = arith.muli %scan3A_130, %mul3A_162 : i32
      %add3A_164 = arith.constant 1285 : i32
      %add3A_165 = arith.addi %add3A_164, %mul3A_163 : i32
      %get3A_166 = arith.index_cast %add3A_165 : i32 to index
      %get3A_167 = tpu.vector_load %arg9[%get3A_166] {strides = array<i32>} : memref<4112xf32, #tpu.memory_space<vmem>>, vector<16xf32>,
      %add3A_168 = arith.addf %add3A_161, %get3A_167 : vector<16xf32>
      %mul3A_169 = arith.constant 16 : i32
      %mul3A_170 = arith.muli %scan3A_130, %mul3A_169 : i32
      %add3A_171 = arith.constant 1542 : i32
      %add3A_172 = arith.addi %add3A_171, %mul3A_170 : i32
      %get3A_173 = arith.index_cast %add3A_172 : i32 to index
      %get3A_174 = tpu.vector_load %arg9[%get3A_173] {strides = array<i32>} : memref<4112xf32, #tpu.memory_space<vmem>>, vector<16xf32>,
      %add3A_175 = arith.addf %add3A_168, %get3A_174 : vector<16xf32>
      %mul3A_176 = arith.constant 16 : i32
      %mul3A_177 = arith.muli %scan3A_130, %mul3A_176 : i32
      %add3A_178 = arith.constant 1799 : i32
      %add3A_179 = arith.addi %add3A_178, %mul3A_177 : i32
      %get3A_180 = arith.index_cast %add3A_179 : i32 to index
      %get3A_181 = tpu.vector_load %arg9[%get3A_180] {strides = array<i32>} : memref<4112xf32, #tpu.memory_space<vmem>>, vector<16xf32>,
      %add3A_182 = arith.addf %add3A_175, %get3A_181 : vector<16xf32>
      %mul3A_183 = arith.constant 16 : i32
      %mul3A_184 = arith.muli %scan3A_130, %mul3A_183 : i32
      %add3A_185 = arith.constant 2056 : i32
      %add3A_186 = arith.addi %add3A_185, %mul3A_184 : i32
      %get3A_187 = arith.index_cast %add3A_186 : i32 to index
      %get3A_188 = tpu.vector_load %arg9[%get3A_187] {strides = array<i32>} : memref<4112xf32, #tpu.memory_space<vmem>>, vector<16xf32>,
      %add3A_189 = arith.addf %add3A_182, %get3A_188 : vector<16xf32>
      %mul3A_190 = arith.constant 16 : i32
      %mul3A_191 = arith.muli %scan3A_130, %mul3A_190 : i32
      %add3A_192 = arith.constant 2313 : i32
      %add3A_193 = arith.addi %add3A_192, %mul3A_191 : i32
      %get3A_194 = arith.index_cast %add3A_193 : i32 to index
      %get3A_195 = tpu.vector_load %arg9[%get3A_194] {strides = array<i32>} : memref<4112xf32, #tpu.memory_space<vmem>>, vector<16xf32>,
      %add3A_196 = arith.addf %add3A_189, %get3A_195 : vector<16xf32>
      %mul3A_197 = arith.constant 16 : i32
      %mul3A_198 = arith.muli %scan3A_130, %mul3A_197 : i32
      %add3A_199 = arith.constant 2570 : i32
      %add3A_200 = arith.addi %add3A_199, %mul3A_198 : i32
      %get3A_201 = arith.index_cast %add3A_200 : i32 to index
      %get3A_202 = tpu.vector_load %arg9[%get3A_201] {strides = array<i32>} : memref<4112xf32, #tpu.memory_space<vmem>>, vector<16xf32>,
      %add3A_203 = arith.addf %add3A_196, %get3A_202 : vector<16xf32>
      %mul3A_204 = arith.constant 16 : i32
      %mul3A_205 = arith.muli %scan3A_130, %mul3A_204 : i32
      %add3A_206 = arith.constant 2827 : i32
      %add3A_207 = arith.addi %add3A_206, %mul3A_205 : i32
      %get3A_208 = arith.index_cast %add3A_207 : i32 to index
      %get3A_209 = tpu.vector_load %arg9[%get3A_208] {strides = array<i32>} : memref<4112xf32, #tpu.memory_space<vmem>>, vector<16xf32>,
      %add3A_210 = arith.addf %add3A_203, %get3A_209 : vector<16xf32>
      %mul3A_211 = arith.constant 16 : i32
      %mul3A_212 = arith.muli %scan3A_130, %mul3A_211 : i32
      %add3A_213 = arith.constant 3084 : i32
      %add3A_214 = arith.addi %add3A_213, %mul3A_212 : i32
      %get3A_215 = arith.index_cast %add3A_214 : i32 to index
      %get3A_216 = tpu.vector_load %arg9[%get3A_215] {strides = array<i32>} : memref<4112xf32, #tpu.memory_space<vmem>>, vector<16xf32>,
      %add3A_217 = arith.addf %add3A_210, %get3A_216 : vector<16xf32>
      %mul3A_218 = arith.constant 16 : i32
      %mul3A_219 = arith.muli %scan3A_130, %mul3A_218 : i32
      %add3A_220 = arith.constant 3341 : i32
      %add3A_221 = arith.addi %add3A_220, %mul3A_219 : i32
      %get3A_222 = arith.index_cast %add3A_221 : i32 to index
      %get3A_223 = tpu.vector_load %arg9[%get3A_222] {strides = array<i32>} : memref<4112xf32, #tpu.memory_space<vmem>>, vector<16xf32>,
      %add3A_224 = arith.addf %add3A_217, %get3A_223 : vector<16xf32>
      %mul3A_225 = arith.constant 16 : i32
      %mul3A_226 = arith.muli %scan3A_130, %mul3A_225 : i32
      %add3A_227 = arith.constant 3598 : i32
      %add3A_228 = arith.addi %add3A_227, %mul3A_226 : i32
      %get3A_229 = arith.index_cast %add3A_228 : i32 to index
      %get3A_230 = tpu.vector_load %arg9[%get3A_229] {strides = array<i32>} : memref<4112xf32, #tpu.memory_space<vmem>>, vector<16xf32>,
      %add3A_231 = arith.addf %add3A_224, %get3A_230 : vector<16xf32>
      %mul3A_232 = arith.constant 16 : i32
      %mul3A_233 = arith.muli %scan3A_130, %mul3A_232 : i32
      %add3A_234 = arith.constant 3855 : i32
      %add3A_235 = arith.addi %add3A_234, %mul3A_233 : i32
      %get3A_236 = arith.index_cast %add3A_235 : i32 to index
      %get3A_237 = tpu.vector_load %arg9[%get3A_236] {strides = array<i32>} : memref<4112xf32, #tpu.memory_space<vmem>>, vector<16xf32>,
      %add3A_238 = arith.addf %add3A_231, %get3A_237 : vector<16xf32>
      %mul3A_239 = arith.constant 16 : i32
      %mul3A_240 = arith.muli %scan3A_130, %mul3A_239 : i32
      %swap3A = arith.index_cast %mul3A_240 : i32 to index
      %swap3A_241 = tpu.vector_load %arg13[%swap3A] {strides = array<i32>} : memref<256xf32, #tpu.memory_space<vmem>>, vector<16xf32>,
      tpu.vector_store %arg13[%swap3A], %add3A_238 {strides = array<i32>} : memref<256xf32, #tpu.memory_space<vmem>>, vector<16xf32>,
    }
    %scan3A_103 = arith.constant 16 : i32
    %add3A_104 = arith.constant 0 : i32
    %add3A_105 = arith.addi %mul3A_2, %add3A_104 : i32
    "tpu.region"() ({
      %run_scoped3A = tpu.sem_alloc : memref<!tpu.dma_semaphore, #tpu.memory_space<semaphore_mem>>
      %dma_start3A_130 = arith.constant 0 : i32
      %dma_start3A_131 = tpu.memref_slice %arg5[%add3A_105, %dma_start3A_130] : memref<128x256xf32, #tpu.memory_space<hbm>> -> memref<1x256xf32, #tpu.memory_space<hbm>>
      %dma_start3A_132 = tpu.memref_squeeze %dma_start3A_131 : memref<1x256xf32, #tpu.memory_space<hbm>> -> memref<256xf32, #tpu.memory_space<hbm>>
      %dma_start3A_133 = arith.constant 0 : i32
      %dma_start3A_134 = tpu.memref_slice %arg5[%add3A_105, %dma_start3A_133] : memref<128x256xf32, #tpu.memory_space<hbm>> -> memref<1x256xf32, #tpu.memory_space<hbm>>
      %dma_start3A_135 = tpu.memref_squeeze %dma_start3A_134 : memref<1x256xf32, #tpu.memory_space<hbm>> -> memref<256xf32, #tpu.memory_space<hbm>>
      tpu.enqueue_dma source(%arg13 : memref<256xf32, #tpu.memory_space<vmem>>) target(%dma_start3A_135 : memref<256xf32, #tpu.memory_space<hbm>>) target_semaphore(%run_scoped3A : memref<!tpu.dma_semaphore, #tpu.memory_space<semaphore_mem>>)
      %dma_wait3A = arith.constant 0 : i32
      %dma_wait3A_136 = tpu.memref_slice %arg5[%add3A_105, %dma_wait3A] : memref<128x256xf32, #tpu.memory_space<hbm>> -> memref<1x256xf32, #tpu.memory_space<hbm>>
      %dma_wait3A_137 = tpu.memref_squeeze %dma_wait3A_136 : memref<1x256xf32, #tpu.memory_space<hbm>> -> memref<256xf32, #tpu.memory_space<hbm>>
      %dma_wait3A_138 = arith.constant 0 : i32
      %dma_wait3A_139 = tpu.memref_slice %arg5[%add3A_105, %dma_wait3A_138] : memref<128x256xf32, #tpu.memory_space<hbm>> -> memref<1x256xf32, #tpu.memory_space<hbm>>
      %dma_wait3A_140 = tpu.memref_squeeze %dma_wait3A_139 : memref<1x256xf32, #tpu.memory_space<hbm>> -> memref<256xf32, #tpu.memory_space<hbm>>
      tpu.wait_dma2 semaphore(%run_scoped3A : memref<!tpu.dma_semaphore, #tpu.memory_space<semaphore_mem>>) src(%arg13 : memref<256xf32, #tpu.memory_space<vmem>>) dst(%dma_wait3A_140 : memref<256xf32, #tpu.memory_space<hbm>>)
      tpu.yield
    }) : () -> ()
    %scan3A_106 = arith.constant 0 : i32
    %scan3A_107 = arith.constant 0 : i32
    %scan3A_108 = arith.constant 16 : i32
    %scan3A_109 = arith.addi %scan3A_107, %scan3A_108 : i32
    %scan3A_110 = arith.constant 1 : i32
    scf.for %scan3A_130 = %scan3A_107 to %scan3A_109 step %scan3A_110  : i32 {
      %mul3A_131 = arith.constant 16 : i32
      %mul3A_132 = arith.muli %scan3A_130, %mul3A_131 : i32
      %get3A = arith.index_cast %mul3A_132 : i32 to index
      %get3A_133 = tpu.vector_load %arg10[%get3A] {strides = array<i32>} : memref<4112xf32, #tpu.memory_space<vmem>>, vector<16xf32>,
      %mul3A_134 = arith.constant 16 : i32
      %mul3A_135 = arith.muli %scan3A_130, %mul3A_134 : i32
      %add3A_136 = arith.constant 257 : i32
      %add3A_137 = arith.addi %add3A_136, %mul3A_135 : i32
      %get3A_138 = arith.index_cast %add3A_137 : i32 to index
      %get3A_139 = tpu.vector_load %arg10[%get3A_138] {strides = array<i32>} : memref<4112xf32, #tpu.memory_space<vmem>>, vector<16xf32>,
      %add3A_140 = arith.addf %get3A_133, %get3A_139 : vector<16xf32>
      %mul3A_141 = arith.constant 16 : i32
      %mul3A_142 = arith.muli %scan3A_130, %mul3A_141 : i32
      %add3A_143 = arith.constant 514 : i32
      %add3A_144 = arith.addi %add3A_143, %mul3A_142 : i32
      %get3A_145 = arith.index_cast %add3A_144 : i32 to index
      %get3A_146 = tpu.vector_load %arg10[%get3A_145] {strides = array<i32>} : memref<4112xf32, #tpu.memory_space<vmem>>, vector<16xf32>,
      %add3A_147 = arith.addf %add3A_140, %get3A_146 : vector<16xf32>
      %mul3A_148 = arith.constant 16 : i32
      %mul3A_149 = arith.muli %scan3A_130, %mul3A_148 : i32
      %add3A_150 = arith.constant 771 : i32
      %add3A_151 = arith.addi %add3A_150, %mul3A_149 : i32
      %get3A_152 = arith.index_cast %add3A_151 : i32 to index
      %get3A_153 = tpu.vector_load %arg10[%get3A_152] {strides = array<i32>} : memref<4112xf32, #tpu.memory_space<vmem>>, vector<16xf32>,
      %add3A_154 = arith.addf %add3A_147, %get3A_153 : vector<16xf32>
      %mul3A_155 = arith.constant 16 : i32
      %mul3A_156 = arith.muli %scan3A_130, %mul3A_155 : i32
      %add3A_157 = arith.constant 1028 : i32
      %add3A_158 = arith.addi %add3A_157, %mul3A_156 : i32
      %get3A_159 = arith.index_cast %add3A_158 : i32 to index
      %get3A_160 = tpu.vector_load %arg10[%get3A_159] {strides = array<i32>} : memref<4112xf32, #tpu.memory_space<vmem>>, vector<16xf32>,
      %add3A_161 = arith.addf %add3A_154, %get3A_160 : vector<16xf32>
      %mul3A_162 = arith.constant 16 : i32
      %mul3A_163 = arith.muli %scan3A_130, %mul3A_162 : i32
      %add3A_164 = arith.constant 1285 : i32
      %add3A_165 = arith.addi %add3A_164, %mul3A_163 : i32
      %get3A_166 = arith.index_cast %add3A_165 : i32 to index
      %get3A_167 = tpu.vector_load %arg10[%get3A_166] {strides = array<i32>} : memref<4112xf32, #tpu.memory_space<vmem>>, vector<16xf32>,
      %add3A_168 = arith.addf %add3A_161, %get3A_167 : vector<16xf32>
      %mul3A_169 = arith.constant 16 : i32
      %mul3A_170 = arith.muli %scan3A_130, %mul3A_169 : i32
      %add3A_171 = arith.constant 1542 : i32
      %add3A_172 = arith.addi %add3A_171, %mul3A_170 : i32
      %get3A_173 = arith.index_cast %add3A_172 : i32 to index
      %get3A_174 = tpu.vector_load %arg10[%get3A_173] {strides = array<i32>} : memref<4112xf32, #tpu.memory_space<vmem>>, vector<16xf32>,
      %add3A_175 = arith.addf %add3A_168, %get3A_174 : vector<16xf32>
      %mul3A_176 = arith.constant 16 : i32
      %mul3A_177 = arith.muli %scan3A_130, %mul3A_176 : i32
      %add3A_178 = arith.constant 1799 : i32
      %add3A_179 = arith.addi %add3A_178, %mul3A_177 : i32
      %get3A_180 = arith.index_cast %add3A_179 : i32 to index
      %get3A_181 = tpu.vector_load %arg10[%get3A_180] {strides = array<i32>} : memref<4112xf32, #tpu.memory_space<vmem>>, vector<16xf32>,
      %add3A_182 = arith.addf %add3A_175, %get3A_181 : vector<16xf32>
      %mul3A_183 = arith.constant 16 : i32
      %mul3A_184 = arith.muli %scan3A_130, %mul3A_183 : i32
      %add3A_185 = arith.constant 2056 : i32
      %add3A_186 = arith.addi %add3A_185, %mul3A_184 : i32
      %get3A_187 = arith.index_cast %add3A_186 : i32 to index
      %get3A_188 = tpu.vector_load %arg10[%get3A_187] {strides = array<i32>} : memref<4112xf32, #tpu.memory_space<vmem>>, vector<16xf32>,
      %add3A_189 = arith.addf %add3A_182, %get3A_188 : vector<16xf32>
      %mul3A_190 = arith.constant 16 : i32
      %mul3A_191 = arith.muli %scan3A_130, %mul3A_190 : i32
      %add3A_192 = arith.constant 2313 : i32
      %add3A_193 = arith.addi %add3A_192, %mul3A_191 : i32
      %get3A_194 = arith.index_cast %add3A_193 : i32 to index
      %get3A_195 = tpu.vector_load %arg10[%get3A_194] {strides = array<i32>} : memref<4112xf32, #tpu.memory_space<vmem>>, vector<16xf32>,
      %add3A_196 = arith.addf %add3A_189, %get3A_195 : vector<16xf32>
      %mul3A_197 = arith.constant 16 : i32
      %mul3A_198 = arith.muli %scan3A_130, %mul3A_197 : i32
      %add3A_199 = arith.constant 2570 : i32
      %add3A_200 = arith.addi %add3A_199, %mul3A_198 : i32
      %get3A_201 = arith.index_cast %add3A_200 : i32 to index
      %get3A_202 = tpu.vector_load %arg10[%get3A_201] {strides = array<i32>} : memref<4112xf32, #tpu.memory_space<vmem>>, vector<16xf32>,
      %add3A_203 = arith.addf %add3A_196, %get3A_202 : vector<16xf32>
      %mul3A_204 = arith.constant 16 : i32
      %mul3A_205 = arith.muli %scan3A_130, %mul3A_204 : i32
      %add3A_206 = arith.constant 2827 : i32
      %add3A_207 = arith.addi %add3A_206, %mul3A_205 : i32
      %get3A_208 = arith.index_cast %add3A_207 : i32 to index
      %get3A_209 = tpu.vector_load %arg10[%get3A_208] {strides = array<i32>} : memref<4112xf32, #tpu.memory_space<vmem>>, vector<16xf32>,
      %add3A_210 = arith.addf %add3A_203, %get3A_209 : vector<16xf32>
      %mul3A_211 = arith.constant 16 : i32
      %mul3A_212 = arith.muli %scan3A_130, %mul3A_211 : i32
      %add3A_213 = arith.constant 3084 : i32
      %add3A_214 = arith.addi %add3A_213, %mul3A_212 : i32
      %get3A_215 = arith.index_cast %add3A_214 : i32 to index
      %get3A_216 = tpu.vector_load %arg10[%get3A_215] {strides = array<i32>} : memref<4112xf32, #tpu.memory_space<vmem>>, vector<16xf32>,
      %add3A_217 = arith.addf %add3A_210, %get3A_216 : vector<16xf32>
      %mul3A_218 = arith.constant 16 : i32
      %mul3A_219 = arith.muli %scan3A_130, %mul3A_218 : i32
      %add3A_220 = arith.constant 3341 : i32
      %add3A_221 = arith.addi %add3A_220, %mul3A_219 : i32
      %get3A_222 = arith.index_cast %add3A_221 : i32 to index
      %get3A_223 = tpu.vector_load %arg10[%get3A_222] {strides = array<i32>} : memref<4112xf32, #tpu.memory_space<vmem>>, vector<16xf32>,
      %add3A_224 = arith.addf %add3A_217, %get3A_223 : vector<16xf32>
      %mul3A_225 = arith.constant 16 : i32
      %mul3A_226 = arith.muli %scan3A_130, %mul3A_225 : i32
      %add3A_227 = arith.constant 3598 : i32
      %add3A_228 = arith.addi %add3A_227, %mul3A_226 : i32
      %get3A_229 = arith.index_cast %add3A_228 : i32 to index
      %get3A_230 = tpu.vector_load %arg10[%get3A_229] {strides = array<i32>} : memref<4112xf32, #tpu.memory_space<vmem>>, vector<16xf32>,
      %add3A_231 = arith.addf %add3A_224, %get3A_230 : vector<16xf32>
      %mul3A_232 = arith.constant 16 : i32
      %mul3A_233 = arith.muli %scan3A_130, %mul3A_232 : i32
      %add3A_234 = arith.constant 3855 : i32
      %add3A_235 = arith.addi %add3A_234, %mul3A_233 : i32
      %get3A_236 = arith.index_cast %add3A_235 : i32 to index
      %get3A_237 = tpu.vector_load %arg10[%get3A_236] {strides = array<i32>} : memref<4112xf32, #tpu.memory_space<vmem>>, vector<16xf32>,
      %add3A_238 = arith.addf %add3A_231, %get3A_237 : vector<16xf32>
      %mul3A_239 = arith.constant 16 : i32
      %mul3A_240 = arith.muli %scan3A_130, %mul3A_239 : i32
      %swap3A = arith.index_cast %mul3A_240 : i32 to index
      %swap3A_241 = tpu.vector_load %arg13[%swap3A] {strides = array<i32>} : memref<256xf32, #tpu.memory_space<vmem>>, vector<16xf32>,
      tpu.vector_store %arg13[%swap3A], %add3A_238 {strides = array<i32>} : memref<256xf32, #tpu.memory_space<vmem>>, vector<16xf32>,
    }
    %scan3A_111 = arith.constant 16 : i32
    %add3A_112 = arith.constant 1 : i32
    %add3A_113 = arith.addi %mul3A_2, %add3A_112 : i32
    "tpu.region"() ({
      %run_scoped3A = tpu.sem_alloc : memref<!tpu.dma_semaphore, #tpu.memory_space<semaphore_mem>>
      %dma_start3A_130 = arith.constant 0 : i32
      %dma_start3A_131 = tpu.memref_slice %arg5[%add3A_113, %dma_start3A_130] : memref<128x256xf32, #tpu.memory_space<hbm>> -> memref<1x256xf32, #tpu.memory_space<hbm>>
      %dma_start3A_132 = tpu.memref_squeeze %dma_start3A_131 : memref<1x256xf32, #tpu.memory_space<hbm>> -> memref<256xf32, #tpu.memory_space<hbm>>
      %dma_start3A_133 = arith.constant 0 : i32
      %dma_start3A_134 = tpu.memref_slice %arg5[%add3A_113, %dma_start3A_133] : memref<128x256xf32, #tpu.memory_space<hbm>> -> memref<1x256xf32, #tpu.memory_space<hbm>>
      %dma_start3A_135 = tpu.memref_squeeze %dma_start3A_134 : memref<1x256xf32, #tpu.memory_space<hbm>> -> memref<256xf32, #tpu.memory_space<hbm>>
      tpu.enqueue_dma source(%arg13 : memref<256xf32, #tpu.memory_space<vmem>>) target(%dma_start3A_135 : memref<256xf32, #tpu.memory_space<hbm>>) target_semaphore(%run_scoped3A : memref<!tpu.dma_semaphore, #tpu.memory_space<semaphore_mem>>)
      %dma_wait3A = arith.constant 0 : i32
      %dma_wait3A_136 = tpu.memref_slice %arg5[%add3A_113, %dma_wait3A] : memref<128x256xf32, #tpu.memory_space<hbm>> -> memref<1x256xf32, #tpu.memory_space<hbm>>
      %dma_wait3A_137 = tpu.memref_squeeze %dma_wait3A_136 : memref<1x256xf32, #tpu.memory_space<hbm>> -> memref<256xf32, #tpu.memory_space<hbm>>
      %dma_wait3A_138 = arith.constant 0 : i32
      %dma_wait3A_139 = tpu.memref_slice %arg5[%add3A_113, %dma_wait3A_138] : memref<128x256xf32, #tpu.memory_space<hbm>> -> memref<1x256xf32, #tpu.memory_space<hbm>>
      %dma_wait3A_140 = tpu.memref_squeeze %dma_wait3A_139 : memref<1x256xf32, #tpu.memory_space<hbm>> -> memref<256xf32, #tpu.memory_space<hbm>>
      tpu.wait_dma2 semaphore(%run_scoped3A : memref<!tpu.dma_semaphore, #tpu.memory_space<semaphore_mem>>) src(%arg13 : memref<256xf32, #tpu.memory_space<vmem>>) dst(%dma_wait3A_140 : memref<256xf32, #tpu.memory_space<hbm>>)
      tpu.yield
    }) : () -> ()
    %scan3A_114 = arith.constant 0 : i32
    %scan3A_115 = arith.constant 0 : i32
    %scan3A_116 = arith.constant 16 : i32
    %scan3A_117 = arith.addi %scan3A_115, %scan3A_116 : i32
    %scan3A_118 = arith.constant 1 : i32
    scf.for %scan3A_130 = %scan3A_115 to %scan3A_117 step %scan3A_118  : i32 {
      %mul3A_131 = arith.constant 16 : i32
      %mul3A_132 = arith.muli %scan3A_130, %mul3A_131 : i32
      %get3A = arith.index_cast %mul3A_132 : i32 to index
      %get3A_133 = tpu.vector_load %arg11[%get3A] {strides = array<i32>} : memref<4112xf32, #tpu.memory_space<vmem>>, vector<16xf32>,
      %mul3A_134 = arith.constant 16 : i32
      %mul3A_135 = arith.muli %scan3A_130, %mul3A_134 : i32
      %add3A_136 = arith.constant 257 : i32
      %add3A_137 = arith.addi %add3A_136, %mul3A_135 : i32
      %get3A_138 = arith.index_cast %add3A_137 : i32 to index
      %get3A_139 = tpu.vector_load %arg11[%get3A_138] {strides = array<i32>} : memref<4112xf32, #tpu.memory_space<vmem>>, vector<16xf32>,
      %add3A_140 = arith.addf %get3A_133, %get3A_139 : vector<16xf32>
      %mul3A_141 = arith.constant 16 : i32
      %mul3A_142 = arith.muli %scan3A_130, %mul3A_141 : i32
      %add3A_143 = arith.constant 514 : i32
      %add3A_144 = arith.addi %add3A_143, %mul3A_142 : i32
      %get3A_145 = arith.index_cast %add3A_144 : i32 to index
      %get3A_146 = tpu.vector_load %arg11[%get3A_145] {strides = array<i32>} : memref<4112xf32, #tpu.memory_space<vmem>>, vector<16xf32>,
      %add3A_147 = arith.addf %add3A_140, %get3A_146 : vector<16xf32>
      %mul3A_148 = arith.constant 16 : i32
      %mul3A_149 = arith.muli %scan3A_130, %mul3A_148 : i32
      %add3A_150 = arith.constant 771 : i32
      %add3A_151 = arith.addi %add3A_150, %mul3A_149 : i32
      %get3A_152 = arith.index_cast %add3A_151 : i32 to index
      %get3A_153 = tpu.vector_load %arg11[%get3A_152] {strides = array<i32>} : memref<4112xf32, #tpu.memory_space<vmem>>, vector<16xf32>,
      %add3A_154 = arith.addf %add3A_147, %get3A_153 : vector<16xf32>
      %mul3A_155 = arith.constant 16 : i32
      %mul3A_156 = arith.muli %scan3A_130, %mul3A_155 : i32
      %add3A_157 = arith.constant 1028 : i32
      %add3A_158 = arith.addi %add3A_157, %mul3A_156 : i32
      %get3A_159 = arith.index_cast %add3A_158 : i32 to index
      %get3A_160 = tpu.vector_load %arg11[%get3A_159] {strides = array<i32>} : memref<4112xf32, #tpu.memory_space<vmem>>, vector<16xf32>,
      %add3A_161 = arith.addf %add3A_154, %get3A_160 : vector<16xf32>
      %mul3A_162 = arith.constant 16 : i32
      %mul3A_163 = arith.muli %scan3A_130, %mul3A_162 : i32
      %add3A_164 = arith.constant 1285 : i32
      %add3A_165 = arith.addi %add3A_164, %mul3A_163 : i32
      %get3A_166 = arith.index_cast %add3A_165 : i32 to index
      %get3A_167 = tpu.vector_load %arg11[%get3A_166] {strides = array<i32>} : memref<4112xf32, #tpu.memory_space<vmem>>, vector<16xf32>,
      %add3A_168 = arith.addf %add3A_161, %get3A_167 : vector<16xf32>
      %mul3A_169 = arith.constant 16 : i32
      %mul3A_170 = arith.muli %scan3A_130, %mul3A_169 : i32
      %add3A_171 = arith.constant 1542 : i32
      %add3A_172 = arith.addi %add3A_171, %mul3A_170 : i32
      %get3A_173 = arith.index_cast %add3A_172 : i32 to index
      %get3A_174 = tpu.vector_load %arg11[%get3A_173] {strides = array<i32>} : memref<4112xf32, #tpu.memory_space<vmem>>, vector<16xf32>,
      %add3A_175 = arith.addf %add3A_168, %get3A_174 : vector<16xf32>
      %mul3A_176 = arith.constant 16 : i32
      %mul3A_177 = arith.muli %scan3A_130, %mul3A_176 : i32
      %add3A_178 = arith.constant 1799 : i32
      %add3A_179 = arith.addi %add3A_178, %mul3A_177 : i32
      %get3A_180 = arith.index_cast %add3A_179 : i32 to index
      %get3A_181 = tpu.vector_load %arg11[%get3A_180] {strides = array<i32>} : memref<4112xf32, #tpu.memory_space<vmem>>, vector<16xf32>,
      %add3A_182 = arith.addf %add3A_175, %get3A_181 : vector<16xf32>
      %mul3A_183 = arith.constant 16 : i32
      %mul3A_184 = arith.muli %scan3A_130, %mul3A_183 : i32
      %add3A_185 = arith.constant 2056 : i32
      %add3A_186 = arith.addi %add3A_185, %mul3A_184 : i32
      %get3A_187 = arith.index_cast %add3A_186 : i32 to index
      %get3A_188 = tpu.vector_load %arg11[%get3A_187] {strides = array<i32>} : memref<4112xf32, #tpu.memory_space<vmem>>, vector<16xf32>,
      %add3A_189 = arith.addf %add3A_182, %get3A_188 : vector<16xf32>
      %mul3A_190 = arith.constant 16 : i32
      %mul3A_191 = arith.muli %scan3A_130, %mul3A_190 : i32
      %add3A_192 = arith.constant 2313 : i32
      %add3A_193 = arith.addi %add3A_192, %mul3A_191 : i32
      %get3A_194 = arith.index_cast %add3A_193 : i32 to index
      %get3A_195 = tpu.vector_load %arg11[%get3A_194] {strides = array<i32>} : memref<4112xf32, #tpu.memory_space<vmem>>, vector<16xf32>,
      %add3A_196 = arith.addf %add3A_189, %get3A_195 : vector<16xf32>
      %mul3A_197 = arith.constant 16 : i32
      %mul3A_198 = arith.muli %scan3A_130, %mul3A_197 : i32
      %add3A_199 = arith.constant 2570 : i32
      %add3A_200 = arith.addi %add3A_199, %mul3A_198 : i32
      %get3A_201 = arith.index_cast %add3A_200 : i32 to index
      %get3A_202 = tpu.vector_load %arg11[%get3A_201] {strides = array<i32>} : memref<4112xf32, #tpu.memory_space<vmem>>, vector<16xf32>,
      %add3A_203 = arith.addf %add3A_196, %get3A_202 : vector<16xf32>
      %mul3A_204 = arith.constant 16 : i32
      %mul3A_205 = arith.muli %scan3A_130, %mul3A_204 : i32
      %add3A_206 = arith.constant 2827 : i32
      %add3A_207 = arith.addi %add3A_206, %mul3A_205 : i32
      %get3A_208 = arith.index_cast %add3A_207 : i32 to index
      %get3A_209 = tpu.vector_load %arg11[%get3A_208] {strides = array<i32>} : memref<4112xf32, #tpu.memory_space<vmem>>, vector<16xf32>,
      %add3A_210 = arith.addf %add3A_203, %get3A_209 : vector<16xf32>
      %mul3A_211 = arith.constant 16 : i32
      %mul3A_212 = arith.muli %scan3A_130, %mul3A_211 : i32
      %add3A_213 = arith.constant 3084 : i32
      %add3A_214 = arith.addi %add3A_213, %mul3A_212 : i32
      %get3A_215 = arith.index_cast %add3A_214 : i32 to index
      %get3A_216 = tpu.vector_load %arg11[%get3A_215] {strides = array<i32>} : memref<4112xf32, #tpu.memory_space<vmem>>, vector<16xf32>,
      %add3A_217 = arith.addf %add3A_210, %get3A_216 : vector<16xf32>
      %mul3A_218 = arith.constant 16 : i32
      %mul3A_219 = arith.muli %scan3A_130, %mul3A_218 : i32
      %add3A_220 = arith.constant 3341 : i32
      %add3A_221 = arith.addi %add3A_220, %mul3A_219 : i32
      %get3A_222 = arith.index_cast %add3A_221 : i32 to index
      %get3A_223 = tpu.vector_load %arg11[%get3A_222] {strides = array<i32>} : memref<4112xf32, #tpu.memory_space<vmem>>, vector<16xf32>,
      %add3A_224 = arith.addf %add3A_217, %get3A_223 : vector<16xf32>
      %mul3A_225 = arith.constant 16 : i32
      %mul3A_226 = arith.muli %scan3A_130, %mul3A_225 : i32
      %add3A_227 = arith.constant 3598 : i32
      %add3A_228 = arith.addi %add3A_227, %mul3A_226 : i32
      %get3A_229 = arith.index_cast %add3A_228 : i32 to index
      %get3A_230 = tpu.vector_load %arg11[%get3A_229] {strides = array<i32>} : memref<4112xf32, #tpu.memory_space<vmem>>, vector<16xf32>,
      %add3A_231 = arith.addf %add3A_224, %get3A_230 : vector<16xf32>
      %mul3A_232 = arith.constant 16 : i32
      %mul3A_233 = arith.muli %scan3A_130, %mul3A_232 : i32
      %add3A_234 = arith.constant 3855 : i32
      %add3A_235 = arith.addi %add3A_234, %mul3A_233 : i32
      %get3A_236 = arith.index_cast %add3A_235 : i32 to index
      %get3A_237 = tpu.vector_load %arg11[%get3A_236] {strides = array<i32>} : memref<4112xf32, #tpu.memory_space<vmem>>, vector<16xf32>,
      %add3A_238 = arith.addf %add3A_231, %get3A_237 : vector<16xf32>
      %mul3A_239 = arith.constant 16 : i32
      %mul3A_240 = arith.muli %scan3A_130, %mul3A_239 : i32
      %swap3A = arith.index_cast %mul3A_240 : i32 to index
      %swap3A_241 = tpu.vector_load %arg13[%swap3A] {strides = array<i32>} : memref<256xf32, #tpu.memory_space<vmem>>, vector<16xf32>,
      tpu.vector_store %arg13[%swap3A], %add3A_238 {strides = array<i32>} : memref<256xf32, #tpu.memory_space<vmem>>, vector<16xf32>,
    }
    %scan3A_119 = arith.constant 16 : i32
    %add3A_120 = arith.constant 2 : i32
    %add3A_121 = arith.addi %mul3A_2, %add3A_120 : i32
    "tpu.region"() ({
      %run_scoped3A = tpu.sem_alloc : memref<!tpu.dma_semaphore, #tpu.memory_space<semaphore_mem>>
      %dma_start3A_130 = arith.constant 0 : i32
      %dma_start3A_131 = tpu.memref_slice %arg5[%add3A_121, %dma_start3A_130] : memref<128x256xf32, #tpu.memory_space<hbm>> -> memref<1x256xf32, #tpu.memory_space<hbm>>
      %dma_start3A_132 = tpu.memref_squeeze %dma_start3A_131 : memref<1x256xf32, #tpu.memory_space<hbm>> -> memref<256xf32, #tpu.memory_space<hbm>>
      %dma_start3A_133 = arith.constant 0 : i32
      %dma_start3A_134 = tpu.memref_slice %arg5[%add3A_121, %dma_start3A_133] : memref<128x256xf32, #tpu.memory_space<hbm>> -> memref<1x256xf32, #tpu.memory_space<hbm>>
      %dma_start3A_135 = tpu.memref_squeeze %dma_start3A_134 : memref<1x256xf32, #tpu.memory_space<hbm>> -> memref<256xf32, #tpu.memory_space<hbm>>
      tpu.enqueue_dma source(%arg13 : memref<256xf32, #tpu.memory_space<vmem>>) target(%dma_start3A_135 : memref<256xf32, #tpu.memory_space<hbm>>) target_semaphore(%run_scoped3A : memref<!tpu.dma_semaphore, #tpu.memory_space<semaphore_mem>>)
      %dma_wait3A = arith.constant 0 : i32
      %dma_wait3A_136 = tpu.memref_slice %arg5[%add3A_121, %dma_wait3A] : memref<128x256xf32, #tpu.memory_space<hbm>> -> memref<1x256xf32, #tpu.memory_space<hbm>>
      %dma_wait3A_137 = tpu.memref_squeeze %dma_wait3A_136 : memref<1x256xf32, #tpu.memory_space<hbm>> -> memref<256xf32, #tpu.memory_space<hbm>>
      %dma_wait3A_138 = arith.constant 0 : i32
      %dma_wait3A_139 = tpu.memref_slice %arg5[%add3A_121, %dma_wait3A_138] : memref<128x256xf32, #tpu.memory_space<hbm>> -> memref<1x256xf32, #tpu.memory_space<hbm>>
      %dma_wait3A_140 = tpu.memref_squeeze %dma_wait3A_139 : memref<1x256xf32, #tpu.memory_space<hbm>> -> memref<256xf32, #tpu.memory_space<hbm>>
      tpu.wait_dma2 semaphore(%run_scoped3A : memref<!tpu.dma_semaphore, #tpu.memory_space<semaphore_mem>>) src(%arg13 : memref<256xf32, #tpu.memory_space<vmem>>) dst(%dma_wait3A_140 : memref<256xf32, #tpu.memory_space<hbm>>)
      tpu.yield
    }) : () -> ()
    %scan3A_122 = arith.constant 0 : i32
    %scan3A_123 = arith.constant 0 : i32
    %scan3A_124 = arith.constant 16 : i32
    %scan3A_125 = arith.addi %scan3A_123, %scan3A_124 : i32
    %scan3A_126 = arith.constant 1 : i32
    scf.for %scan3A_130 = %scan3A_123 to %scan3A_125 step %scan3A_126  : i32 {
      %mul3A_131 = arith.constant 16 : i32
      %mul3A_132 = arith.muli %scan3A_130, %mul3A_131 : i32
      %get3A = arith.index_cast %mul3A_132 : i32 to index
      %get3A_133 = tpu.vector_load %arg12[%get3A] {strides = array<i32>} : memref<4112xf32, #tpu.memory_space<vmem>>, vector<16xf32>,
      %mul3A_134 = arith.constant 16 : i32
      %mul3A_135 = arith.muli %scan3A_130, %mul3A_134 : i32
      %add3A_136 = arith.constant 257 : i32
      %add3A_137 = arith.addi %add3A_136, %mul3A_135 : i32
      %get3A_138 = arith.index_cast %add3A_137 : i32 to index
      %get3A_139 = tpu.vector_load %arg12[%get3A_138] {strides = array<i32>} : memref<4112xf32, #tpu.memory_space<vmem>>, vector<16xf32>,
      %add3A_140 = arith.addf %get3A_133, %get3A_139 : vector<16xf32>
      %mul3A_141 = arith.constant 16 : i32
      %mul3A_142 = arith.muli %scan3A_130, %mul3A_141 : i32
      %add3A_143 = arith.constant 514 : i32
      %add3A_144 = arith.addi %add3A_143, %mul3A_142 : i32
      %get3A_145 = arith.index_cast %add3A_144 : i32 to index
      %get3A_146 = tpu.vector_load %arg12[%get3A_145] {strides = array<i32>} : memref<4112xf32, #tpu.memory_space<vmem>>, vector<16xf32>,
      %add3A_147 = arith.addf %add3A_140, %get3A_146 : vector<16xf32>
      %mul3A_148 = arith.constant 16 : i32
      %mul3A_149 = arith.muli %scan3A_130, %mul3A_148 : i32
      %add3A_150 = arith.constant 771 : i32
      %add3A_151 = arith.addi %add3A_150, %mul3A_149 : i32
      %get3A_152 = arith.index_cast %add3A_151 : i32 to index
      %get3A_153 = tpu.vector_load %arg12[%get3A_152] {strides = array<i32>} : memref<4112xf32, #tpu.memory_space<vmem>>, vector<16xf32>,
      %add3A_154 = arith.addf %add3A_147, %get3A_153 : vector<16xf32>
      %mul3A_155 = arith.constant 16 : i32
      %mul3A_156 = arith.muli %scan3A_130, %mul3A_155 : i32
      %add3A_157 = arith.constant 1028 : i32
      %add3A_158 = arith.addi %add3A_157, %mul3A_156 : i32
      %get3A_159 = arith.index_cast %add3A_158 : i32 to index
      %get3A_160 = tpu.vector_load %arg12[%get3A_159] {strides = array<i32>} : memref<4112xf32, #tpu.memory_space<vmem>>, vector<16xf32>,
      %add3A_161 = arith.addf %add3A_154, %get3A_160 : vector<16xf32>
      %mul3A_162 = arith.constant 16 : i32
      %mul3A_163 = arith.muli %scan3A_130, %mul3A_162 : i32
      %add3A_164 = arith.constant 1285 : i32
      %add3A_165 = arith.addi %add3A_164, %mul3A_163 : i32
      %get3A_166 = arith.index_cast %add3A_165 : i32 to index
      %get3A_167 = tpu.vector_load %arg12[%get3A_166] {strides = array<i32>} : memref<4112xf32, #tpu.memory_space<vmem>>, vector<16xf32>,
      %add3A_168 = arith.addf %add3A_161, %get3A_167 : vector<16xf32>
      %mul3A_169 = arith.constant 16 : i32
      %mul3A_170 = arith.muli %scan3A_130, %mul3A_169 : i32
      %add3A_171 = arith.constant 1542 : i32
      %add3A_172 = arith.addi %add3A_171, %mul3A_170 : i32
      %get3A_173 = arith.index_cast %add3A_172 : i32 to index
      %get3A_174 = tpu.vector_load %arg12[%get3A_173] {strides = array<i32>} : memref<4112xf32, #tpu.memory_space<vmem>>, vector<16xf32>,
      %add3A_175 = arith.addf %add3A_168, %get3A_174 : vector<16xf32>
      %mul3A_176 = arith.constant 16 : i32
      %mul3A_177 = arith.muli %scan3A_130, %mul3A_176 : i32
      %add3A_178 = arith.constant 1799 : i32
      %add3A_179 = arith.addi %add3A_178, %mul3A_177 : i32
      %get3A_180 = arith.index_cast %add3A_179 : i32 to index
      %get3A_181 = tpu.vector_load %arg12[%get3A_180] {strides = array<i32>} : memref<4112xf32, #tpu.memory_space<vmem>>, vector<16xf32>,
      %add3A_182 = arith.addf %add3A_175, %get3A_181 : vector<16xf32>
      %mul3A_183 = arith.constant 16 : i32
      %mul3A_184 = arith.muli %scan3A_130, %mul3A_183 : i32
      %add3A_185 = arith.constant 2056 : i32
      %add3A_186 = arith.addi %add3A_185, %mul3A_184 : i32
      %get3A_187 = arith.index_cast %add3A_186 : i32 to index
      %get3A_188 = tpu.vector_load %arg12[%get3A_187] {strides = array<i32>} : memref<4112xf32, #tpu.memory_space<vmem>>, vector<16xf32>,
      %add3A_189 = arith.addf %add3A_182, %get3A_188 : vector<16xf32>
      %mul3A_190 = arith.constant 16 : i32
      %mul3A_191 = arith.muli %scan3A_130, %mul3A_190 : i32
      %add3A_192 = arith.constant 2313 : i32
      %add3A_193 = arith.addi %add3A_192, %mul3A_191 : i32
      %get3A_194 = arith.index_cast %add3A_193 : i32 to index
      %get3A_195 = tpu.vector_load %arg12[%get3A_194] {strides = array<i32>} : memref<4112xf32, #tpu.memory_space<vmem>>, vector<16xf32>,
      %add3A_196 = arith.addf %add3A_189, %get3A_195 : vector<16xf32>
      %mul3A_197 = arith.constant 16 : i32
      %mul3A_198 = arith.muli %scan3A_130, %mul3A_197 : i32
      %add3A_199 = arith.constant 2570 : i32
      %add3A_200 = arith.addi %add3A_199, %mul3A_198 : i32
      %get3A_201 = arith.index_cast %add3A_200 : i32 to index
      %get3A_202 = tpu.vector_load %arg12[%get3A_201] {strides = array<i32>} : memref<4112xf32, #tpu.memory_space<vmem>>, vector<16xf32>,
      %add3A_203 = arith.addf %add3A_196, %get3A_202 : vector<16xf32>
      %mul3A_204 = arith.constant 16 : i32
      %mul3A_205 = arith.muli %scan3A_130, %mul3A_204 : i32
      %add3A_206 = arith.constant 2827 : i32
      %add3A_207 = arith.addi %add3A_206, %mul3A_205 : i32
      %get3A_208 = arith.index_cast %add3A_207 : i32 to index
      %get3A_209 = tpu.vector_load %arg12[%get3A_208] {strides = array<i32>} : memref<4112xf32, #tpu.memory_space<vmem>>, vector<16xf32>,
      %add3A_210 = arith.addf %add3A_203, %get3A_209 : vector<16xf32>
      %mul3A_211 = arith.constant 16 : i32
      %mul3A_212 = arith.muli %scan3A_130, %mul3A_211 : i32
      %add3A_213 = arith.constant 3084 : i32
      %add3A_214 = arith.addi %add3A_213, %mul3A_212 : i32
      %get3A_215 = arith.index_cast %add3A_214 : i32 to index
      %get3A_216 = tpu.vector_load %arg12[%get3A_215] {strides = array<i32>} : memref<4112xf32, #tpu.memory_space<vmem>>, vector<16xf32>,
      %add3A_217 = arith.addf %add3A_210, %get3A_216 : vector<16xf32>
      %mul3A_218 = arith.constant 16 : i32
      %mul3A_219 = arith.muli %scan3A_130, %mul3A_218 : i32
      %add3A_220 = arith.constant 3341 : i32
      %add3A_221 = arith.addi %add3A_220, %mul3A_219 : i32
      %get3A_222 = arith.index_cast %add3A_221 : i32 to index
      %get3A_223 = tpu.vector_load %arg12[%get3A_222] {strides = array<i32>} : memref<4112xf32, #tpu.memory_space<vmem>>, vector<16xf32>,
      %add3A_224 = arith.addf %add3A_217, %get3A_223 : vector<16xf32>
      %mul3A_225 = arith.constant 16 : i32
      %mul3A_226 = arith.muli %scan3A_130, %mul3A_225 : i32
      %add3A_227 = arith.constant 3598 : i32
      %add3A_228 = arith.addi %add3A_227, %mul3A_226 : i32
      %get3A_229 = arith.index_cast %add3A_228 : i32 to index
      %get3A_230 = tpu.vector_load %arg12[%get3A_229] {strides = array<i32>} : memref<4112xf32, #tpu.memory_space<vmem>>, vector<16xf32>,
      %add3A_231 = arith.addf %add3A_224, %get3A_230 : vector<16xf32>
      %mul3A_232 = arith.constant 16 : i32
      %mul3A_233 = arith.muli %scan3A_130, %mul3A_232 : i32
      %add3A_234 = arith.constant 3855 : i32
      %add3A_235 = arith.addi %add3A_234, %mul3A_233 : i32
      %get3A_236 = arith.index_cast %add3A_235 : i32 to index
      %get3A_237 = tpu.vector_load %arg12[%get3A_236] {strides = array<i32>} : memref<4112xf32, #tpu.memory_space<vmem>>, vector<16xf32>,
      %add3A_238 = arith.addf %add3A_231, %get3A_237 : vector<16xf32>
      %mul3A_239 = arith.constant 16 : i32
      %mul3A_240 = arith.muli %scan3A_130, %mul3A_239 : i32
      %swap3A = arith.index_cast %mul3A_240 : i32 to index
      %swap3A_241 = tpu.vector_load %arg13[%swap3A] {strides = array<i32>} : memref<256xf32, #tpu.memory_space<vmem>>, vector<16xf32>,
      tpu.vector_store %arg13[%swap3A], %add3A_238 {strides = array<i32>} : memref<256xf32, #tpu.memory_space<vmem>>, vector<16xf32>,
    }
    %scan3A_127 = arith.constant 16 : i32
    %add3A_128 = arith.constant 3 : i32
    %add3A_129 = arith.addi %mul3A_2, %add3A_128 : i32
    "tpu.region"() ({
      %run_scoped3A = tpu.sem_alloc : memref<!tpu.dma_semaphore, #tpu.memory_space<semaphore_mem>>
      %dma_start3A_130 = arith.constant 0 : i32
      %dma_start3A_131 = tpu.memref_slice %arg5[%add3A_129, %dma_start3A_130] : memref<128x256xf32, #tpu.memory_space<hbm>> -> memref<1x256xf32, #tpu.memory_space<hbm>>
      %dma_start3A_132 = tpu.memref_squeeze %dma_start3A_131 : memref<1x256xf32, #tpu.memory_space<hbm>> -> memref<256xf32, #tpu.memory_space<hbm>>
      %dma_start3A_133 = arith.constant 0 : i32
      %dma_start3A_134 = tpu.memref_slice %arg5[%add3A_129, %dma_start3A_133] : memref<128x256xf32, #tpu.memory_space<hbm>> -> memref<1x256xf32, #tpu.memory_space<hbm>>
      %dma_start3A_135 = tpu.memref_squeeze %dma_start3A_134 : memref<1x256xf32, #tpu.memory_space<hbm>> -> memref<256xf32, #tpu.memory_space<hbm>>
      tpu.enqueue_dma source(%arg13 : memref<256xf32, #tpu.memory_space<vmem>>) target(%dma_start3A_135 : memref<256xf32, #tpu.memory_space<hbm>>) target_semaphore(%run_scoped3A : memref<!tpu.dma_semaphore, #tpu.memory_space<semaphore_mem>>)
      %dma_wait3A = arith.constant 0 : i32
      %dma_wait3A_136 = tpu.memref_slice %arg5[%add3A_129, %dma_wait3A] : memref<128x256xf32, #tpu.memory_space<hbm>> -> memref<1x256xf32, #tpu.memory_space<hbm>>
      %dma_wait3A_137 = tpu.memref_squeeze %dma_wait3A_136 : memref<1x256xf32, #tpu.memory_space<hbm>> -> memref<256xf32, #tpu.memory_space<hbm>>
      %dma_wait3A_138 = arith.constant 0 : i32
      %dma_wait3A_139 = tpu.memref_slice %arg5[%add3A_129, %dma_wait3A_138] : memref<128x256xf32, #tpu.memory_space<hbm>> -> memref<1x256xf32, #tpu.memory_space<hbm>>
      %dma_wait3A_140 = tpu.memref_squeeze %dma_wait3A_139 : memref<1x256xf32, #tpu.memory_space<hbm>> -> memref<256xf32, #tpu.memory_space<hbm>>
      tpu.wait_dma2 semaphore(%run_scoped3A : memref<!tpu.dma_semaphore, #tpu.memory_space<semaphore_mem>>) src(%arg13 : memref<256xf32, #tpu.memory_space<vmem>>) dst(%dma_wait3A_140 : memref<256xf32, #tpu.memory_space<hbm>>)
      tpu.yield
    }) : () -> ()
    return
  }
}

module attributes {stable_mosaic.version = 14 : i64} {
  func.func @_head_body(%arg0: memref<128x256xf32, #tpu.memory_space<vmem>>, %arg1: memref<128x256xf32, #tpu.memory_space<vmem>>, %arg2: memref<1x256xf32, #tpu.memory_space<vmem>>, %arg3: memref<1x256xf32, #tpu.memory_space<vmem>>, %arg4: memref<256x256xf32, #tpu.memory_space<vmem>>, %arg5: memref<1x256xf32, #tpu.memory_space<vmem>>, %arg6: memref<1x256xf32, #tpu.memory_space<vmem>>, %arg7: memref<1x256xf32, #tpu.memory_space<vmem>>, %arg8: memref<256x128xf32, #tpu.memory_space<vmem>>, %arg9: memref<1x128xf32, #tpu.memory_space<vmem>>, %arg10: memref<1x128xf32, #tpu.memory_space<vmem>>, %arg11: memref<1x128xf32, #tpu.memory_space<vmem>>, %arg12: memref<128x128xf32, #tpu.memory_space<vmem>>, %arg13: memref<1x128xf32, #tpu.memory_space<vmem>>, %arg14: memref<128x128xf32, #tpu.memory_space<vmem>>, %arg15: memref<128x256xf32, #tpu.memory_space<vmem>>) attributes {dimension_semantics = [], scalar_prefetch = 0 : i64, scratch_operands = 0 : i64, tpu.core_type = #tpu.core_type<tc>} {
    %get3A = arith.constant 0 : index
    %get3A_0 = arith.constant 0 : index
    %get3A_1 = vector.load %arg0[%get3A, %get3A_0] : memref<128x256xf32, #tpu.memory_space<vmem>>, vector<128x256xf32>
    %get3A_2 = arith.constant 0 : index
    %get3A_3 = arith.constant 0 : index
    %get3A_4 = vector.load %arg1[%get3A_2, %get3A_3] : memref<128x256xf32, #tpu.memory_space<vmem>>, vector<128x256xf32>
    %add3A = arith.addf %get3A_1, %get3A_4 : vector<128x256xf32>
    %max3A = arith.constant 0.000000e+00 : f32
    %max3A_5 = vector.broadcast %max3A : f32 to vector<128x256xf32>
    %max3A_6 = arith.maximumf %add3A, %max3A_5 : vector<128x256xf32>
    %get3A_7 = arith.constant 0 : index
    %get3A_8 = arith.constant 0 : index
    %get3A_9 = vector.load %arg2[%get3A_7, %get3A_8] : memref<1x256xf32, #tpu.memory_space<vmem>>, vector<1x256xf32>
    %get3A_10 = arith.constant 0 : index
    %get3A_11 = arith.constant 0 : index
    %get3A_12 = vector.load %arg3[%get3A_10, %get3A_11] : memref<1x256xf32, #tpu.memory_space<vmem>>, vector<1x256xf32>
    %reduce_sum3A = arith.constant dense<0.000000e+00> : vector<256xf32>
    %reduce_sum3A_13 = vector.multi_reduction <add>, %max3A_6, %reduce_sum3A [0] : vector<128x256xf32> to vector<256xf32>
    %broadcast_in_dim3A = vector.shape_cast %reduce_sum3A_13 : vector<256xf32> to vector<1x256xf32>
    %div3A = arith.constant 1.280000e+02 : f32
    %div3A_14 = vector.broadcast %div3A : f32 to vector<1x256xf32>
    %div3A_15 = arith.divf %broadcast_in_dim3A, %div3A_14 : vector<1x256xf32>
    %sub3A = vector.broadcast %div3A_15 : vector<1x256xf32> to vector<128x256xf32>
    %sub3A_16 = arith.subf %max3A_6, %sub3A : vector<128x256xf32>
    %integer_pow3A = arith.mulf %sub3A_16, %sub3A_16 : vector<128x256xf32>
    %reduce_sum3A_17 = arith.constant dense<0.000000e+00> : vector<256xf32>
    %reduce_sum3A_18 = vector.multi_reduction <add>, %integer_pow3A, %reduce_sum3A_17 [0] : vector<128x256xf32> to vector<256xf32>
    %broadcast_in_dim3A_19 = vector.shape_cast %reduce_sum3A_18 : vector<256xf32> to vector<1x256xf32>
    %div3A_20 = arith.constant 1.280000e+02 : f32
    %div3A_21 = vector.broadcast %div3A_20 : f32 to vector<1x256xf32>
    %div3A_22 = arith.divf %broadcast_in_dim3A_19, %div3A_21 : vector<1x256xf32>
    %sub3A_23 = vector.broadcast %div3A_15 : vector<1x256xf32> to vector<128x256xf32>
    %sub3A_24 = arith.subf %max3A_6, %sub3A_23 : vector<128x256xf32>
    %mul3A = vector.broadcast %get3A_9 : vector<1x256xf32> to vector<128x256xf32>
    %mul3A_25 = arith.mulf %mul3A, %sub3A_24 : vector<128x256xf32>
    %add3A_26 = arith.constant 9.99999974E-6 : f32
    %add3A_27 = vector.broadcast %add3A_26 : f32 to vector<1x256xf32>
    %add3A_28 = arith.addf %div3A_22, %add3A_27 : vector<1x256xf32>
    %rsqrt3A = math.rsqrt %add3A_28 : vector<1x256xf32>
    %mul3A_29 = vector.broadcast %rsqrt3A : vector<1x256xf32> to vector<128x256xf32>
    %mul3A_30 = arith.mulf %mul3A_25, %mul3A_29 : vector<128x256xf32>
    %add3A_31 = vector.broadcast %get3A_12 : vector<1x256xf32> to vector<128x256xf32>
    %add3A_32 = arith.addf %mul3A_30, %add3A_31 : vector<128x256xf32>
    %swap3A = arith.constant 0 : index
    %swap3A_33 = arith.constant 0 : index
    %swap3A_34 = vector.load %arg15[%swap3A, %swap3A_33] : memref<128x256xf32, #tpu.memory_space<vmem>>, vector<128x256xf32>
    tpu.vector_store %arg15[%swap3A, %swap3A_33], %add3A_32 {strides = array<i32>} : memref<128x256xf32, #tpu.memory_space<vmem>>, vector<128x256xf32>,
    %get3A_35 = arith.constant 0 : index
    %get3A_36 = arith.constant 0 : index
    %get3A_37 = vector.load %arg4[%get3A_35, %get3A_36] : memref<256x256xf32, #tpu.memory_space<vmem>>, vector<256x256xf32>
    %dot_general3A = arith.constant dense<0.000000e+00> : vector<128x256xf32>
    %dot_general3A_38 = tpu.matmul %add3A_32, %get3A_37, %dot_general3A {dimension_numbers = #tpu.dot_dimension_numbers<[1], [0], [0], [1], [0, 0, 1, 1], [], []>, precision = #tpu.contract_precision<fp32>, transpose_lhs_hint = false} : vector<128x256xf32>, vector<256x256xf32>, vector<128x256xf32> -> vector<128x256xf32>
    %get3A_39 = arith.constant 0 : index
    %get3A_40 = arith.constant 0 : index
    %get3A_41 = vector.load %arg5[%get3A_39, %get3A_40] : memref<1x256xf32, #tpu.memory_space<vmem>>, vector<1x256xf32>
    %add3A_42 = vector.broadcast %get3A_41 : vector<1x256xf32> to vector<128x256xf32>
    %add3A_43 = arith.addf %dot_general3A_38, %add3A_42 : vector<128x256xf32>
    %max3A_44 = arith.constant 0.000000e+00 : f32
    %max3A_45 = vector.broadcast %max3A_44 : f32 to vector<128x256xf32>
    %max3A_46 = arith.maximumf %add3A_43, %max3A_45 : vector<128x256xf32>
    %get3A_47 = arith.constant 0 : index
    %get3A_48 = arith.constant 0 : index
    %get3A_49 = vector.load %arg6[%get3A_47, %get3A_48] : memref<1x256xf32, #tpu.memory_space<vmem>>, vector<1x256xf32>
    %get3A_50 = arith.constant 0 : index
    %get3A_51 = arith.constant 0 : index
    %get3A_52 = vector.load %arg7[%get3A_50, %get3A_51] : memref<1x256xf32, #tpu.memory_space<vmem>>, vector<1x256xf32>
    %reduce_sum3A_53 = arith.constant dense<0.000000e+00> : vector<256xf32>
    %reduce_sum3A_54 = vector.multi_reduction <add>, %max3A_46, %reduce_sum3A_53 [0] : vector<128x256xf32> to vector<256xf32>
    %broadcast_in_dim3A_55 = vector.shape_cast %reduce_sum3A_54 : vector<256xf32> to vector<1x256xf32>
    %div3A_56 = arith.constant 1.280000e+02 : f32
    %div3A_57 = vector.broadcast %div3A_56 : f32 to vector<1x256xf32>
    %div3A_58 = arith.divf %broadcast_in_dim3A_55, %div3A_57 : vector<1x256xf32>
    %sub3A_59 = vector.broadcast %div3A_58 : vector<1x256xf32> to vector<128x256xf32>
    %sub3A_60 = arith.subf %max3A_46, %sub3A_59 : vector<128x256xf32>
    %integer_pow3A_61 = arith.mulf %sub3A_60, %sub3A_60 : vector<128x256xf32>
    %reduce_sum3A_62 = arith.constant dense<0.000000e+00> : vector<256xf32>
    %reduce_sum3A_63 = vector.multi_reduction <add>, %integer_pow3A_61, %reduce_sum3A_62 [0] : vector<128x256xf32> to vector<256xf32>
    %broadcast_in_dim3A_64 = vector.shape_cast %reduce_sum3A_63 : vector<256xf32> to vector<1x256xf32>
    %div3A_65 = arith.constant 1.280000e+02 : f32
    %div3A_66 = vector.broadcast %div3A_65 : f32 to vector<1x256xf32>
    %div3A_67 = arith.divf %broadcast_in_dim3A_64, %div3A_66 : vector<1x256xf32>
    %sub3A_68 = vector.broadcast %div3A_58 : vector<1x256xf32> to vector<128x256xf32>
    %sub3A_69 = arith.subf %max3A_46, %sub3A_68 : vector<128x256xf32>
    %mul3A_70 = vector.broadcast %get3A_49 : vector<1x256xf32> to vector<128x256xf32>
    %mul3A_71 = arith.mulf %mul3A_70, %sub3A_69 : vector<128x256xf32>
    %add3A_72 = arith.constant 9.99999974E-6 : f32
    %add3A_73 = vector.broadcast %add3A_72 : f32 to vector<1x256xf32>
    %add3A_74 = arith.addf %div3A_67, %add3A_73 : vector<1x256xf32>
    %rsqrt3A_75 = math.rsqrt %add3A_74 : vector<1x256xf32>
    %mul3A_76 = vector.broadcast %rsqrt3A_75 : vector<1x256xf32> to vector<128x256xf32>
    %mul3A_77 = arith.mulf %mul3A_71, %mul3A_76 : vector<128x256xf32>
    %add3A_78 = vector.broadcast %get3A_52 : vector<1x256xf32> to vector<128x256xf32>
    %add3A_79 = arith.addf %mul3A_77, %add3A_78 : vector<128x256xf32>
    %get3A_80 = arith.constant 0 : index
    %get3A_81 = arith.constant 0 : index
    %get3A_82 = vector.load %arg8[%get3A_80, %get3A_81] : memref<256x128xf32, #tpu.memory_space<vmem>>, vector<256x128xf32>
    %dot_general3A_83 = arith.constant dense<0.000000e+00> : vector<128x128xf32>
    %dot_general3A_84 = tpu.matmul %add3A_79, %get3A_82, %dot_general3A_83 {dimension_numbers = #tpu.dot_dimension_numbers<[1], [0], [0], [1], [0, 0, 1, 1], [], []>, precision = #tpu.contract_precision<fp32>, transpose_lhs_hint = false} : vector<128x256xf32>, vector<256x128xf32>, vector<128x128xf32> -> vector<128x128xf32>
    %get3A_85 = arith.constant 0 : index
    %get3A_86 = arith.constant 0 : index
    %get3A_87 = vector.load %arg9[%get3A_85, %get3A_86] : memref<1x128xf32, #tpu.memory_space<vmem>>, vector<1x128xf32>
    %add3A_88 = vector.broadcast %get3A_87 : vector<1x128xf32> to vector<128x128xf32>
    %add3A_89 = arith.addf %dot_general3A_84, %add3A_88 : vector<128x128xf32>
    %max3A_90 = arith.constant 0.000000e+00 : f32
    %max3A_91 = vector.broadcast %max3A_90 : f32 to vector<128x128xf32>
    %max3A_92 = arith.maximumf %add3A_89, %max3A_91 : vector<128x128xf32>
    %get3A_93 = arith.constant 0 : index
    %get3A_94 = arith.constant 0 : index
    %get3A_95 = vector.load %arg10[%get3A_93, %get3A_94] : memref<1x128xf32, #tpu.memory_space<vmem>>, vector<1x128xf32>
    %get3A_96 = arith.constant 0 : index
    %get3A_97 = arith.constant 0 : index
    %get3A_98 = vector.load %arg11[%get3A_96, %get3A_97] : memref<1x128xf32, #tpu.memory_space<vmem>>, vector<1x128xf32>
    %reduce_sum3A_99 = arith.constant dense<0.000000e+00> : vector<128xf32>
    %reduce_sum3A_100 = vector.multi_reduction <add>, %max3A_92, %reduce_sum3A_99 [0] : vector<128x128xf32> to vector<128xf32>
    %broadcast_in_dim3A_101 = vector.shape_cast %reduce_sum3A_100 : vector<128xf32> to vector<1x128xf32>
    %div3A_102 = arith.constant 1.280000e+02 : f32
    %div3A_103 = vector.broadcast %div3A_102 : f32 to vector<1x128xf32>
    %div3A_104 = arith.divf %broadcast_in_dim3A_101, %div3A_103 : vector<1x128xf32>
    %sub3A_105 = vector.broadcast %div3A_104 : vector<1x128xf32> to vector<128x128xf32>
    %sub3A_106 = arith.subf %max3A_92, %sub3A_105 : vector<128x128xf32>
    %integer_pow3A_107 = arith.mulf %sub3A_106, %sub3A_106 : vector<128x128xf32>
    %reduce_sum3A_108 = arith.constant dense<0.000000e+00> : vector<128xf32>
    %reduce_sum3A_109 = vector.multi_reduction <add>, %integer_pow3A_107, %reduce_sum3A_108 [0] : vector<128x128xf32> to vector<128xf32>
    %broadcast_in_dim3A_110 = vector.shape_cast %reduce_sum3A_109 : vector<128xf32> to vector<1x128xf32>
    %div3A_111 = arith.constant 1.280000e+02 : f32
    %div3A_112 = vector.broadcast %div3A_111 : f32 to vector<1x128xf32>
    %div3A_113 = arith.divf %broadcast_in_dim3A_110, %div3A_112 : vector<1x128xf32>
    %sub3A_114 = vector.broadcast %div3A_104 : vector<1x128xf32> to vector<128x128xf32>
    %sub3A_115 = arith.subf %max3A_92, %sub3A_114 : vector<128x128xf32>
    %mul3A_116 = vector.broadcast %get3A_95 : vector<1x128xf32> to vector<128x128xf32>
    %mul3A_117 = arith.mulf %mul3A_116, %sub3A_115 : vector<128x128xf32>
    %add3A_118 = arith.constant 9.99999974E-6 : f32
    %add3A_119 = vector.broadcast %add3A_118 : f32 to vector<1x128xf32>
    %add3A_120 = arith.addf %div3A_113, %add3A_119 : vector<1x128xf32>
    %rsqrt3A_121 = math.rsqrt %add3A_120 : vector<1x128xf32>
    %mul3A_122 = vector.broadcast %rsqrt3A_121 : vector<1x128xf32> to vector<128x128xf32>
    %mul3A_123 = arith.mulf %mul3A_117, %mul3A_122 : vector<128x128xf32>
    %add3A_124 = vector.broadcast %get3A_98 : vector<1x128xf32> to vector<128x128xf32>
    %add3A_125 = arith.addf %mul3A_123, %add3A_124 : vector<128x128xf32>
    %get3A_126 = arith.constant 0 : index
    %get3A_127 = arith.constant 0 : index
    %get3A_128 = vector.load %arg12[%get3A_126, %get3A_127] : memref<128x128xf32, #tpu.memory_space<vmem>>, vector<128x128xf32>
    %dot_general3A_129 = arith.constant dense<0.000000e+00> : vector<128x128xf32>
    %dot_general3A_130 = tpu.matmul %add3A_125, %get3A_128, %dot_general3A_129 {dimension_numbers = #tpu.dot_dimension_numbers<[1], [0], [0], [1], [0, 0, 1, 1], [], []>, precision = #tpu.contract_precision<fp32>, transpose_lhs_hint = false} : vector<128x128xf32>, vector<128x128xf32>, vector<128x128xf32> -> vector<128x128xf32>
    %get3A_131 = arith.constant 0 : index
    %get3A_132 = arith.constant 0 : index
    %get3A_133 = vector.load %arg13[%get3A_131, %get3A_132] : memref<1x128xf32, #tpu.memory_space<vmem>>, vector<1x128xf32>
    %add3A_134 = vector.broadcast %get3A_133 : vector<1x128xf32> to vector<128x128xf32>
    %add3A_135 = arith.addf %dot_general3A_130, %add3A_134 : vector<128x128xf32>
    %iota3A = tpu.iota {dimensions = array<i32: 1>} : vector<128x128xi32>
    %lt3A = arith.constant 10 : i32
    %lt3A_136 = vector.broadcast %lt3A : i32 to vector<128x128xi32>
    %lt3A_137 = arith.cmpi slt, %iota3A, %lt3A_136 : vector<128x128xi32>
    %jit3A = arith.constant -1.000000e+30 : f32
    %broadcast_in_dim3A_138 = vector.broadcast %jit3A : f32 to vector<128x128xf32>
    %select_n3A = arith.select %lt3A_137, %add3A_135, %broadcast_in_dim3A_138 : vector<128x128xi1>, vector<128x128xf32>
    %reduce_max3A = arith.constant dense<0xFF800000> : vector<128xf32>
    %reduce_max3A_139 = vector.multi_reduction <maximumf>, %select_n3A, %reduce_max3A [1] : vector<128x128xf32> to vector<128xf32>
    %broadcast_in_dim3A_140 = vector.shape_cast %reduce_max3A_139 : vector<128xf32> to vector<128x1xf32>
    %sub3A_141 = vector.broadcast %broadcast_in_dim3A_140 : vector<128x1xf32> to vector<128x128xf32>
    %sub3A_142 = arith.subf %select_n3A, %sub3A_141 : vector<128x128xf32>
    %exp3A = math.exp %sub3A_142 : vector<128x128xf32>
    %reduce_sum3A_143 = arith.constant dense<0.000000e+00> : vector<128xf32>
    %reduce_sum3A_144 = vector.multi_reduction <add>, %exp3A, %reduce_sum3A_143 [1] : vector<128x128xf32> to vector<128xf32>
    %broadcast_in_dim3A_145 = vector.shape_cast %reduce_sum3A_144 : vector<128xf32> to vector<128x1xf32>
    %div3A_146 = vector.broadcast %broadcast_in_dim3A_145 : vector<128x1xf32> to vector<128x128xf32>
    %div3A_147 = arith.divf %exp3A, %div3A_146 : vector<128x128xf32>
    %swap3A_148 = arith.constant 0 : index
    %swap3A_149 = arith.constant 0 : index
    %swap3A_150 = vector.load %arg14[%swap3A_148, %swap3A_149] : memref<128x128xf32, #tpu.memory_space<vmem>>, vector<128x128xf32>
    tpu.vector_store %arg14[%swap3A_148, %swap3A_149], %div3A_147 {strides = array<i32>} : memref<128x128xf32, #tpu.memory_space<vmem>>, vector<128x128xf32>,
    return
  }
}

module attributes {stable_mosaic.version = 14 : i64} {
  func.func @_tc_seg_body(%arg0: i32, %arg1: memref<128x2048xf32, #tpu.memory_space<vmem>>, %arg2: memref<1x1x2048xi32, #tpu.memory_space<vmem>>, %arg3: memref<1x1x2048xf32, #tpu.memory_space<vmem>>, %arg4: memref<128x256xf32, #tpu.memory_space<vmem>>) attributes {dimension_semantics = [#tpu.dimension_semantics<arbitrary>], iteration_bounds = array<i64: 52>, scalar_prefetch = 0 : i64, scratch_operands = 0 : i64, tpu.core_type = #tpu.core_type<tc>, window_params = [{transform_indices = @transform_0, window_bounds = array<i64: 128, 2048>}, {transform_indices = @transform_1, window_bounds = array<i64: 1, 1, 2048>}, {transform_indices = @transform_2, window_bounds = array<i64: 1, 1, 2048>}, {pipeline_mode = #tpu.pipeline_mode<synchronous>, transform_indices = @transform_3, window_bounds = array<i64: 128, 256>}]} {
    %get3A = arith.constant 0 : index
    %get3A_0 = arith.constant 0 : index
    %get3A_1 = vector.load %arg1[%get3A, %get3A_0] : memref<128x2048xf32, #tpu.memory_space<vmem>>, vector<128x2048xf32>
    %get3A_2 = arith.constant 0 : index
    %get3A_3 = arith.constant 0 : index
    %get3A_4 = arith.constant 0 : index
    %get3A_5 = vector.load %arg3[%get3A_2, %get3A_3, %get3A_4] : memref<1x1x2048xf32, #tpu.memory_space<vmem>>, vector<1x1x2048xf32>
    %get3A_6 = vector.shape_cast %get3A_5 : vector<1x1x2048xf32> to vector<2048xf32>
    %broadcast_in_dim3A = vector.shape_cast %get3A_6 : vector<2048xf32> to vector<1x2048xf32>
    %mul3A = vector.broadcast %broadcast_in_dim3A : vector<1x2048xf32> to vector<128x2048xf32>
    %mul3A_7 = arith.mulf %get3A_1, %mul3A : vector<128x2048xf32>
    %get3A_8 = arith.constant 0 : index
    %get3A_9 = arith.constant 0 : index
    %get3A_10 = arith.constant 0 : index
    %get3A_11 = vector.load %arg2[%get3A_8, %get3A_9, %get3A_10] : memref<1x1x2048xi32, #tpu.memory_space<vmem>>, vector<1x1x2048xi32>
    %get3A_12 = vector.shape_cast %get3A_11 : vector<1x1x2048xi32> to vector<2048xi32>
    %broadcast_in_dim3A_13 = vector.shape_cast %get3A_12 : vector<2048xi32> to vector<2048x1xi32>
    %iota3A = tpu.iota {dimensions = array<i32: 1>} : vector<2048x256xi32>
    %eq3A = vector.broadcast %broadcast_in_dim3A_13 : vector<2048x1xi32> to vector<2048x256xi32>
    %eq3A_14 = arith.cmpi eq, %eq3A, %iota3A : vector<2048x256xi32>
    %convert_element_type3A = arith.extui %eq3A_14 : vector<2048x256xi1> to vector<2048x256xi32>
    %convert_element_type3A_15 = arith.sitofp %convert_element_type3A : vector<2048x256xi32> to vector<2048x256xf32>
    %dot_general3A = arith.constant dense<0.000000e+00> : vector<128x256xf32>
    %dot_general3A_16 = tpu.matmul %mul3A_7, %convert_element_type3A_15, %dot_general3A {dimension_numbers = #tpu.dot_dimension_numbers<[1], [0], [0], [1], [0, 0, 1, 1], [], []>, precision = #tpu.contract_precision<fp32>, transpose_lhs_hint = false} : vector<128x2048xf32>, vector<2048x256xf32>, vector<128x256xf32> -> vector<128x256xf32>
    %eq3A_17 = arith.constant 0 : i32
    %eq3A_18 = arith.cmpi eq, %arg0, %eq3A_17 : i32
    %convert_element_type3A_19 = arith.extui %eq3A_18 : i1 to i32
    %cond3A = arith.constant 0 : i32
    %cond3A_20 = arith.cmpi ne, %convert_element_type3A_19, %cond3A : i32
    scf.if %cond3A_20 {
      %broadcast_in_dim3A_26 = arith.constant 0.000000e+00 : f32
      %broadcast_in_dim3A_27 = vector.broadcast %broadcast_in_dim3A_26 : f32 to vector<128x256xf32>
      %swap3A_28 = arith.constant 0 : index
      %swap3A_29 = arith.constant 0 : index
      %swap3A_30 = vector.load %arg4[%swap3A_28, %swap3A_29] : memref<128x256xf32, #tpu.memory_space<vmem>>, vector<128x256xf32>
      tpu.vector_store %arg4[%swap3A_28, %swap3A_29], %broadcast_in_dim3A_27 {strides = array<i32>} : memref<128x256xf32, #tpu.memory_space<vmem>>, vector<128x256xf32>,
    } else {
    }
    %get3A_21 = arith.constant 0 : index
    %get3A_22 = arith.constant 0 : index
    %get3A_23 = vector.load %arg4[%get3A_21, %get3A_22] : memref<128x256xf32, #tpu.memory_space<vmem>>, vector<128x256xf32>
    %add3A = arith.addf %get3A_23, %dot_general3A_16 : vector<128x256xf32>
    %swap3A = arith.constant 0 : index
    %swap3A_24 = arith.constant 0 : index
    %swap3A_25 = vector.load %arg4[%swap3A, %swap3A_24] : memref<128x256xf32, #tpu.memory_space<vmem>>, vector<128x256xf32>
    tpu.vector_store %arg4[%swap3A, %swap3A_24], %add3A {strides = array<i32>} : memref<128x256xf32, #tpu.memory_space<vmem>>, vector<128x256xf32>,
    return
  }
  func.func @transform_0(%arg0: i32) -> (i32, i32) {
    %add3A = arith.constant 76 : i32
    %add3A_0 = arith.addi %arg0, %add3A : i32
    %c0_i32 = arith.constant 0 : i32
    %c0_i32_1 = arith.constant 0 : i32
    return %c0_i32, %add3A_0 : i32, i32
  }
  func.func @transform_1(%arg0: i32) -> (i32, i32, i32) {
    %c0_i32 = arith.constant 0 : i32
    %c0_i32_0 = arith.constant 0 : i32
    %c0_i32_1 = arith.constant 0 : i32
    return %arg0, %c0_i32, %c0_i32_0 : i32, i32, i32
  }
  func.func @transform_2(%arg0: i32) -> (i32, i32, i32) {
    %c0_i32 = arith.constant 0 : i32
    %c0_i32_0 = arith.constant 0 : i32
    %c0_i32_1 = arith.constant 0 : i32
    return %arg0, %c0_i32, %c0_i32_0 : i32, i32, i32
  }
  func.func @transform_3(%arg0: i32) -> (i32, i32) {
    %c0_i32 = arith.constant 0 : i32
    %c0_i32_0 = arith.constant 0 : i32
    %c0_i32_1 = arith.constant 0 : i32
    return %c0_i32, %c0_i32_0 : i32, i32
  }
}

</mosaic_0001>

<sc_bundles>
// kernel: kernel.5.cloned.1.call-start
scs
__scs_entry_jumppad:
0x0: {  	(pc) =	sbr.rel $0x88, $3  }
0x1: {  	(tag) =	ssettag $0x0;
	lr =	simm.s32 $0x1  }
0x2: {  	[smem:$0x3F92] =	sst lr;
	_ =	strace $0xD0000000  }
0x3: {  	_ = 	snop  }
0x4: {  	_ = 	snop  }
0x5: {  	_ = 	snop  }
0x6: {  	_ = 	snop  }
0x7: {  	_ = 	snop  }
__scs_overlays_trampoline_lowered:
0x8: {  	[smem:$0x3FA1] =	sst s0  }
0x9: {  	[smem:$0x3FA2] =	sst s1  }
0xa: {  	[smem:$0x3FA3] =	sst s2  }
0xb: {  	[smem:$0x3FA4] =	sst s3  }
0xc: {  	[smem:$0x3FA5] =	sst s4  }
0xd: {  	[smem:$0x3FA6] =	sst s5  }
0xe: {  	[smem:$0x3FA7] =	sst s6  }
0xf: {  	[smem:$0x3FA8] =	sst s7  }
0x10: {  	[smem:$0x3FA9] =	sst s8  }
0x11: {  	[smem:$0x3FAA] =	sst s9;
	s0 =	simm.s32 @!p0 $0x0  }
0x12: {  	s1 =	sld [smem:$0x3F90];
	s0 =	simm.s32 @p0 $0x1  }
0x13: {  	[smem:$0x3FAB] =	sst s0;
	s0 =	simm.s32 @!p1 $0x0  }
0x14: {  	s2 =	sld [smem:$0x3F8F];
	s0 =	simm.s32 @p1 $0x1  }
0x15: {  	[smem:$0x3FAC] =	sst s0;
	s0 =	simm.s32 @!p2 $0x0  }
0x16: {  	s3 =	sld [smem:$0x3FDB];
	s0 =	simm.s32 @p2 $0x1  }
0x17: {  	s4 =	simm.s32 $0x1BF5;
	[smem:$0x3FAE] =	sst s0  }
0x18: {  	s0 =	sld [smem:$0x3F91];
	_ =	swait.ge [sflag:s4], $0x0  }
0x19: {  	s7 =	sld [smem:$0x3F92]  }
0x1a: {  	s8 =	sadd.s32 $0xFFFFE003, lr  }
0x1b: {  	s9 =	sadd.s32 $0xFFFFFEF7, lr;
	s5 =	simm.s32 $0xFFFFFFFF;
	p2 =	slt.u32 s8, $0xFFFFF086  }
0x1c: {  	p1 =	slt.u32 s9, $0xF7A;
	s5 =	simm.s32 @!p2 $0x0  }
0x1d: {  	s5 =	simm.s32 @p1 $0x1;
	p0 =	seq.s32 s7, s2  }
0x1e: {  	s7 =	smul.u32 @!p0 $0xF7A, s2;
	p2 =	seq.s32 @!p0 s5, $0x0  }
0x1f: {  	s9 =	smul.u32 $0xF7A, s1;
	s8 =	simm.s32 @!p0 $0x1BF5;
	p2 =	por !p2, p0  }
0x20: {  	[sflag:s8] =	ssyncset.s32 @!p0 $0xFFFFF086;
	s6 =	sadd.s32 @!p0 s3, s7;
	s7 =	simm.s32 @!p0 $0x108  }
0x21: {  	s3 =	sadd.s32 s3, s9;
	s6 =	sadd.s32 @!p0 $0x88, s6;
	s7 =	simm.s32 @p2 $0x1082  }
0x22: {  	[simem:s7], [sflag:s8] =	dma.local @!p0 [hbm:s6], $0xF7A  }
0x23: {  	s9 =	sor.u32 $0xD0000000, s2;
	s6 =	simm.s32 $0x108;
	_ =	swait.ge @!p0 [sflag:s8], $0x0  }
0x24: {  	s3 =	sadd.s32 $0x88, s3;
	s6 =	simm.s32 @!p1 $0x1082;
	[sflag:s4] =	ssyncset.s32 $0xFFFFF086  }
0x25: {  	[simem:s6], [sflag:s4] =	dma.local [hbm:s3], $0xF7A  }
0x26: {  	[smem:$0x3F92] =	sst s1;
	(tag) =	ssettag s2;
	_ =	strace s9  }
0x27: {  	s1 =	sld [smem:$0x3FA2]  }
0x28: {  	s2 =	sld [smem:$0x3FA3]  }
0x29: {  	s4 =	sld [smem:$0x3FA5]  }
0x2a: {  	p0 =	seq.s32 s5, $0x0;
	s5 =	sld [smem:$0x3FA6]  }
0x2b: {  	s6 =	sld [smem:$0x3FA7]  }
0x2c: {  	s7 =	sld [smem:$0x3FA8]  }
0x2d: {  	s3 =	simm.s32 $0x108;
	s8 =	sld [smem:$0x3FA9]  }
0x2e: {  	s3 =	simm.s32 @!p0 $0x1082;
	s9 =	sld [smem:$0x3FAA]  }
0x2f: {  	lr =	sadd.s32 s0, s3;
	s0 =	sld [smem:$0x3FA1]  }
0x30: {  	s3 =	sld [smem:$0x3FA4]  }
0x31: {  	[smem:$0x3FAD] =	sst s10  }
0x32: {  	s10 =	sld [smem:$0x3FAB];
	_ =	sdelay $0x3  }
0x33: {  	p0 =	seq.s32 s10, $0x1;
	s10 =	sld [smem:$0x3FAD];
	_ =	sdelay $0x3  }
0x34: {  	[smem:$0x3FAD] =	sst s10  }
0x35: {  	s10 =	sld [smem:$0x3FAC];
	_ =	sdelay $0x3  }
0x36: {  	p1 =	seq.s32 s10, $0x1;
	s10 =	sld [smem:$0x3FAD];
	_ =	sdelay $0x3  }
0x37: {  	[smem:$0x3FAD] =	sst s10  }
0x38: {  	s10 =	sld [smem:$0x3FAE]  }
0x39: {  	_ = 	snop;
	(pc) =	sbr.ind lr, $3  }
0x3a: {  	_ = 	snop  }
0x3b: {  	_ = 	snop  }
0x3c: {  	p2 =	seq.s32 s10, $0x1;
	s10 =	sld [smem:$0x3FAD]  }
0x3d: {  	_ =	shalt  }
0x3e: {  	_ =	shalt  }
0x3f: {  	_ =	shalt  }
0x40: {  	_ =	shalt  }
0x41: {  	_ =	shalt  }
0x42: {  	_ =	shalt  }
0x43: {  	_ =	shalt  }
0x44: {  	_ =	shalt  }
0x45: {  	_ =	shalt  }
0x46: {  	_ =	shalt  }
0x47: {  	_ =	shalt  }
0x48: {  	_ =	shalt  }
0x49: {  	_ =	shalt  }
0x4a: {  	_ =	shalt  }
0x4b: {  	_ =	shalt  }
0x4c: {  	_ =	shalt  }
0x4d: {  	_ =	shalt  }
0x4e: {  	_ =	shalt  }
0x4f: {  	_ =	shalt  }
0x50: {  	_ =	shalt  }
0x51: {  	_ =	shalt  }
0x52: {  	_ =	shalt  }
0x53: {  	_ =	shalt  }
0x54: {  	_ =	shalt  }
0x55: {  	_ =	shalt  }
0x56: {  	_ =	shalt  }
0x57: {  	_ =	shalt  }
0x58: {  	_ =	shalt  }
0x59: {  	_ =	shalt  }
0x5a: {  	_ =	shalt  }
0x5b: {  	_ =	shalt  }
0x5c: {  	_ =	shalt  }
0x5d: {  	_ =	shalt  }
0x5e: {  	_ =	shalt  }
0x5f: {  	_ =	shalt  }
0x60: {  	_ =	shalt  }
0x61: {  	_ =	shalt  }
0x62: {  	_ =	shalt  }
0x63: {  	_ =	shalt  }
0x64: {  	_ =	shalt  }
0x65: {  	_ =	shalt  }
0x66: {  	_ =	shalt  }
0x67: {  	_ =	shalt  }
0x68: {  	_ =	shalt  }
0x69: {  	_ =	shalt  }
0x6a: {  	_ =	shalt  }
0x6b: {  	_ =	shalt  }
0x6c: {  	_ =	shalt  }
0x6d: {  	_ =	shalt  }
0x6e: {  	_ =	shalt  }
0x6f: {  	_ =	shalt  }
0x70: {  	_ =	shalt  }
0x71: {  	_ =	shalt  }
0x72: {  	_ =	shalt  }
0x73: {  	_ =	shalt  }
0x74: {  	_ =	shalt  }
0x75: {  	_ =	shalt  }
0x76: {  	_ =	shalt  }
0x77: {  	_ =	shalt  }
0x78: {  	_ =	shalt  }
0x79: {  	_ =	shalt  }
0x7a: {  	_ =	shalt  }
0x7b: {  	_ =	shalt  }
0x7c: {  	_ =	shalt  }
0x7d: {  	_ =	shalt  }
0x7e: {  	_ =	shalt  }
0x7f: {  	_ =	shalt  }
0x80: {  	_ =	shalt  }
0x81: {  	_ =	shalt  }
0x82: {  	_ =	shalt  }
0x83: {  	_ =	shalt  }
0x84: {  	_ =	shalt  }
0x85: {  	_ =	shalt  }
0x86: {  	_ =	shalt  }
0x87: {  	_ =	shalt  }
.Lfunc_end0:
.L_simem_size_0:
called_computation_lowered:
.L_overlay_start_0:
0x88: {  	s2 =	sld [smem:$0x3FD9]  }
0x89: {  	s3 =	sld [smem:$0x3FFE];
	_ =	sdelay $0x1  }
0x8a: {  	s1 =	srdreg.scid  }
0x8b: {  	s0 =	sand.u32 $0x1, s1  }
0x8c: {  	s14 =	sshll.u32 s0, $0xA;
	s2 =	sadd.s32 s3, s2  }
0x8d: {  	s2 =	sadd.s32 s2, s14  }
0x8e: {  	[smem:$0x3FB9] =	sst s2  }
0x8f: {  	_ = 	snop  }
0x90: {  	s2 =	sld [smem:$0x3FD0];
	_ =	sdelay $0x2  }
0x91: {  	s4 =	simm.s32 $0xA;
	s5 =	simm.s32 $0x10;
	s15 =	sld [smem:$0x3FC9]  }
0x92: {  	[smem:s5], [sflag:s4] =	dma.local [hbm:s2], $0x1  }
0x93: {  	_ =	swait.eq [sflag:s4], $0x1  }
0x94: {  	[sflag:s4] =	ssyncset.done $0x0  }
0x95: {  	[sflag:s4] =	ssyncadd.s32 $0xFFFFFFFF  }
0x96: {  	s16 =	sld [smem:$0x11];
	(tm) =	ssettm $0x1  }
0x97: {  	s17 =	sld [smem:$0x3FFB];
	_ =	sdelay $0x3  }
0x98: {  	_ =	strace s17  }
0x99: {  	s4 =	sld [smem:$0x3FFC];
	_ =	sdelay $0x3  }
0x9a: {  	_ =	strace s4  }
0x9b: {  	s4 =	sld [smem:$0x3FFD];
	_ =	sdelay $0x3  }
0x9c: {  	_ =	strace s4  }
0x9d: {  	_ =	strace $0x8FFFFFFF  }
0x9e: {  	s18 =	sld [smem:$0x3FDB];
	_ =	sdelay $0x1  }
0x9f: {  	s19 =	simm.s32 $_scs_section_size  }
0xa0: {  	s6 =	simm.s32 $_size__tile_overlayer_lowered;
	s7 =	simm.s32 $_tile_overlayer_lowered  }
0xa1: {  	s22 =	simm.s32 $0x1BFF;
	s21 =	sshll.u32 s7, $0x1;
	s4 =	sadd.s32 s19, s18  }
0xa2: {  	s8 =	simm.s32 $0x0;
	s20 =	sshll.u32 s6, $0x1;
	s6 =	sadd.s32 s21, s4  }
0xa3: {  	[timem:s8], [sflag:s22] =	dma.local [hbm:s6], s20  }
0xa4: {  	_ =	swait.ge [sflag:s22], s20  }
0xa5: {  	s5 =	ssub.s32 $0x0, s20;
	[sflag:s22] =	ssyncset.done $0x0  }
0xa6: {  	[sflag:s22] =	ssyncadd.s32 s5;
	_ =	sdelay $0x1  }
0xa7: {  	s23 =	simm.s32 $0x1B8B  }
0xa8: {  	_ =	swait.ge [sflag:s23], $0x1  }
0xa9: {  	[sflag:s23] =	ssyncset.done $0x0  }
0xaa: {  	s25 =	simm.s32 $0x1B8E;
	s24 =	sld [smem:$0x3FFE];
	[sflag:s23] =	ssyncadd.s32 $0xFFFFFFFF  }
0xab: {  	s26 =	simm.s32 $execute0_lowered;
	[smem:$0x3FD2] =	sst s25  }
0xac: {  	s6 =	sshll.u32 s26, $0x1;
	_ =	strace $0x80000046;
	[dreg:$0x1] =	wrdreg $0xFFFFFFFF  }
0xad: {  	s28 =	simm.s32 $_size_execute0_lowered;
	s4 =	sadd.s32 s4, s6;
	[dreg:$0x0] =	wrdreg $0x0  }
0xae: {  	s6 =	sshll.u32 s28, $0x1;
	[dreg:$0x2] =	wrdreg s4  }
0xaf: {  	[dreg:$0x3] =	wrdreg s6  }
0xb0: {  	[dreg:$0x4] =	wrdreg $0xC0  }
0xb1: {  	_ =	task [dreg:s8], $0x5FFFF  }
0xb2: {  	[dreg:$0x1] =	wrdreg $0xFFFFFFFF  }
0xb3: {  	[dreg:$0x0] =	wrdreg $0x60  }
0xb4: {  	[dreg:$0x2] =	wrdreg s15  }
0xb5: {  	[dreg:$0x3] =	wrdreg s24  }
0xb6: {  	[dreg:$0x4] =	wrdreg s16  }
0xb7: {  	[dreg:$0x5] =	wrdreg $0x103000  }
0xb8: {  	[dreg:$0x6] =	wrdreg $0x129000  }
0xb9: {  	[dreg:$0x7] =	wrdreg $0x9  }
0xba: {  	_ =	task.clear_ibuf [dreg:s8], $0x8FFFF;
	_ =	strace $0x90000046  }
0xbb: {  	s29 =	simm.s32 $0x9;
	_ =	strace $0x80000048  }
0xbc: {  	_ =	swait.ge [sflag:s29], $0x1  }
0xbd: {  	[sflag:s29] =	ssyncadd.s32 $0xFFFFFFFF  }
0xbe: {  	_ =	strace $0x90000048  }
0xbf: {  	_ =	sfence  }
0xc0: {  	s30 =	sld [smem:$0x0];
	_ =	sdelay $0x2  }
0xc1: {  	s31 =	sshll.u32 s1, $0xD;
	s1 =	sshrl.u32 s1, $0x2  }
0xc2: {  	s3 =	sand.u32 $0x4000, s31;
	s1 =	sadd.s32 s1, s30  }
0xc3: {  	s0 =	sor.u32 s3, s0;
	s1 =	sshll.u32 s1, $0x11  }
0xc4: {  	s0 =	sor.u32 s1, s0  }
0xc5: {  	s0 =	sadd.s32 $0x8F2B, s0  }
0xc6: {  	[sflag:s0] =	ssyncadd.remote.s32 $0x1  }
0xc7: {  	_ =	sfence.sel $0xFFFF  }
0xc8: {  	[dreg:$0x0] =	wrdreg $0xFFFFFFFF;
	(pc) =	sbr.abs _section_cstart, $3  }
0xc9: {  	[dreg:$0x1] =	wrdreg $0xFFFFFFFF  }
0xca: {  	_ =	task.clear_ibuf [dreg:s8], $0x2FFFF;
	_ =	strace $0x9FFFFFFF  }
0xcb: {  	(tm) =	ssettm $0x7FFFFFFF  }
tec
execute0_lowered:
.L_overlay_start_1:
0x0: {  	(tag) =	ssettag $0x1  }
0x1: {  	s0 =	rddreg [dreg:$0x0]  }
0x2: {  	s1 =	rddreg [dreg:$0x1]  }
0x3: {  	s3 =	rddreg [dreg:$0x2]  }
0x4: {  	s11 =	rddreg [dreg:$0x3]  }
0x5: {  	s15 =	rddreg [dreg:$0x4];
	s4 =	simm.s32 $0x0  }
0x6: {  	[smem:$0x7FF] =	sst s4;
	s6 =	sadd.s32 $0x1C00, s1  }
0x7: {  	s7 =	sadd.s32 $0x6800, s1;
	_ =	strace $0x80000047;
	[dreg:$0x6] =	wrdreg s6  }
0x8: {  	s20 =	sadd.s32 $0x1E00, s1;
	[dreg:$0x7] =	wrdreg s7  }
0x9: {  	s21 =	sadd.s32 $0x6A00, s1;
	[dreg:$0x8] =	wrdreg s20  }
0xa: {  	s22 =	sadd.s32 $0x2000, s1;
	[dreg:$0x9] =	wrdreg s21  }
0xb: {  	s2 =	srdreg.scid;
	s23 =	sadd.s32 $0x6C00, s1;
	[dreg:$0xa] =	wrdreg s22  }
0xc: {  	s19 =	stileid.u32;
	s25 =	sadd.s32 $0x2200, s1;
	[dreg:$0xb] =	wrdreg s23  }
0xd: {  	s5 =	sand.u32 $0x1, s2;
	s26 =	sadd.s32 $0x6E00, s1;
	[dreg:$0xc] =	wrdreg s25  }
0xe: {  	s24 =	sshll.u32 s19, $0xB;
	s14 =	sadd.s32 $0x2400, s1;
	[dreg:$0xd] =	wrdreg s26  }
0xf: {  	s13 =	sshll.u32 s19, $0x15;
	s17 =	sadd.s32 $0x7000, s1;
	[dreg:$0x13] =	wrdreg s14  }
0x10: {  	p0 =	sne.s32 s19, $0x0;
	s19 =	sadd.s32 $0x2600, s1;
	[dreg:$0x14] =	wrdreg s17  }
0x11: {  	s9 =	sshll.u32 s5, $0x9;
	[dreg:$0x15] =	wrdreg s19  }
0x12: {  	s20 =	sadd.s32 $0x7200, s1;
	[dreg:$0xe] =	wrdreg s9  }
0x13: {  	s21 =	sadd.s32 $0x2800, s1;
	[dreg:$0x16] =	wrdreg s20  }
0x14: {  	s22 =	sadd.s32 $0x7400, s1;
	[dreg:$0x17] =	wrdreg s21  }
0x15: {  	s23 =	sadd.s32 $0x2A00, s1;
	[dreg:$0x18] =	wrdreg s22  }
0x16: {  	s25 =	sadd.s32 $0x2C00, s1;
	[dreg:$0x19] =	wrdreg s23  }
0x17: {  	s26 =	sadd.s32 $0x7800, s1;
	[dreg:$0x1b] =	wrdreg s25  }
0x18: {  	s7 =	sadd.s32 $0x7C00, s1;
	[dreg:$0x1c] =	wrdreg s26  }
0x19: {  	s14 =	sadd.s32 $0x3400, s1;
	[smem:$0x73E] =	sst s7  }
0x1a: {  	s17 =	sadd.s32 $0x3600, s1;
	[smem:$0x741] =	sst s14  }
0x1b: {  	s19 =	sadd.s32 $0x8200, s1;
	[smem:$0x743] =	sst s17  }
0x1c: {  	[smem:$0x744] =	sst s19;
	s20 =	sadd.s32 $0x3800, s1  }
0x1d: {  	s21 =	sadd.s32 $0x8400, s1;
	[smem:$0x745] =	sst s20  }
0x1e: {  	s22 =	sadd.s32 $0x3A00, s1;
	[smem:$0x746] =	sst s21  }
0x1f: {  	s2 =	ssub.s32 $0x2, s5;
	s23 =	sadd.s32 $0x8600, s1;
	[smem:$0x747] =	sst s22  }
0x20: {  	s18 =	sshrl.u32 s2, $0x1;
	s25 =	sadd.s32 $0x8800, s1;
	[smem:$0x748] =	sst s23  }
0x21: {  	s30 =	sor.u32 s9, s24;
	s26 =	sadd.s32 $0x3E00, s1;
	[smem:$0x74A] =	sst s25  }
0x22: {  	s10 =	sor.u32 $0x80, s9;
	s7 =	sadd.s32 $0x4200, s1;
	[smem:$0x74B] =	sst s26  }
0x23: {  	s12 =	sor.u32 $0x100, s9;
	s14 =	sadd.s32 $0x9000, s1;
	[smem:$0x74F] =	sst s7  }
0x24: {  	s16 =	sor.u32 s9, s13;
	s17 =	sadd.s32 $0x9200, s1;
	[smem:$0x752] =	sst s14  }
0x25: {  	s19 =	sadd.s32 $0x4800, s1;
	s2 =	ssub.s32 s2, s18;
	[smem:$0x754] =	sst s17  }
0x26: {  	s6 =	sshrl.u32 s30, $0x3;
	s30 =	sadd.s32 $0x2E00, s1;
	[smem:$0x755] =	sst s19  }
0x27: {  	s18 =	sor.u32 $0x180, s9;
	s9 =	sadd.s32 $0x7E00, s1;
	[dreg:$0x1d] =	wrdreg s30  }
0x28: {  	s20 =	sadd.s32 $0x9400, s1;
	[smem:$0x740] =	sst s9  }
0x29: {  	s21 =	sadd.s32 $0x4A00, s1;
	[smem:$0x756] =	sst s20  }
0x2a: {  	s22 =	sadd.s32 $0x9600, s1;
	[smem:$0x757] =	sst s21  }
0x2b: {  	s23 =	sadd.s32 $0x4C00, s1;
	[smem:$0x758] =	sst s22  }
0x2c: {  	s25 =	sadd.s32 $0x4E00, s1;
	[smem:$0x759] =	sst s23  }
0x2d: {  	s26 =	sadd.s32 $0x9A00, s1;
	[smem:$0x75B] =	sst s25  }
0x2e: {  	s7 =	sadd.s32 $0x9E00, s1;
	[smem:$0x75C] =	sst s26  }
0x2f: {  	s14 =	sadd.s32 $0x5600, s1;
	[smem:$0x760] =	sst s7  }
0x30: {  	s17 =	sadd.s32 $0x5800, s1;
	[smem:$0x763] =	sst s14  }
0x31: {  	s31 =	sor.u32 s24, s10;
	s19 =	sadd.s32 $0xA400, s1;
	[smem:$0x765] =	sst s17  }
0x32: {  	s8 =	sor.u32 s24, s12;
	s6 =	sadd.s32 s3, s6;
	[smem:$0x766] =	sst s19  }
0x33: {  	s5 =	sor.u32 s24, s18;
	s24 =	sadd.s32 $0x7600, s1;
	[dreg:$0xf] =	wrdreg s6  }
0x34: {  	s30 =	sadd.s32 $0x8A00, s1;
	[dreg:$0x1a] =	wrdreg s24  }
0x35: {  	s9 =	sadd.s32 $0x4400, s1;
	[smem:$0x74C] =	sst s30  }
0x36: {  	s20 =	sadd.s32 $0x5A00, s1;
	[smem:$0x751] =	sst s9  }
0x37: {  	s21 =	sadd.s32 $0xA600, s1;
	[smem:$0x767] =	sst s20  }
0x38: {  	s22 =	sadd.s32 $0x5C00, s1;
	[smem:$0x768] =	sst s21  }
0x39: {  	s23 =	sadd.s32 $0xA800, s1;
	[smem:$0x769] =	sst s22  }
0x3a: {  	s25 =	sadd.s32 $0xAA00, s1;
	[smem:$0x76A] =	sst s23  }
0x3b: {  	s26 =	sadd.s32 $0x6000, s1;
	[smem:$0x76C] =	sst s25  }
0x3c: {  	s8 =	sshrl.u32 s8, $0x3;
	s7 =	sadd.s32 $0x6400, s1;
	[smem:$0x76D] =	sst s26  }
0x3d: {  	s8 =	sadd.s32 s3, s8;
	[smem:$0x771] =	sst s7  }
0x3e: {  	s6 =	sshrl.u32 s31, $0x3;
	s31 =	sadd.s32 $0x7A00, s1;
	[dreg:$0x11] =	wrdreg s8  }
0x3f: {  	s24 =	sadd.s32 $0x3C00, s1;
	[dreg:$0x1e] =	wrdreg s31  }
0x40: {  	s30 =	sadd.s32 $0x5000, s1;
	[smem:$0x749] =	sst s24  }
0x41: {  	s9 =	sadd.s32 $0xA000, s1;
	[smem:$0x75D] =	sst s30  }
0x42: {  	s5 =	sshrl.u32 s5, $0x3;
	s6 =	sadd.s32 s3, s6;
	[smem:$0x762] =	sst s9  }
0x43: {  	s3 =	sadd.s32 s3, s5;
	[dreg:$0x10] =	wrdreg s6  }
0x44: {  	s8 =	sadd.s32 $0x3200, s1;
	[dreg:$0x12] =	wrdreg s3  }
0x45: {  	s31 =	sadd.s32 $0x4000, s1;
	[smem:$0x73F] =	sst s8  }
0x46: {  	s24 =	sadd.s32 $0x9800, s1;
	[smem:$0x74D] =	sst s31  }
0x47: {  	s30 =	sadd.s32 $0xAC00, s1;
	[smem:$0x75A] =	sst s24  }
0x48: {  	s20 =	sadd.s32 $0x1000, s15;
	s9 =	sadd.s32 $0x6600, s1;
	[smem:$0x76E] =	sst s30  }
0x49: {  	s29 =	smov.u32 s10;
	s21 =	sshrl.u32 s20, $0x3;
	[smem:$0x773] =	sst s9  }
0x4a: {  	s10 =	sor.u32 s13, s10;
	s6 =	sadd.s32 $0x3000, s1;
	[smem:$0x777] =	sst s21  }
0x4b: {  	s3 =	sshrl.u32 s16, $0x3;
	s16 =	sadd.s32 $0x8000, s1;
	[dreg:$0x1f] =	wrdreg s6  }
0x4c: {  	s14 =	smov.u32 s12;
	s8 =	sadd.s32 $0x8E00, s1;
	[smem:$0x742] =	sst s16  }
0x4d: {  	s12 =	sor.u32 s13, s12;
	s31 =	sadd.s32 $0x9C00, s1;
	[smem:$0x750] =	sst s8  }
0x4e: {  	s20 =	sadd.s32 $0x7000, s15;
	s24 =	sadd.s32 $0x5E00, s1;
	[smem:$0x75E] =	sst s31  }
0x4f: {  	s17 =	smov.u32 s13;
	s21 =	sshrl.u32 s20, $0x3;
	[smem:$0x76B] =	sst s24  }
0x50: {  	s13 =	sor.u32 s13, s18;
	s6 =	sadd.s32 $0x8C00, s1;
	[smem:$0x783] =	sst s21  }
0x51: {  	s19 =	sadd.s32 $0x1000, s11;
	s16 =	sadd.s32 $0x4600, s1;
	[smem:$0x74E] =	sst s6  }
0x52: {  	s22 =	sadd.s32 $0x2000, s11;
	s8 =	sadd.s32 $0x5400, s1;
	[smem:$0x753] =	sst s16  }
0x53: {  	s20 =	sadd.s32 $0xD000, s15;
	s31 =	sadd.s32 $0x6200, s1;
	[smem:$0x761] =	sst s8  }
0x54: {  	s23 =	sadd.s32 $0x2000, s15;
	s21 =	sshrl.u32 s20, $0x3;
	[smem:$0x76F] =	sst s31  }
0x55: {  	s7 =	sadd.s32 $0x6000, s11;
	s6 =	sadd.s32 $0x5200, s1;
	[smem:$0x78F] =	sst s21  }
0x56: {  	s9 =	sadd.s32 s0, s3;
	s16 =	sadd.s32 $0xA200, s1;
	[smem:$0x75F] =	sst s6  }
0x57: {  	s24 =	sadd.s32 $0x3000, s11;
	s8 =	sadd.s32 $0xB000, s1;
	[smem:$0x764] =	sst s16  }
0x58: {  	s20 =	sadd.s32 $0x13000, s15;
	s25 =	sshrl.u32 s24, $0x3;
	[smem:$0x772] =	sst s8  }
0x59: {  	s3 =	sshrl.u32 s12, $0x3;
	s21 =	sshrl.u32 s20, $0x3;
	[smem:$0x77A] =	sst s25  }
0x5a: {  	s12 =	sadd.s32 s0, s3;
	s6 =	sadd.s32 $0xAE00, s1;
	[smem:$0x79B] =	sst s21  }
0x5b: {  	s31 =	sadd.s32 $0x4000, s15;
	s1 =	sadd.s32 $0xB200, s1;
	[smem:$0x770] =	sst s6  }
0x5c: {  	s16 =	smov.u32 s18;
	s18 =	smax.u32 s2, $0x1;
	[smem:$0x774] =	sst s1  }
0x5d: {  	s24 =	sadd.s32 $0x9000, s11;
	s3 =	sshrl.u32 s31, $0x3;
	[smem:$0x775] =	sst s18  }
0x5e: {  	s20 =	sadd.s32 $0x19000, s15;
	s8 =	sshrl.u32 s7, $0x3;
	[smem:$0x77D] =	sst s3  }
0x5f: {  	s25 =	sshrl.u32 s24, $0x3;
	s31 =	sadd.s32 $0xA000, s15;
	[smem:$0x780] =	sst s8  }
0x60: {  	s7 =	sadd.s32 $0xC000, s11;
	s21 =	sshrl.u32 s20, $0x3;
	[smem:$0x786] =	sst s25  }
0x61: {  	s24 =	sadd.s32 $0xF000, s11;
	s3 =	sshrl.u32 s31, $0x3;
	[smem:$0x7A7] =	sst s21  }
0x62: {  	s1 =	sshrl.u32 s10, $0x3;
	s8 =	sshrl.u32 s7, $0x3;
	[smem:$0x789] =	sst s3  }
0x63: {  	s25 =	sshrl.u32 s24, $0x3;
	s31 =	sadd.s32 $0x10000, s15;
	[smem:$0x78C] =	sst s8  }
0x64: {  	s10 =	sadd.s32 s0, s1;
	s1 =	sshrl.u32 s19, $0x3;
	[smem:$0x792] =	sst s25  }
0x65: {  	s7 =	sadd.s32 $0x12000, s11;
	s3 =	sshrl.u32 s31, $0x3;
	[smem:$0x776] =	sst s1  }
0x66: {  	s24 =	sadd.s32 $0x15000, s11;
	s8 =	sshrl.u32 s7, $0x3;
	[smem:$0x795] =	sst s3  }
0x67: {  	s26 =	sadd.s32 $0x3000, s15;
	s25 =	sshrl.u32 s24, $0x3;
	[smem:$0x798] =	sst s8  }
0x68: {  	s31 =	sadd.s32 $0x16000, s15;
	s1 =	sshrl.u32 s22, $0x3;
	[smem:$0x79E] =	sst s25  }
0x69: {  	s7 =	sadd.s32 $0x18000, s11;
	s3 =	sshrl.u32 s31, $0x3;
	[smem:$0x778] =	sst s1  }
0x6a: {  	s24 =	sadd.s32 $0x1B000, s11;
	s8 =	sshrl.u32 s7, $0x3;
	[smem:$0x7A1] =	sst s3  }
0x6b: {  	s5 =	sshrl.u32 s13, $0x3;
	s25 =	sshrl.u32 s24, $0x3;
	[smem:$0x7A4] =	sst s8  }
0x6c: {  	s31 =	sadd.s32 $0x1C000, s15;
	s1 =	sshrl.u32 s23, $0x3;
	[smem:$0x7AA] =	sst s25  }
0x6d: {  	s13 =	sadd.s32 s0, s5;
	s2 =	sshrl.u32 s31, $0x3;
	[smem:$0x779] =	sst s1  }
0x6e: {  	s30 =	sadd.s32 $0x4000, s11;
	s1 =	sshrl.u32 s26, $0x3;
	[smem:$0x7AD] =	sst s2  }
0x6f: {  	s5 =	sadd.s32 $0x5000, s11;
	[smem:$0x77B] =	sst s1;
	s1 =	sshrl.u32 s30, $0x3  }
0x70: {  	s6 =	sadd.s32 $0x5000, s15;
	[smem:$0x77C] =	sst s1;
	s1 =	sshrl.u32 s5, $0x3  }
0x71: {  	s18 =	sadd.s32 $0x6000, s15;
	[smem:$0x77E] =	sst s1;
	s1 =	sshrl.u32 s6, $0x3  }
0x72: {  	s19 =	sadd.s32 $0x7000, s11;
	[smem:$0x77F] =	sst s1;
	s1 =	sshrl.u32 s18, $0x3  }
0x73: {  	s22 =	sadd.s32 $0x8000, s11;
	[smem:$0x781] =	sst s1;
	s1 =	sshrl.u32 s19, $0x3  }
0x74: {  	s23 =	sadd.s32 $0x8000, s15;
	[smem:$0x782] =	sst s1;
	s1 =	sshrl.u32 s22, $0x3  }
0x75: {  	s26 =	sadd.s32 $0x9000, s15;
	[smem:$0x784] =	sst s1;
	s1 =	sshrl.u32 s23, $0x3  }
0x76: {  	s30 =	sadd.s32 $0xA000, s11;
	[smem:$0x785] =	sst s1;
	s1 =	sshrl.u32 s26, $0x3  }
0x77: {  	s5 =	sadd.s32 $0xB000, s11;
	[smem:$0x787] =	sst s1;
	s1 =	sshrl.u32 s30, $0x3  }
0x78: {  	s6 =	sadd.s32 $0xB000, s15;
	[smem:$0x788] =	sst s1;
	s1 =	sshrl.u32 s5, $0x3  }
0x79: {  	s18 =	sadd.s32 $0xC000, s15;
	[smem:$0x78A] =	sst s1;
	s1 =	sshrl.u32 s6, $0x3  }
0x7a: {  	s19 =	sadd.s32 $0xD000, s11;
	[smem:$0x78B] =	sst s1;
	s1 =	sshrl.u32 s18, $0x3  }
0x7b: {  	s22 =	sadd.s32 $0xE000, s11;
	[smem:$0x78D] =	sst s1;
	s1 =	sshrl.u32 s19, $0x3  }
0x7c: {  	s23 =	sadd.s32 $0xE000, s15;
	[smem:$0x78E] =	sst s1;
	s1 =	sshrl.u32 s22, $0x3  }
0x7d: {  	s26 =	sadd.s32 $0xF000, s15;
	[smem:$0x790] =	sst s1;
	s1 =	sshrl.u32 s23, $0x3  }
0x7e: {  	s30 =	sadd.s32 $0x10000, s11;
	[smem:$0x791] =	sst s1;
	s1 =	sshrl.u32 s26, $0x3  }
0x7f: {  	s5 =	sadd.s32 $0x11000, s11;
	[smem:$0x793] =	sst s1;
	s1 =	sshrl.u32 s30, $0x3  }
0x80: {  	s6 =	sadd.s32 $0x11000, s15;
	[smem:$0x794] =	sst s1;
	s1 =	sshrl.u32 s5, $0x3  }
0x81: {  	s18 =	sadd.s32 $0x12000, s15;
	[smem:$0x796] =	sst s1;
	s1 =	sshrl.u32 s6, $0x3  }
0x82: {  	s19 =	sadd.s32 $0x13000, s11;
	[smem:$0x797] =	sst s1;
	s1 =	sshrl.u32 s18, $0x3  }
0x83: {  	s22 =	sadd.s32 $0x14000, s11;
	[smem:$0x799] =	sst s1;
	s1 =	sshrl.u32 s19, $0x3  }
0x84: {  	s23 =	sadd.s32 $0x14000, s15;
	[smem:$0x79A] =	sst s1;
	s1 =	sshrl.u32 s22, $0x3  }
0x85: {  	s26 =	sadd.s32 $0x15000, s15;
	[smem:$0x79C] =	sst s1;
	s1 =	sshrl.u32 s23, $0x3  }
0x86: {  	s30 =	sadd.s32 $0x16000, s11;
	[smem:$0x79D] =	sst s1;
	s1 =	sshrl.u32 s26, $0x3  }
0x87: {  	s5 =	sadd.s32 $0x17000, s11;
	[smem:$0x79F] =	sst s1;
	s1 =	sshrl.u32 s30, $0x3  }
0x88: {  	s6 =	sadd.s32 $0x17000, s15;
	[smem:$0x7A0] =	sst s1;
	s1 =	sshrl.u32 s5, $0x3  }
0x89: {  	s18 =	sadd.s32 $0x18000, s15;
	[smem:$0x7A2] =	sst s1;
	s1 =	sshrl.u32 s6, $0x3  }
0x8a: {  	s6 =	sadd.s32 $0x1E000, s11;
	[smem:$0x7A3] =	sst s1;
	s1 =	sshrl.u32 s18, $0x3  }
0x8b: {  	s19 =	sadd.s32 $0x19000, s11;
	s7 =	sshrl.u32 s6, $0x3;
	[smem:$0x7A5] =	sst s1  }
0x8c: {  	s22 =	sadd.s32 $0x1A000, s11;
	s1 =	sshrl.u32 s19, $0x3;
	[smem:$0x7B0] =	sst s7  }
0x8d: {  	s19 =	sadd.s32 $0x1F000, s15;
	[smem:$0x7A6] =	sst s1;
	s1 =	sshrl.u32 s22, $0x3  }
0x8e: {  	s23 =	sadd.s32 $0x1A000, s15;
	s20 =	sshrl.u32 s19, $0x3;
	[smem:$0x7A8] =	sst s1  }
0x8f: {  	s1 =	sshrl.u32 s23, $0x3;
	[smem:$0x7B3] =	sst s20  }
0x90: {  	s26 =	sadd.s32 $0x1B000, s15;
	s20 =	sadd.s32 $0x80, s11;
	[smem:$0x7A9] =	sst s1  }
0x91: {  	s23 =	sadd.s32 $0x21000, s11;
	s1 =	sshrl.u32 s26, $0x3;
	[smem:$0x7C0] =	sst s20  }
0x92: {  	s24 =	sshrl.u32 s23, $0x3;
	[smem:$0x7AB] =	sst s1  }
0x93: {  	s23 =	sadd.s32 $0x200, s11;
	[smem:$0x7B6] =	sst s24  }
0x94: {  	s30 =	sadd.s32 $0x1C000, s11;
	s20 =	sadd.s32 $0x900, s11;
	[smem:$0x7C3] =	sst s23  }
0x95: {  	s1 =	sshrl.u32 s30, $0x3;
	[smem:$0x7D1] =	sst s20  }
0x96: {  	s24 =	sadd.s32 $0x280, s11;
	[smem:$0x7AC] =	sst s1  }
0x97: {  	s23 =	sadd.s32 $0xA80, s11;
	[smem:$0x7C4] =	sst s24  }
0x98: {  	s3 =	sadd.s32 $0x1D000, s11;
	s20 =	sadd.s32 $0x280, s15;
	[smem:$0x7D4] =	sst s23  }
0x99: {  	s30 =	sadd.s32 $0x22000, s15;
	s1 =	sshrl.u32 s3, $0x3;
	[smem:$0x7E3] =	sst s20  }
0x9a: {  	s31 =	sshrl.u32 s30, $0x3;
	[smem:$0x7AE] =	sst s1  }
0x9b: {  	s30 =	sadd.s32 $0x400, s11;
	[smem:$0x7B9] =	sst s31  }
0x9c: {  	s24 =	sadd.s32 $0xB00, s11;
	[smem:$0x7C7] =	sst s30  }
0x9d: {  	s23 =	sadd.s32 $0x400, s15;
	[smem:$0x7D5] =	sst s24  }
0x9e: {  	s5 =	sadd.s32 $0x1D000, s15;
	s20 =	sadd.s32 $0xB80, s15;
	[smem:$0x7E6] =	sst s23  }
0x9f: {  	s1 =	sshrl.u32 s5, $0x3;
	[smem:$0x7F5] =	sst s20  }
0xa0: {  	s31 =	sadd.s32 $0x480, s11;
	[smem:$0x7AF] =	sst s1  }
0xa1: {  	s30 =	sadd.s32 $0xC80, s11;
	[smem:$0x7C8] =	sst s31  }
0xa2: {  	s24 =	sadd.s32 $0x480, s15;
	[smem:$0x7D8] =	sst s30  }
0xa3: {  	s8 =	sadd.s32 $0x1E000, s15;
	s23 =	sadd.s32 $0xD00, s15;
	[smem:$0x7E7] =	sst s24  }
0xa4: {  	s5 =	sadd.s32 $0x24000, s11;
	s1 =	sshrl.u32 s8, $0x3;
	[smem:$0x7F8] =	sst s23  }
0xa5: {  	s6 =	sshrl.u32 s5, $0x3;
	[smem:$0x7B1] =	sst s1  }
0xa6: {  	s5 =	sadd.s32 $0x600, s11;
	[smem:$0x7BC] =	sst s6  }
0xa7: {  	s31 =	sadd.s32 $0xD00, s11;
	[smem:$0x7CB] =	sst s5  }
0xa8: {  	s30 =	sadd.s32 $0x600, s15;
	[smem:$0x7D9] =	sst s31  }
0xa9: {  	s18 =	sadd.s32 $0x1F000, s11;
	s24 =	sadd.s32 $0xD80, s15;
	[smem:$0x7EA] =	sst s30  }
0xaa: {  	s1 =	sshrl.u32 s18, $0x3;
	[smem:$0x7F9] =	sst s24  }
0xab: {  	s6 =	sadd.s32 $0x680, s11;
	[smem:$0x7B2] =	sst s1  }
0xac: {  	s5 =	sadd.s32 $0xE80, s11;
	[smem:$0x7CC] =	sst s6  }
0xad: {  	s31 =	sadd.s32 $0x680, s15;
	[smem:$0x7DC] =	sst s5  }
0xae: {  	s21 =	sadd.s32 $0x20000, s11;
	s30 =	sadd.s32 $0xF00, s15;
	[smem:$0x7EB] =	sst s31  }
0xaf: {  	s18 =	sadd.s32 $0x25000, s15;
	s1 =	sshrl.u32 s21, $0x3;
	[smem:$0x7FC] =	sst s30  }
0xb0: {  	s19 =	sshrl.u32 s18, $0x3;
	[smem:$0x7B4] =	sst s1  }
0xb1: {  	s21 =	sadd.s32 $0x100, s11;
	[smem:$0x7BF] =	sst s19  }
0xb2: {  	s18 =	sadd.s32 $0x800, s11;
	[smem:$0x7C1] =	sst s21  }
0xb3: {  	s6 =	sadd.s32 $0xF00, s11;
	[smem:$0x7CF] =	sst s18  }
0xb4: {  	s5 =	sadd.s32 $0x800, s15;
	[smem:$0x7DD] =	sst s6  }
0xb5: {  	s22 =	sadd.s32 $0x20000, s15;
	s31 =	sadd.s32 $0xF80, s15;
	[smem:$0x7EE] =	sst s5  }
0xb6: {  	s1 =	sshrl.u32 s22, $0x3;
	[smem:$0x7FD] =	sst s31  }
0xb7: {  	s22 =	sadd.s32 $0x180, s11;
	[smem:$0x7B5] =	sst s1  }
0xb8: {  	s19 =	sadd.s32 $0x880, s11;
	[smem:$0x7C2] =	sst s22  }
0xb9: {  	s21 =	sadd.s32 $0x980, s11;
	[smem:$0x7D0] =	sst s19  }
0xba: {  	s18 =	sadd.s32 $0x180, s15;
	[smem:$0x7D2] =	sst s21  }
0xbb: {  	s25 =	sadd.s32 $0x21000, s15;
	s6 =	sadd.s32 $0x880, s15;
	[smem:$0x7E1] =	sst s18  }
0xbc: {  	s1 =	sshrl.u32 s25, $0x3;
	[smem:$0x7EF] =	sst s6  }
0xbd: {  	s25 =	sadd.s32 $0x300, s11;
	[smem:$0x7B7] =	sst s1  }
0xbe: {  	s22 =	sadd.s32 $0xA00, s11;
	[smem:$0x7C5] =	sst s25  }
0xbf: {  	s19 =	sadd.s32 $0x200, s15;
	[smem:$0x7D3] =	sst s22  }
0xc0: {  	s21 =	sadd.s32 $0x300, s15;
	[smem:$0x7E2] =	sst s19  }
0xc1: {  	s26 =	sadd.s32 $0x22000, s11;
	s18 =	sadd.s32 $0xA80, s15;
	[smem:$0x7E4] =	sst s21  }
0xc2: {  	s1 =	sshrl.u32 s26, $0x3;
	[smem:$0x7F3] =	sst s18  }
0xc3: {  	s26 =	sadd.s32 $0x380, s11;
	[smem:$0x7B8] =	sst s1  }
0xc4: {  	s25 =	sadd.s32 $0xB80, s11;
	[smem:$0x7C6] =	sst s26  }
0xc5: {  	s22 =	sadd.s32 $0x380, s15;
	[smem:$0x7D6] =	sst s25  }
0xc6: {  	s19 =	sadd.s32 $0xB00, s15;
	[smem:$0x7E5] =	sst s22  }
0xc7: {  	s2 =	sadd.s32 $0x23000, s11;
	s21 =	sadd.s32 $0xC00, s15;
	[smem:$0x7F4] =	sst s19  }
0xc8: {  	s1 =	sshrl.u32 s2, $0x3;
	[smem:$0x7F6] =	sst s21  }
0xc9: {  	s2 =	sadd.s32 $0x500, s11;
	[smem:$0x7BA] =	sst s1  }
0xca: {  	s26 =	sadd.s32 $0xC00, s11;
	[smem:$0x7C9] =	sst s2  }
0xcb: {  	s25 =	sadd.s32 $0x500, s15;
	[smem:$0x7D7] =	sst s26  }
0xcc: {  	s3 =	sadd.s32 $0x23000, s15;
	s22 =	sadd.s32 $0xC80, s15;
	[smem:$0x7E8] =	sst s25  }
0xcd: {  	s1 =	sshrl.u32 s3, $0x3;
	[smem:$0x7F7] =	sst s22  }
0xce: {  	s3 =	sadd.s32 $0x580, s11;
	[smem:$0x7BB] =	sst s1  }
0xcf: {  	s2 =	sadd.s32 $0xD80, s11;
	[smem:$0x7CA] =	sst s3  }
0xd0: {  	s26 =	sadd.s32 $0x580, s15;
	[smem:$0x7DA] =	sst s2  }
0xd1: {  	s7 =	sadd.s32 $0x24000, s15;
	s25 =	sadd.s32 $0xE00, s15;
	[smem:$0x7E9] =	sst s26  }
0xd2: {  	s1 =	sshrl.u32 s7, $0x3;
	[smem:$0x7FA] =	sst s25  }
0xd3: {  	s7 =	sadd.s32 $0x700, s11;
	[smem:$0x7BD] =	sst s1  }
0xd4: {  	s3 =	sadd.s32 $0xE00, s11;
	[smem:$0x7CD] =	sst s7  }
0xd5: {  	s2 =	sadd.s32 $0x700, s15;
	[smem:$0x7DB] =	sst s3  }
0xd6: {  	s8 =	sadd.s32 $0x25000, s11;
	s26 =	sadd.s32 $0xE80, s15;
	[smem:$0x7EC] =	sst s2  }
0xd7: {  	s1 =	sshrl.u32 s8, $0x3;
	[smem:$0x7FB] =	sst s26  }
0xd8: {  	s8 =	sadd.s32 $0x780, s11;
	[smem:$0x7BE] =	sst s1  }
0xd9: {  	s28 =	simm.s32 $0x3;
	s7 =	sadd.s32 $0xF80, s11;
	[smem:$0x7CE] =	sst s8  }
0xda: {  	s20 =	simm.s32 $0xC000;
	s11 =	sadd.s32 $0x100, s15;
	[smem:$0x7DE] =	sst s7  }
0xdb: {  	s5 =	simm.s32 $0xF180;
	s3 =	sadd.s32 $0x780, s15;
	[smem:$0x7E0] =	sst s11  }
0xdc: {  	s6 =	simm.s32 $0x4;
	s8 =	sadd.s32 $0x80, s15;
	[smem:$0x7ED] =	sst s3  }
0xdd: {  	s19 =	simm.s32 $0x1;
	s7 =	sadd.s32 $0x900, s15;
	[smem:$0x7DF] =	sst s8  }
0xde: {  	s21 =	simm.s32 $0xD080;
	s11 =	sadd.s32 $0xA00, s15;
	[smem:$0x7F0] =	sst s7  }
0xdf: {  	s22 =	simm.s32 $0xE100;
	s8 =	sadd.s32 $0x980, s15;
	[smem:$0x7F2] =	sst s11  }
0xe0: {  	v0 =	vimm.f32 $0.0e+00;
	s2 =	simm.s32 $0x0;
	s7 =	simm.s32 $0x2;
	[smem:$0x7F1] =	sst s8  }
.LBB2_1:
0xe1: {  	[smem:$0x73D] =	sst s2;
	s8 =	simm.s32 $0xC020  }
0xe2: {  	[tilespmem:s8+$0xFFFFFFF0] =	vst v0  }
0xe3: {  	[tilespmem:s8+$0x0] =	vst v0  }
0xe4: {  	[tilespmem:s8+$0x10] =	vst v0  }
0xe5: {  	s1 =	simm.s32 $0xD0A0;
	[tilespmem:s8+$0xFFFFFFE0] =	vst v0  }
0xe6: {  	[tilespmem:s1+$0xFFFFFFF0] =	vst v0  }
0xe7: {  	[tilespmem:s1+$0x0] =	vst v0  }
0xe8: {  	[tilespmem:s1+$0x10] =	vst v0  }
0xe9: {  	s2 =	simm.s32 $0xE120;
	[tilespmem:s1+$0xFFFFFFE0] =	vst v0  }
0xea: {  	[tilespmem:s2+$0xFFFFFFF0] =	vst v0  }
0xeb: {  	[tilespmem:s2+$0x0] =	vst v0  }
0xec: {  	[tilespmem:s2+$0x10] =	vst v0  }
0xed: {  	s3 =	simm.s32 $0xF1A0;
	[tilespmem:s2+$0xFFFFFFE0] =	vst v0  }
0xee: {  	[tilespmem:s3+$0xFFFFFFF0] =	vst v0  }
0xef: {  	[tilespmem:s3+$0x0] =	vst v0  }
0xf0: {  	[tilespmem:s3+$0x10] =	vst v0  }
0xf1: {  	s11 =	simm.s32 $0xC060;
	s8 =	simm.s32 $0x0;
	[tilespmem:s3+$0xFFFFFFE0] =	vst v0  }
.LBB2_2:
0xf2: {  	[tilespmem:s11+$0xFFFFFFF0] =	vst v0;
	s1 =	sadd.s32 $0x40, s1  }
0xf3: {  	s2 =	sadd.s32 $0x40, s2;
	[tilespmem:s1+$0xFFFFFFF0] =	vst v0  }
0xf4: {  	s3 =	sadd.s32 $0x40, s3;
	[tilespmem:s2+$0xFFFFFFF0] =	vst v0  }
0xf5: {  	[tilespmem:s3+$0xFFFFFFF0] =	vst v0  }
0xf6: {  	[tilespmem:s11+$0x0] =	vst v0  }
0xf7: {  	[tilespmem:s1+$0x0] =	vst v0  }
0xf8: {  	[tilespmem:s2+$0x0] =	vst v0  }
0xf9: {  	[tilespmem:s3+$0x0] =	vst v0  }
0xfa: {  	[tilespmem:s11+$0x10] =	vst v0  }
0xfb: {  	s8 =	sadd.s32 $0x4, s8;
	[tilespmem:s1+$0x10] =	vst v0  }
0xfc: {  	p1 =	slt.u32 s8, $0xFC;
	[tilespmem:s2+$0x10] =	vst v0  }
.Ltmp0:
0xfd: {  	[tilespmem:s3+$0x10] =	vst v0;
	(pc) =	sbr.rel @p1 .LBB2_2-.Ltmp0, $4  }
0xfe: {  	[tilespmem:s11+$0xFFFFFFE0] =	vst v0  }
0xff: {  	[tilespmem:s1+$0xFFFFFFE0] =	vst v0  }
0x100: {  	[tilespmem:s2+$0xFFFFFFE0] =	vst v0  }
0x101: {  	s11 =	sadd.s32 $0x40, s11;
	[tilespmem:s3+$0xFFFFFFE0] =	vst v0  }
.Ltmp1:
0x102: {  	(pc) =	sbr.rel @p0 .LBB2_5-.Ltmp1, $4  }
0x103: {  	[tilespmem:$0xD000] =	vst v0  }
0x104: {  	[tilespmem:$0xE080] =	vst v0  }
0x105: {  	[tilespmem:$0xF100] =	vst v0  }
0x106: {  	[tilespmem:$0x10180] =	vst v0  }
0x107: {  	s1 =	rddreg [dreg:$0x3]  }
0x108: {  	s2 =	rddreg [dreg:$0x6];
	s3 =	simm.s32 $0x1C05;
	s1 =	sshrl.u32 s1, $0x3  }
0x109: {  	[spmem:s1], [sflag:s3] =	dma.local [hbm:s2], $0x200  }
0x10a: {  	s1 =	rddreg [dreg:$0x4]  }
0x10b: {  	s2 =	rddreg [dreg:$0x7];
	s1 =	sshrl.u32 s1, $0x3  }
0x10c: {  	[spmem:s1], [sflag:s3] =	dma.local [hbm:s2], $0x200  }
0x10d: {  	s2 =	sld [smem:$0x776];
	_ =	sdelay $0x1  }
0x10e: {  	s1 =	rddreg [dreg:$0x8]  }
0x10f: {  	[spmem:s2], [sflag:s3] =	dma.local [hbm:s1], $0x200  }
0x110: {  	s2 =	sld [smem:$0x777];
	_ =	sdelay $0x1  }
0x111: {  	s1 =	rddreg [dreg:$0x9]  }
0x112: {  	[spmem:s2], [sflag:s3] =	dma.local [hbm:s1], $0x200  }
0x113: {  	s2 =	sld [smem:$0x778];
	_ =	sdelay $0x1  }
0x114: {  	s1 =	rddreg [dreg:$0xa]  }
0x115: {  	[spmem:s2], [sflag:s3] =	dma.local [hbm:s1], $0x200  }
0x116: {  	s2 =	sld [smem:$0x779];
	_ =	sdelay $0x1  }
0x117: {  	s1 =	rddreg [dreg:$0xb]  }
0x118: {  	[spmem:s2], [sflag:s3] =	dma.local [hbm:s1], $0x200  }
0x119: {  	s2 =	sld [smem:$0x77A];
	_ =	sdelay $0x1  }
0x11a: {  	s1 =	rddreg [dreg:$0xc]  }
0x11b: {  	[spmem:s2], [sflag:s3] =	dma.local [hbm:s1], $0x200  }
0x11c: {  	s2 =	sld [smem:$0x77B];
	_ =	sdelay $0x1  }
0x11d: {  	s1 =	rddreg [dreg:$0xd]  }
0x11e: {  	[spmem:s2], [sflag:s3] =	dma.local [hbm:s1], $0x200  }
0x11f: {  	s2 =	sld [smem:$0x77C];
	_ =	sdelay $0x1  }
0x120: {  	s1 =	rddreg [dreg:$0x13]  }
0x121: {  	[spmem:s2], [sflag:s3] =	dma.local [hbm:s1], $0x200  }
0x122: {  	s2 =	sld [smem:$0x77D];
	_ =	sdelay $0x1  }
0x123: {  	s1 =	rddreg [dreg:$0x14]  }
0x124: {  	[spmem:s2], [sflag:s3] =	dma.local [hbm:s1], $0x200  }
0x125: {  	s2 =	sld [smem:$0x77E];
	_ =	sdelay $0x1  }
0x126: {  	s1 =	rddreg [dreg:$0x15]  }
0x127: {  	[spmem:s2], [sflag:s3] =	dma.local [hbm:s1], $0x200  }
0x128: {  	s2 =	sld [smem:$0x77F];
	_ =	sdelay $0x1  }
0x129: {  	s1 =	rddreg [dreg:$0x16]  }
0x12a: {  	[spmem:s2], [sflag:s3] =	dma.local [hbm:s1], $0x200  }
0x12b: {  	s2 =	sld [smem:$0x780];
	_ =	sdelay $0x1  }
0x12c: {  	s1 =	rddreg [dreg:$0x17]  }
0x12d: {  	[spmem:s2], [sflag:s3] =	dma.local [hbm:s1], $0x200  }
0x12e: {  	s2 =	sld [smem:$0x781];
	_ =	sdelay $0x1  }
0x12f: {  	s1 =	rddreg [dreg:$0x18]  }
0x130: {  	[spmem:s2], [sflag:s3] =	dma.local [hbm:s1], $0x200  }
0x131: {  	s2 =	sld [smem:$0x782];
	_ =	sdelay $0x1  }
0x132: {  	s1 =	rddreg [dreg:$0x19]  }
0x133: {  	[spmem:s2], [sflag:s3] =	dma.local [hbm:s1], $0x200  }
0x134: {  	s2 =	sld [smem:$0x783];
	_ =	sdelay $0x1  }
0x135: {  	s1 =	rddreg [dreg:$0x1a]  }
0x136: {  	[spmem:s2], [sflag:s3] =	dma.local [hbm:s1], $0x200  }
0x137: {  	s2 =	sld [smem:$0x784];
	_ =	sdelay $0x1  }
0x138: {  	s1 =	rddreg [dreg:$0x1b]  }
0x139: {  	[spmem:s2], [sflag:s3] =	dma.local [hbm:s1], $0x200  }
0x13a: {  	s2 =	sld [smem:$0x785];
	_ =	sdelay $0x1  }
0x13b: {  	s1 =	rddreg [dreg:$0x1c]  }
0x13c: {  	[spmem:s2], [sflag:s3] =	dma.local [hbm:s1], $0x200  }
0x13d: {  	s2 =	sld [smem:$0x786];
	_ =	sdelay $0x1  }
0x13e: {  	s1 =	rddreg [dreg:$0x1d]  }
0x13f: {  	[spmem:s2], [sflag:s3] =	dma.local [hbm:s1], $0x200  }
0x140: {  	s2 =	sld [smem:$0x787];
	_ =	sdelay $0x1  }
0x141: {  	s1 =	rddreg [dreg:$0x1e]  }
0x142: {  	[spmem:s2], [sflag:s3] =	dma.local [hbm:s1], $0x200  }
0x143: {  	s2 =	sld [smem:$0x788];
	_ =	sdelay $0x1  }
0x144: {  	s1 =	rddreg [dreg:$0x1f]  }
0x145: {  	[spmem:s2], [sflag:s3] =	dma.local [hbm:s1], $0x200  }
0x146: {  	s1 =	sld [smem:$0x73E]  }
0x147: {  	s2 =	sld [smem:$0x789];
	_ =	sdelay $0x2  }
0x148: {  	[spmem:s2], [sflag:s3] =	dma.local [hbm:s1], $0x200  }
0x149: {  	s1 =	sld [smem:$0x73F]  }
0x14a: {  	s2 =	sld [smem:$0x78A];
	_ =	sdelay $0x2  }
0x14b: {  	[spmem:s2], [sflag:s3] =	dma.local [hbm:s1], $0x200  }
0x14c: {  	s1 =	sld [smem:$0x740]  }
0x14d: {  	s2 =	sld [smem:$0x78B];
	_ =	sdelay $0x2  }
0x14e: {  	[spmem:s2], [sflag:s3] =	dma.local [hbm:s1], $0x200  }
0x14f: {  	s1 =	sld [smem:$0x741]  }
0x150: {  	s2 =	sld [smem:$0x78C];
	_ =	sdelay $0x2  }
0x151: {  	[spmem:s2], [sflag:s3] =	dma.local [hbm:s1], $0x200  }
0x152: {  	s1 =	sld [smem:$0x742]  }
0x153: {  	s2 =	sld [smem:$0x78D];
	_ =	sdelay $0x2  }
0x154: {  	[spmem:s2], [sflag:s3] =	dma.local [hbm:s1], $0x200  }
0x155: {  	s1 =	sld [smem:$0x743]  }
0x156: {  	s2 =	sld [smem:$0x78E];
	_ =	sdelay $0x2  }
0x157: {  	[spmem:s2], [sflag:s3] =	dma.local [hbm:s1], $0x200  }
0x158: {  	s1 =	sld [smem:$0x744]  }
0x159: {  	s2 =	sld [smem:$0x78F];
	_ =	sdelay $0x2  }
0x15a: {  	[spmem:s2], [sflag:s3] =	dma.local [hbm:s1], $0x200  }
0x15b: {  	s1 =	sld [smem:$0x745]  }
0x15c: {  	s2 =	sld [smem:$0x790];
	_ =	sdelay $0x2  }
0x15d: {  	[spmem:s2], [sflag:s3] =	dma.local [hbm:s1], $0x200  }
0x15e: {  	s1 =	sld [smem:$0x746]  }
0x15f: {  	s2 =	sld [smem:$0x791];
	_ =	sdelay $0x2  }
0x160: {  	[spmem:s2], [sflag:s3] =	dma.local [hbm:s1], $0x200  }
0x161: {  	s1 =	sld [smem:$0x747]  }
0x162: {  	s2 =	sld [smem:$0x792];
	_ =	sdelay $0x2  }
0x163: {  	[spmem:s2], [sflag:s3] =	dma.local [hbm:s1], $0x200  }
0x164: {  	s1 =	sld [smem:$0x748]  }
0x165: {  	s2 =	sld [smem:$0x793];
	_ =	sdelay $0x2  }
0x166: {  	[spmem:s2], [sflag:s3] =	dma.local [hbm:s1], $0x200  }
0x167: {  	s1 =	sld [smem:$0x749]  }
0x168: {  	s2 =	sld [smem:$0x794];
	_ =	sdelay $0x2  }
0x169: {  	[spmem:s2], [sflag:s3] =	dma.local [hbm:s1], $0x200  }
0x16a: {  	s1 =	sld [smem:$0x74A]  }
0x16b: {  	s2 =	sld [smem:$0x795];
	_ =	sdelay $0x2  }
0x16c: {  	[spmem:s2], [sflag:s3] =	dma.local [hbm:s1], $0x200  }
0x16d: {  	s1 =	sld [smem:$0x74B]  }
0x16e: {  	s2 =	sld [smem:$0x796];
	_ =	sdelay $0x2  }
0x16f: {  	[spmem:s2], [sflag:s3] =	dma.local [hbm:s1], $0x200  }
0x170: {  	s1 =	sld [smem:$0x74C]  }
0x171: {  	s2 =	sld [smem:$0x797];
	_ =	sdelay $0x2  }
0x172: {  	[spmem:s2], [sflag:s3] =	dma.local [hbm:s1], $0x200  }
0x173: {  	s1 =	sld [smem:$0x74D]  }
0x174: {  	s2 =	sld [smem:$0x798];
	_ =	sdelay $0x2  }
0x175: {  	[spmem:s2], [sflag:s3] =	dma.local [hbm:s1], $0x200  }
0x176: {  	s1 =	sld [smem:$0x74E]  }
0x177: {  	s2 =	sld [smem:$0x799];
	_ =	sdelay $0x2  }
0x178: {  	[spmem:s2], [sflag:s3] =	dma.local [hbm:s1], $0x200  }
0x179: {  	s1 =	sld [smem:$0x74F]  }
0x17a: {  	s2 =	sld [smem:$0x79A];
	_ =	sdelay $0x2  }
0x17b: {  	[spmem:s2], [sflag:s3] =	dma.local [hbm:s1], $0x200  }
0x17c: {  	s1 =	sld [smem:$0x750]  }
0x17d: {  	s2 =	sld [smem:$0x79B];
	_ =	sdelay $0x2  }
0x17e: {  	[spmem:s2], [sflag:s3] =	dma.local [hbm:s1], $0x200  }
0x17f: {  	s1 =	sld [smem:$0x751]  }
0x180: {  	s2 =	sld [smem:$0x79C];
	_ =	sdelay $0x2  }
0x181: {  	[spmem:s2], [sflag:s3] =	dma.local [hbm:s1], $0x200  }
0x182: {  	s1 =	sld [smem:$0x752]  }
0x183: {  	s2 =	sld [smem:$0x79D];
	_ =	sdelay $0x2  }
0x184: {  	[spmem:s2], [sflag:s3] =	dma.local [hbm:s1], $0x200  }
0x185: {  	s1 =	sld [smem:$0x753]  }
0x186: {  	s2 =	sld [smem:$0x79E];
	_ =	sdelay $0x2  }
0x187: {  	[spmem:s2], [sflag:s3] =	dma.local [hbm:s1], $0x200  }
0x188: {  	s1 =	sld [smem:$0x754]  }
0x189: {  	s2 =	sld [smem:$0x79F];
	_ =	sdelay $0x2  }
0x18a: {  	[spmem:s2], [sflag:s3] =	dma.local [hbm:s1], $0x200  }
0x18b: {  	s1 =	sld [smem:$0x755]  }
0x18c: {  	s2 =	sld [smem:$0x7A0];
	_ =	sdelay $0x2  }
0x18d: {  	[spmem:s2], [sflag:s3] =	dma.local [hbm:s1], $0x200  }
0x18e: {  	s1 =	sld [smem:$0x756]  }
0x18f: {  	s2 =	sld [smem:$0x7A1];
	_ =	sdelay $0x2  }
0x190: {  	[spmem:s2], [sflag:s3] =	dma.local [hbm:s1], $0x200  }
0x191: {  	s1 =	sld [smem:$0x757]  }
0x192: {  	s2 =	sld [smem:$0x7A2];
	_ =	sdelay $0x2  }
0x193: {  	[spmem:s2], [sflag:s3] =	dma.local [hbm:s1], $0x200  }
0x194: {  	s1 =	sld [smem:$0x758]  }
0x195: {  	s2 =	sld [smem:$0x7A3];
	_ =	sdelay $0x2  }
0x196: {  	[spmem:s2], [sflag:s3] =	dma.local [hbm:s1], $0x200  }
0x197: {  	s1 =	sld [smem:$0x759]  }
0x198: {  	s2 =	sld [smem:$0x7A4];
	_ =	sdelay $0x2  }
0x199: {  	[spmem:s2], [sflag:s3] =	dma.local [hbm:s1], $0x200  }
0x19a: {  	s1 =	sld [smem:$0x75A]  }
0x19b: {  	s2 =	sld [smem:$0x7A5];
	_ =	sdelay $0x2  }
0x19c: {  	[spmem:s2], [sflag:s3] =	dma.local [hbm:s1], $0x200  }
0x19d: {  	s1 =	sld [smem:$0x75B]  }
0x19e: {  	s2 =	sld [smem:$0x7A6];
	_ =	sdelay $0x2  }
0x19f: {  	[spmem:s2], [sflag:s3] =	dma.local [hbm:s1], $0x200  }
0x1a0: {  	s1 =	sld [smem:$0x75C]  }
0x1a1: {  	s2 =	sld [smem:$0x7A7];
	_ =	sdelay $0x2  }
0x1a2: {  	[spmem:s2], [sflag:s3] =	dma.local [hbm:s1], $0x200  }
0x1a3: {  	s1 =	sld [smem:$0x75D]  }
0x1a4: {  	s2 =	sld [smem:$0x7A8];
	_ =	sdelay $0x2  }
0x1a5: {  	[spmem:s2], [sflag:s3] =	dma.local [hbm:s1], $0x200  }
0x1a6: {  	s1 =	sld [smem:$0x75E]  }
0x1a7: {  	s2 =	sld [smem:$0x7A9];
	_ =	sdelay $0x2  }
0x1a8: {  	[spmem:s2], [sflag:s3] =	dma.local [hbm:s1], $0x200  }
0x1a9: {  	s1 =	sld [smem:$0x75F]  }
0x1aa: {  	s2 =	sld [smem:$0x7AA];
	_ =	sdelay $0x2  }
0x1ab: {  	[spmem:s2], [sflag:s3] =	dma.local [hbm:s1], $0x200  }
0x1ac: {  	s1 =	sld [smem:$0x760]  }
0x1ad: {  	s2 =	sld [smem:$0x7AB];
	_ =	sdelay $0x2  }
0x1ae: {  	[spmem:s2], [sflag:s3] =	dma.local [hbm:s1], $0x200  }
0x1af: {  	s1 =	sld [smem:$0x761]  }
0x1b0: {  	s2 =	sld [smem:$0x7AC];
	_ =	sdelay $0x2  }
0x1b1: {  	[spmem:s2], [sflag:s3] =	dma.local [hbm:s1], $0x200  }
0x1b2: {  	s1 =	sld [smem:$0x762]  }
0x1b3: {  	s2 =	sld [smem:$0x7AD];
	_ =	sdelay $0x2  }
0x1b4: {  	[spmem:s2], [sflag:s3] =	dma.local [hbm:s1], $0x200  }
0x1b5: {  	s1 =	sld [smem:$0x763]  }
0x1b6: {  	s2 =	sld [smem:$0x7AE];
	_ =	sdelay $0x2  }
0x1b7: {  	[spmem:s2], [sflag:s3] =	dma.local [hbm:s1], $0x200  }
0x1b8: {  	s1 =	sld [smem:$0x764]  }
0x1b9: {  	s2 =	sld [smem:$0x7AF];
	_ =	sdelay $0x2  }
0x1ba: {  	[spmem:s2], [sflag:s3] =	dma.local [hbm:s1], $0x200  }
0x1bb: {  	s1 =	sld [smem:$0x765]  }
0x1bc: {  	s2 =	sld [smem:$0x7B0];
	_ =	sdelay $0x2  }
0x1bd: {  	[spmem:s2], [sflag:s3] =	dma.local [hbm:s1], $0x200  }
0x1be: {  	s1 =	sld [smem:$0x766]  }
0x1bf: {  	s2 =	sld [smem:$0x7B1];
	_ =	sdelay $0x2  }
0x1c0: {  	[spmem:s2], [sflag:s3] =	dma.local [hbm:s1], $0x200  }
0x1c1: {  	s1 =	sld [smem:$0x767]  }
0x1c2: {  	s2 =	sld [smem:$0x7B2];
	_ =	sdelay $0x2  }
0x1c3: {  	[spmem:s2], [sflag:s3] =	dma.local [hbm:s1], $0x200  }
0x1c4: {  	s1 =	sld [smem:$0x768]  }
0x1c5: {  	s2 =	sld [smem:$0x7B3];
	_ =	sdelay $0x2  }
0x1c6: {  	[spmem:s2], [sflag:s3] =	dma.local [hbm:s1], $0x200  }
0x1c7: {  	s1 =	sld [smem:$0x769]  }
0x1c8: {  	s2 =	sld [smem:$0x7B4];
	_ =	sdelay $0x2  }
0x1c9: {  	[spmem:s2], [sflag:s3] =	dma.local [hbm:s1], $0x200  }
0x1ca: {  	s1 =	sld [smem:$0x76A]  }
0x1cb: {  	s2 =	sld [smem:$0x7B5];
	_ =	sdelay $0x2  }
0x1cc: {  	[spmem:s2], [sflag:s3] =	dma.local [hbm:s1], $0x200  }
0x1cd: {  	s1 =	sld [smem:$0x76B]  }
0x1ce: {  	s2 =	sld [smem:$0x7B6];
	_ =	sdelay $0x2  }
0x1cf: {  	[spmem:s2], [sflag:s3] =	dma.local [hbm:s1], $0x200  }
0x1d0: {  	s1 =	sld [smem:$0x76C]  }
0x1d1: {  	s2 =	sld [smem:$0x7B7];
	_ =	sdelay $0x2  }
0x1d2: {  	[spmem:s2], [sflag:s3] =	dma.local [hbm:s1], $0x200  }
0x1d3: {  	s1 =	sld [smem:$0x76D]  }
0x1d4: {  	s2 =	sld [smem:$0x7B8];
	_ =	sdelay $0x2  }
0x1d5: {  	[spmem:s2], [sflag:s3] =	dma.local [hbm:s1], $0x200  }
0x1d6: {  	s1 =	sld [smem:$0x76E]  }
0x1d7: {  	s2 =	sld [smem:$0x7B9];
	_ =	sdelay $0x2  }
0x1d8: {  	[spmem:s2], [sflag:s3] =	dma.local [hbm:s1], $0x200  }
0x1d9: {  	s1 =	sld [smem:$0x76F]  }
0x1da: {  	s2 =	sld [smem:$0x7BA];
	_ =	sdelay $0x2  }
0x1db: {  	[spmem:s2], [sflag:s3] =	dma.local [hbm:s1], $0x200  }
0x1dc: {  	s1 =	sld [smem:$0x770]  }
0x1dd: {  	s2 =	sld [smem:$0x7BB];
	_ =	sdelay $0x2  }
0x1de: {  	[spmem:s2], [sflag:s3] =	dma.local [hbm:s1], $0x200  }
0x1df: {  	s1 =	sld [smem:$0x771]  }
0x1e0: {  	s2 =	sld [smem:$0x7BC];
	_ =	sdelay $0x2  }
0x1e1: {  	[spmem:s2], [sflag:s3] =	dma.local [hbm:s1], $0x200  }
0x1e2: {  	s1 =	sld [smem:$0x772]  }
0x1e3: {  	s2 =	sld [smem:$0x7BD];
	_ =	sdelay $0x2  }
0x1e4: {  	[spmem:s2], [sflag:s3] =	dma.local [hbm:s1], $0x200  }
0x1e5: {  	s1 =	sld [smem:$0x773]  }
0x1e6: {  	s2 =	sld [smem:$0x7BE];
	_ =	sdelay $0x2  }
0x1e7: {  	[spmem:s2], [sflag:s3] =	dma.local [hbm:s1], $0x200  }
0x1e8: {  	s1 =	sld [smem:$0x774]  }
0x1e9: {  	s2 =	sld [smem:$0x7BF];
	_ =	sdelay $0x1  }
0x1ea: {  	s31 =	simm.s32 $0x5  }
0x1eb: {  	[spmem:s2], [sflag:s3] =	dma.local [hbm:s1], $0x200  }
0x1ec: {  	_ =	swait.ge [sflag:s31], $0x200  }
0x1ed: {  	[sflag:s31] =	ssyncset.done $0x0  }
0x1ee: {  	[sflag:s31] =	ssyncadd.s32 $0xFFFFFE00  }
0x1ef: {  	_ =	swait.ge [sflag:s31], $0x200  }
0x1f0: {  	[sflag:s31] =	ssyncset.done $0x0  }
0x1f1: {  	[sflag:s31] =	ssyncadd.s32 $0xFFFFFE00  }
0x1f2: {  	_ =	swait.ge [sflag:s31], $0x200  }
0x1f3: {  	[sflag:s31] =	ssyncset.done $0x0  }
0x1f4: {  	[sflag:s31] =	ssyncadd.s32 $0xFFFFFE00  }
0x1f5: {  	_ =	swait.ge [sflag:s31], $0x200  }
0x1f6: {  	[sflag:s31] =	ssyncset.done $0x0  }
0x1f7: {  	[sflag:s31] =	ssyncadd.s32 $0xFFFFFE00  }
0x1f8: {  	_ =	swait.ge [sflag:s31], $0x200  }
0x1f9: {  	[sflag:s31] =	ssyncset.done $0x0  }
0x1fa: {  	[sflag:s31] =	ssyncadd.s32 $0xFFFFFE00  }
0x1fb: {  	_ =	swait.ge [sflag:s31], $0x200  }
0x1fc: {  	[sflag:s31] =	ssyncset.done $0x0  }
0x1fd: {  	[sflag:s31] =	ssyncadd.s32 $0xFFFFFE00  }
0x1fe: {  	_ =	swait.ge [sflag:s31], $0x200  }
0x1ff: {  	[sflag:s31] =	ssyncset.done $0x0  }
0x200: {  	[sflag:s31] =	ssyncadd.s32 $0xFFFFFE00  }
0x201: {  	_ =	swait.ge [sflag:s31], $0x200  }
0x202: {  	[sflag:s31] =	ssyncset.done $0x0  }
0x203: {  	[sflag:s31] =	ssyncadd.s32 $0xFFFFFE00  }
0x204: {  	_ =	swait.ge [sflag:s31], $0x200  }
0x205: {  	[sflag:s31] =	ssyncset.done $0x0  }
0x206: {  	[sflag:s31] =	ssyncadd.s32 $0xFFFFFE00  }
0x207: {  	_ =	swait.ge [sflag:s31], $0x200  }
0x208: {  	[sflag:s31] =	ssyncset.done $0x0  }
0x209: {  	[sflag:s31] =	ssyncadd.s32 $0xFFFFFE00  }
0x20a: {  	_ =	swait.ge [sflag:s31], $0x200  }
0x20b: {  	[sflag:s31] =	ssyncset.done $0x0  }
0x20c: {  	[sflag:s31] =	ssyncadd.s32 $0xFFFFFE00  }
0x20d: {  	_ =	swait.ge [sflag:s31], $0x200  }
0x20e: {  	[sflag:s31] =	ssyncset.done $0x0  }
0x20f: {  	[sflag:s31] =	ssyncadd.s32 $0xFFFFFE00  }
0x210: {  	_ =	swait.ge [sflag:s31], $0x200  }
0x211: {  	[sflag:s31] =	ssyncset.done $0x0  }
0x212: {  	[sflag:s31] =	ssyncadd.s32 $0xFFFFFE00  }
0x213: {  	_ =	swait.ge [sflag:s31], $0x200  }
0x214: {  	[sflag:s31] =	ssyncset.done $0x0  }
0x215: {  	[sflag:s31] =	ssyncadd.s32 $0xFFFFFE00  }
0x216: {  	_ =	swait.ge [sflag:s31], $0x200  }
0x217: {  	[sflag:s31] =	ssyncset.done $0x0  }
0x218: {  	[sflag:s31] =	ssyncadd.s32 $0xFFFFFE00  }
0x219: {  	_ =	swait.ge [sflag:s31], $0x200  }
0x21a: {  	[sflag:s31] =	ssyncset.done $0x0  }
0x21b: {  	[sflag:s31] =	ssyncadd.s32 $0xFFFFFE00  }
0x21c: {  	_ =	swait.ge [sflag:s31], $0x200  }
0x21d: {  	[sflag:s31] =	ssyncset.done $0x0  }
0x21e: {  	[sflag:s31] =	ssyncadd.s32 $0xFFFFFE00  }
0x21f: {  	_ =	swait.ge [sflag:s31], $0x200  }
0x220: {  	[sflag:s31] =	ssyncset.done $0x0  }
0x221: {  	[sflag:s31] =	ssyncadd.s32 $0xFFFFFE00  }
0x222: {  	_ =	swait.ge [sflag:s31], $0x200  }
0x223: {  	[sflag:s31] =	ssyncset.done $0x0  }
0x224: {  	[sflag:s31] =	ssyncadd.s32 $0xFFFFFE00  }
0x225: {  	_ =	swait.ge [sflag:s31], $0x200  }
0x226: {  	[sflag:s31] =	ssyncset.done $0x0  }
0x227: {  	[sflag:s31] =	ssyncadd.s32 $0xFFFFFE00  }
0x228: {  	_ =	swait.ge [sflag:s31], $0x200  }
0x229: {  	[sflag:s31] =	ssyncset.done $0x0  }
0x22a: {  	[sflag:s31] =	ssyncadd.s32 $0xFFFFFE00  }
0x22b: {  	_ =	swait.ge [sflag:s31], $0x200  }
0x22c: {  	[sflag:s31] =	ssyncset.done $0x0  }
0x22d: {  	[sflag:s31] =	ssyncadd.s32 $0xFFFFFE00  }
0x22e: {  	_ =	swait.ge [sflag:s31], $0x200  }
0x22f: {  	[sflag:s31] =	ssyncset.done $0x0  }
0x230: {  	[sflag:s31] =	ssyncadd.s32 $0xFFFFFE00  }
0x231: {  	_ =	swait.ge [sflag:s31], $0x200  }
0x232: {  	[sflag:s31] =	ssyncset.done $0x0  }
0x233: {  	[sflag:s31] =	ssyncadd.s32 $0xFFFFFE00  }
0x234: {  	_ =	swait.ge [sflag:s31], $0x200  }
0x235: {  	[sflag:s31] =	ssyncset.done $0x0  }
0x236: {  	[sflag:s31] =	ssyncadd.s32 $0xFFFFFE00  }
0x237: {  	_ =	swait.ge [sflag:s31], $0x200  }
0x238: {  	[sflag:s31] =	ssyncset.done $0x0  }
0x239: {  	[sflag:s31] =	ssyncadd.s32 $0xFFFFFE00  }
0x23a: {  	_ =	swait.ge [sflag:s31], $0x200  }
0x23b: {  	[sflag:s31] =	ssyncset.done $0x0  }
0x23c: {  	[sflag:s31] =	ssyncadd.s32 $0xFFFFFE00  }
0x23d: {  	_ =	swait.ge [sflag:s31], $0x200  }
0x23e: {  	[sflag:s31] =	ssyncset.done $0x0  }
0x23f: {  	[sflag:s31] =	ssyncadd.s32 $0xFFFFFE00  }
0x240: {  	_ =	swait.ge [sflag:s31], $0x200  }
0x241: {  	[sflag:s31] =	ssyncset.done $0x0  }
0x242: {  	[sflag:s31] =	ssyncadd.s32 $0xFFFFFE00  }
0x243: {  	_ =	swait.ge [sflag:s31], $0x200  }
0x244: {  	[sflag:s31] =	ssyncset.done $0x0  }
0x245: {  	[sflag:s31] =	ssyncadd.s32 $0xFFFFFE00  }
0x246: {  	_ =	swait.ge [sflag:s31], $0x200  }
0x247: {  	[sflag:s31] =	ssyncset.done $0x0  }
0x248: {  	[sflag:s31] =	ssyncadd.s32 $0xFFFFFE00  }
0x249: {  	_ =	swait.ge [sflag:s31], $0x200  }
0x24a: {  	[sflag:s31] =	ssyncset.done $0x0  }
0x24b: {  	[sflag:s31] =	ssyncadd.s32 $0xFFFFFE00  }
0x24c: {  	_ =	swait.ge [sflag:s31], $0x200  }
0x24d: {  	[sflag:s31] =	ssyncset.done $0x0  }
0x24e: {  	[sflag:s31] =	ssyncadd.s32 $0xFFFFFE00  }
0x24f: {  	_ =	swait.ge [sflag:s31], $0x200  }
0x250: {  	[sflag:s31] =	ssyncset.done $0x0  }
0x251: {  	[sflag:s31] =	ssyncadd.s32 $0xFFFFFE00  }
0x252: {  	_ =	swait.ge [sflag:s31], $0x200  }
0x253: {  	[sflag:s31] =	ssyncset.done $0x0  }
0x254: {  	[sflag:s31] =	ssyncadd.s32 $0xFFFFFE00  }
0x255: {  	_ =	swait.ge [sflag:s31], $0x200  }
0x256: {  	[sflag:s31] =	ssyncset.done $0x0  }
0x257: {  	[sflag:s31] =	ssyncadd.s32 $0xFFFFFE00  }
0x258: {  	_ =	swait.ge [sflag:s31], $0x200  }
0x259: {  	[sflag:s31] =	ssyncset.done $0x0  }
0x25a: {  	[sflag:s31] =	ssyncadd.s32 $0xFFFFFE00  }
0x25b: {  	_ =	swait.ge [sflag:s31], $0x200  }
0x25c: {  	[sflag:s31] =	ssyncset.done $0x0  }
0x25d: {  	[sflag:s31] =	ssyncadd.s32 $0xFFFFFE00  }
0x25e: {  	_ =	swait.ge [sflag:s31], $0x200  }
0x25f: {  	[sflag:s31] =	ssyncset.done $0x0  }
0x260: {  	[sflag:s31] =	ssyncadd.s32 $0xFFFFFE00  }
0x261: {  	_ =	swait.ge [sflag:s31], $0x200  }
0x262: {  	[sflag:s31] =	ssyncset.done $0x0  }
0x263: {  	[sflag:s31] =	ssyncadd.s32 $0xFFFFFE00  }
0x264: {  	_ =	swait.ge [sflag:s31], $0x200  }
0x265: {  	[sflag:s31] =	ssyncset.done $0x0  }
0x266: {  	[sflag:s31] =	ssyncadd.s32 $0xFFFFFE00  }
0x267: {  	_ =	swait.ge [sflag:s31], $0x200  }
0x268: {  	[sflag:s31] =	ssyncset.done $0x0  }
0x269: {  	[sflag:s31] =	ssyncadd.s32 $0xFFFFFE00  }
0x26a: {  	_ =	swait.ge [sflag:s31], $0x200  }
0x26b: {  	[sflag:s31] =	ssyncset.done $0x0  }
0x26c: {  	[sflag:s31] =	ssyncadd.s32 $0xFFFFFE00  }
0x26d: {  	_ =	swait.ge [sflag:s31], $0x200  }
0x26e: {  	[sflag:s31] =	ssyncset.done $0x0  }
0x26f: {  	[sflag:s31] =	ssyncadd.s32 $0xFFFFFE00  }
0x270: {  	_ =	swait.ge [sflag:s31], $0x200  }
0x271: {  	[sflag:s31] =	ssyncset.done $0x0  }
0x272: {  	[sflag:s31] =	ssyncadd.s32 $0xFFFFFE00  }
0x273: {  	_ =	swait.ge [sflag:s31], $0x200  }
0x274: {  	[sflag:s31] =	ssyncset.done $0x0  }
0x275: {  	[sflag:s31] =	ssyncadd.s32 $0xFFFFFE00  }
0x276: {  	_ =	swait.ge [sflag:s31], $0x200  }
0x277: {  	[sflag:s31] =	ssyncset.done $0x0  }
0x278: {  	[sflag:s31] =	ssyncadd.s32 $0xFFFFFE00  }
0x279: {  	_ =	swait.ge [sflag:s31], $0x200  }
0x27a: {  	[sflag:s31] =	ssyncset.done $0x0  }
0x27b: {  	[sflag:s31] =	ssyncadd.s32 $0xFFFFFE00  }
0x27c: {  	_ =	swait.ge [sflag:s31], $0x200  }
0x27d: {  	[sflag:s31] =	ssyncset.done $0x0  }
0x27e: {  	[sflag:s31] =	ssyncadd.s32 $0xFFFFFE00  }
0x27f: {  	_ =	swait.ge [sflag:s31], $0x200  }
0x280: {  	[sflag:s31] =	ssyncset.done $0x0  }
0x281: {  	[sflag:s31] =	ssyncadd.s32 $0xFFFFFE00  }
0x282: {  	_ =	swait.ge [sflag:s31], $0x200  }
0x283: {  	[sflag:s31] =	ssyncset.done $0x0  }
0x284: {  	[sflag:s31] =	ssyncadd.s32 $0xFFFFFE00  }
0x285: {  	_ =	swait.ge [sflag:s31], $0x200  }
0x286: {  	[sflag:s31] =	ssyncset.done $0x0  }
0x287: {  	[sflag:s31] =	ssyncadd.s32 $0xFFFFFE00  }
0x288: {  	_ =	swait.ge [sflag:s31], $0x200  }
0x289: {  	[sflag:s31] =	ssyncset.done $0x0  }
0x28a: {  	[sflag:s31] =	ssyncadd.s32 $0xFFFFFE00  }
0x28b: {  	_ =	swait.ge [sflag:s31], $0x200  }
0x28c: {  	[sflag:s31] =	ssyncset.done $0x0  }
0x28d: {  	[sflag:s31] =	ssyncadd.s32 $0xFFFFFE00  }
0x28e: {  	_ =	swait.ge [sflag:s31], $0x200  }
0x28f: {  	[sflag:s31] =	ssyncset.done $0x0  }
0x290: {  	[sflag:s31] =	ssyncadd.s32 $0xFFFFFE00  }
0x291: {  	_ =	swait.ge [sflag:s31], $0x200  }
0x292: {  	[sflag:s31] =	ssyncset.done $0x0  }
0x293: {  	[sflag:s31] =	ssyncadd.s32 $0xFFFFFE00  }
0x294: {  	_ =	swait.ge [sflag:s31], $0x200  }
0x295: {  	[sflag:s31] =	ssyncset.done $0x0  }
0x296: {  	[sflag:s31] =	ssyncadd.s32 $0xFFFFFE00  }
0x297: {  	_ =	swait.ge [sflag:s31], $0x200  }
0x298: {  	[sflag:s31] =	ssyncset.done $0x0  }
0x299: {  	[sflag:s31] =	ssyncadd.s32 $0xFFFFFE00  }
0x29a: {  	_ =	swait.ge [sflag:s31], $0x200  }
0x29b: {  	[sflag:s31] =	ssyncset.done $0x0  }
0x29c: {  	[sflag:s31] =	ssyncadd.s32 $0xFFFFFE00  }
0x29d: {  	_ =	swait.ge [sflag:s31], $0x200  }
0x29e: {  	[sflag:s31] =	ssyncset.done $0x0  }
0x29f: {  	[sflag:s31] =	ssyncadd.s32 $0xFFFFFE00  }
0x2a0: {  	_ =	swait.ge [sflag:s31], $0x200  }
0x2a1: {  	[sflag:s31] =	ssyncset.done $0x0  }
0x2a2: {  	[sflag:s31] =	ssyncadd.s32 $0xFFFFFE00  }
0x2a3: {  	_ =	swait.ge [sflag:s31], $0x200  }
0x2a4: {  	[sflag:s31] =	ssyncset.done $0x0  }
0x2a5: {  	[sflag:s31] =	ssyncadd.s32 $0xFFFFFE00  }
0x2a6: {  	_ =	swait.ge [sflag:s31], $0x200  }
0x2a7: {  	[sflag:s31] =	ssyncset.done $0x0  }
0x2a8: {  	[sflag:s31] =	ssyncadd.s32 $0xFFFFFE00  }
0x2a9: {  	_ =	swait.ge [sflag:s31], $0x200  }
0x2aa: {  	[sflag:s31] =	ssyncset.done $0x0  }
0x2ab: {  	[sflag:s31] =	ssyncadd.s32 $0xFFFFFE00  }
0x2ac: {  	_ =	swait.ge [sflag:s31], $0x200  }
0x2ad: {  	[sflag:s31] =	ssyncset.done $0x0  }
0x2ae: {  	[sflag:s31] =	ssyncadd.s32 $0xFFFFFE00  }
0x2af: {  	_ =	swait.ge [sflag:s31], $0x200  }
0x2b0: {  	[sflag:s31] =	ssyncset.done $0x0  }
0x2b1: {  	[sflag:s31] =	ssyncadd.s32 $0xFFFFFE00  }
0x2b2: {  	_ =	swait.ge [sflag:s31], $0x200  }
0x2b3: {  	[sflag:s31] =	ssyncset.done $0x0  }
0x2b4: {  	[sflag:s31] =	ssyncadd.s32 $0xFFFFFE00  }
0x2b5: {  	_ =	swait.ge [sflag:s31], $0x200  }
0x2b6: {  	[sflag:s31] =	ssyncset.done $0x0  }
0x2b7: {  	[sflag:s31] =	ssyncadd.s32 $0xFFFFFE00  }
0x2b8: {  	_ =	swait.ge [sflag:s31], $0x200  }
0x2b9: {  	[sflag:s31] =	ssyncset.done $0x0  }
0x2ba: {  	[sflag:s31] =	ssyncadd.s32 $0xFFFFFE00  }
0x2bb: {  	_ =	swait.ge [sflag:s31], $0x200  }
0x2bc: {  	[sflag:s31] =	ssyncset.done $0x0  }
0x2bd: {  	[sflag:s31] =	ssyncadd.s32 $0xFFFFFE00  }
0x2be: {  	_ =	swait.ge [sflag:s31], $0x200  }
0x2bf: {  	[sflag:s31] =	ssyncset.done $0x0  }
0x2c0: {  	[sflag:s31] =	ssyncadd.s32 $0xFFFFFE00  }
0x2c1: {  	_ =	swait.ge [sflag:s31], $0x200  }
0x2c2: {  	[sflag:s31] =	ssyncset.done $0x0  }
0x2c3: {  	[sflag:s31] =	ssyncadd.s32 $0xFFFFFE00  }
0x2c4: {  	_ =	swait.ge [sflag:s31], $0x200  }
0x2c5: {  	[sflag:s31] =	ssyncset.done $0x0  }
0x2c6: {  	[sflag:s31] =	ssyncadd.s32 $0xFFFFFE00  }
0x2c7: {  	_ =	swait.ge [sflag:s31], $0x200  }
0x2c8: {  	[sflag:s31] =	ssyncset.done $0x0  }
0x2c9: {  	[sflag:s31] =	ssyncadd.s32 $0xFFFFFE00  }
0x2ca: {  	_ =	swait.ge [sflag:s31], $0x200  }
0x2cb: {  	[sflag:s31] =	ssyncset.done $0x0  }
0x2cc: {  	[sflag:s31] =	ssyncadd.s32 $0xFFFFFE00  }
0x2cd: {  	_ =	swait.ge [sflag:s31], $0x200  }
0x2ce: {  	[sflag:s31] =	ssyncset.done $0x0  }
0x2cf: {  	[sflag:s31] =	ssyncadd.s32 $0xFFFFFE00  }
.LBB2_5:
0x2d0: {  	[bflag:$0x0] =	sbarrier.arrive $0xFFFF  }
0x2d1: {  	s2 =	rddreg [dreg:$0x3]  }
0x2d2: {  	s1 =	simm.s32 $0x0;
	s23 =	sld [smem:$0x7C0]  }
0x2d3: {  	[tilespmem:s1], [sflag:$0x3] =	stream.linear.gather [spmem:s2], $0x80, $0x38;
	[tilespmem:$0x14F00] =	vst v63  }
0x2d4: {  	s24 =	simm.s32 $0x100;
	s25 =	sld [smem:$0x7C1]  }
0x2d5: {  	[tilespmem:s24], [sflag:$0x3] =	stream.linear.gather [spmem:s23], $0x80, $0x38;
	[tilespmem:$0x14F00] =	vst v63  }
0x2d6: {  	s26 =	simm.s32 $0x200;
	s30 =	sld [smem:$0x7C2]  }
0x2d7: {  	[tilespmem:s26], [sflag:$0x3] =	stream.linear.gather [spmem:s25], $0x80, $0x38;
	[tilespmem:$0x14F00] =	vst v63  }
0x2d8: {  	s31 =	simm.s32 $0x300;
	s2 =	sld [smem:$0x7C3]  }
0x2d9: {  	[tilespmem:s31], [sflag:$0x3] =	stream.linear.gather [spmem:s30], $0x80, $0x38;
	[tilespmem:$0x14F00] =	vst v63  }
0x2da: {  	s3 =	simm.s32 $0x400;
	s8 =	sld [smem:$0x7C4]  }
0x2db: {  	[tilespmem:s3], [sflag:$0x3] =	stream.linear.gather [spmem:s2], $0x80, $0x38;
	[tilespmem:$0x14F00] =	vst v63  }
0x2dc: {  	s11 =	simm.s32 $0x500;
	s15 =	sld [smem:$0x7C5]  }
0x2dd: {  	[tilespmem:s11], [sflag:$0x3] =	stream.linear.gather [spmem:s8], $0x80, $0x38;
	[tilespmem:$0x14F00] =	vst v63  }
0x2de: {  	s18 =	simm.s32 $0x600;
	s23 =	sld [smem:$0x7C6]  }
0x2df: {  	[tilespmem:s18], [sflag:$0x3] =	stream.linear.gather [spmem:s15], $0x80, $0x38;
	[tilespmem:$0x14F00] =	vst v63  }
0x2e0: {  	s24 =	simm.s32 $0x700;
	s25 =	sld [smem:$0x7C7]  }
0x2e1: {  	[tilespmem:s24], [sflag:$0x3] =	stream.linear.gather [spmem:s23], $0x80, $0x38;
	[tilespmem:$0x14F00] =	vst v63  }
0x2e2: {  	s26 =	simm.s32 $0x800;
	s30 =	sld [smem:$0x7C8]  }
0x2e3: {  	[tilespmem:s26], [sflag:$0x3] =	stream.linear.gather [spmem:s25], $0x80, $0x38;
	[tilespmem:$0x14F00] =	vst v63  }
0x2e4: {  	s31 =	simm.s32 $0x900;
	s2 =	sld [smem:$0x7C9]  }
0x2e5: {  	[tilespmem:s31], [sflag:$0x3] =	stream.linear.gather [spmem:s30], $0x80, $0x38;
	[tilespmem:$0x14F00] =	vst v63  }
0x2e6: {  	s3 =	simm.s32 $0xA00;
	s8 =	sld [smem:$0x7CA]  }
0x2e7: {  	[tilespmem:s3], [sflag:$0x3] =	stream.linear.gather [spmem:s2], $0x80, $0x38;
	[tilespmem:$0x14F00] =	vst v63  }
0x2e8: {  	s11 =	simm.s32 $0xB00;
	s15 =	sld [smem:$0x7CB]  }
0x2e9: {  	[tilespmem:s11], [sflag:$0x3] =	stream.linear.gather [spmem:s8], $0x80, $0x38;
	[tilespmem:$0x14F00] =	vst v63  }
0x2ea: {  	s18 =	simm.s32 $0xC00;
	s23 =	sld [smem:$0x7CC]  }
0x2eb: {  	[tilespmem:s18], [sflag:$0x3] =	stream.linear.gather [spmem:s15], $0x80, $0x38;
	[tilespmem:$0x14F00] =	vst v63  }
0x2ec: {  	s24 =	simm.s32 $0xD00;
	s25 =	sld [smem:$0x7CD]  }
0x2ed: {  	[tilespmem:s24], [sflag:$0x3] =	stream.linear.gather [spmem:s23], $0x80, $0x38;
	[tilespmem:$0x14F00] =	vst v63  }
0x2ee: {  	s26 =	simm.s32 $0xE00;
	s30 =	sld [smem:$0x7CE]  }
0x2ef: {  	[tilespmem:s26], [sflag:$0x3] =	stream.linear.gather [spmem:s25], $0x80, $0x38;
	[tilespmem:$0x14F00] =	vst v63  }
0x2f0: {  	s31 =	simm.s32 $0xF00;
	s2 =	sld [smem:$0x7CF]  }
0x2f1: {  	[tilespmem:s31], [sflag:$0x3] =	stream.linear.gather [spmem:s30], $0x80, $0x38;
	[tilespmem:$0x14F00] =	vst v63  }
0x2f2: {  	s3 =	simm.s32 $0x1000;
	s8 =	sld [smem:$0x7D0]  }
0x2f3: {  	[tilespmem:s3], [sflag:$0x3] =	stream.linear.gather [spmem:s2], $0x80, $0x38;
	[tilespmem:$0x14F00] =	vst v63  }
0x2f4: {  	s11 =	simm.s32 $0x1100;
	s15 =	sld [smem:$0x7D1]  }
0x2f5: {  	[tilespmem:s11], [sflag:$0x3] =	stream.linear.gather [spmem:s8], $0x80, $0x38;
	[tilespmem:$0x14F00] =	vst v63  }
0x2f6: {  	s18 =	simm.s32 $0x1200;
	s23 =	sld [smem:$0x7D2]  }
0x2f7: {  	[tilespmem:s18], [sflag:$0x3] =	stream.linear.gather [spmem:s15], $0x80, $0x38;
	[tilespmem:$0x14F00] =	vst v63  }
0x2f8: {  	s24 =	simm.s32 $0x1300;
	s25 =	sld [smem:$0x7D3]  }
0x2f9: {  	[tilespmem:s24], [sflag:$0x3] =	stream.linear.gather [spmem:s23], $0x80, $0x38;
	[tilespmem:$0x14F00] =	vst v63  }
0x2fa: {  	s26 =	simm.s32 $0x1400;
	s30 =	sld [smem:$0x7D4]  }
0x2fb: {  	[tilespmem:s26], [sflag:$0x3] =	stream.linear.gather [spmem:s25], $0x80, $0x38;
	[tilespmem:$0x14F00] =	vst v63  }
0x2fc: {  	s31 =	simm.s32 $0x1500;
	s2 =	sld [smem:$0x7D5]  }
0x2fd: {  	[tilespmem:s31], [sflag:$0x3] =	stream.linear.gather [spmem:s30], $0x80, $0x38;
	[tilespmem:$0x14F00] =	vst v63  }
0x2fe: {  	s3 =	simm.s32 $0x1600;
	s8 =	sld [smem:$0x7D6]  }
0x2ff: {  	[tilespmem:s3], [sflag:$0x3] =	stream.linear.gather [spmem:s2], $0x80, $0x38;
	[tilespmem:$0x14F00] =	vst v63  }
0x300: {  	s11 =	simm.s32 $0x1700;
	s15 =	sld [smem:$0x7D7]  }
0x301: {  	[tilespmem:s11], [sflag:$0x3] =	stream.linear.gather [spmem:s8], $0x80, $0x38;
	[tilespmem:$0x14F00] =	vst v63  }
0x302: {  	s18 =	simm.s32 $0x1800;
	s23 =	sld [smem:$0x7D8]  }
0x303: {  	[tilespmem:s18], [sflag:$0x3] =	stream.linear.gather [spmem:s15], $0x80, $0x38;
	[tilespmem:$0x14F00] =	vst v63  }
0x304: {  	s24 =	simm.s32 $0x1900;
	s25 =	sld [smem:$0x7D9]  }
0x305: {  	[tilespmem:s24], [sflag:$0x3] =	stream.linear.gather [spmem:s23], $0x80, $0x38;
	[tilespmem:$0x14F00] =	vst v63  }
0x306: {  	s26 =	simm.s32 $0x1A00;
	s30 =	sld [smem:$0x7DA]  }
0x307: {  	[tilespmem:s26], [sflag:$0x3] =	stream.linear.gather [spmem:s25], $0x80, $0x38;
	[tilespmem:$0x14F00] =	vst v63  }
0x308: {  	s31 =	simm.s32 $0x1B00;
	s2 =	sld [smem:$0x7DB]  }
0x309: {  	[tilespmem:s31], [sflag:$0x3] =	stream.linear.gather [spmem:s30], $0x80, $0x38;
	[tilespmem:$0x14F00] =	vst v63  }
0x30a: {  	s3 =	simm.s32 $0x1C00;
	s8 =	sld [smem:$0x7DC]  }
0x30b: {  	[tilespmem:s3], [sflag:$0x3] =	stream.linear.gather [spmem:s2], $0x80, $0x38;
	[tilespmem:$0x14F00] =	vst v63  }
0x30c: {  	s11 =	simm.s32 $0x1D00;
	s15 =	sld [smem:$0x7DD]  }
0x30d: {  	[tilespmem:s11], [sflag:$0x3] =	stream.linear.gather [spmem:s8], $0x80, $0x38;
	[tilespmem:$0x14F00] =	vst v63  }
0x30e: {  	s18 =	simm.s32 $0x1E00;
	s23 =	sld [smem:$0x7DE]  }
0x30f: {  	[tilespmem:s18], [sflag:$0x3] =	stream.linear.gather [spmem:s15], $0x80, $0x38;
	[tilespmem:$0x14F00] =	vst v63  }
0x310: {  	s24 =	simm.s32 $0x1F00;
	s25 =	rddreg [dreg:$0x4]  }
0x311: {  	[tilespmem:s24], [sflag:$0x3] =	stream.linear.gather [spmem:s23], $0x80, $0x38;
	[tilespmem:$0x14F00] =	vst v63  }
0x312: {  	s26 =	simm.s32 $0x2000;
	s30 =	sld [smem:$0x7DF]  }
0x313: {  	[tilespmem:s26], [sflag:$0x3] =	stream.linear.gather [spmem:s25], $0x80, $0x38;
	[tilespmem:$0x14F00] =	vst v63  }
0x314: {  	s31 =	simm.s32 $0x2100;
	s2 =	sld [smem:$0x7E0]  }
0x315: {  	[tilespmem:s31], [sflag:$0x3] =	stream.linear.gather [spmem:s30], $0x80, $0x38;
	[tilespmem:$0x14F00] =	vst v63  }
0x316: {  	s3 =	simm.s32 $0x2200;
	s8 =	sld [smem:$0x7E1]  }
0x317: {  	[tilespmem:s3], [sflag:$0x3] =	stream.linear.gather [spmem:s2], $0x80, $0x38;
	[tilespmem:$0x14F00] =	vst v63  }
0x318: {  	s11 =	simm.s32 $0x2300;
	s15 =	sld [smem:$0x7E2]  }
0x319: {  	[tilespmem:s11], [sflag:$0x3] =	stream.linear.gather [spmem:s8], $0x80, $0x38;
	[tilespmem:$0x14F00] =	vst v63  }
0x31a: {  	s18 =	simm.s32 $0x2400;
	s23 =	sld [smem:$0x7E3]  }
0x31b: {  	[tilespmem:s18], [sflag:$0x3] =	stream.linear.gather [spmem:s15], $0x80, $0x38;
	[tilespmem:$0x14F00] =	vst v63  }
0x31c: {  	s24 =	simm.s32 $0x2500;
	s25 =	sld [smem:$0x7E4]  }
0x31d: {  	[tilespmem:s24], [sflag:$0x3] =	stream.linear.gather [spmem:s23], $0x80, $0x38;
	[tilespmem:$0x14F00] =	vst v63  }
0x31e: {  	s26 =	simm.s32 $0x2600;
	s30 =	sld [smem:$0x7E5]  }
0x31f: {  	[tilespmem:s26], [sflag:$0x3] =	stream.linear.gather [spmem:s25], $0x80, $0x38;
	[tilespmem:$0x14F00] =	vst v63  }
0x320: {  	s31 =	simm.s32 $0x2700;
	s2 =	sld [smem:$0x7E6]  }
0x321: {  	[tilespmem:s31], [sflag:$0x3] =	stream.linear.gather [spmem:s30], $0x80, $0x38;
	[tilespmem:$0x14F00] =	vst v63  }
0x322: {  	s3 =	simm.s32 $0x2800;
	s8 =	sld [smem:$0x7E7]  }
0x323: {  	[tilespmem:s3], [sflag:$0x3] =	stream.linear.gather [spmem:s2], $0x80, $0x38;
	[tilespmem:$0x14F00] =	vst v63  }
0x324: {  	s11 =	simm.s32 $0x2900;
	s15 =	sld [smem:$0x7E8]  }
0x325: {  	[tilespmem:s11], [sflag:$0x3] =	stream.linear.gather [spmem:s8], $0x80, $0x38;
	[tilespmem:$0x14F00] =	vst v63  }
0x326: {  	s18 =	simm.s32 $0x2A00;
	s23 =	sld [smem:$0x7E9]  }
0x327: {  	[tilespmem:s18], [sflag:$0x3] =	stream.linear.gather [spmem:s15], $0x80, $0x38;
	[tilespmem:$0x14F00] =	vst v63  }
0x328: {  	s24 =	simm.s32 $0x2B00;
	s25 =	sld [smem:$0x7EA]  }
0x329: {  	[tilespmem:s24], [sflag:$0x3] =	stream.linear.gather [spmem:s23], $0x80, $0x38;
	[tilespmem:$0x14F00] =	vst v63  }
0x32a: {  	s26 =	simm.s32 $0x2C00;
	s30 =	sld [smem:$0x7EB]  }
0x32b: {  	[tilespmem:s26], [sflag:$0x3] =	stream.linear.gather [spmem:s25], $0x80, $0x38;
	[tilespmem:$0x14F00] =	vst v63  }
0x32c: {  	s31 =	simm.s32 $0x2D00;
	s2 =	sld [smem:$0x7EC]  }
0x32d: {  	[tilespmem:s31], [sflag:$0x3] =	stream.linear.gather [spmem:s30], $0x80, $0x38;
	[tilespmem:$0x14F00] =	vst v63  }
0x32e: {  	s3 =	simm.s32 $0x2E00;
	s8 =	sld [smem:$0x7ED]  }
0x32f: {  	[tilespmem:s3], [sflag:$0x3] =	stream.linear.gather [spmem:s2], $0x80, $0x38;
	[tilespmem:$0x14F00] =	vst v63  }
0x330: {  	s11 =	simm.s32 $0x2F00;
	s15 =	sld [smem:$0x7EE]  }
0x331: {  	[tilespmem:s11], [sflag:$0x3] =	stream.linear.gather [spmem:s8], $0x80, $0x38;
	[tilespmem:$0x14F00] =	vst v63  }
0x332: {  	s18 =	simm.s32 $0x3000;
	s23 =	sld [smem:$0x7EF]  }
0x333: {  	[tilespmem:s18], [sflag:$0x3] =	stream.linear.gather [spmem:s15], $0x80, $0x38;
	[tilespmem:$0x14F00] =	vst v63  }
0x334: {  	s24 =	simm.s32 $0x3100;
	s25 =	sld [smem:$0x7F0]  }
0x335: {  	[tilespmem:s24], [sflag:$0x3] =	stream.linear.gather [spmem:s23], $0x80, $0x38;
	[tilespmem:$0x14F00] =	vst v63  }
0x336: {  	s26 =	simm.s32 $0x3200;
	s30 =	sld [smem:$0x7F1]  }
0x337: {  	[tilespmem:s26], [sflag:$0x3] =	stream.linear.gather [spmem:s25], $0x80, $0x38;
	[tilespmem:$0x14F00] =	vst v63  }
0x338: {  	s31 =	simm.s32 $0x3300;
	s2 =	sld [smem:$0x7F2]  }
0x339: {  	[tilespmem:s31], [sflag:$0x3] =	stream.linear.gather [spmem:s30], $0x80, $0x38;
	[tilespmem:$0x14F00] =	vst v63  }
0x33a: {  	s3 =	simm.s32 $0x3400;
	s8 =	sld [smem:$0x7F3]  }
0x33b: {  	[tilespmem:s3], [sflag:$0x3] =	stream.linear.gather [spmem:s2], $0x80, $0x38;
	[tilespmem:$0x14F00] =	vst v63  }
0x33c: {  	s11 =	simm.s32 $0x3500;
	s15 =	sld [smem:$0x7F4]  }
0x33d: {  	[tilespmem:s11], [sflag:$0x3] =	stream.linear.gather [spmem:s8], $0x80, $0x38;
	[tilespmem:$0x14F00] =	vst v63  }
0x33e: {  	s18 =	simm.s32 $0x3600;
	s23 =	sld [smem:$0x7F5]  }
0x33f: {  	[tilespmem:s18], [sflag:$0x3] =	stream.linear.gather [spmem:s15], $0x80, $0x38;
	[tilespmem:$0x14F00] =	vst v63  }
0x340: {  	s24 =	simm.s32 $0x3700;
	s25 =	sld [smem:$0x7F6]  }
0x341: {  	[tilespmem:s24], [sflag:$0x3] =	stream.linear.gather [spmem:s23], $0x80, $0x38;
	[tilespmem:$0x14F00] =	vst v63  }
0x342: {  	s26 =	simm.s32 $0x3800;
	s30 =	sld [smem:$0x7F7]  }
0x343: {  	[tilespmem:s26], [sflag:$0x3] =	stream.linear.gather [spmem:s25], $0x80, $0x38;
	[tilespmem:$0x14F00] =	vst v63  }
0x344: {  	s31 =	simm.s32 $0x3900;
	s2 =	sld [smem:$0x7F8]  }
0x345: {  	[tilespmem:s31], [sflag:$0x3] =	stream.linear.gather [spmem:s30], $0x80, $0x38;
	[tilespmem:$0x14F00] =	vst v63  }
0x346: {  	s3 =	simm.s32 $0x3A00;
	s8 =	sld [smem:$0x7F9]  }
0x347: {  	[tilespmem:s3], [sflag:$0x3] =	stream.linear.gather [spmem:s2], $0x80, $0x38;
	[tilespmem:$0x14F00] =	vst v63  }
0x348: {  	s11 =	simm.s32 $0x3B00;
	s15 =	sld [smem:$0x7FA]  }
0x349: {  	[tilespmem:s11], [sflag:$0x3] =	stream.linear.gather [spmem:s8], $0x80, $0x38;
	[tilespmem:$0x14F00] =	vst v63  }
0x34a: {  	s18 =	simm.s32 $0x3C00;
	s23 =	sld [smem:$0x7FB]  }
0x34b: {  	[tilespmem:s18], [sflag:$0x3] =	stream.linear.gather [spmem:s15], $0x80, $0x38;
	[tilespmem:$0x14F00] =	vst v63  }
0x34c: {  	s1 =	simm.s32 $0x4000;
	s24 =	simm.s32 $0x3D00;
	s25 =	sld [smem:$0x7FC]  }
0x34d: {  	[tilespmem:s24], [sflag:$0x3] =	stream.linear.gather [spmem:s23], $0x80, $0x38;
	[tilespmem:$0x14F00] =	vst v63  }
0x34e: {  	s26 =	simm.s32 $0x3E00;
	s30 =	sld [smem:$0x7FD];
	s31 =	simm.s32 $0x3F00  }
0x34f: {  	[tilespmem:s26], [sflag:$0x3] =	stream.linear.gather [spmem:s25], $0x80, $0x38;
	[tilespmem:$0x14F00] =	vst v63  }
0x350: {  	s2 =	simm.s32 $0x80;
	s3 =	simm.s32 $0x4200;
	s8 =	sadd.s32 $0x0, s9  }
0x351: {  	[tilespmem:s31], [sflag:$0x3] =	stream.linear.gather [spmem:s30], $0x80, $0x38;
	[tilespmem:$0x14F00] =	vst v63  }
.LBB2_6:
0x352: {  	[tilespmem:s1], [sflag:$0x1] =	stream.linear.gather [hbm4b:s8+s4], $0x80, $0x38;
	[tilespmem:$0x14F00] =	vst v63  }
0x353: {  	s8 =	smov.u32 s2;
	s1 =	smov.u32 s3;
	p1 =	sne.s32 s2, $0xF80  }
.Ltmp2:
0x354: {  	s2 =	sadd.s32 $0x80, s2;
	(pc) =	sbr.rel @p1 .LBB2_6-.Ltmp2, $2  }
0x355: {  	_ =	sdelay $0x2  }
0x356: {  	s3 =	sadd.s32 $0x200, s3;
	s8 =	sadd.s32 s8, s9  }
0x357: {  	[tilespmem:s1], [sflag:$0x1] =	stream.linear.gather [hbm4b:s8+s4], $0x80, $0x38;
	[tilespmem:$0x14F00] =	vst v63  }
0x358: {  	s1 =	simm.s32 $0x4080  }
0x359: {  	s2 =	simm.s32 $0x80;
	s8 =	sadd.s32 $0x0, s10;
	s3 =	simm.s32 $0x4280  }
.LBB2_8:
0x35a: {  	[tilespmem:s1], [sflag:$0x1] =	stream.linear.gather [hbm4b:s8+s4], $0x80, $0x38;
	[tilespmem:$0x14F00] =	vst v63  }
0x35b: {  	s8 =	smov.u32 s2;
	s1 =	smov.u32 s3;
	p1 =	sne.s32 s2, $0xF80  }
.Ltmp3:
0x35c: {  	s2 =	sadd.s32 $0x80, s2;
	(pc) =	sbr.rel @p1 .LBB2_8-.Ltmp3, $2  }
0x35d: {  	_ =	sdelay $0x2  }
0x35e: {  	s3 =	sadd.s32 $0x200, s3;
	s8 =	sadd.s32 s8, s10  }
0x35f: {  	[tilespmem:s1], [sflag:$0x1] =	stream.linear.gather [hbm4b:s8+s4], $0x80, $0x38;
	[tilespmem:$0x14F00] =	vst v63  }
0x360: {  	s1 =	simm.s32 $0x4100  }
0x361: {  	s2 =	simm.s32 $0x80;
	s8 =	sadd.s32 $0x0, s12;
	s3 =	simm.s32 $0x4300  }
.LBB2_10:
0x362: {  	[tilespmem:s1], [sflag:$0x1] =	stream.linear.gather [hbm4b:s8+s4], $0x80, $0x38;
	[tilespmem:$0x14F00] =	vst v63  }
0x363: {  	s8 =	smov.u32 s2;
	s1 =	smov.u32 s3;
	p1 =	sne.s32 s2, $0xF80  }
.Ltmp4:
0x364: {  	s2 =	sadd.s32 $0x80, s2;
	(pc) =	sbr.rel @p1 .LBB2_10-.Ltmp4, $2  }
0x365: {  	_ =	sdelay $0x2  }
0x366: {  	s3 =	sadd.s32 $0x200, s3;
	s8 =	sadd.s32 s8, s12  }
0x367: {  	[tilespmem:s1], [sflag:$0x1] =	stream.linear.gather [hbm4b:s8+s4], $0x80, $0x38;
	[tilespmem:$0x14F00] =	vst v63  }
0x368: {  	s8 =	simm.s32 $0x0;
	s1 =	simm.s32 $0x4180  }
0x369: {  	s2 =	simm.s32 $0x80;
	s11 =	sadd.s32 $0x0, s13;
	s3 =	simm.s32 $0x4380  }
.LBB2_12:
0x36a: {  	[tilespmem:s1], [sflag:$0x1] =	stream.linear.gather [hbm4b:s11+s8], $0x80, $0x38;
	[tilespmem:$0x14F00] =	vst v63  }
0x36b: {  	s11 =	smov.u32 s2;
	s1 =	smov.u32 s3;
	p1 =	sne.s32 s2, $0xF80  }
.Ltmp5:
0x36c: {  	s2 =	sadd.s32 $0x80, s2;
	(pc) =	sbr.rel @p1 .LBB2_12-.Ltmp5, $2  }
0x36d: {  	_ =	sdelay $0x2  }
0x36e: {  	s3 =	sadd.s32 $0x200, s3;
	s11 =	sadd.s32 s11, s13  }
0x36f: {  	[tilespmem:s1], [sflag:$0x1] =	stream.linear.gather [hbm4b:s11+s8], $0x80, $0x38;
	[tilespmem:$0x14F00] =	vst v63  }
.LBB2_14:
0x370: {  	s1 =	sshllo.u32 s8, $0x1  }
0x371: {  	s3 =	rddreg [dreg:$0x3];
	s2 =	sshll.u32 s1, $0xC  }
0x372: {  	s11 =	simm.s32 $0x80;
	s3 =	sadd.s32 s2, s3  }
0x373: {  	[tilespmem:s11], [sflag:$0x4] =	stream.linear.gather [spmem:s3], $0x80, $0x38;
	[tilespmem:$0x14F00] =	vst v63  }
0x374: {  	s15 =	simm.s32 $0x180;
	s24 =	sadd.s32 $0x80, s3  }
0x375: {  	[tilespmem:s15], [sflag:$0x4] =	stream.linear.gather [spmem:s24], $0x80, $0x38;
	[tilespmem:$0x14F00] =	vst v63  }
0x376: {  	s26 =	simm.s32 $0x280;
	s25 =	sadd.s32 $0x100, s3  }
0x377: {  	[tilespmem:s26], [sflag:$0x4] =	stream.linear.gather [spmem:s25], $0x80, $0x38;
	[tilespmem:$0x14F00] =	vst v63  }
0x378: {  	s31 =	simm.s32 $0x380;
	s30 =	sadd.s32 $0x180, s3  }
0x379: {  	[tilespmem:s31], [sflag:$0x4] =	stream.linear.gather [spmem:s30], $0x80, $0x38;
	[tilespmem:$0x14F00] =	vst v63  }
0x37a: {  	s18 =	simm.s32 $0x480;
	s15 =	sadd.s32 $0x200, s3  }
0x37b: {  	[tilespmem:s18], [sflag:$0x4] =	stream.linear.gather [spmem:s15], $0x80, $0x38;
	[tilespmem:$0x14F00] =	vst v63  }
0x37c: {  	s23 =	sadd.s32 $0x280, s3;
	s24 =	simm.s32 $0x580  }
0x37d: {  	[tilespmem:s24], [sflag:$0x4] =	stream.linear.gather [spmem:s23], $0x80, $0x38;
	[tilespmem:$0x14F00] =	vst v63  }
0x37e: {  	s25 =	sadd.s32 $0x300, s3;
	s26 =	simm.s32 $0x680  }
0x37f: {  	[tilespmem:s26], [sflag:$0x4] =	stream.linear.gather [spmem:s25], $0x80, $0x38;
	[tilespmem:$0x14F00] =	vst v63  }
0x380: {  	s30 =	sadd.s32 $0x380, s3;
	s31 =	simm.s32 $0x780  }
0x381: {  	[tilespmem:s31], [sflag:$0x4] =	stream.linear.gather [spmem:s30], $0x80, $0x38;
	[tilespmem:$0x14F00] =	vst v63  }
0x382: {  	s15 =	sadd.s32 $0x400, s3;
	s18 =	simm.s32 $0x880  }
0x383: {  	[tilespmem:s18], [sflag:$0x4] =	stream.linear.gather [spmem:s15], $0x80, $0x38;
	[tilespmem:$0x14F00] =	vst v63  }
0x384: {  	s23 =	sadd.s32 $0x480, s3;
	s24 =	simm.s32 $0x980  }
0x385: {  	[tilespmem:s24], [sflag:$0x4] =	stream.linear.gather [spmem:s23], $0x80, $0x38;
	[tilespmem:$0x14F00] =	vst v63  }
0x386: {  	s25 =	sadd.s32 $0x500, s3;
	s26 =	simm.s32 $0xA80  }
0x387: {  	[tilespmem:s26], [sflag:$0x4] =	stream.linear.gather [spmem:s25], $0x80, $0x38;
	[tilespmem:$0x14F00] =	vst v63  }
0x388: {  	s30 =	sadd.s32 $0x580, s3;
	s31 =	simm.s32 $0xB80  }
0x389: {  	[tilespmem:s31], [sflag:$0x4] =	stream.linear.gather [spmem:s30], $0x80, $0x38;
	[tilespmem:$0x14F00] =	vst v63  }
0x38a: {  	s15 =	sadd.s32 $0x600, s3;
	s18 =	simm.s32 $0xC80  }
0x38b: {  	[tilespmem:s18], [sflag:$0x4] =	stream.linear.gather [spmem:s15], $0x80, $0x38;
	[tilespmem:$0x14F00] =	vst v63  }
0x38c: {  	s23 =	sadd.s32 $0x680, s3;
	s24 =	simm.s32 $0xD80  }
0x38d: {  	[tilespmem:s24], [sflag:$0x4] =	stream.linear.gather [spmem:s23], $0x80, $0x38;
	[tilespmem:$0x14F00] =	vst v63  }
0x38e: {  	s25 =	sadd.s32 $0x700, s3;
	s26 =	simm.s32 $0xE80  }
0x38f: {  	[tilespmem:s26], [sflag:$0x4] =	stream.linear.gather [spmem:s25], $0x80, $0x38;
	[tilespmem:$0x14F00] =	vst v63  }
0x390: {  	s30 =	sadd.s32 $0x780, s3;
	s31 =	simm.s32 $0xF80  }
0x391: {  	[tilespmem:s31], [sflag:$0x4] =	stream.linear.gather [spmem:s30], $0x80, $0x38;
	[tilespmem:$0x14F00] =	vst v63  }
0x392: {  	s15 =	sadd.s32 $0x800, s3;
	s18 =	simm.s32 $0x1080  }
0x393: {  	[tilespmem:s18], [sflag:$0x4] =	stream.linear.gather [spmem:s15], $0x80, $0x38;
	[tilespmem:$0x14F00] =	vst v63  }
0x394: {  	s23 =	sadd.s32 $0x880, s3;
	s24 =	simm.s32 $0x1180  }
0x395: {  	[tilespmem:s24], [sflag:$0x4] =	stream.linear.gather [spmem:s23], $0x80, $0x38;
	[tilespmem:$0x14F00] =	vst v63  }
0x396: {  	s25 =	sadd.s32 $0x900, s3;
	s26 =	simm.s32 $0x1280  }
0x397: {  	[tilespmem:s26], [sflag:$0x4] =	stream.linear.gather [spmem:s25], $0x80, $0x38;
	[tilespmem:$0x14F00] =	vst v63  }
0x398: {  	s30 =	sadd.s32 $0x980, s3;
	s31 =	simm.s32 $0x1380  }
0x399: {  	[tilespmem:s31], [sflag:$0x4] =	stream.linear.gather [spmem:s30], $0x80, $0x38;
	[tilespmem:$0x14F00] =	vst v63  }
0x39a: {  	s15 =	sadd.s32 $0xA00, s3;
	s18 =	simm.s32 $0x1480  }
0x39b: {  	[tilespmem:s18], [sflag:$0x4] =	stream.linear.gather [spmem:s15], $0x80, $0x38;
	[tilespmem:$0x14F00] =	vst v63  }
0x39c: {  	s23 =	sadd.s32 $0xA80, s3;
	s24 =	simm.s32 $0x1580  }
0x39d: {  	[tilespmem:s24], [sflag:$0x4] =	stream.linear.gather [spmem:s23], $0x80, $0x38;
	[tilespmem:$0x14F00] =	vst v63  }
0x39e: {  	s25 =	sadd.s32 $0xB00, s3;
	s26 =	simm.s32 $0x1680  }
0x39f: {  	[tilespmem:s26], [sflag:$0x4] =	stream.linear.gather [spmem:s25], $0x80, $0x38;
	[tilespmem:$0x14F00] =	vst v63  }
0x3a0: {  	s30 =	sadd.s32 $0xB80, s3;
	s31 =	simm.s32 $0x1780  }
0x3a1: {  	[tilespmem:s31], [sflag:$0x4] =	stream.linear.gather [spmem:s30], $0x80, $0x38;
	[tilespmem:$0x14F00] =	vst v63  }
0x3a2: {  	s15 =	sadd.s32 $0xC00, s3;
	s18 =	simm.s32 $0x1880  }
0x3a3: {  	[tilespmem:s18], [sflag:$0x4] =	stream.linear.gather [spmem:s15], $0x80, $0x38;
	[tilespmem:$0x14F00] =	vst v63  }
0x3a4: {  	s23 =	sadd.s32 $0xC80, s3;
	s24 =	simm.s32 $0x1980  }
0x3a5: {  	[tilespmem:s24], [sflag:$0x4] =	stream.linear.gather [spmem:s23], $0x80, $0x38;
	[tilespmem:$0x14F00] =	vst v63  }
0x3a6: {  	s25 =	sadd.s32 $0xD00, s3;
	s26 =	simm.s32 $0x1A80  }
0x3a7: {  	[tilespmem:s26], [sflag:$0x4] =	stream.linear.gather [spmem:s25], $0x80, $0x38;
	[tilespmem:$0x14F00] =	vst v63  }
0x3a8: {  	s30 =	sadd.s32 $0xD80, s3;
	s31 =	simm.s32 $0x1B80  }
0x3a9: {  	[tilespmem:s31], [sflag:$0x4] =	stream.linear.gather [spmem:s30], $0x80, $0x38;
	[tilespmem:$0x14F00] =	vst v63  }
0x3aa: {  	s18 =	sadd.s32 $0xE00, s3;
	s23 =	simm.s32 $0x1C80  }
0x3ab: {  	[tilespmem:s23], [sflag:$0x4] =	stream.linear.gather [spmem:s18], $0x80, $0x38;
	[tilespmem:$0x14F00] =	vst v63  }
0x3ac: {  	s24 =	sadd.s32 $0xE80, s3;
	s25 =	simm.s32 $0x1D80  }
0x3ad: {  	[tilespmem:s25], [sflag:$0x4] =	stream.linear.gather [spmem:s24], $0x80, $0x38;
	[tilespmem:$0x14F00] =	vst v63  }
0x3ae: {  	s26 =	sadd.s32 $0xF00, s3;
	s30 =	simm.s32 $0x1E80  }
0x3af: {  	[tilespmem:s30], [sflag:$0x4] =	stream.linear.gather [spmem:s26], $0x80, $0x38;
	[tilespmem:$0x14F00] =	vst v63  }
0x3b0: {  	s15 =	rddreg [dreg:$0x4];
	s3 =	sadd.s32 $0xF80, s3;
	s31 =	simm.s32 $0x1F80  }
0x3b1: {  	[tilespmem:s31], [sflag:$0x4] =	stream.linear.gather [spmem:s3], $0x80, $0x38;
	[tilespmem:$0x14F00] =	vst v63  }
0x3b2: {  	s2 =	sadd.s32 s2, s15;
	s18 =	simm.s32 $0x2080  }
0x3b3: {  	[tilespmem:s18], [sflag:$0x4] =	stream.linear.gather [spmem:s2], $0x80, $0x38;
	[tilespmem:$0x14F00] =	vst v63  }
0x3b4: {  	s23 =	sadd.s32 $0x80, s2;
	s24 =	simm.s32 $0x2180  }
0x3b5: {  	[tilespmem:s24], [sflag:$0x4] =	stream.linear.gather [spmem:s23], $0x80, $0x38;
	[tilespmem:$0x14F00] =	vst v63  }
0x3b6: {  	s25 =	sadd.s32 $0x100, s2;
	s26 =	simm.s32 $0x2280  }
0x3b7: {  	[tilespmem:s26], [sflag:$0x4] =	stream.linear.gather [spmem:s25], $0x80, $0x38;
	[tilespmem:$0x14F00] =	vst v63  }
0x3b8: {  	s30 =	sadd.s32 $0x180, s2;
	s31 =	simm.s32 $0x2380  }
0x3b9: {  	[tilespmem:s31], [sflag:$0x4] =	stream.linear.gather [spmem:s30], $0x80, $0x38;
	[tilespmem:$0x14F00] =	vst v63  }
0x3ba: {  	s15 =	sadd.s32 $0x200, s2;
	s18 =	simm.s32 $0x2480  }
0x3bb: {  	[tilespmem:s18], [sflag:$0x4] =	stream.linear.gather [spmem:s15], $0x80, $0x38;
	[tilespmem:$0x14F00] =	vst v63  }
0x3bc: {  	s23 =	sadd.s32 $0x280, s2;
	s24 =	simm.s32 $0x2580  }
0x3bd: {  	[tilespmem:s24], [sflag:$0x4] =	stream.linear.gather [spmem:s23], $0x80, $0x38;
	[tilespmem:$0x14F00] =	vst v63  }
0x3be: {  	s25 =	sadd.s32 $0x300, s2;
	s26 =	simm.s32 $0x2680  }
0x3bf: {  	[tilespmem:s26], [sflag:$0x4] =	stream.linear.gather [spmem:s25], $0x80, $0x38;
	[tilespmem:$0x14F00] =	vst v63  }
0x3c0: {  	s30 =	sadd.s32 $0x380, s2;
	s31 =	simm.s32 $0x2780  }
0x3c1: {  	[tilespmem:s31], [sflag:$0x4] =	stream.linear.gather [spmem:s30], $0x80, $0x38;
	[tilespmem:$0x14F00] =	vst v63  }
0x3c2: {  	s15 =	sadd.s32 $0x400, s2;
	s18 =	simm.s32 $0x2880  }
0x3c3: {  	[tilespmem:s18], [sflag:$0x4] =	stream.linear.gather [spmem:s15], $0x80, $0x38;
	[tilespmem:$0x14F00] =	vst v63  }
0x3c4: {  	s23 =	sadd.s32 $0x480, s2;
	s24 =	simm.s32 $0x2980  }
0x3c5: {  	[tilespmem:s24], [sflag:$0x4] =	stream.linear.gather [spmem:s23], $0x80, $0x38;
	[tilespmem:$0x14F00] =	vst v63  }
0x3c6: {  	s25 =	sadd.s32 $0x500, s2;
	s26 =	simm.s32 $0x2A80  }
0x3c7: {  	[tilespmem:s26], [sflag:$0x4] =	stream.linear.gather [spmem:s25], $0x80, $0x38;
	[tilespmem:$0x14F00] =	vst v63  }
0x3c8: {  	s30 =	sadd.s32 $0x580, s2;
	s31 =	simm.s32 $0x2B80  }
0x3c9: {  	[tilespmem:s31], [sflag:$0x4] =	stream.linear.gather [spmem:s30], $0x80, $0x38;
	[tilespmem:$0x14F00] =	vst v63  }
0x3ca: {  	s15 =	sadd.s32 $0x600, s2;
	s18 =	simm.s32 $0x2C80  }
0x3cb: {  	[tilespmem:s18], [sflag:$0x4] =	stream.linear.gather [spmem:s15], $0x80, $0x38;
	[tilespmem:$0x14F00] =	vst v63  }
0x3cc: {  	s23 =	sadd.s32 $0x680, s2;
	s24 =	simm.s32 $0x2D80  }
0x3cd: {  	[tilespmem:s24], [sflag:$0x4] =	stream.linear.gather [spmem:s23], $0x80, $0x38;
	[tilespmem:$0x14F00] =	vst v63  }
0x3ce: {  	s25 =	sadd.s32 $0x700, s2;
	s26 =	simm.s32 $0x2E80  }
0x3cf: {  	[tilespmem:s26], [sflag:$0x4] =	stream.linear.gather [spmem:s25], $0x80, $0x38;
	[tilespmem:$0x14F00] =	vst v63  }
0x3d0: {  	s30 =	sadd.s32 $0x780, s2;
	s31 =	simm.s32 $0x2F80  }
0x3d1: {  	[tilespmem:s31], [sflag:$0x4] =	stream.linear.gather [spmem:s30], $0x80, $0x38;
	[tilespmem:$0x14F00] =	vst v63  }
0x3d2: {  	s15 =	sadd.s32 $0x800, s2;
	s18 =	simm.s32 $0x3080  }
0x3d3: {  	[tilespmem:s18], [sflag:$0x4] =	stream.linear.gather [spmem:s15], $0x80, $0x38;
	[tilespmem:$0x14F00] =	vst v63  }
0x3d4: {  	s23 =	sadd.s32 $0x880, s2;
	s24 =	simm.s32 $0x3180  }
0x3d5: {  	[tilespmem:s24], [sflag:$0x4] =	stream.linear.gather [spmem:s23], $0x80, $0x38;
	[tilespmem:$0x14F00] =	vst v63  }
0x3d6: {  	s25 =	sadd.s32 $0x900, s2;
	s26 =	simm.s32 $0x3280  }
0x3d7: {  	[tilespmem:s26], [sflag:$0x4] =	stream.linear.gather [spmem:s25], $0x80, $0x38;
	[tilespmem:$0x14F00] =	vst v63  }
0x3d8: {  	s30 =	sadd.s32 $0x980, s2;
	s31 =	simm.s32 $0x3380  }
0x3d9: {  	[tilespmem:s31], [sflag:$0x4] =	stream.linear.gather [spmem:s30], $0x80, $0x38;
	[tilespmem:$0x14F00] =	vst v63  }
0x3da: {  	s15 =	sadd.s32 $0xA00, s2;
	s18 =	simm.s32 $0x3480  }
0x3db: {  	[tilespmem:s18], [sflag:$0x4] =	stream.linear.gather [spmem:s15], $0x80, $0x38;
	[tilespmem:$0x14F00] =	vst v63  }
0x3dc: {  	s23 =	sadd.s32 $0xA80, s2;
	s24 =	simm.s32 $0x3580  }
0x3dd: {  	[tilespmem:s24], [sflag:$0x4] =	stream.linear.gather [spmem:s23], $0x80, $0x38;
	[tilespmem:$0x14F00] =	vst v63  }
0x3de: {  	s25 =	sadd.s32 $0xB00, s2;
	s26 =	simm.s32 $0x3680  }
0x3df: {  	[tilespmem:s26], [sflag:$0x4] =	stream.linear.gather [spmem:s25], $0x80, $0x38;
	[tilespmem:$0x14F00] =	vst v63  }
0x3e0: {  	s30 =	sadd.s32 $0xB80, s2;
	s31 =	simm.s32 $0x3780  }
0x3e1: {  	[tilespmem:s31], [sflag:$0x4] =	stream.linear.gather [spmem:s30], $0x80, $0x38;
	[tilespmem:$0x14F00] =	vst v63  }
0x3e2: {  	s15 =	sadd.s32 $0xC00, s2;
	s18 =	simm.s32 $0x3880  }
0x3e3: {  	[tilespmem:s18], [sflag:$0x4] =	stream.linear.gather [spmem:s15], $0x80, $0x38;
	[tilespmem:$0x14F00] =	vst v63  }
0x3e4: {  	s23 =	sadd.s32 $0xC80, s2;
	s24 =	simm.s32 $0x3980  }
0x3e5: {  	[tilespmem:s24], [sflag:$0x4] =	stream.linear.gather [spmem:s23], $0x80, $0x38;
	[tilespmem:$0x14F00] =	vst v63  }
0x3e6: {  	s25 =	sadd.s32 $0xD00, s2;
	s26 =	simm.s32 $0x3A80  }
0x3e7: {  	[tilespmem:s26], [sflag:$0x4] =	stream.linear.gather [spmem:s25], $0x80, $0x38;
	[tilespmem:$0x14F00] =	vst v63  }
0x3e8: {  	s30 =	sadd.s32 $0xD80, s2;
	s31 =	simm.s32 $0x3B80  }
0x3e9: {  	[tilespmem:s31], [sflag:$0x4] =	stream.linear.gather [spmem:s30], $0x80, $0x38;
	[tilespmem:$0x14F00] =	vst v63  }
0x3ea: {  	s15 =	sadd.s32 $0xE00, s2;
	s18 =	simm.s32 $0x3C80  }
0x3eb: {  	[tilespmem:s18], [sflag:$0x4] =	stream.linear.gather [spmem:s15], $0x80, $0x38;
	[tilespmem:$0x14F00] =	vst v63  }
0x3ec: {  	s1 =	sshll.u32 s1, $0xF;
	s23 =	sadd.s32 $0xE80, s2;
	s24 =	simm.s32 $0x3D80  }
0x3ed: {  	[tilespmem:s24], [sflag:$0x4] =	stream.linear.gather [spmem:s23], $0x80, $0x38;
	[tilespmem:$0x14F00] =	vst v63  }
0x3ee: {  	s1 =	sadd.s32 s17, s1;
	s25 =	sadd.s32 $0xF00, s2;
	s26 =	simm.s32 $0x3E80  }
0x3ef: {  	[tilespmem:s26], [sflag:$0x4] =	stream.linear.gather [spmem:s25], $0x80, $0x38;
	[tilespmem:$0x14F00] =	vst v63  }
0x3f0: {  	s2 =	sadd.s32 $0xF80, s2;
	s30 =	simm.s32 $0x3F80;
	s31 =	rddreg [dreg:$0xe]  }
0x3f1: {  	[tilespmem:s30], [sflag:$0x4] =	stream.linear.gather [spmem:s2], $0x80, $0x38;
	[tilespmem:$0x14F00] =	vst v63  }
0x3f2: {  	s2 =	sor.u32 s31, s1  }
0x3f3: {  	s2 =	sshrl.u32 s2, $0x3  }
0x3f4: {  	s11 =	simm.s32 $0x80;
	s3 =	simm.s32 $0x8000;
	s2 =	sadd.s32 s0, s2  }
0x3f5: {  	s18 =	simm.s32 $0x8200;
	s23 =	sshll.u32 s8, $0x1;
	s24 =	sadd.s32 $0x0, s2  }
.LBB2_15:
0x3f6: {  	[tilespmem:s3], [sflag:$0x2] =	stream.linear.gather [hbm4b:s24+s4], $0x80, $0x38;
	[tilespmem:$0x14F00] =	vst v63  }
0x3f7: {  	s24 =	smov.u32 s11;
	s3 =	smov.u32 s18;
	p1 =	sne.s32 s11, $0xF80  }
.Ltmp6:
0x3f8: {  	s11 =	sadd.s32 $0x80, s11;
	(pc) =	sbr.rel @p1 .LBB2_15-.Ltmp6, $2  }
0x3f9: {  	_ =	sdelay $0x2  }
0x3fa: {  	s18 =	sadd.s32 $0x200, s18;
	s24 =	sadd.s32 s24, s2  }
0x3fb: {  	[tilespmem:s3], [sflag:$0x2] =	stream.linear.gather [hbm4b:s24+s4], $0x80, $0x38;
	[tilespmem:$0x14F00] =	vst v63  }
0x3fc: {  	s2 =	sor.u32 s29, s1  }
0x3fd: {  	s2 =	sshrl.u32 s2, $0x3  }
0x3fe: {  	s3 =	simm.s32 $0x8080;
	s2 =	sadd.s32 s0, s2  }
0x3ff: {  	s11 =	simm.s32 $0x80;
	s18 =	simm.s32 $0x8280;
	s24 =	sadd.s32 $0x0, s2  }
.LBB2_17:
0x400: {  	[tilespmem:s3], [sflag:$0x2] =	stream.linear.gather [hbm4b:s24+s4], $0x80, $0x38;
	[tilespmem:$0x14F00] =	vst v63  }
0x401: {  	s24 =	smov.u32 s11;
	s3 =	smov.u32 s18;
	p1 =	sne.s32 s11, $0xF80  }
.Ltmp7:
0x402: {  	s11 =	sadd.s32 $0x80, s11;
	(pc) =	sbr.rel @p1 .LBB2_17-.Ltmp7, $2  }
0x403: {  	_ =	sdelay $0x2  }
0x404: {  	s18 =	sadd.s32 $0x200, s18;
	s24 =	sadd.s32 s24, s2  }
0x405: {  	[tilespmem:s3], [sflag:$0x2] =	stream.linear.gather [hbm4b:s24+s4], $0x80, $0x38;
	[tilespmem:$0x14F00] =	vst v63  }
0x406: {  	s2 =	sor.u32 s14, s1  }
0x407: {  	s2 =	sshrl.u32 s2, $0x3  }
0x408: {  	s3 =	simm.s32 $0x8100;
	s2 =	sadd.s32 s0, s2  }
0x409: {  	s11 =	simm.s32 $0x80;
	s18 =	simm.s32 $0x8300;
	s24 =	sadd.s32 $0x0, s2  }
.LBB2_19:
0x40a: {  	[tilespmem:s3], [sflag:$0x2] =	stream.linear.gather [hbm4b:s24+s4], $0x80, $0x38;
	[tilespmem:$0x14F00] =	vst v63  }
0x40b: {  	s24 =	smov.u32 s11;
	s3 =	smov.u32 s18;
	p1 =	sne.s32 s11, $0xF80  }
.Ltmp8:
0x40c: {  	s11 =	sadd.s32 $0x80, s11;
	(pc) =	sbr.rel @p1 .LBB2_19-.Ltmp8, $2  }
0x40d: {  	_ =	sdelay $0x2  }
0x40e: {  	s18 =	sadd.s32 $0x200, s18;
	s24 =	sadd.s32 s24, s2  }
0x40f: {  	[tilespmem:s3], [sflag:$0x2] =	stream.linear.gather [hbm4b:s24+s4], $0x80, $0x38;
	[tilespmem:$0x14F00] =	vst v63  }
0x410: {  	s1 =	sor.u32 s16, s1  }
0x411: {  	s1 =	sshrl.u32 s1, $0x3  }
0x412: {  	s2 =	simm.s32 $0x8180;
	s1 =	sadd.s32 s0, s1  }
0x413: {  	s3 =	simm.s32 $0x80;
	s11 =	simm.s32 $0x8380;
	s18 =	sadd.s32 $0x0, s1  }
.LBB2_21:
0x414: {  	[tilespmem:s2], [sflag:$0x2] =	stream.linear.gather [hbm4b:s18+s4], $0x80, $0x38;
	[tilespmem:$0x14F00] =	vst v63  }
0x415: {  	s18 =	smov.u32 s3;
	s2 =	smov.u32 s11;
	p1 =	sne.s32 s3, $0xF80  }
.Ltmp9:
0x416: {  	s3 =	sadd.s32 $0x80, s3;
	(pc) =	sbr.rel @p1 .LBB2_21-.Ltmp9, $2  }
0x417: {  	_ =	sdelay $0x2  }
0x418: {  	s11 =	sadd.s32 $0x200, s11;
	s18 =	sadd.s32 s18, s1  }
0x419: {  	[tilespmem:s2], [sflag:$0x2] =	stream.linear.gather [hbm4b:s18+s4], $0x80, $0x38;
	[tilespmem:$0x14F00] =	vst v63  }
0x41a: {  	_ =	swait.ge [sflag:s28], $0x1000  }
0x41b: {  	[sflag:s28] =	ssyncset.done $0x0  }
0x41c: {  	[sflag:s28] =	ssyncadd.s32 $0xFFFFF000  }
0x41d: {  	_ =	swait.ge [sflag:s28], $0x1000  }
0x41e: {  	[sflag:s28] =	ssyncset.done $0x0  }
0x41f: {  	[sflag:s28] =	ssyncadd.s32 $0xFFFFF000  }
0x420: {  	_ =	swait.ge [sflag:s19], $0x1000  }
0x421: {  	[sflag:s19] =	ssyncset.done $0x0  }
0x422: {  	[sflag:s19] =	ssyncadd.s32 $0xFFFFF000  }
0x423: {  	_ =	swait.ge [sflag:s19], $0x1000  }
0x424: {  	[sflag:s19] =	ssyncset.done $0x0  }
0x425: {  	[sflag:s19] =	ssyncadd.s32 $0xFFFFF000  }
0x426: {  	_ =	swait.ge [sflag:s19], $0x1000  }
0x427: {  	[sflag:s19] =	ssyncset.done $0x0  }
0x428: {  	[sflag:s19] =	ssyncadd.s32 $0xFFFFF000  }
0x429: {  	_ =	swait.ge [sflag:s19], $0x1000  }
0x42a: {  	s24 =	simm.s32 $0x0;
	s1 =	simm.s32 $0x0;
	[sflag:s19] =	ssyncset.done $0x0  }
0x42b: {  	s2 =	sand.u32 $0x40, s24;
	s1 =	sand.u32 $0xFFFFFF00, s1;
	[sflag:s19] =	ssyncadd.s32 $0xFFFFF000  }
0x42c: {  	s3 =	sor.u32 s2, s1;
	v1 =	vld [tilespmem:$0x0]  }
0x42d: {  	v3 =	vld [tilespmem:s3+$0x0];
	_ =	sdelay $0x4  }
0x42e: {  	vm0 =	vne.s32 v3, v1;
	_ =	sdelay $0x2  }
0x42f: {  	s11 =	simm.s32 $0x0;
	s31 =	sor.u32 $0x10, s2  }
0x430: {  	s11 =	sand.u32 $0x3FFFFE00, s11;
	s15 =	sor.u32 s1, s31;
	v4 =	vld [tilespmem:s3+$0x2000]  }
0x431: {  	v5 =	vimm.f32 $0.0e+00;
	s25 =	sadd.s32 $0x4000, s11;
	v2 =	vld [tilespmem:s15+$0x0]  }
0x432: {  	s3 =	sor.u32 s2, s25;
	[tilespmem:v1+s20+$0x0] =	vst.idx.add.f32.msk vm0, v5  }
0x433: {  	v6 =	vld [tilespmem:s3+$0x0]  }
0x434: {  	[tilespmem:v1+s21+$0x0] =	vst.idx.add.f32.msk vm0, v5  }
0x435: {  	v7 =	vld [tilespmem:s3+$0x80]  }
0x436: {  	[tilespmem:v1+s22+$0x0] =	vst.idx.add.f32.msk vm0, v5  }
0x437: {  	vm1 =	vne.s32 v2, v3;
	v8 =	vld [tilespmem:s3+$0x100]  }
0x438: {  	[tilespmem:v1+s5+$0x0] =	vst.idx.add.f32.msk vm0, v5;
	v6 =	vmul.f32 v6, v4  }
0x439: {  	v9 =	vld [tilespmem:s3+$0x180]  }
0x43a: {  	s26 =	sor.u32 $0x20, s2;
	v7 =	vmul.f32 v7, v4;
	v1 =	vadd.f32 v6, v5  }
0x43b: {  	s30 =	sor.u32 s1, s26;
	v10 =	vld [tilespmem:s15+$0x2000]  }
0x43c: {  	v8 =	vmul.f32 v8, v4;
	v11 =	vadd.f32 v7, v5;
	v6 =	vsel vm0, v6, v1;
	v1 =	vld [tilespmem:s30+$0x0]  }
0x43d: {  	s31 =	sor.u32 s31, s25;
	[tilespmem:v3+s20+$0x0] =	vst.idx.add.f32.msk vm1, v6  }
0x43e: {  	v4 =	vmul.f32 v9, v4;
	v7 =	vsel vm0, v7, v11;
	v11 =	vadd.f32 v8, v5;
	v9 =	vld [tilespmem:s31+$0x0]  }
0x43f: {  	[tilespmem:v3+s21+$0x0] =	vst.idx.add.f32.msk vm1, v7  }
0x440: {  	v5 =	vadd.f32 v4, v5;
	v8 =	vsel vm0, v8, v11;
	v11 =	vld [tilespmem:s31+$0x80]  }
0x441: {  	[tilespmem:v3+s22+$0x0] =	vst.idx.add.f32.msk vm1, v8  }
0x442: {  	v5 =	vsel vm0, v4, v5;
	v12 =	vld [tilespmem:s31+$0x100];
	vm0 =	vne.s32 v1, v2  }
0x443: {  	[tilespmem:v3+s5+$0x0] =	vst.idx.add.f32.msk vm1, v5;
	v9 =	vmul.f32 v9, v10  }
0x444: {  	v13 =	vld [tilespmem:s31+$0x180]  }
0x445: {  	s3 =	sor.u32 $0x30, s2;
	v11 =	vmul.f32 v11, v10;
	v3 =	vadd.f32 v9, v6  }
0x446: {  	s11 =	sor.u32 s1, s3;
	v4 =	vld [tilespmem:s30+$0x2000]  }
0x447: {  	v7 =	vadd.f32 v11, v7;
	v6 =	vsel vm1, v9, v3;
	v9 =	vmul.f32 v12, v10;
	v3 =	vld [tilespmem:s11+$0x0]  }
0x448: {  	s1 =	sor.u32 s26, s25;
	[tilespmem:v2+s20+$0x0] =	vst.idx.add.f32.msk vm0, v6  }
0x449: {  	v63 =	vmul.f32 v13, v10;
	v7 =	vsel vm1, v11, v7;
	v8 =	vadd.f32 v9, v8;
	v11 =	vld [tilespmem:s1+$0x0]  }
0x44a: {  	[tilespmem:v2+s21+$0x0] =	vst.idx.add.f32.msk vm0, v7  }
0x44b: {  	v5 =	vadd.f32 v63, v5;
	v10 =	vld [tilespmem:s1+$0x80];
	v8 =	vsel vm1, v9, v8  }
0x44c: {  	[tilespmem:v2+s22+$0x0] =	vst.idx.add.f32.msk vm0, v8  }
0x44d: {  	s26 =	simm.s32 $0x0;
	v5 =	vsel vm1, v63, v5;
	vm1 =	vne.s32 v3, v1;
	v9 =	vld [tilespmem:s1+$0x100]  }
.LBB2_23:
0x44e: {  	s26 =	sadd.s32 $0x4, s26;
	v11 =	vmul.f32 v11, v4;
	[tilespmem:v2+s5+$0x0] =	vst.idx.add.f32.msk vm0, v5  }
0x44f: {  	s24 =	sadd.s32 $0x40, s24;
	s18 =	sshll.u32 s26, $0x5;
	v2 =	vld [tilespmem:s1+$0x180]  }
0x450: {  	s2 =	sand.u32 $0x40, s24;
	s1 =	sand.u32 $0xFFFFFF00, s18;
	v6 =	vadd.f32 v11, v6;
	v10 =	vmul.f32 v10, v4  }
0x451: {  	s18 =	sor.u32 s2, s1;
	v12 =	vld [tilespmem:s11+$0x2000]  }
0x452: {  	p1 =	slt.u32 s26, $0xFC;
	v13 =	vld [tilespmem:s18+$0x0];
	v6 =	vsel vm0, v11, v6;
	v7 =	vadd.f32 v10, v7;
	v9 =	vmul.f32 v9, v4  }
0x453: {  	s3 =	sor.u32 s3, s25;
	[tilespmem:v1+s20+$0x0] =	vst.idx.add.f32.msk vm1, v6  }
0x454: {  	v7 =	vsel vm0, v10, v7;
	v8 =	vadd.f32 v9, v8;
	v2 =	vmul.f32 v2, v4;
	v4 =	vld [tilespmem:s3+$0x0]  }
0x455: {  	[tilespmem:v1+s21+$0x0] =	vst.idx.add.f32.msk vm1, v7  }
0x456: {  	v8 =	vsel vm0, v9, v8;
	v5 =	vadd.f32 v2, v5;
	v9 =	vld [tilespmem:s3+$0x80]  }
0x457: {  	[tilespmem:v1+s22+$0x0] =	vst.idx.add.f32.msk vm1, v8  }
0x458: {  	vm2 =	vne.s32 v13, v3;
	v5 =	vsel vm0, v2, v5;
	v10 =	vld [tilespmem:s3+$0x100]  }
0x459: {  	v4 =	vmul.f32 v4, v12;
	[tilespmem:v1+s5+$0x0] =	vst.idx.add.f32.msk vm1, v5  }
0x45a: {  	v1 =	vld [tilespmem:s3+$0x180]  }
0x45b: {  	s11 =	sor.u32 $0x10, s2;
	s3 =	sshll.u32 s26, $0x6;
	v6 =	vadd.f32 v4, v6;
	v9 =	vmul.f32 v9, v12  }
0x45c: {  	s3 =	sand.u32 $0x3FFFFE00, s3;
	v11 =	vld [tilespmem:s18+$0x2000];
	s18 =	sor.u32 s1, s11  }
0x45d: {  	s25 =	sadd.s32 $0x4000, s3;
	v2 =	vld [tilespmem:s18+$0x0];
	v4 =	vsel vm1, v4, v6;
	v6 =	vadd.f32 v9, v7;
	v7 =	vmul.f32 v10, v12  }
0x45e: {  	s3 =	sor.u32 s2, s25;
	[tilespmem:v3+s20+$0x0] =	vst.idx.add.f32.msk vm2, v4  }
0x45f: {  	v10 =	vld [tilespmem:s3+$0x0];
	v6 =	vsel vm1, v9, v6;
	v8 =	vadd.f32 v7, v8;
	v1 =	vmul.f32 v1, v12  }
0x460: {  	[tilespmem:v3+s21+$0x0] =	vst.idx.add.f32.msk vm2, v6  }
0x461: {  	v9 =	vld [tilespmem:s3+$0x80];
	v7 =	vsel vm1, v7, v8;
	v5 =	vadd.f32 v1, v5  }
0x462: {  	[tilespmem:v3+s22+$0x0] =	vst.idx.add.f32.msk vm2, v7  }
0x463: {  	vm3 =	vne.s32 v2, v13;
	v8 =	vld [tilespmem:s3+$0x100];
	v5 =	vsel vm1, v1, v5  }
0x464: {  	v1 =	vmul.f32 v10, v11;
	[tilespmem:v3+s5+$0x0] =	vst.idx.add.f32.msk vm2, v5  }
0x465: {  	v3 =	vld [tilespmem:s3+$0x180]  }
0x466: {  	s30 =	sor.u32 $0x20, s2;
	v4 =	vadd.f32 v1, v4;
	v9 =	vmul.f32 v9, v11  }
0x467: {  	v10 =	vld [tilespmem:s18+$0x2000];
	s18 =	sor.u32 s1, s30  }
0x468: {  	v4 =	vsel vm2, v1, v4;
	v6 =	vadd.f32 v9, v6;
	v8 =	vmul.f32 v8, v11;
	v1 =	vld [tilespmem:s18+$0x0]  }
0x469: {  	s3 =	sor.u32 s11, s25;
	[tilespmem:v13+s20+$0x0] =	vst.idx.add.f32.msk vm3, v4  }
0x46a: {  	v9 =	vsel vm2, v9, v6;
	v6 =	vadd.f32 v8, v7;
	v3 =	vmul.f32 v3, v11;
	v7 =	vld [tilespmem:s3+$0x0]  }
0x46b: {  	[tilespmem:v13+s21+$0x0] =	vst.idx.add.f32.msk vm3, v9  }
0x46c: {  	v8 =	vsel vm2, v8, v6;
	v5 =	vadd.f32 v3, v5;
	v6 =	vld [tilespmem:s3+$0x80]  }
0x46d: {  	[tilespmem:v13+s22+$0x0] =	vst.idx.add.f32.msk vm3, v8  }
0x46e: {  	vm0 =	vne.s32 v1, v2;
	v5 =	vsel vm2, v3, v5;
	v3 =	vld [tilespmem:s3+$0x100]  }
0x46f: {  	v7 =	vmul.f32 v7, v10;
	[tilespmem:v13+s5+$0x0] =	vst.idx.add.f32.msk vm3, v5  }
0x470: {  	v11 =	vld [tilespmem:s3+$0x180]  }
0x471: {  	s3 =	sor.u32 $0x30, s2;
	v12 =	vadd.f32 v7, v4;
	v13 =	vmul.f32 v6, v10  }
0x472: {  	s11 =	sor.u32 s1, s3;
	v4 =	vld [tilespmem:s18+$0x2000]  }
0x473: {  	v6 =	vsel vm3, v7, v12;
	v7 =	vadd.f32 v13, v9;
	v9 =	vmul.f32 v3, v10;
	v3 =	vld [tilespmem:s11+$0x0]  }
0x474: {  	s1 =	sor.u32 s30, s25;
	[tilespmem:v2+s20+$0x0] =	vst.idx.add.f32.msk vm0, v6  }
.Ltmp10:
0x475: {  	v7 =	vsel vm3, v13, v7;
	v8 =	vadd.f32 v9, v8;
	v12 =	vmul.f32 v11, v10;
	v11 =	vld [tilespmem:s1+$0x0];
	(pc) =	sbr.rel @p1 .LBB2_23-.Ltmp10, $4  }
0x476: {  	[tilespmem:v2+s21+$0x0] =	vst.idx.add.f32.msk vm0, v7  }
0x477: {  	v8 =	vsel vm3, v9, v8;
	v5 =	vadd.f32 v12, v5;
	v10 =	vld [tilespmem:s1+$0x80]  }
0x478: {  	[tilespmem:v2+s22+$0x0] =	vst.idx.add.f32.msk vm0, v8  }
0x479: {  	vm1 =	vne.s32 v3, v1;
	v5 =	vsel vm3, v12, v5;
	v9 =	vld [tilespmem:s1+$0x100]  }
0x47a: {  	_ =	sdelay $0x4  }
0x47b: {  	v11 =	vmul.f32 v11, v4;
	[tilespmem:v2+s5+$0x0] =	vst.idx.add.f32.msk vm0, v5  }
0x47c: {  	v2 =	vld [tilespmem:s1+$0x180]  }
0x47d: {  	v6 =	vadd.f32 v11, v6;
	v10 =	vmul.f32 v10, v4;
	_ =	sdelay $0x1  }
0x47e: {  	v12 =	vld [tilespmem:s11+$0x2000];
	v6 =	vsel vm0, v11, v6;
	v7 =	vadd.f32 v10, v7;
	v9 =	vmul.f32 v9, v4  }
0x47f: {  	s31 =	sor.u32 s3, s25;
	[tilespmem:v1+s20+$0x0] =	vst.idx.add.f32.msk vm1, v6  }
0x480: {  	v7 =	vsel vm0, v10, v7;
	v8 =	vadd.f32 v9, v8;
	v2 =	vmul.f32 v2, v4;
	v58 =	vld [tilespmem:s31+$0x0]  }
0x481: {  	[tilespmem:v1+s21+$0x0] =	vst.idx.add.f32.msk vm1, v7  }
0x482: {  	v8 =	vsel vm0, v9, v8;
	v59 =	vadd.f32 v2, v5;
	v60 =	vld [tilespmem:s31+$0x80]  }
0x483: {  	[tilespmem:v1+s22+$0x0] =	vst.idx.add.f32.msk vm1, v8  }
0x484: {  	v2 =	vsel vm0, v2, v59;
	v61 =	vld [tilespmem:s31+$0x100]  }
0x485: {  	[tilespmem:v1+s5+$0x0] =	vst.idx.add.f32.msk vm1, v2  }
0x486: {  	v1 =	vld [tilespmem:s31+$0x180];
	_ =	sdelay $0x1  }
0x487: {  	v4 =	vmul.f32 v58, v12  }
0x488: {  	v9 =	vmul.f32 v60, v12  }
0x489: {  	v6 =	vadd.f32 v4, v6;
	v5 =	vmul.f32 v61, v12  }
0x48a: {  	p1 =	seq.s32 s8, $0x12;
	v7 =	vadd.f32 v9, v7;
	v1 =	vmul.f32 v1, v12  }
.Ltmp11:
0x48b: {  	v4 =	vsel vm1, v4, v6;
	v62 =	vadd.f32 v5, v8;
	(pc) =	sbr.rel @p1 .LBB2_34-.Ltmp11, $4  }
0x48c: {  	[tilespmem:v3+s20+$0x0] =	vst.idx.add.f32.msk $0xffff, v4;
	v7 =	vsel vm1, v9, v7;
	v2 =	vadd.f32 v1, v2  }
0x48d: {  	[tilespmem:v3+s21+$0x0] =	vst.idx.add.f32.msk $0xffff, v7;
	v63 =	vsel vm1, v5, v62  }
0x48e: {  	[tilespmem:v3+s22+$0x0] =	vst.idx.add.f32.msk $0xffff, v63;
	v1 =	vsel vm1, v1, v2  }
0x48f: {  	[tilespmem:v3+s5+$0x0] =	vst.idx.add.f32.msk $0xffff, v1  }
0x490: {  	s1 =	sadd.s32 $0x2, s23  }
0x491: {  	s3 =	rddreg [dreg:$0x3];
	s2 =	sshll.u32 s1, $0xC  }
0x492: {  	s11 =	simm.s32 $0x0;
	s3 =	sadd.s32 s2, s3  }
0x493: {  	[tilespmem:s11], [sflag:$0x3] =	stream.linear.gather [spmem:s3], $0x80, $0x38;
	[tilespmem:$0x14F00] =	vst v63  }
0x494: {  	s15 =	simm.s32 $0x100;
	s24 =	sadd.s32 $0x80, s3  }
0x495: {  	[tilespmem:s15], [sflag:$0x3] =	stream.linear.gather [spmem:s24], $0x80, $0x38;
	[tilespmem:$0x14F00] =	vst v63  }
0x496: {  	s26 =	simm.s32 $0x200;
	s25 =	sadd.s32 $0x100, s3  }
0x497: {  	[tilespmem:s26], [sflag:$0x3] =	stream.linear.gather [spmem:s25], $0x80, $0x38;
	[tilespmem:$0x14F00] =	vst v63  }
0x498: {  	s31 =	simm.s32 $0x300;
	s30 =	sadd.s32 $0x180, s3  }
0x499: {  	[tilespmem:s31], [sflag:$0x3] =	stream.linear.gather [spmem:s30], $0x80, $0x38;
	[tilespmem:$0x14F00] =	vst v63  }
0x49a: {  	s18 =	simm.s32 $0x400;
	s15 =	sadd.s32 $0x200, s3  }
0x49b: {  	[tilespmem:s18], [sflag:$0x3] =	stream.linear.gather [spmem:s15], $0x80, $0x38;
	[tilespmem:$0x14F00] =	vst v63  }
0x49c: {  	s23 =	sadd.s32 $0x280, s3;
	s24 =	simm.s32 $0x500  }
0x49d: {  	[tilespmem:s24], [sflag:$0x3] =	stream.linear.gather [spmem:s23], $0x80, $0x38;
	[tilespmem:$0x14F00] =	vst v63  }
0x49e: {  	s25 =	sadd.s32 $0x300, s3;
	s26 =	simm.s32 $0x600  }
0x49f: {  	[tilespmem:s26], [sflag:$0x3] =	stream.linear.gather [spmem:s25], $0x80, $0x38;
	[tilespmem:$0x14F00] =	vst v63  }
0x4a0: {  	s30 =	sadd.s32 $0x380, s3;
	s31 =	simm.s32 $0x700  }
0x4a1: {  	[tilespmem:s31], [sflag:$0x3] =	stream.linear.gather [spmem:s30], $0x80, $0x38;
	[tilespmem:$0x14F00] =	vst v63  }
0x4a2: {  	s15 =	sadd.s32 $0x400, s3;
	s18 =	simm.s32 $0x800  }
0x4a3: {  	[tilespmem:s18], [sflag:$0x3] =	stream.linear.gather [spmem:s15], $0x80, $0x38;
	[tilespmem:$0x14F00] =	vst v63  }
0x4a4: {  	s23 =	sadd.s32 $0x480, s3;
	s24 =	simm.s32 $0x900  }
0x4a5: {  	[tilespmem:s24], [sflag:$0x3] =	stream.linear.gather [spmem:s23], $0x80, $0x38;
	[tilespmem:$0x14F00] =	vst v63  }
0x4a6: {  	s25 =	sadd.s32 $0x500, s3;
	s26 =	simm.s32 $0xA00  }
0x4a7: {  	[tilespmem:s26], [sflag:$0x3] =	stream.linear.gather [spmem:s25], $0x80, $0x38;
	[tilespmem:$0x14F00] =	vst v63  }
0x4a8: {  	s30 =	sadd.s32 $0x580, s3;
	s31 =	simm.s32 $0xB00  }
0x4a9: {  	[tilespmem:s31], [sflag:$0x3] =	stream.linear.gather [spmem:s30], $0x80, $0x38;
	[tilespmem:$0x14F00] =	vst v63  }
0x4aa: {  	s15 =	sadd.s32 $0x600, s3;
	s18 =	simm.s32 $0xC00  }
0x4ab: {  	[tilespmem:s18], [sflag:$0x3] =	stream.linear.gather [spmem:s15], $0x80, $0x38;
	[tilespmem:$0x14F00] =	vst v63  }
0x4ac: {  	s23 =	sadd.s32 $0x680, s3;
	s24 =	simm.s32 $0xD00  }
0x4ad: {  	[tilespmem:s24], [sflag:$0x3] =	stream.linear.gather [spmem:s23], $0x80, $0x38;
	[tilespmem:$0x14F00] =	vst v63  }
0x4ae: {  	s25 =	sadd.s32 $0x700, s3;
	s26 =	simm.s32 $0xE00  }
0x4af: {  	[tilespmem:s26], [sflag:$0x3] =	stream.linear.gather [spmem:s25], $0x80, $0x38;
	[tilespmem:$0x14F00] =	vst v63  }
0x4b0: {  	s30 =	sadd.s32 $0x780, s3;
	s31 =	simm.s32 $0xF00  }
0x4b1: {  	[tilespmem:s31], [sflag:$0x3] =	stream.linear.gather [spmem:s30], $0x80, $0x38;
	[tilespmem:$0x14F00] =	vst v63  }
0x4b2: {  	s15 =	sadd.s32 $0x800, s3;
	s18 =	simm.s32 $0x1000  }
0x4b3: {  	[tilespmem:s18], [sflag:$0x3] =	stream.linear.gather [spmem:s15], $0x80, $0x38;
	[tilespmem:$0x14F00] =	vst v63  }
0x4b4: {  	s23 =	sadd.s32 $0x880, s3;
	s24 =	simm.s32 $0x1100  }
0x4b5: {  	[tilespmem:s24], [sflag:$0x3] =	stream.linear.gather [spmem:s23], $0x80, $0x38;
	[tilespmem:$0x14F00] =	vst v63  }
0x4b6: {  	s25 =	sadd.s32 $0x900, s3;
	s26 =	simm.s32 $0x1200  }
0x4b7: {  	[tilespmem:s26], [sflag:$0x3] =	stream.linear.gather [spmem:s25], $0x80, $0x38;
	[tilespmem:$0x14F00] =	vst v63  }
0x4b8: {  	s30 =	sadd.s32 $0x980, s3;
	s31 =	simm.s32 $0x1300  }
0x4b9: {  	[tilespmem:s31], [sflag:$0x3] =	stream.linear.gather [spmem:s30], $0x80, $0x38;
	[tilespmem:$0x14F00] =	vst v63  }
0x4ba: {  	s15 =	sadd.s32 $0xA00, s3;
	s18 =	simm.s32 $0x1400  }
0x4bb: {  	[tilespmem:s18], [sflag:$0x3] =	stream.linear.gather [spmem:s15], $0x80, $0x38;
	[tilespmem:$0x14F00] =	vst v63  }
0x4bc: {  	s23 =	sadd.s32 $0xA80, s3;
	s24 =	simm.s32 $0x1500  }
0x4bd: {  	[tilespmem:s24], [sflag:$0x3] =	stream.linear.gather [spmem:s23], $0x80, $0x38;
	[tilespmem:$0x14F00] =	vst v63  }
0x4be: {  	s25 =	sadd.s32 $0xB00, s3;
	s26 =	simm.s32 $0x1600  }
0x4bf: {  	[tilespmem:s26], [sflag:$0x3] =	stream.linear.gather [spmem:s25], $0x80, $0x38;
	[tilespmem:$0x14F00] =	vst v63  }
0x4c0: {  	s30 =	sadd.s32 $0xB80, s3;
	s31 =	simm.s32 $0x1700  }
0x4c1: {  	[tilespmem:s31], [sflag:$0x3] =	stream.linear.gather [spmem:s30], $0x80, $0x38;
	[tilespmem:$0x14F00] =	vst v63  }
0x4c2: {  	s15 =	sadd.s32 $0xC00, s3;
	s18 =	simm.s32 $0x1800  }
0x4c3: {  	[tilespmem:s18], [sflag:$0x3] =	stream.linear.gather [spmem:s15], $0x80, $0x38;
	[tilespmem:$0x14F00] =	vst v63  }
0x4c4: {  	s23 =	sadd.s32 $0xC80, s3;
	s24 =	simm.s32 $0x1900  }
0x4c5: {  	[tilespmem:s24], [sflag:$0x3] =	stream.linear.gather [spmem:s23], $0x80, $0x38;
	[tilespmem:$0x14F00] =	vst v63  }
0x4c6: {  	s25 =	sadd.s32 $0xD00, s3;
	s26 =	simm.s32 $0x1A00  }
0x4c7: {  	[tilespmem:s26], [sflag:$0x3] =	stream.linear.gather [spmem:s25], $0x80, $0x38;
	[tilespmem:$0x14F00] =	vst v63  }
0x4c8: {  	s30 =	sadd.s32 $0xD80, s3;
	s31 =	simm.s32 $0x1B00  }
0x4c9: {  	[tilespmem:s31], [sflag:$0x3] =	stream.linear.gather [spmem:s30], $0x80, $0x38;
	[tilespmem:$0x14F00] =	vst v63  }
0x4ca: {  	s18 =	sadd.s32 $0xE00, s3;
	s23 =	simm.s32 $0x1C00  }
0x4cb: {  	[tilespmem:s23], [sflag:$0x3] =	stream.linear.gather [spmem:s18], $0x80, $0x38;
	[tilespmem:$0x14F00] =	vst v63  }
0x4cc: {  	s24 =	sadd.s32 $0xE80, s3;
	s25 =	simm.s32 $0x1D00  }
0x4cd: {  	[tilespmem:s25], [sflag:$0x3] =	stream.linear.gather [spmem:s24], $0x80, $0x38;
	[tilespmem:$0x14F00] =	vst v63  }
0x4ce: {  	s26 =	sadd.s32 $0xF00, s3;
	s30 =	simm.s32 $0x1E00  }
0x4cf: {  	[tilespmem:s30], [sflag:$0x3] =	stream.linear.gather [spmem:s26], $0x80, $0x38;
	[tilespmem:$0x14F00] =	vst v63  }
0x4d0: {  	s15 =	rddreg [dreg:$0x4];
	s3 =	sadd.s32 $0xF80, s3;
	s31 =	simm.s32 $0x1F00  }
0x4d1: {  	[tilespmem:s31], [sflag:$0x3] =	stream.linear.gather [spmem:s3], $0x80, $0x38;
	[tilespmem:$0x14F00] =	vst v63  }
0x4d2: {  	s2 =	sadd.s32 s2, s15;
	s18 =	simm.s32 $0x2000  }
0x4d3: {  	[tilespmem:s18], [sflag:$0x3] =	stream.linear.gather [spmem:s2], $0x80, $0x38;
	[tilespmem:$0x14F00] =	vst v63  }
0x4d4: {  	s23 =	sadd.s32 $0x80, s2;
	s24 =	simm.s32 $0x2100  }
0x4d5: {  	[tilespmem:s24], [sflag:$0x3] =	stream.linear.gather [spmem:s23], $0x80, $0x38;
	[tilespmem:$0x14F00] =	vst v63  }
0x4d6: {  	s25 =	sadd.s32 $0x100, s2;
	s26 =	simm.s32 $0x2200  }
0x4d7: {  	[tilespmem:s26], [sflag:$0x3] =	stream.linear.gather [spmem:s25], $0x80, $0x38;
	[tilespmem:$0x14F00] =	vst v63  }
0x4d8: {  	s30 =	sadd.s32 $0x180, s2;
	s31 =	simm.s32 $0x2300  }
0x4d9: {  	[tilespmem:s31], [sflag:$0x3] =	stream.linear.gather [spmem:s30], $0x80, $0x38;
	[tilespmem:$0x14F00] =	vst v63  }
0x4da: {  	s15 =	sadd.s32 $0x200, s2;
	s18 =	simm.s32 $0x2400  }
0x4db: {  	[tilespmem:s18], [sflag:$0x3] =	stream.linear.gather [spmem:s15], $0x80, $0x38;
	[tilespmem:$0x14F00] =	vst v63  }
0x4dc: {  	s23 =	sadd.s32 $0x280, s2;
	s24 =	simm.s32 $0x2500  }
0x4dd: {  	[tilespmem:s24], [sflag:$0x3] =	stream.linear.gather [spmem:s23], $0x80, $0x38;
	[tilespmem:$0x14F00] =	vst v63  }
0x4de: {  	s25 =	sadd.s32 $0x300, s2;
	s26 =	simm.s32 $0x2600  }
0x4df: {  	[tilespmem:s26], [sflag:$0x3] =	stream.linear.gather [spmem:s25], $0x80, $0x38;
	[tilespmem:$0x14F00] =	vst v63  }
0x4e0: {  	s30 =	sadd.s32 $0x380, s2;
	s31 =	simm.s32 $0x2700  }
0x4e1: {  	[tilespmem:s31], [sflag:$0x3] =	stream.linear.gather [spmem:s30], $0x80, $0x38;
	[tilespmem:$0x14F00] =	vst v63  }
0x4e2: {  	s15 =	sadd.s32 $0x400, s2;
	s18 =	simm.s32 $0x2800  }
0x4e3: {  	[tilespmem:s18], [sflag:$0x3] =	stream.linear.gather [spmem:s15], $0x80, $0x38;
	[tilespmem:$0x14F00] =	vst v63  }
0x4e4: {  	s23 =	sadd.s32 $0x480, s2;
	s24 =	simm.s32 $0x2900  }
0x4e5: {  	[tilespmem:s24], [sflag:$0x3] =	stream.linear.gather [spmem:s23], $0x80, $0x38;
	[tilespmem:$0x14F00] =	vst v63  }
0x4e6: {  	s25 =	sadd.s32 $0x500, s2;
	s26 =	simm.s32 $0x2A00  }
0x4e7: {  	[tilespmem:s26], [sflag:$0x3] =	stream.linear.gather [spmem:s25], $0x80, $0x38;
	[tilespmem:$0x14F00] =	vst v63  }
0x4e8: {  	s30 =	sadd.s32 $0x580, s2;
	s31 =	simm.s32 $0x2B00  }
0x4e9: {  	[tilespmem:s31], [sflag:$0x3] =	stream.linear.gather [spmem:s30], $0x80, $0x38;
	[tilespmem:$0x14F00] =	vst v63  }
0x4ea: {  	s15 =	sadd.s32 $0x600, s2;
	s18 =	simm.s32 $0x2C00  }
0x4eb: {  	[tilespmem:s18], [sflag:$0x3] =	stream.linear.gather [spmem:s15], $0x80, $0x38;
	[tilespmem:$0x14F00] =	vst v63  }
0x4ec: {  	s23 =	sadd.s32 $0x680, s2;
	s24 =	simm.s32 $0x2D00  }
0x4ed: {  	[tilespmem:s24], [sflag:$0x3] =	stream.linear.gather [spmem:s23], $0x80, $0x38;
	[tilespmem:$0x14F00] =	vst v63  }
0x4ee: {  	s25 =	sadd.s32 $0x700, s2;
	s26 =	simm.s32 $0x2E00  }
0x4ef: {  	[tilespmem:s26], [sflag:$0x3] =	stream.linear.gather [spmem:s25], $0x80, $0x38;
	[tilespmem:$0x14F00] =	vst v63  }
0x4f0: {  	s30 =	sadd.s32 $0x780, s2;
	s31 =	simm.s32 $0x2F00  }
0x4f1: {  	[tilespmem:s31], [sflag:$0x3] =	stream.linear.gather [spmem:s30], $0x80, $0x38;
	[tilespmem:$0x14F00] =	vst v63  }
0x4f2: {  	s15 =	sadd.s32 $0x800, s2;
	s18 =	simm.s32 $0x3000  }
0x4f3: {  	[tilespmem:s18], [sflag:$0x3] =	stream.linear.gather [spmem:s15], $0x80, $0x38;
	[tilespmem:$0x14F00] =	vst v63  }
0x4f4: {  	s23 =	sadd.s32 $0x880, s2;
	s24 =	simm.s32 $0x3100  }
0x4f5: {  	[tilespmem:s24], [sflag:$0x3] =	stream.linear.gather [spmem:s23], $0x80, $0x38;
	[tilespmem:$0x14F00] =	vst v63  }
0x4f6: {  	s25 =	sadd.s32 $0x900, s2;
	s26 =	simm.s32 $0x3200  }
0x4f7: {  	[tilespmem:s26], [sflag:$0x3] =	stream.linear.gather [spmem:s25], $0x80, $0x38;
	[tilespmem:$0x14F00] =	vst v63  }
0x4f8: {  	s30 =	sadd.s32 $0x980, s2;
	s31 =	simm.s32 $0x3300  }
0x4f9: {  	[tilespmem:s31], [sflag:$0x3] =	stream.linear.gather [spmem:s30], $0x80, $0x38;
	[tilespmem:$0x14F00] =	vst v63  }
0x4fa: {  	s15 =	sadd.s32 $0xA00, s2;
	s18 =	simm.s32 $0x3400  }
0x4fb: {  	[tilespmem:s18], [sflag:$0x3] =	stream.linear.gather [spmem:s15], $0x80, $0x38;
	[tilespmem:$0x14F00] =	vst v63  }
0x4fc: {  	s23 =	sadd.s32 $0xA80, s2;
	s24 =	simm.s32 $0x3500  }
0x4fd: {  	[tilespmem:s24], [sflag:$0x3] =	stream.linear.gather [spmem:s23], $0x80, $0x38;
	[tilespmem:$0x14F00] =	vst v63  }
0x4fe: {  	s25 =	sadd.s32 $0xB00, s2;
	s26 =	simm.s32 $0x3600  }
0x4ff: {  	[tilespmem:s26], [sflag:$0x3] =	stream.linear.gather [spmem:s25], $0x80, $0x38;
	[tilespmem:$0x14F00] =	vst v63  }
0x500: {  	s30 =	sadd.s32 $0xB80, s2;
	s31 =	simm.s32 $0x3700  }
0x501: {  	[tilespmem:s31], [sflag:$0x3] =	stream.linear.gather [spmem:s30], $0x80, $0x38;
	[tilespmem:$0x14F00] =	vst v63  }
0x502: {  	s15 =	sadd.s32 $0xC00, s2;
	s18 =	simm.s32 $0x3800  }
0x503: {  	[tilespmem:s18], [sflag:$0x3] =	stream.linear.gather [spmem:s15], $0x80, $0x38;
	[tilespmem:$0x14F00] =	vst v63  }
0x504: {  	s23 =	sadd.s32 $0xC80, s2;
	s24 =	simm.s32 $0x3900  }
0x505: {  	[tilespmem:s24], [sflag:$0x3] =	stream.linear.gather [spmem:s23], $0x80, $0x38;
	[tilespmem:$0x14F00] =	vst v63  }
0x506: {  	s25 =	sadd.s32 $0xD00, s2;
	s26 =	simm.s32 $0x3A00  }
0x507: {  	[tilespmem:s26], [sflag:$0x3] =	stream.linear.gather [spmem:s25], $0x80, $0x38;
	[tilespmem:$0x14F00] =	vst v63  }
0x508: {  	s30 =	sadd.s32 $0xD80, s2;
	s31 =	simm.s32 $0x3B00  }
0x509: {  	[tilespmem:s31], [sflag:$0x3] =	stream.linear.gather [spmem:s30], $0x80, $0x38;
	[tilespmem:$0x14F00] =	vst v63  }
0x50a: {  	s15 =	sadd.s32 $0xE00, s2;
	s18 =	simm.s32 $0x3C00  }
0x50b: {  	[tilespmem:s18], [sflag:$0x3] =	stream.linear.gather [spmem:s15], $0x80, $0x38;
	[tilespmem:$0x14F00] =	vst v63  }
0x50c: {  	s1 =	sshll.u32 s1, $0xF;
	s23 =	sadd.s32 $0xE80, s2;
	s24 =	simm.s32 $0x3D00  }
0x50d: {  	[tilespmem:s24], [sflag:$0x3] =	stream.linear.gather [spmem:s23], $0x80, $0x38;
	[tilespmem:$0x14F00] =	vst v63  }
0x50e: {  	s1 =	sadd.s32 s17, s1;
	s25 =	sadd.s32 $0xF00, s2;
	s26 =	simm.s32 $0x3E00  }
0x50f: {  	[tilespmem:s26], [sflag:$0x3] =	stream.linear.gather [spmem:s25], $0x80, $0x38;
	[tilespmem:$0x14F00] =	vst v63  }
0x510: {  	s2 =	sadd.s32 $0xF80, s2;
	s30 =	simm.s32 $0x3F00;
	s31 =	rddreg [dreg:$0xe]  }
0x511: {  	[tilespmem:s30], [sflag:$0x3] =	stream.linear.gather [spmem:s2], $0x80, $0x38;
	[tilespmem:$0x14F00] =	vst v63  }
0x512: {  	s2 =	sor.u32 s31, s1  }
0x513: {  	s2 =	sshrl.u32 s2, $0x3  }
0x514: {  	s11 =	simm.s32 $0x80;
	s2 =	sadd.s32 s0, s2  }
0x515: {  	s3 =	simm.s32 $0x4000;
	s18 =	simm.s32 $0x4200;
	s23 =	sadd.s32 $0x0, s2  }
.LBB2_26:
0x516: {  	[tilespmem:s3], [sflag:$0x1] =	stream.linear.gather [hbm4b:s23+s4], $0x80, $0x38;
	[tilespmem:$0x14F00] =	vst v63  }
0x517: {  	s23 =	smov.u32 s11;
	s3 =	smov.u32 s18;
	p1 =	sne.s32 s11, $0xF80  }
.Ltmp12:
0x518: {  	s11 =	sadd.s32 $0x80, s11;
	(pc) =	sbr.rel @p1 .LBB2_26-.Ltmp12, $2  }
0x519: {  	_ =	sdelay $0x2  }
0x51a: {  	s18 =	sadd.s32 $0x200, s18;
	s23 =	sadd.s32 s23, s2  }
0x51b: {  	[tilespmem:s3], [sflag:$0x1] =	stream.linear.gather [hbm4b:s23+s4], $0x80, $0x38;
	[tilespmem:$0x14F00] =	vst v63  }
0x51c: {  	s2 =	sor.u32 s29, s1  }
0x51d: {  	s2 =	sshrl.u32 s2, $0x3  }
0x51e: {  	s3 =	simm.s32 $0x4080;
	s2 =	sadd.s32 s0, s2  }
0x51f: {  	s11 =	simm.s32 $0x80;
	s18 =	simm.s32 $0x4280;
	s23 =	sadd.s32 $0x0, s2  }
.LBB2_28:
0x520: {  	[tilespmem:s3], [sflag:$0x1] =	stream.linear.gather [hbm4b:s23+s4], $0x80, $0x38;
	[tilespmem:$0x14F00] =	vst v63  }
0x521: {  	s23 =	smov.u32 s11;
	s3 =	smov.u32 s18;
	p1 =	sne.s32 s11, $0xF80  }
.Ltmp13:
0x522: {  	s11 =	sadd.s32 $0x80, s11;
	(pc) =	sbr.rel @p1 .LBB2_28-.Ltmp13, $2  }
0x523: {  	_ =	sdelay $0x2  }
0x524: {  	s18 =	sadd.s32 $0x200, s18;
	s23 =	sadd.s32 s23, s2  }
0x525: {  	[tilespmem:s3], [sflag:$0x1] =	stream.linear.gather [hbm4b:s23+s4], $0x80, $0x38;
	[tilespmem:$0x14F00] =	vst v63  }
0x526: {  	s2 =	sor.u32 s14, s1  }
0x527: {  	s2 =	sshrl.u32 s2, $0x3  }
0x528: {  	s3 =	simm.s32 $0x4100;
	s2 =	sadd.s32 s0, s2  }
0x529: {  	s11 =	simm.s32 $0x80;
	s18 =	simm.s32 $0x4300;
	s23 =	sadd.s32 $0x0, s2  }
.LBB2_30:
0x52a: {  	[tilespmem:s3], [sflag:$0x1] =	stream.linear.gather [hbm4b:s23+s4], $0x80, $0x38;
	[tilespmem:$0x14F00] =	vst v63  }
0x52b: {  	s23 =	smov.u32 s11;
	s3 =	smov.u32 s18;
	p1 =	sne.s32 s11, $0xF80  }
.Ltmp14:
0x52c: {  	s11 =	sadd.s32 $0x80, s11;
	(pc) =	sbr.rel @p1 .LBB2_30-.Ltmp14, $2  }
0x52d: {  	_ =	sdelay $0x2  }
0x52e: {  	s18 =	sadd.s32 $0x200, s18;
	s23 =	sadd.s32 s23, s2  }
0x52f: {  	[tilespmem:s3], [sflag:$0x1] =	stream.linear.gather [hbm4b:s23+s4], $0x80, $0x38;
	[tilespmem:$0x14F00] =	vst v63  }
0x530: {  	s1 =	sor.u32 s16, s1  }
0x531: {  	s1 =	sshrl.u32 s1, $0x3  }
0x532: {  	s2 =	simm.s32 $0x4180;
	s1 =	sadd.s32 s0, s1  }
0x533: {  	s3 =	simm.s32 $0x80;
	s11 =	simm.s32 $0x4380;
	s18 =	sadd.s32 $0x0, s1  }
.LBB2_32:
0x534: {  	[tilespmem:s2], [sflag:$0x1] =	stream.linear.gather [hbm4b:s18+s4], $0x80, $0x38;
	[tilespmem:$0x14F00] =	vst v63  }
0x535: {  	s18 =	smov.u32 s3;
	s2 =	smov.u32 s11;
	p1 =	sne.s32 s3, $0xF80  }
.Ltmp15:
0x536: {  	s3 =	sadd.s32 $0x80, s3;
	(pc) =	sbr.rel @p1 .LBB2_32-.Ltmp15, $2  }
0x537: {  	_ =	sdelay $0x2  }
0x538: {  	s11 =	sadd.s32 $0x200, s11;
	s18 =	sadd.s32 s18, s1  }
0x539: {  	[tilespmem:s2], [sflag:$0x1] =	stream.linear.gather [hbm4b:s18+s4], $0x80, $0x38;
	[tilespmem:$0x14F00] =	vst v63  }
.LBB2_34:
0x53a: {  	_ =	swait.ge [sflag:s6], $0x1000  }
0x53b: {  	[sflag:s6] =	ssyncset.done $0x0  }
0x53c: {  	[sflag:s6] =	ssyncadd.s32 $0xFFFFF000  }
0x53d: {  	_ =	swait.ge [sflag:s6], $0x1000  }
0x53e: {  	[sflag:s6] =	ssyncset.done $0x0  }
0x53f: {  	[sflag:s6] =	ssyncadd.s32 $0xFFFFF000  }
0x540: {  	_ =	swait.ge [sflag:s7], $0x1000  }
0x541: {  	[sflag:s7] =	ssyncset.done $0x0  }
0x542: {  	[sflag:s7] =	ssyncadd.s32 $0xFFFFF000  }
0x543: {  	_ =	swait.ge [sflag:s7], $0x1000  }
0x544: {  	[sflag:s7] =	ssyncset.done $0x0  }
0x545: {  	[sflag:s7] =	ssyncadd.s32 $0xFFFFF000  }
0x546: {  	_ =	swait.ge [sflag:s7], $0x1000  }
0x547: {  	[sflag:s7] =	ssyncset.done $0x0  }
0x548: {  	[sflag:s7] =	ssyncadd.s32 $0xFFFFF000  }
0x549: {  	_ =	swait.ge [sflag:s7], $0x1000  }
0x54a: {  	s23 =	simm.s32 $0x0;
	s1 =	simm.s32 $0x0;
	[sflag:s7] =	ssyncset.done $0x0  }
0x54b: {  	s3 =	sand.u32 $0x40, s23;
	s2 =	sand.u32 $0xFFFFFF00, s1;
	[sflag:s7] =	ssyncadd.s32 $0xFFFFF000  }
0x54c: {  	s1 =	sor.u32 s3, s2;
	v2 =	vld [tilespmem:$0x80]  }
0x54d: {  	v3 =	vld [tilespmem:s1+$0x80];
	_ =	sdelay $0x4  }
0x54e: {  	vm0 =	vne.s32 v3, v2;
	_ =	sdelay $0x2  }
0x54f: {  	s11 =	simm.s32 $0x0;
	s31 =	sor.u32 $0x10, s3  }
0x550: {  	v4 =	vld [tilespmem:s1+$0x2080];
	s1 =	sand.u32 $0x3FFFFE00, s11;
	s11 =	sor.u32 s31, s2  }
0x551: {  	v5 =	vimm.f32 $0.0e+00;
	s24 =	sadd.s32 $0x8000, s1;
	v1 =	vld [tilespmem:s11+$0x80]  }
0x552: {  	s18 =	sor.u32 s3, s24;
	[tilespmem:v2+s20+$0x0] =	vst.idx.add.f32.msk vm0, v5  }
0x553: {  	s25 =	sadd.s32 $0x8080, s1;
	v6 =	vld [tilespmem:s18+$0x0]  }
0x554: {  	s15 =	sor.u32 s3, s25;
	[tilespmem:v2+s21+$0x0] =	vst.idx.add.f32.msk vm0, v5  }
0x555: {  	s30 =	sadd.s32 $0x8100, s1;
	v7 =	vld [tilespmem:s15+$0x0]  }
0x556: {  	s26 =	sor.u32 s3, s30;
	[tilespmem:v2+s22+$0x0] =	vst.idx.add.f32.msk vm0, v5  }
0x557: {  	vm1 =	vne.s32 v1, v3;
	v8 =	vld [tilespmem:s26+$0x0];
	s26 =	sadd.s32 $0x8180, s1  }
0x558: {  	[tilespmem:v2+s5+$0x0] =	vst.idx.add.f32.msk vm0, v5;
	s1 =	sor.u32 s3, s26;
	v6 =	vmul.f32 v6, v4  }
0x559: {  	v9 =	vld [tilespmem:s1+$0x0]  }
0x55a: {  	s18 =	sor.u32 $0x20, s3;
	v7 =	vmul.f32 v7, v4;
	v2 =	vadd.f32 v6, v5  }
0x55b: {  	v10 =	vld [tilespmem:s11+$0x2080];
	s11 =	sor.u32 s18, s2  }
0x55c: {  	v8 =	vmul.f32 v8, v4;
	v11 =	vadd.f32 v7, v5;
	v6 =	vsel vm0, v6, v2;
	v2 =	vld [tilespmem:s11+$0x80]  }
0x55d: {  	s15 =	sor.u32 s31, s24;
	[tilespmem:v3+s20+$0x0] =	vst.idx.add.f32.msk vm1, v6  }
0x55e: {  	v4 =	vmul.f32 v9, v4;
	v7 =	vsel vm0, v7, v11;
	v11 =	vadd.f32 v8, v5;
	v9 =	vld [tilespmem:s15+$0x0]  }
0x55f: {  	[tilespmem:v3+s21+$0x0] =	vst.idx.add.f32.msk vm1, v7;
	s15 =	sor.u32 s31, s25  }
0x560: {  	v5 =	vadd.f32 v4, v5;
	v8 =	vsel vm0, v8, v11;
	v11 =	vld [tilespmem:s15+$0x0]  }
0x561: {  	s15 =	sor.u32 s31, s30;
	[tilespmem:v3+s22+$0x0] =	vst.idx.add.f32.msk vm1, v8  }
0x562: {  	v12 =	vsel vm0, v4, v5;
	v13 =	vld [tilespmem:s15+$0x0];
	vm0 =	vne.s32 v2, v1  }
0x563: {  	[tilespmem:v3+s5+$0x0] =	vst.idx.add.f32.msk vm1, v12;
	s15 =	sor.u32 s31, s26;
	v5 =	vmul.f32 v9, v10  }
0x564: {  	v9 =	vld [tilespmem:s15+$0x0]  }
0x565: {  	s1 =	sor.u32 $0x30, s3;
	v3 =	vadd.f32 v5, v6;
	v6 =	vmul.f32 v11, v10  }
0x566: {  	v4 =	vld [tilespmem:s11+$0x2080];
	s11 =	sor.u32 s1, s2  }
0x567: {  	v13 =	vmul.f32 v13, v10;
	v5 =	vsel vm1, v5, v3;
	v7 =	vadd.f32 v6, v7;
	v3 =	vld [tilespmem:s11+$0x80]  }
0x568: {  	s15 =	sor.u32 s18, s24;
	[tilespmem:v1+s20+$0x0] =	vst.idx.add.f32.msk vm0, v5  }
0x569: {  	v9 =	vmul.f32 v9, v10;
	v6 =	vsel vm1, v6, v7;
	v7 =	vadd.f32 v13, v8;
	v11 =	vld [tilespmem:s15+$0x0]  }
0x56a: {  	s3 =	sor.u32 s18, s25;
	[tilespmem:v1+s21+$0x0] =	vst.idx.add.f32.msk vm0, v6  }
0x56b: {  	v8 =	vsel vm1, v13, v7;
	v7 =	vadd.f32 v9, v12;
	v10 =	vld [tilespmem:s3+$0x0]  }
0x56c: {  	s15 =	sor.u32 s18, s30;
	[tilespmem:v1+s22+$0x0] =	vst.idx.add.f32.msk vm0, v8  }
0x56d: {  	s31 =	simm.s32 $0x0;
	v7 =	vsel vm1, v9, v7;
	v9 =	vld [tilespmem:s15+$0x0];
	vm1 =	vne.s32 v3, v2  }
.LBB2_35:
0x56e: {  	s31 =	sadd.s32 $0x4, s31;
	v11 =	vmul.f32 v11, v4;
	[tilespmem:v1+s5+$0x0] =	vst.idx.add.f32.msk vm0, v7;
	s2 =	sor.u32 s18, s26  }
0x56f: {  	s23 =	sadd.s32 $0x40, s23;
	s18 =	sshll.u32 s31, $0x5;
	v1 =	vld [tilespmem:s2+$0x0]  }
0x570: {  	s3 =	sand.u32 $0x40, s23;
	s2 =	sand.u32 $0xFFFFFF00, s18;
	v5 =	vadd.f32 v11, v5;
	v10 =	vmul.f32 v10, v4  }
0x571: {  	s18 =	sor.u32 s3, s2;
	v12 =	vld [tilespmem:s11+$0x2080]  }
0x572: {  	p1 =	slt.u32 s31, $0xFC;
	v13 =	vld [tilespmem:s18+$0x80];
	v5 =	vsel vm0, v11, v5;
	v6 =	vadd.f32 v10, v6;
	v9 =	vmul.f32 v9, v4  }
0x573: {  	s11 =	sor.u32 s1, s24;
	[tilespmem:v2+s20+$0x0] =	vst.idx.add.f32.msk vm1, v5  }
0x574: {  	v6 =	vsel vm0, v10, v6;
	v8 =	vadd.f32 v9, v8;
	v1 =	vmul.f32 v1, v4;
	v4 =	vld [tilespmem:s11+$0x0]  }
0x575: {  	s11 =	sor.u32 s1, s25;
	[tilespmem:v2+s21+$0x0] =	vst.idx.add.f32.msk vm1, v6  }
0x576: {  	v8 =	vsel vm0, v9, v8;
	v7 =	vadd.f32 v1, v7;
	v9 =	vld [tilespmem:s11+$0x0]  }
0x577: {  	s11 =	sor.u32 s1, s30;
	[tilespmem:v2+s22+$0x0] =	vst.idx.add.f32.msk vm1, v8  }
0x578: {  	vm2 =	vne.s32 v13, v3;
	v7 =	vsel vm0, v1, v7;
	v10 =	vld [tilespmem:s11+$0x0]  }
0x579: {  	s1 =	sor.u32 s1, s26;
	v4 =	vmul.f32 v4, v12;
	[tilespmem:v2+s5+$0x0] =	vst.idx.add.f32.msk vm1, v7  }
0x57a: {  	v2 =	vld [tilespmem:s1+$0x0]  }
0x57b: {  	s11 =	sshll.u32 s31, $0x6;
	s1 =	sor.u32 $0x10, s3;
	v5 =	vadd.f32 v4, v5;
	v9 =	vmul.f32 v9, v12  }
0x57c: {  	s11 =	sand.u32 $0x3FFFFE00, s11;
	s15 =	sor.u32 s1, s2;
	v11 =	vld [tilespmem:s18+$0x2080]  }
0x57d: {  	s24 =	sadd.s32 $0x8000, s11;
	v1 =	vld [tilespmem:s15+$0x80];
	v4 =	vsel vm1, v4, v5;
	v5 =	vadd.f32 v9, v6;
	v6 =	vmul.f32 v10, v12  }
0x57e: {  	s18 =	sor.u32 s3, s24;
	[tilespmem:v3+s20+$0x0] =	vst.idx.add.f32.msk vm2, v4  }
0x57f: {  	s25 =	sadd.s32 $0x8080, s11;
	v10 =	vld [tilespmem:s18+$0x0];
	v5 =	vsel vm1, v9, v5;
	v8 =	vadd.f32 v6, v8;
	v2 =	vmul.f32 v2, v12  }
0x580: {  	s18 =	sor.u32 s3, s25;
	[tilespmem:v3+s21+$0x0] =	vst.idx.add.f32.msk vm2, v5  }
0x581: {  	s30 =	sadd.s32 $0x8100, s11;
	v9 =	vld [tilespmem:s18+$0x0];
	v6 =	vsel vm1, v6, v8;
	v7 =	vadd.f32 v2, v7  }
0x582: {  	s18 =	sor.u32 s3, s30;
	[tilespmem:v3+s22+$0x0] =	vst.idx.add.f32.msk vm2, v6  }
0x583: {  	s26 =	sadd.s32 $0x8180, s11;
	vm3 =	vne.s32 v1, v13;
	v8 =	vld [tilespmem:s18+$0x0];
	v7 =	vsel vm1, v2, v7  }
0x584: {  	s11 =	sor.u32 s3, s26;
	v2 =	vmul.f32 v10, v11;
	[tilespmem:v3+s5+$0x0] =	vst.idx.add.f32.msk vm2, v7  }
0x585: {  	v3 =	vld [tilespmem:s11+$0x0]  }
0x586: {  	s18 =	sor.u32 $0x20, s3;
	v4 =	vadd.f32 v2, v4;
	v9 =	vmul.f32 v9, v11  }
0x587: {  	s11 =	sor.u32 s18, s2;
	v10 =	vld [tilespmem:s15+$0x2080]  }
0x588: {  	v4 =	vsel vm2, v2, v4;
	v5 =	vadd.f32 v9, v5;
	v8 =	vmul.f32 v8, v11;
	v2 =	vld [tilespmem:s11+$0x80]  }
0x589: {  	s15 =	sor.u32 s1, s24;
	[tilespmem:v13+s20+$0x0] =	vst.idx.add.f32.msk vm3, v4  }
0x58a: {  	v9 =	vsel vm2, v9, v5;
	v5 =	vadd.f32 v8, v6;
	v3 =	vmul.f32 v3, v11;
	v6 =	vld [tilespmem:s15+$0x0]  }
0x58b: {  	s15 =	sor.u32 s1, s25;
	[tilespmem:v13+s21+$0x0] =	vst.idx.add.f32.msk vm3, v9  }
0x58c: {  	v8 =	vsel vm2, v8, v5;
	v5 =	vadd.f32 v3, v7;
	v7 =	vld [tilespmem:s15+$0x0]  }
0x58d: {  	s15 =	sor.u32 s1, s30;
	[tilespmem:v13+s22+$0x0] =	vst.idx.add.f32.msk vm3, v8  }
0x58e: {  	vm0 =	vne.s32 v2, v1;
	v12 =	vsel vm2, v3, v5;
	v3 =	vld [tilespmem:s15+$0x0]  }
0x58f: {  	s1 =	sor.u32 s1, s26;
	v5 =	vmul.f32 v6, v10;
	[tilespmem:v13+s5+$0x0] =	vst.idx.add.f32.msk vm3, v12  }
0x590: {  	v11 =	vld [tilespmem:s1+$0x0]  }
0x591: {  	s1 =	sor.u32 $0x30, s3;
	v6 =	vadd.f32 v5, v4;
	v7 =	vmul.f32 v7, v10  }
0x592: {  	v4 =	vld [tilespmem:s11+$0x2080];
	s11 =	sor.u32 s1, s2  }
0x593: {  	v5 =	vsel vm3, v5, v6;
	v6 =	vadd.f32 v7, v9;
	v9 =	vmul.f32 v3, v10;
	v3 =	vld [tilespmem:s11+$0x80]  }
0x594: {  	s2 =	sor.u32 s18, s24;
	[tilespmem:v1+s20+$0x0] =	vst.idx.add.f32.msk vm0, v5  }
.Ltmp16:
0x595: {  	v6 =	vsel vm3, v7, v6;
	v7 =	vadd.f32 v9, v8;
	v13 =	vmul.f32 v11, v10;
	v11 =	vld [tilespmem:s2+$0x0];
	(pc) =	sbr.rel @p1 .LBB2_35-.Ltmp16, $4  }
0x596: {  	s2 =	sor.u32 s18, s25;
	[tilespmem:v1+s21+$0x0] =	vst.idx.add.f32.msk vm0, v6  }
0x597: {  	v8 =	vsel vm3, v9, v7;
	v7 =	vadd.f32 v13, v12;
	v10 =	vld [tilespmem:s2+$0x0]  }
0x598: {  	s2 =	sor.u32 s18, s30;
	[tilespmem:v1+s22+$0x0] =	vst.idx.add.f32.msk vm0, v8  }
0x599: {  	vm1 =	vne.s32 v3, v2;
	v7 =	vsel vm3, v13, v7;
	v9 =	vld [tilespmem:s2+$0x0]  }
0x59a: {  	_ =	sdelay $0x4  }
0x59b: {  	v11 =	vmul.f32 v11, v4;
	[tilespmem:v1+s5+$0x0] =	vst.idx.add.f32.msk vm0, v7;
	s2 =	sor.u32 s18, s26  }
0x59c: {  	v1 =	vld [tilespmem:s2+$0x0]  }
0x59d: {  	v5 =	vadd.f32 v11, v5;
	v10 =	vmul.f32 v10, v4;
	_ =	sdelay $0x1  }
0x59e: {  	v12 =	vld [tilespmem:s11+$0x2080];
	v5 =	vsel vm0, v11, v5;
	v6 =	vadd.f32 v10, v6;
	v9 =	vmul.f32 v9, v4  }
0x59f: {  	s24 =	sor.u32 s1, s24;
	[tilespmem:v2+s20+$0x0] =	vst.idx.add.f32.msk vm1, v5  }
0x5a0: {  	v6 =	vsel vm0, v10, v6;
	v8 =	vadd.f32 v9, v8;
	v1 =	vmul.f32 v1, v4;
	v58 =	vld [tilespmem:s24+$0x0]  }
0x5a1: {  	s25 =	sor.u32 s1, s25;
	[tilespmem:v2+s21+$0x0] =	vst.idx.add.f32.msk vm1, v6  }
0x5a2: {  	v8 =	vsel vm0, v9, v8;
	v59 =	vadd.f32 v1, v7;
	v60 =	vld [tilespmem:s25+$0x0]  }
0x5a3: {  	s30 =	sor.u32 s1, s30;
	[tilespmem:v2+s22+$0x0] =	vst.idx.add.f32.msk vm1, v8  }
0x5a4: {  	v1 =	vsel vm0, v1, v59;
	v61 =	vld [tilespmem:s30+$0x0]  }
0x5a5: {  	s31 =	sor.u32 s1, s26;
	[tilespmem:v2+s5+$0x0] =	vst.idx.add.f32.msk vm1, v1  }
0x5a6: {  	v2 =	vld [tilespmem:s31+$0x0];
	_ =	sdelay $0x1  }
0x5a7: {  	v4 =	vmul.f32 v58, v12  }
0x5a8: {  	v9 =	vmul.f32 v60, v12  }
0x5a9: {  	s8 =	sadd.s32 $0x1, s8;
	v5 =	vadd.f32 v4, v5;
	v7 =	vmul.f32 v61, v12  }
0x5aa: {  	p1 =	sne.s32 s8, $0x13;
	v6 =	vadd.f32 v9, v6;
	v2 =	vmul.f32 v2, v12  }
.Ltmp17:
0x5ab: {  	v4 =	vsel vm1, v4, v5;
	v62 =	vadd.f32 v7, v8;
	(pc) =	sbr.rel @p1 .LBB2_14-.Ltmp17, $4  }
0x5ac: {  	[tilespmem:v3+s20+$0x0] =	vst.idx.add.f32.msk $0xffff, v4;
	v6 =	vsel vm1, v9, v6;
	v1 =	vadd.f32 v2, v1  }
0x5ad: {  	[tilespmem:v3+s21+$0x0] =	vst.idx.add.f32.msk $0xffff, v6;
	v63 =	vsel vm1, v7, v62  }
0x5ae: {  	[tilespmem:v3+s22+$0x0] =	vst.idx.add.f32.msk $0xffff, v63;
	v1 =	vsel vm1, v2, v1  }
0x5af: {  	[tilespmem:v3+s5+$0x0] =	vst.idx.add.f32.msk $0xffff, v1  }
0x5b0: {  	s2 =	simm.s32 $0x0  }
0x5b1: {  	v1 =	vld [tilespmem:s2+$0xC000]  }
0x5b2: {  	v2 =	vld [tilespmem:s2+$0xC101];
	_ =	sdelay $0x1  }
0x5b3: {  	v3 =	vld [tilespmem:s2+$0xC202];
	_ =	sdelay $0x1  }
0x5b4: {  	v4 =	vld [tilespmem:s2+$0xC303]  }
0x5b5: {  	v1 =	vadd.f32 v2, v1  }
0x5b6: {  	v2 =	vld [tilespmem:s2+$0xC404]  }
0x5b7: {  	v1 =	vadd.f32 v3, v1  }
0x5b8: {  	v3 =	vld [tilespmem:s2+$0xC505]  }
0x5b9: {  	v1 =	vadd.f32 v4, v1  }
0x5ba: {  	v4 =	vld [tilespmem:s2+$0xC606]  }
0x5bb: {  	v1 =	vadd.f32 v2, v1  }
0x5bc: {  	v2 =	vld [tilespmem:s2+$0xC707]  }
0x5bd: {  	s1 =	simm.s32 $0x10;
	v5 =	vld [tilespmem:s2+$0xC808];
	v1 =	vadd.f32 v3, v1  }
0x5be: {  	v6 =	vld [tilespmem:s1+$0xC000]  }
0x5bf: {  	v3 =	vld [tilespmem:s2+$0xC909];
	v1 =	vadd.f32 v4, v1  }
0x5c0: {  	v4 =	vld [tilespmem:s1+$0xC101]  }
0x5c1: {  	v7 =	vld [tilespmem:s1+$0xC202];
	v1 =	vadd.f32 v2, v1  }
0x5c2: {  	v2 =	vld [tilespmem:s2+$0xCA0A]  }
0x5c3: {  	v8 =	vld [tilespmem:s1+$0xC303];
	v1 =	vadd.f32 v5, v1  }
0x5c4: {  	v5 =	vld [tilespmem:s2+$0xCB0B]  }
0x5c5: {  	v4 =	vadd.f32 v4, v6;
	v6 =	vld [tilespmem:s1+$0xC404];
	v1 =	vadd.f32 v3, v1  }
0x5c6: {  	v3 =	vld [tilespmem:s2+$0xCC0C]  }
0x5c7: {  	v4 =	vadd.f32 v7, v4;
	v7 =	vld [tilespmem:s1+$0xC505];
	v1 =	vadd.f32 v2, v1  }
0x5c8: {  	v2 =	vld [tilespmem:s2+$0xCD0D]  }
0x5c9: {  	v9 =	vld [tilespmem:s1+$0xC606];
	v4 =	vadd.f32 v8, v4;
	v1 =	vadd.f32 v5, v1  }
0x5ca: {  	v8 =	vld [tilespmem:s2+$0xCE0E]  }
0x5cb: {  	v5 =	vadd.f32 v6, v4;
	v4 =	vld [tilespmem:s1+$0xC707];
	v6 =	vadd.f32 v3, v1  }
0x5cc: {  	v3 =	vld [tilespmem:s2+$0xCF0F]  }
0x5cd: {  	v1 =	vld [tilespmem:s1+$0xC909];
	v7 =	vadd.f32 v7, v5;
	v10 =	vadd.f32 v2, v6  }
0x5ce: {  	s3 =	simm.s32 $0x20;
	v5 =	vld [tilespmem:s1+$0xC808]  }
0x5cf: {  	s8 =	simm.s32 $0xC0;
	v2 =	vld [tilespmem:s3+$0xC000];
	v6 =	vadd.f32 v9, v7;
	v7 =	vadd.f32 v8, v10  }
.LBB2_38:
0x5d0: {  	p1 =	sne.s32 s8, $0x3C0;
	v8 =	vld [tilespmem:s3+$0xC101]  }
0x5d1: {  	v4 =	vadd.f32 v4, v6;
	v6 =	vld [tilespmem:s1+$0xCA0A];
	v3 =	vadd.f32 v3, v7  }
0x5d2: {  	v7 =	vld [tilespmem:s3+$0xC202]  }
0x5d3: {  	v4 =	vadd.f32 v5, v4;
	v5 =	vld [tilespmem:s1+$0xCB0B];
	[tilespmem:s2+$0x10200] =	vst v3;
	s2 =	smov.u32 s1;
	s1 =	smov.u32 s3  }
0x5d4: {  	v3 =	vld [tilespmem:s1+$0xC303]  }
0x5d5: {  	v2 =	vadd.f32 v8, v2;
	v1 =	vadd.f32 v1, v4;
	v4 =	vld [tilespmem:s2+$0xCC0C]  }
0x5d6: {  	v8 =	vld [tilespmem:s1+$0xC404]  }
0x5d7: {  	v2 =	vadd.f32 v7, v2;
	v1 =	vadd.f32 v6, v1;
	v6 =	vld [tilespmem:s2+$0xCD0D]  }
0x5d8: {  	v7 =	vld [tilespmem:s1+$0xC505]  }
0x5d9: {  	v2 =	vadd.f32 v3, v2;
	v1 =	vadd.f32 v5, v1;
	v9 =	vld [tilespmem:s2+$0xCE0E]  }
0x5da: {  	v10 =	vld [tilespmem:s1+$0xC606]  }
.Ltmp18:
0x5db: {  	v2 =	vadd.f32 v8, v2;
	v5 =	vadd.f32 v4, v1;
	v3 =	vld [tilespmem:s2+$0xCF0F];
	(pc) =	sbr.rel @p1 .LBB2_38-.Ltmp18, $4  }
0x5dc: {  	v4 =	vld [tilespmem:s1+$0xC707]  }
0x5dd: {  	v7 =	vadd.f32 v7, v2;
	v1 =	vld [tilespmem:s1+$0xC909];
	v8 =	vadd.f32 v6, v5  }
0x5de: {  	s3 =	sshra.s32 s8, $0x2;
	v5 =	vld [tilespmem:s1+$0xC808]  }
0x5df: {  	s8 =	sadd.s32 $0x40, s8;
	v2 =	vld [tilespmem:s3+$0xC000];
	v6 =	vadd.f32 v10, v7;
	v7 =	vadd.f32 v9, v8  }
0x5e0: {  	v8 =	vld [tilespmem:s3+$0xC101]  }
0x5e1: {  	v9 =	vld [tilespmem:s1+$0xCA0A];
	v3 =	vadd.f32 v3, v7  }
0x5e2: {  	v7 =	vld [tilespmem:s3+$0xC202]  }
0x5e3: {  	v10 =	vld [tilespmem:s1+$0xCB0B];
	v4 =	vadd.f32 v4, v6;
	[tilespmem:s2+$0x10200] =	vst v3  }
0x5e4: {  	v3 =	vld [tilespmem:s3+$0xC303]  }
0x5e5: {  	v4 =	vadd.f32 v5, v4;
	v2 =	vadd.f32 v8, v2  }
0x5e6: {  	v5 =	vld [tilespmem:s3+$0xC404]  }
0x5e7: {  	v6 =	vld [tilespmem:s3+$0xC505];
	v1 =	vadd.f32 v1, v4;
	v2 =	vadd.f32 v7, v2  }
0x5e8: {  	v4 =	vld [tilespmem:s1+$0xCC0C]  }
0x5e9: {  	v1 =	vadd.f32 v9, v1;
	v7 =	vld [tilespmem:s1+$0xCD0D];
	v2 =	vadd.f32 v3, v2  }
0x5ea: {  	v3 =	vld [tilespmem:s3+$0xC606]  }
0x5eb: {  	v8 =	vld [tilespmem:s1+$0xCE0E];
	v1 =	vadd.f32 v10, v1;
	v2 =	vadd.f32 v5, v2  }
0x5ec: {  	v5 =	vld [tilespmem:s3+$0xC707]  }
0x5ed: {  	v1 =	vadd.f32 v4, v1;
	v4 =	vld [tilespmem:s1+$0xCF0F];
	v2 =	vadd.f32 v6, v2  }
0x5ee: {  	v6 =	vld [tilespmem:s3+$0xC808]  }
0x5ef: {  	v1 =	vadd.f32 v7, v1;
	v2 =	vadd.f32 v3, v2  }
0x5f0: {  	v3 =	vld [tilespmem:s3+$0xC909]  }
0x5f1: {  	v1 =	vadd.f32 v8, v1;
	v2 =	vadd.f32 v5, v2  }
0x5f2: {  	v5 =	vld [tilespmem:s3+$0xCA0A]  }
0x5f3: {  	v1 =	vadd.f32 v4, v1;
	v2 =	vadd.f32 v6, v2  }
0x5f4: {  	v4 =	vld [tilespmem:s3+$0xCB0B]  }
0x5f5: {  	[tilespmem:s1+$0x10200] =	vst v1;
	v1 =	vadd.f32 v3, v2  }
0x5f6: {  	v2 =	vld [tilespmem:s3+$0xCC0C]  }
0x5f7: {  	v1 =	vadd.f32 v5, v1  }
0x5f8: {  	v3 =	vld [tilespmem:s3+$0xCD0D]  }
0x5f9: {  	v1 =	vadd.f32 v4, v1  }
0x5fa: {  	v4 =	vld [tilespmem:s3+$0xCE0E]  }
0x5fb: {  	v1 =	vadd.f32 v2, v1  }
0x5fc: {  	v2 =	vld [tilespmem:s3+$0xCF0F]  }
0x5fd: {  	v1 =	vadd.f32 v3, v1;
	_ =	sdelay $0x1  }
0x5fe: {  	v1 =	vadd.f32 v4, v1;
	_ =	sdelay $0x1  }
0x5ff: {  	v1 =	vadd.f32 v2, v1  }
0x600: {  	s26 =	rddreg [dreg:$0xf];
	s30 =	simm.s32 $0x400  }
0x601: {  	s31 =	simm.s32 $0x80;
	s11 =	simm.s32 $0x10200;
	s15 =	simm.s32 $0x6;
	[tilespmem:s3+$0x10200] =	vst v1  }
0x602: {  	[hbm4b:s26+s31] =	stream.strided.scatter [tilespmem:s11], [sflag:$0x6], $0x100, s30, s31, $0x38;
	[tilespmem:$0x14F00] =	vst v63  }
0x603: {  	_ =	swait.ge [sflag:s15], $0x100  }
0x604: {  	[sflag:s15] =	ssyncset.done $0x0  }
0x605: {  	s2 =	simm.s32 $0x0;
	[sflag:s15] =	ssyncadd.s32 $0xFFFFFF00  }
0x606: {  	v1 =	vld [tilespmem:s2+$0xD080]  }
0x607: {  	v2 =	vld [tilespmem:s2+$0xD181];
	_ =	sdelay $0x1  }
0x608: {  	v3 =	vld [tilespmem:s2+$0xD282];
	_ =	sdelay $0x1  }
0x609: {  	v4 =	vld [tilespmem:s2+$0xD383]  }
0x60a: {  	v1 =	vadd.f32 v2, v1  }
0x60b: {  	v2 =	vld [tilespmem:s2+$0xD484]  }
0x60c: {  	v1 =	vadd.f32 v3, v1  }
0x60d: {  	v3 =	vld [tilespmem:s2+$0xD585]  }
0x60e: {  	v1 =	vadd.f32 v4, v1  }
0x60f: {  	v4 =	vld [tilespmem:s2+$0xD686]  }
0x610: {  	v1 =	vadd.f32 v2, v1  }
0x611: {  	v2 =	vld [tilespmem:s2+$0xD787]  }
0x612: {  	s1 =	simm.s32 $0x10;
	v5 =	vld [tilespmem:s2+$0xD888];
	v1 =	vadd.f32 v3, v1  }
0x613: {  	v6 =	vld [tilespmem:s1+$0xD080]  }
0x614: {  	v3 =	vld [tilespmem:s2+$0xD989];
	v1 =	vadd.f32 v4, v1  }
0x615: {  	v4 =	vld [tilespmem:s1+$0xD181]  }
0x616: {  	v7 =	vld [tilespmem:s1+$0xD282];
	v1 =	vadd.f32 v2, v1  }
0x617: {  	v2 =	vld [tilespmem:s2+$0xDA8A]  }
0x618: {  	v8 =	vld [tilespmem:s1+$0xD383];
	v1 =	vadd.f32 v5, v1  }
0x619: {  	v5 =	vld [tilespmem:s2+$0xDB8B]  }
0x61a: {  	v4 =	vadd.f32 v4, v6;
	v6 =	vld [tilespmem:s1+$0xD484];
	v1 =	vadd.f32 v3, v1  }
0x61b: {  	v3 =	vld [tilespmem:s2+$0xDC8C]  }
0x61c: {  	v4 =	vadd.f32 v7, v4;
	v7 =	vld [tilespmem:s1+$0xD585];
	v1 =	vadd.f32 v2, v1  }
0x61d: {  	v2 =	vld [tilespmem:s2+$0xDD8D]  }
0x61e: {  	v62 =	vld [tilespmem:s1+$0xD686];
	v4 =	vadd.f32 v8, v4;
	v1 =	vadd.f32 v5, v1  }
0x61f: {  	v8 =	vld [tilespmem:s2+$0xDE8E]  }
0x620: {  	v5 =	vadd.f32 v6, v4;
	v4 =	vld [tilespmem:s1+$0xD787];
	v6 =	vadd.f32 v3, v1  }
0x621: {  	v3 =	vld [tilespmem:s2+$0xDF8F]  }
0x622: {  	v1 =	vld [tilespmem:s1+$0xD989];
	v7 =	vadd.f32 v7, v5;
	v63 =	vadd.f32 v2, v6  }
0x623: {  	s3 =	simm.s32 $0x20;
	v5 =	vld [tilespmem:s1+$0xD888]  }
0x624: {  	s8 =	simm.s32 $0xC0;
	v2 =	vld [tilespmem:s3+$0xD080];
	v6 =	vadd.f32 v62, v7;
	v7 =	vadd.f32 v8, v63  }
.LBB2_40:
0x625: {  	p1 =	sne.s32 s8, $0x3C0;
	v8 =	vld [tilespmem:s3+$0xD181]  }
0x626: {  	v4 =	vadd.f32 v4, v6;
	v6 =	vld [tilespmem:s1+$0xDA8A];
	v3 =	vadd.f32 v3, v7  }
0x627: {  	v7 =	vld [tilespmem:s3+$0xD282]  }
0x628: {  	v4 =	vadd.f32 v5, v4;
	v5 =	vld [tilespmem:s1+$0xDB8B];
	[tilespmem:s2+$0x10200] =	vst v3;
	s2 =	smov.u32 s1;
	s1 =	smov.u32 s3  }
0x629: {  	v3 =	vld [tilespmem:s1+$0xD383]  }
0x62a: {  	v2 =	vadd.f32 v8, v2;
	v1 =	vadd.f32 v1, v4;
	v4 =	vld [tilespmem:s2+$0xDC8C]  }
0x62b: {  	v8 =	vld [tilespmem:s1+$0xD484]  }
0x62c: {  	v2 =	vadd.f32 v7, v2;
	v1 =	vadd.f32 v6, v1;
	v6 =	vld [tilespmem:s2+$0xDD8D]  }
0x62d: {  	v7 =	vld [tilespmem:s1+$0xD585]  }
0x62e: {  	v2 =	vadd.f32 v3, v2;
	v1 =	vadd.f32 v5, v1;
	v9 =	vld [tilespmem:s2+$0xDE8E]  }
0x62f: {  	v10 =	vld [tilespmem:s1+$0xD686]  }
.Ltmp19:
0x630: {  	v2 =	vadd.f32 v8, v2;
	v5 =	vadd.f32 v4, v1;
	v3 =	vld [tilespmem:s2+$0xDF8F];
	(pc) =	sbr.rel @p1 .LBB2_40-.Ltmp19, $4  }
0x631: {  	v4 =	vld [tilespmem:s1+$0xD787]  }
0x632: {  	v7 =	vadd.f32 v7, v2;
	v1 =	vld [tilespmem:s1+$0xD989];
	v8 =	vadd.f32 v6, v5  }
0x633: {  	s3 =	sshra.s32 s8, $0x2;
	v5 =	vld [tilespmem:s1+$0xD888]  }
0x634: {  	s8 =	sadd.s32 $0x40, s8;
	v2 =	vld [tilespmem:s3+$0xD080];
	v6 =	vadd.f32 v10, v7;
	v7 =	vadd.f32 v9, v8  }
0x635: {  	v8 =	vld [tilespmem:s3+$0xD181]  }
0x636: {  	v9 =	vld [tilespmem:s1+$0xDA8A];
	v3 =	vadd.f32 v3, v7  }
0x637: {  	v7 =	vld [tilespmem:s3+$0xD282]  }
0x638: {  	v10 =	vld [tilespmem:s1+$0xDB8B];
	v4 =	vadd.f32 v4, v6;
	[tilespmem:s2+$0x10200] =	vst v3  }
0x639: {  	v3 =	vld [tilespmem:s3+$0xD383]  }
0x63a: {  	v4 =	vadd.f32 v5, v4;
	v2 =	vadd.f32 v8, v2  }
0x63b: {  	v5 =	vld [tilespmem:s3+$0xD484]  }
0x63c: {  	v6 =	vld [tilespmem:s3+$0xD585];
	v1 =	vadd.f32 v1, v4;
	v2 =	vadd.f32 v7, v2  }
0x63d: {  	v4 =	vld [tilespmem:s1+$0xDC8C]  }
0x63e: {  	v1 =	vadd.f32 v9, v1;
	v7 =	vld [tilespmem:s1+$0xDD8D];
	v2 =	vadd.f32 v3, v2  }
0x63f: {  	v3 =	vld [tilespmem:s3+$0xD686]  }
0x640: {  	v8 =	vld [tilespmem:s1+$0xDE8E];
	v1 =	vadd.f32 v10, v1;
	v2 =	vadd.f32 v5, v2  }
0x641: {  	v5 =	vld [tilespmem:s3+$0xD787]  }
0x642: {  	v1 =	vadd.f32 v4, v1;
	v4 =	vld [tilespmem:s1+$0xDF8F];
	v2 =	vadd.f32 v6, v2  }
0x643: {  	v6 =	vld [tilespmem:s3+$0xD888]  }
0x644: {  	v1 =	vadd.f32 v7, v1;
	v2 =	vadd.f32 v3, v2  }
0x645: {  	v3 =	vld [tilespmem:s3+$0xD989]  }
0x646: {  	v1 =	vadd.f32 v8, v1;
	v2 =	vadd.f32 v5, v2  }
0x647: {  	v5 =	vld [tilespmem:s3+$0xDA8A]  }
0x648: {  	v1 =	vadd.f32 v4, v1;
	v2 =	vadd.f32 v6, v2  }
0x649: {  	v4 =	vld [tilespmem:s3+$0xDB8B]  }
0x64a: {  	[tilespmem:s1+$0x10200] =	vst v1;
	v1 =	vadd.f32 v3, v2  }
0x64b: {  	v2 =	vld [tilespmem:s3+$0xDC8C]  }
0x64c: {  	v1 =	vadd.f32 v5, v1  }
0x64d: {  	v3 =	vld [tilespmem:s3+$0xDD8D]  }
0x64e: {  	v1 =	vadd.f32 v4, v1  }
0x64f: {  	v4 =	vld [tilespmem:s3+$0xDE8E]  }
0x650: {  	v1 =	vadd.f32 v2, v1  }
0x651: {  	v2 =	vld [tilespmem:s3+$0xDF8F]  }
0x652: {  	v1 =	vadd.f32 v3, v1;
	_ =	sdelay $0x1  }
0x653: {  	v1 =	vadd.f32 v4, v1;
	_ =	sdelay $0x1  }
0x654: {  	v1 =	vadd.f32 v2, v1;
	_ =	sdelay $0x1  }
0x655: {  	s26 =	rddreg [dreg:$0x10];
	s30 =	simm.s32 $0x400;
	s31 =	simm.s32 $0x80;
	[tilespmem:s3+$0x10200] =	vst v1  }
0x656: {  	[hbm4b:s26+s31] =	stream.strided.scatter [tilespmem:s11], [sflag:$0x6], $0x100, s30, s31, $0x38;
	[tilespmem:$0x14F00] =	vst v63  }
0x657: {  	_ =	swait.ge [sflag:s15], $0x100  }
0x658: {  	[sflag:s15] =	ssyncset.done $0x0  }
0x659: {  	s2 =	simm.s32 $0x0;
	[sflag:s15] =	ssyncadd.s32 $0xFFFFFF00  }
0x65a: {  	v1 =	vld [tilespmem:s2+$0xE100]  }
0x65b: {  	v2 =	vld [tilespmem:s2+$0xE201];
	_ =	sdelay $0x1  }
0x65c: {  	v3 =	vld [tilespmem:s2+$0xE302];
	_ =	sdelay $0x1  }
0x65d: {  	v4 =	vld [tilespmem:s2+$0xE403]  }
0x65e: {  	v1 =	vadd.f32 v2, v1  }
0x65f: {  	v2 =	vld [tilespmem:s2+$0xE504]  }
0x660: {  	v1 =	vadd.f32 v3, v1  }
0x661: {  	v3 =	vld [tilespmem:s2+$0xE605]  }
0x662: {  	v1 =	vadd.f32 v4, v1  }
0x663: {  	v4 =	vld [tilespmem:s2+$0xE706]  }
0x664: {  	v1 =	vadd.f32 v2, v1  }
0x665: {  	v2 =	vld [tilespmem:s2+$0xE807]  }
0x666: {  	s1 =	simm.s32 $0x10;
	v5 =	vld [tilespmem:s2+$0xE908];
	v1 =	vadd.f32 v3, v1  }
0x667: {  	v6 =	vld [tilespmem:s1+$0xE100]  }
0x668: {  	v3 =	vld [tilespmem:s2+$0xEA09];
	v1 =	vadd.f32 v4, v1  }
0x669: {  	v4 =	vld [tilespmem:s1+$0xE201]  }
0x66a: {  	v7 =	vld [tilespmem:s1+$0xE302];
	v1 =	vadd.f32 v2, v1  }
0x66b: {  	v2 =	vld [tilespmem:s2+$0xEB0A]  }
0x66c: {  	v8 =	vld [tilespmem:s1+$0xE403];
	v1 =	vadd.f32 v5, v1  }
0x66d: {  	v5 =	vld [tilespmem:s2+$0xEC0B]  }
0x66e: {  	v4 =	vadd.f32 v4, v6;
	v6 =	vld [tilespmem:s1+$0xE504];
	v1 =	vadd.f32 v3, v1  }
0x66f: {  	v3 =	vld [tilespmem:s2+$0xED0C]  }
0x670: {  	v4 =	vadd.f32 v7, v4;
	v7 =	vld [tilespmem:s1+$0xE605];
	v1 =	vadd.f32 v2, v1  }
0x671: {  	v2 =	vld [tilespmem:s2+$0xEE0D]  }
0x672: {  	v62 =	vld [tilespmem:s1+$0xE706];
	v4 =	vadd.f32 v8, v4;
	v1 =	vadd.f32 v5, v1  }
0x673: {  	v8 =	vld [tilespmem:s2+$0xEF0E]  }
0x674: {  	v5 =	vadd.f32 v6, v4;
	v4 =	vld [tilespmem:s1+$0xE807];
	v6 =	vadd.f32 v3, v1  }
0x675: {  	v3 =	vld [tilespmem:s2+$0xF00F]  }
0x676: {  	v1 =	vld [tilespmem:s1+$0xEA09];
	v7 =	vadd.f32 v7, v5;
	v63 =	vadd.f32 v2, v6  }
0x677: {  	s3 =	simm.s32 $0x20;
	v5 =	vld [tilespmem:s1+$0xE908]  }
0x678: {  	s8 =	simm.s32 $0xC0;
	v2 =	vld [tilespmem:s3+$0xE100];
	v6 =	vadd.f32 v62, v7;
	v7 =	vadd.f32 v8, v63  }
.LBB2_42:
0x679: {  	p1 =	sne.s32 s8, $0x3C0;
	v8 =	vld [tilespmem:s3+$0xE201]  }
0x67a: {  	v4 =	vadd.f32 v4, v6;
	v6 =	vld [tilespmem:s1+$0xEB0A];
	v3 =	vadd.f32 v3, v7  }
0x67b: {  	v7 =	vld [tilespmem:s3+$0xE302]  }
0x67c: {  	v4 =	vadd.f32 v5, v4;
	v5 =	vld [tilespmem:s1+$0xEC0B];
	[tilespmem:s2+$0x10200] =	vst v3;
	s2 =	smov.u32 s1;
	s1 =	smov.u32 s3  }
0x67d: {  	v3 =	vld [tilespmem:s1+$0xE403]  }
0x67e: {  	v2 =	vadd.f32 v8, v2;
	v1 =	vadd.f32 v1, v4;
	v4 =	vld [tilespmem:s2+$0xED0C]  }
0x67f: {  	v8 =	vld [tilespmem:s1+$0xE504]  }
0x680: {  	v2 =	vadd.f32 v7, v2;
	v1 =	vadd.f32 v6, v1;
	v6 =	vld [tilespmem:s2+$0xEE0D]  }
0x681: {  	v7 =	vld [tilespmem:s1+$0xE605]  }
0x682: {  	v2 =	vadd.f32 v3, v2;
	v1 =	vadd.f32 v5, v1;
	v9 =	vld [tilespmem:s2+$0xEF0E]  }
0x683: {  	v10 =	vld [tilespmem:s1+$0xE706]  }
.Ltmp20:
0x684: {  	v2 =	vadd.f32 v8, v2;
	v5 =	vadd.f32 v4, v1;
	v3 =	vld [tilespmem:s2+$0xF00F];
	(pc) =	sbr.rel @p1 .LBB2_42-.Ltmp20, $4  }
0x685: {  	v4 =	vld [tilespmem:s1+$0xE807]  }
0x686: {  	v7 =	vadd.f32 v7, v2;
	v1 =	vld [tilespmem:s1+$0xEA09];
	v8 =	vadd.f32 v6, v5  }
0x687: {  	s3 =	sshra.s32 s8, $0x2;
	v5 =	vld [tilespmem:s1+$0xE908]  }
0x688: {  	s8 =	sadd.s32 $0x40, s8;
	v2 =	vld [tilespmem:s3+$0xE100];
	v6 =	vadd.f32 v10, v7;
	v7 =	vadd.f32 v9, v8  }
0x689: {  	v8 =	vld [tilespmem:s3+$0xE201]  }
0x68a: {  	v9 =	vld [tilespmem:s1+$0xEB0A];
	v3 =	vadd.f32 v3, v7  }
0x68b: {  	v7 =	vld [tilespmem:s3+$0xE302]  }
0x68c: {  	v10 =	vld [tilespmem:s1+$0xEC0B];
	v4 =	vadd.f32 v4, v6;
	[tilespmem:s2+$0x10200] =	vst v3  }
0x68d: {  	v3 =	vld [tilespmem:s3+$0xE403]  }
0x68e: {  	v4 =	vadd.f32 v5, v4;
	v2 =	vadd.f32 v8, v2  }
0x68f: {  	v5 =	vld [tilespmem:s3+$0xE504]  }
0x690: {  	v6 =	vld [tilespmem:s3+$0xE605];
	v1 =	vadd.f32 v1, v4;
	v2 =	vadd.f32 v7, v2  }
0x691: {  	v4 =	vld [tilespmem:s1+$0xED0C]  }
0x692: {  	v1 =	vadd.f32 v9, v1;
	v7 =	vld [tilespmem:s1+$0xEE0D];
	v2 =	vadd.f32 v3, v2  }
0x693: {  	v3 =	vld [tilespmem:s3+$0xE706]  }
0x694: {  	v8 =	vld [tilespmem:s1+$0xEF0E];
	v1 =	vadd.f32 v10, v1;
	v2 =	vadd.f32 v5, v2  }
0x695: {  	v5 =	vld [tilespmem:s3+$0xE807]  }
0x696: {  	v1 =	vadd.f32 v4, v1;
	v4 =	vld [tilespmem:s1+$0xF00F];
	v2 =	vadd.f32 v6, v2  }
0x697: {  	v6 =	vld [tilespmem:s3+$0xE908]  }
0x698: {  	v1 =	vadd.f32 v7, v1;
	v2 =	vadd.f32 v3, v2  }
0x699: {  	v3 =	vld [tilespmem:s3+$0xEA09]  }
0x69a: {  	v1 =	vadd.f32 v8, v1;
	v2 =	vadd.f32 v5, v2  }
0x69b: {  	v5 =	vld [tilespmem:s3+$0xEB0A]  }
0x69c: {  	v1 =	vadd.f32 v4, v1;
	v2 =	vadd.f32 v6, v2  }
0x69d: {  	v4 =	vld [tilespmem:s3+$0xEC0B]  }
0x69e: {  	[tilespmem:s1+$0x10200] =	vst v1;
	v1 =	vadd.f32 v3, v2  }
0x69f: {  	v2 =	vld [tilespmem:s3+$0xED0C]  }
0x6a0: {  	v1 =	vadd.f32 v5, v1  }
0x6a1: {  	v3 =	vld [tilespmem:s3+$0xEE0D]  }
0x6a2: {  	v1 =	vadd.f32 v4, v1  }
0x6a3: {  	v4 =	vld [tilespmem:s3+$0xEF0E]  }
0x6a4: {  	v1 =	vadd.f32 v2, v1  }
0x6a5: {  	v2 =	vld [tilespmem:s3+$0xF00F]  }
0x6a6: {  	v1 =	vadd.f32 v3, v1;
	_ =	sdelay $0x1  }
0x6a7: {  	v1 =	vadd.f32 v4, v1;
	_ =	sdelay $0x1  }
0x6a8: {  	v1 =	vadd.f32 v2, v1;
	_ =	sdelay $0x1  }
0x6a9: {  	s26 =	rddreg [dreg:$0x11];
	s30 =	simm.s32 $0x400;
	s31 =	simm.s32 $0x80;
	[tilespmem:s3+$0x10200] =	vst v1  }
0x6aa: {  	[hbm4b:s26+s31] =	stream.strided.scatter [tilespmem:s11], [sflag:$0x6], $0x100, s30, s31, $0x38;
	[tilespmem:$0x14F00] =	vst v63  }
0x6ab: {  	_ =	swait.ge [sflag:s15], $0x100  }
0x6ac: {  	[sflag:s15] =	ssyncset.done $0x0  }
0x6ad: {  	s2 =	simm.s32 $0x0;
	[sflag:s15] =	ssyncadd.s32 $0xFFFFFF00  }
0x6ae: {  	v1 =	vld [tilespmem:s2+$0xF180]  }
0x6af: {  	v2 =	vld [tilespmem:s2+$0xF281];
	_ =	sdelay $0x1  }
0x6b0: {  	v3 =	vld [tilespmem:s2+$0xF382];
	_ =	sdelay $0x1  }
0x6b1: {  	v4 =	vld [tilespmem:s2+$0xF483]  }
0x6b2: {  	v1 =	vadd.f32 v2, v1  }
0x6b3: {  	v2 =	vld [tilespmem:s2+$0xF584]  }
0x6b4: {  	v1 =	vadd.f32 v3, v1  }
0x6b5: {  	v3 =	vld [tilespmem:s2+$0xF685]  }
0x6b6: {  	v1 =	vadd.f32 v4, v1  }
0x6b7: {  	v4 =	vld [tilespmem:s2+$0xF786]  }
0x6b8: {  	v1 =	vadd.f32 v2, v1  }
0x6b9: {  	v2 =	vld [tilespmem:s2+$0xF887]  }
0x6ba: {  	s1 =	simm.s32 $0x10;
	v5 =	vld [tilespmem:s2+$0xF988];
	v1 =	vadd.f32 v3, v1  }
0x6bb: {  	v6 =	vld [tilespmem:s1+$0xF180]  }
0x6bc: {  	v3 =	vld [tilespmem:s2+$0xFA89];
	v1 =	vadd.f32 v4, v1  }
0x6bd: {  	v4 =	vld [tilespmem:s1+$0xF281]  }
0x6be: {  	v7 =	vld [tilespmem:s1+$0xF382];
	v1 =	vadd.f32 v2, v1  }
0x6bf: {  	v2 =	vld [tilespmem:s2+$0xFB8A]  }
0x6c0: {  	v8 =	vld [tilespmem:s1+$0xF483];
	v1 =	vadd.f32 v5, v1  }
0x6c1: {  	v5 =	vld [tilespmem:s2+$0xFC8B]  }
0x6c2: {  	v4 =	vadd.f32 v4, v6;
	v6 =	vld [tilespmem:s1+$0xF584];
	v1 =	vadd.f32 v3, v1  }
0x6c3: {  	v3 =	vld [tilespmem:s2+$0xFD8C]  }
0x6c4: {  	v4 =	vadd.f32 v7, v4;
	v7 =	vld [tilespmem:s1+$0xF685];
	v1 =	vadd.f32 v2, v1  }
0x6c5: {  	v2 =	vld [tilespmem:s2+$0xFE8D]  }
0x6c6: {  	v62 =	vld [tilespmem:s1+$0xF786];
	v4 =	vadd.f32 v8, v4;
	v1 =	vadd.f32 v5, v1  }
0x6c7: {  	v8 =	vld [tilespmem:s2+$0xFF8E]  }
0x6c8: {  	v5 =	vadd.f32 v6, v4;
	v4 =	vld [tilespmem:s1+$0xF887];
	v6 =	vadd.f32 v3, v1  }
0x6c9: {  	v3 =	vld [tilespmem:s2+$0x1008F]  }
0x6ca: {  	v1 =	vld [tilespmem:s1+$0xFA89];
	v7 =	vadd.f32 v7, v5;
	v63 =	vadd.f32 v2, v6  }
0x6cb: {  	s3 =	simm.s32 $0x20;
	v5 =	vld [tilespmem:s1+$0xF988]  }
0x6cc: {  	s8 =	simm.s32 $0xC0;
	v2 =	vld [tilespmem:s3+$0xF180];
	v6 =	vadd.f32 v62, v7;
	v7 =	vadd.f32 v8, v63  }
.LBB2_44:
0x6cd: {  	p1 =	sne.s32 s8, $0x3C0;
	v8 =	vld [tilespmem:s3+$0xF281]  }
0x6ce: {  	v4 =	vadd.f32 v4, v6;
	v6 =	vld [tilespmem:s1+$0xFB8A];
	v3 =	vadd.f32 v3, v7  }
0x6cf: {  	v7 =	vld [tilespmem:s3+$0xF382]  }
0x6d0: {  	v4 =	vadd.f32 v5, v4;
	v5 =	vld [tilespmem:s1+$0xFC8B];
	[tilespmem:s2+$0x10200] =	vst v3;
	s2 =	smov.u32 s1;
	s1 =	smov.u32 s3  }
0x6d1: {  	v3 =	vld [tilespmem:s1+$0xF483]  }
0x6d2: {  	v2 =	vadd.f32 v8, v2;
	v1 =	vadd.f32 v1, v4;
	v4 =	vld [tilespmem:s2+$0xFD8C]  }
0x6d3: {  	v8 =	vld [tilespmem:s1+$0xF584]  }
0x6d4: {  	v2 =	vadd.f32 v7, v2;
	v1 =	vadd.f32 v6, v1;
	v6 =	vld [tilespmem:s2+$0xFE8D]  }
0x6d5: {  	v7 =	vld [tilespmem:s1+$0xF685]  }
0x6d6: {  	v2 =	vadd.f32 v3, v2;
	v1 =	vadd.f32 v5, v1;
	v9 =	vld [tilespmem:s2+$0xFF8E]  }
0x6d7: {  	v10 =	vld [tilespmem:s1+$0xF786]  }
.Ltmp21:
0x6d8: {  	v2 =	vadd.f32 v8, v2;
	v5 =	vadd.f32 v4, v1;
	v3 =	vld [tilespmem:s2+$0x1008F];
	(pc) =	sbr.rel @p1 .LBB2_44-.Ltmp21, $4  }
0x6d9: {  	v4 =	vld [tilespmem:s1+$0xF887]  }
0x6da: {  	v7 =	vadd.f32 v7, v2;
	v1 =	vld [tilespmem:s1+$0xFA89];
	v8 =	vadd.f32 v6, v5  }
0x6db: {  	s3 =	sshra.s32 s8, $0x2;
	v5 =	vld [tilespmem:s1+$0xF988]  }
0x6dc: {  	s8 =	sadd.s32 $0x40, s8;
	v2 =	vld [tilespmem:s3+$0xF180];
	v6 =	vadd.f32 v10, v7;
	v7 =	vadd.f32 v9, v8  }
0x6dd: {  	v8 =	vld [tilespmem:s3+$0xF281]  }
0x6de: {  	v9 =	vld [tilespmem:s1+$0xFB8A];
	v3 =	vadd.f32 v3, v7  }
0x6df: {  	v52 =	vld [tilespmem:s3+$0xF382]  }
0x6e0: {  	v10 =	vld [tilespmem:s1+$0xFC8B];
	v4 =	vadd.f32 v4, v6;
	[tilespmem:s2+$0x10200] =	vst v3  }
0x6e1: {  	v3 =	vld [tilespmem:s3+$0xF483]  }
0x6e2: {  	v4 =	vadd.f32 v5, v4;
	v2 =	vadd.f32 v8, v2  }
0x6e3: {  	v53 =	vld [tilespmem:s3+$0xF584]  }
0x6e4: {  	v54 =	vld [tilespmem:s1+$0xFD8C];
	v1 =	vadd.f32 v1, v4;
	v2 =	vadd.f32 v52, v2  }
0x6e5: {  	v55 =	vld [tilespmem:s3+$0xF685]  }
0x6e6: {  	v56 =	vld [tilespmem:s1+$0xFE8D];
	v1 =	vadd.f32 v9, v1;
	v2 =	vadd.f32 v3, v2  }
0x6e7: {  	v3 =	vld [tilespmem:s3+$0xF786]  }
0x6e8: {  	v57 =	vld [tilespmem:s1+$0xFF8E];
	v1 =	vadd.f32 v10, v1;
	v2 =	vadd.f32 v53, v2  }
0x6e9: {  	v58 =	vld [tilespmem:s3+$0xF887]  }
0x6ea: {  	v59 =	vld [tilespmem:s1+$0x1008F];
	v1 =	vadd.f32 v54, v1;
	v2 =	vadd.f32 v55, v2  }
0x6eb: {  	v60 =	vld [tilespmem:s3+$0xF988]  }
0x6ec: {  	v1 =	vadd.f32 v56, v1;
	v2 =	vadd.f32 v3, v2  }
0x6ed: {  	v3 =	vld [tilespmem:s3+$0xFA89]  }
0x6ee: {  	v1 =	vadd.f32 v57, v1;
	v2 =	vadd.f32 v58, v2  }
0x6ef: {  	v61 =	vld [tilespmem:s3+$0xFB8A]  }
0x6f0: {  	v1 =	vadd.f32 v59, v1;
	v2 =	vadd.f32 v60, v2  }
0x6f1: {  	v62 =	vld [tilespmem:s3+$0xFC8B]  }
0x6f2: {  	[tilespmem:s1+$0x10200] =	vst v1;
	v1 =	vadd.f32 v3, v2  }
0x6f3: {  	v2 =	vld [tilespmem:s3+$0xFD8C]  }
0x6f4: {  	v1 =	vadd.f32 v61, v1  }
0x6f5: {  	v3 =	vld [tilespmem:s3+$0xFE8D]  }
0x6f6: {  	v1 =	vadd.f32 v62, v1  }
0x6f7: {  	v63 =	vld [tilespmem:s3+$0xFF8E]  }
0x6f8: {  	v1 =	vadd.f32 v2, v1  }
0x6f9: {  	v2 =	vld [tilespmem:s3+$0x1008F]  }
0x6fa: {  	v1 =	vadd.f32 v3, v1;
	_ =	sdelay $0x1  }
0x6fb: {  	v1 =	vadd.f32 v63, v1;
	_ =	sdelay $0x1  }
0x6fc: {  	v1 =	vadd.f32 v2, v1;
	_ =	sdelay $0x1  }
0x6fd: {  	s24 =	rddreg [dreg:$0x12];
	s25 =	simm.s32 $0x400;
	s26 =	simm.s32 $0x80;
	[tilespmem:s3+$0x10200] =	vst v1  }
0x6fe: {  	[hbm4b:s24+s26] =	stream.strided.scatter [tilespmem:s11], [sflag:$0x6], $0x100, s25, s26, $0x38;
	[tilespmem:$0x14F00] =	vst v63  }
0x6ff: {  	_ =	swait.ge [sflag:s15], $0x100  }
0x700: {  	s30 =	sld [smem:$0x73D]  }
0x701: {  	s31 =	sld [smem:$0x775];
	_ =	sdelay $0x1  }
0x702: {  	s2 =	sadd.s32 $0x1, s30  }
0x703: {  	p1 =	sne.s32 s2, s31  }
.Ltmp22:
0x704: {  	_ = 	snop;
	(pc) =	sbr.rel @p1 .LBB2_1-.Ltmp22, $3  }
0x705: {  	_ =	sdelay $0x1  }
0x706: {  	[sflag:s15] =	ssyncset.done $0x0  }
0x707: {  	[sflag:s15] =	ssyncadd.s32 $0xFFFFFF00  }
0x708: {  	_ =	sfence.sel $0x180000  }
0x709: {  	[bflag:$0x0] =	sbarrier.arrive $0xFFFF  }
0x70a: {  	_ =	strace $0x90000047  }
0x70b: {  	[bflag:$0x2] =	sbarrier.arrive $0xFFFF  }
0x70c: {  	s0 =	rddreg [dreg:$0x5]  }
0x70d: {  	s0 =	sadd.s32 @!p0 $0x100000, s0  }
0x70e: {  	[sflag:s0] =	ssyncadd.tile.s32 @!p0 $0x1;
	_ =	shalt  }
.Lfunc_end2:
_tile_overlayer_lowered:
.L_overlay_start_2:
0x70f: {  	(tag) =	ssettag $0x2  }
0x710: {  	s0 =	rddreg [dreg:$0x0];
	s2 =	stileid.u32  }
0x711: {  	s1 =	rddreg [dreg:$0x1];
	p0 =	sne.s32 s2, $0x0  }
0x712: {  	s3 =	rddreg [dreg:$0x2];
	[bflag:$0x3] =	sbarrier.arrive $0xFFFF;
	s2 =	simm.s32 @!p0 $0x1C06  }
0x713: {  	[timem:s3], [sflag:s2] =	dma.local @!p0 [hbm:s0], s1  }
0x714: {  	s0 =	simm.s32 @!p0 $0x6  }
0x715: {  	_ =	swait.ge @!p0 [sflag:s0], s1  }
0x716: {  	s1 =	ssub.s32 @!p0 $0x0, s1;
	[sflag:s0] =	ssyncset.done @!p0 $0x0  }
0x717: {  	[sflag:s0] =	ssyncadd.s32 @!p0 s1  }
0x718: {  	[bflag:$0x3] =	sbarrier.arrive $0xFFFF  }
0x719: {  	_ =	shalt  }

</sc_bundles>
